<compile_context>
chip_gen: v7x
topology: tpu7x:2x2x1
jax: 0.10.2.dev20260603
libtpu: 0.0.44.dev20260713+nightly
codegen_flags: <defaults>
</compile_context>

<pallas_src>
import functools

import jax
import jax.numpy as jnp
from jax import lax
from jax.experimental import pallas as pl
from jax.experimental.pallas import tpu as pltpu
from jax.experimental.pallas import tpu_sc as plsc

STRIDE9 = 9
L = 16
NT = 32


def _sc_gather_body(B, C, H, W, M,
                    kpts_hbm, table_hbm, taps_hbm,
                    kv, idx2d, data, tap, tapT, sem):
    HW = H * W
    RPP = HW // L
    ci = lax.axis_index("cx")
    si = lax.axis_index("sx")
    wid = si * 2 + ci
    b = wid // (NT // B)

    pltpu.sync_copy(kpts_hbm.at[pl.ds(wid * 2 * L, 2 * L)], kv)

    lanes = lax.iota(jnp.int32, L)
    kx = plsc.load_gather(kv, [lanes * 2])
    ky = plsc.load_gather(kv, [lanes * 2 + 1])
    x = (kx * float(H)).astype(jnp.int32)
    y = (ky * float(W)).astype(jnp.int32)
    pbase = b * (C * RPP)

    def row_lane(p):
        h = p // W
        w = p - h * W
        row = ((lax.shift_right_logical(h, 3) * (W // 128)
                + lax.shift_right_logical(w, 7)) * 64
               + lax.bitwise_and(h, 7) * 8
               + lax.shift_right_logical(lax.bitwise_and(w, 127), 4))
        return row, lax.bitwise_and(w, 15)

    for k in range(9):
        dx = (k // 3 - 1) * STRIDE9
        dy = (k % 3 - 1) * STRIDE9
        pk = jnp.clip((x + dx) * W + (y + dy), 0, HW - 1)
        rk, lk = row_lane(pk)

        def ibody(cc, _):
            cplane = pbase + cc * RPP
            vk = jnp.full((L,), cplane, jnp.int32) + rk
            idx2d[lax.shift_right_logical(cc, 3),
                  pl.ds(lax.bitwise_and(cc, 7) * L, L)] = vk
            return 0
        lax.fori_loop(0, C, ibody, 0)

        cps = [pltpu.async_copy(table_hbm.at[idx2d.at[j]],
                                data.at[pl.ds(j * 128, 128)], sem)
               for j in range(8)]
        for cp in cps:
            cp.wait()

        def ebody(cc, _):
            rows = cc * L + lanes
            val = plsc.load_gather(data, [rows, lk])
            tap[cc, :] = val
            return 0
        lax.fori_loop(0, C, ebody, 0)

        def tbody(c, _):
            cvec = jnp.full((L,), c, jnp.int32)
            plsc.store_scatter(tapT, [lanes, cvec], tap[c, :])
            return 0
        lax.fori_loop(0, C, tbody, 0)
        pltpu.sync_copy(tapT, taps_hbm.at[k * NT + wid])


def _sc_gather(kpts_flat, table, B, C, H, W, M):
    mesh = plsc.VectorSubcoreMesh(core_axis_name="cx", subcore_axis_name="sx")
    body = functools.partial(_sc_gather_body, B, C, H, W, M)
    f = pl.kernel(
        body,
        out_type=jax.ShapeDtypeStruct((9 * NT, L, 128), jnp.float32),
        mesh=mesh,
        scratch_types=[
            pltpu.VMEM((2 * L,), jnp.float32),
            pltpu.VMEM((8, 128), jnp.int32),
            pltpu.VMEM((C * L, L), jnp.float32),
            pltpu.VMEM((C, L), jnp.float32),
            pltpu.VMEM((L, 128), jnp.float32),
            pltpu.SemaphoreType.DMA,
        ],
        compiler_params=pltpu.CompilerParams(needs_layout_passes=False,
                                             use_tc_tiling_on_sc=False),
        name="sc_neighbor_gather",
    )
    return f(kpts_flat, table)


def _tc_reduce(segment, B, C, H, W, HC):
    nh = H // HC

    def body(seg_ref, sum_ref, max_ref):
        h = pl.program_id(1)
        blk = seg_ref[0]
        s = jnp.sum(blk, axis=(1, 2))[None, None, :]
        mx = jnp.max(blk, axis=(1, 2))[None, None, :]

        @pl.when(h == 0)
        def _():
            sum_ref[...] = s
            max_ref[...] = mx

        @pl.when(h != 0)
        def _():
            sum_ref[...] = sum_ref[...] + s
            max_ref[...] = jnp.maximum(max_ref[...], mx)

    return pl.pallas_call(
        body,
        grid=(B, nh),
        in_specs=[pl.BlockSpec((1, C, HC, W), lambda b, h: (b, 0, h, 0))],
        out_specs=[pl.BlockSpec((1, 1, C), lambda b, h: (b, 0, 0)),
                   pl.BlockSpec((1, 1, C), lambda b, h: (b, 0, 0))],
        out_shape=[jax.ShapeDtypeStruct((B, 1, C), jnp.float32),
                   jax.ShapeDtypeStruct((B, 1, C), jnp.float32)],
    )(segment)


def _tc_combine(taps, sums, maxes, conv_w9, conv_b, lin_w, lin_b,
                w1, w2, B, C, H, W, M):
    def body(taps_ref, sum_ref, max_ref, lw_ref, w1_ref, w2_ref,
             cw_ref, cb_ref, lb_ref, out_ref):
        traw = taps_ref[...].reshape(9, B * M, 128)[:, :, :C]
        taps_v = traw.reshape(9, B, M, C)
        cent = taps_v[4]
        pool = cw_ref[0] * taps_v[0]
        for k in range(1, 9):
            pool = pool + cw_ref[k] * taps_v[k]
        pool = pool + cb_ref[0]
        avg = sum_ref[...][:, 0, :] * (1.0 / float(H * W))
        mx = max_ref[...][:, 0, :]
        w1 = w1_ref[...]
        w2 = w2_ref[...]
        a1 = jax.nn.relu(jnp.sum(avg[:, None, :] * w1[None, :, :], axis=2))
        m1 = jax.nn.relu(jnp.sum(mx[:, None, :] * w1[None, :, :], axis=2))
        a2 = jnp.sum(a1[:, None, :] * w2[None, :, :], axis=2)
        m2 = jnp.sum(m1[:, None, :] * w2[None, :, :], axis=2)
        attn = jax.nn.sigmoid(a2 + m2)

        lw = lw_ref[...]
        s_lin = jnp.sum(cent * lw[:, None, :], axis=2) + lb_ref[0]
        norm = jnp.sqrt(jnp.sum(s_lin * s_lin, axis=1, keepdims=True))
        conf = s_lin / jnp.maximum(norm, 1e-12)
        out_ref[...] = ((1.0 - conf)[:, :, None] * pool + cent
                        + attn[:, None, :])

    return pl.pallas_call(
        body,
        in_specs=[
            pl.BlockSpec((9 * B * M, 128), lambda: (0, 0)),
            pl.BlockSpec((B, 1, C), lambda: (0, 0, 0)),
            pl.BlockSpec((B, 1, C), lambda: (0, 0, 0)),
            pl.BlockSpec((1, C), lambda: (0, 0)),
            pl.BlockSpec(w1.shape, lambda: (0, 0)),
            pl.BlockSpec(w2.shape, lambda: (0, 0)),
            pl.BlockSpec(memory_space=pltpu.SMEM),
            pl.BlockSpec(memory_space=pltpu.SMEM),
            pl.BlockSpec(memory_space=pltpu.SMEM),
        ],
        out_specs=pl.BlockSpec((B, M, C), lambda: (0, 0, 0)),
        out_shape=jax.ShapeDtypeStruct((B, M, C), jnp.float32),
    )(taps, sums, maxes, lin_w, w1, w2, conv_w9, conv_b, lin_b)


def kernel(original_kpts, segment, conv_w, conv_b, lin_w, lin_b, ca_fc1,
           ca_fc2):
    B, C, H, W = segment.shape
    M = original_kpts.shape[1]
    HW = H * W

    kpts_flat = original_kpts.reshape(B * M * 2)
    table = (segment
             .reshape(B, C, H // 8, 8, W // 128, 128)
             .transpose(0, 1, 2, 4, 3, 5)
             .reshape(B * C * HW // L, L))

    taps_raw = _sc_gather(kpts_flat, table, B, C, H, W, M)
    sums, maxes = _tc_reduce(segment, B, C, H, W, 128)

    taps4 = taps_raw.reshape(9 * B * M, 128)
    w1 = ca_fc1.reshape(ca_fc1.shape[0], C)
    w2 = ca_fc2.reshape(C, ca_fc2.shape[1])
    return _tc_combine(taps4, sums, maxes, conv_w.reshape(9), conv_b,
                       lin_w, lin_b, w1, w2, B, C, H, W, M)

# --- scband reference (transcript-rebuilt; emitter-appended) ---
"""Pipeline reference for scband-get-surrounding-region1-16939351016273 (READ-ONLY COPY).

The authoritative reference and input builder live on the scoring server;
editing this copy changes nothing except your own understanding.
"""

import jax, jax.numpy as jnp
import numpy as np

STRIDE = 9


def setup_inputs(seed: int = 0) -> dict:
    key = jax.random.key(seed)
    ks = jax.random.split(key, 8)
    B, C, H, W, M = 4, 64, 384, 384, 128
    return {
        "original_kpts": jax.random.uniform(ks[0], (B, M, 2), dtype=jnp.float32),
        "segment": jax.random.normal(ks[1], (B, C, H, W), dtype=jnp.float32),
        "conv_w": jax.random.normal(ks[2], (1, 9, 1, 1), dtype=jnp.float32) * 0.1,
        "conv_b": jnp.zeros((1,), dtype=jnp.float32),
        "lin_w": jax.random.normal(ks[3], (1, C), dtype=jnp.float32) * 0.1,
        "lin_b": jnp.zeros((1,), dtype=jnp.float32),
        "ca_fc1": jax.random.normal(ks[4], (C // 16, C, 1, 1), dtype=jnp.float32) * 0.1,
        "ca_fc2": jax.random.normal(ks[5], (C, C // 16, 1, 1), dtype=jnp.float32) * 0.1,
    }


def _channel_attention(segment, fc1, fc2):
    # CBAM-style ChannelAttention: sigmoid(MLP(avgpool) + MLP(maxpool)) -> (B, C)
    B, C = segment.shape[0], segment.shape[1]
    r = fc1.shape[0]
    w1 = fc1.reshape(r, C)
    w2 = fc2.reshape(C, r)
    avg = segment.mean(axis=(2, 3))
    mx = segment.max(axis=(2, 3))
    a = jax.nn.relu(avg @ w1.T) @ w2.T
    m = jax.nn.relu(mx @ w1.T) @ w2.T
    return jax.nn.sigmoid(a + m)


def reference(original_kpts, segment, conv_w, conv_b, lin_w, lin_b, ca_fc1, ca_fc2):
    B, C, H, W = segment.shape
    M = original_kpts.shape[1]
    x = jnp.floor(original_kpts[:, :, 0].T * H).astype(jnp.int32)  # (M, B)
    y = jnp.floor(original_kpts[:, :, 1].T * W).astype(jnp.int32)  # (M, B)
    offsets = [-STRIDE, 0, STRIDE]
    idx_list = [(x + dx) * W + (y + dy) for dx in offsets for dy in offsets]
    stack = jnp.clip(jnp.stack(idx_list, axis=0), 0, H * W - 1)  # (9, M, B)
    fseg = segment.transpose(2, 3, 1, 0).reshape(H * W, C, B)
    gathered = []
    for i in range(9):
        idx = jnp.broadcast_to(stack[i][:, None, :], (M, C, B))
        gathered.append(jnp.take_along_axis(fseg, idx, axis=0))
    sp = jnp.stack(gathered, axis=0)  # (9, M, C, B)
    # Conv2d(9,1,k=1) over (M, 9, C, B)
    pooled = jnp.einsum('kmcb,ok->mocb', sp, conv_w.reshape(1, 9)) + conv_b[None, :, None, None]
    pool = pooled[:, 0].transpose(2, 0, 1)  # (B, M, C)
    attn = _channel_attention(segment, ca_fc1, ca_fc2)  # (B, C)
    s = attn.reshape(B, C, 1).transpose(0, 2, 1)  # (B, 1, C)
    center = sp[4].transpose(2, 0, 1)  # (B, M, C)
    surrounding_s = center @ lin_w.T + lin_b  # (B, M, 1)
    norm = jnp.sqrt(jnp.sum(surrounding_s ** 2, axis=1, keepdims=True))
    confidence = surrounding_s / jnp.maximum(norm, 1e-12)
    result = (1.0 - confidence) * pool + center + s
    return result

if __name__ == "__main__":
    import jax
    _d = setup_inputs()
    print(jax.jit(kernel)(*tuple(_d.values())))

</pallas_src>

<mosaic_0001>
#map = affine_map<(d0, d1) -> (0)>
#map1 = affine_map<(d0, d1) -> (0, 0)>
#map2 = affine_map<(d0, d1) -> (0, 0, 0)>
module attributes {stable_mosaic.version = 14 : i64} {
  func.func @sc_neighbor_gather(%arg0: i32, %arg1: i32, %arg2: memref<1024xf32, #tpu.memory_space<hbm>>, %arg3: memref<2359296x16xf32, #tpu.memory_space<hbm>>, %arg4: memref<288x16x128xf32, #tpu.memory_space<hbm>>, %arg5: memref<32xf32, #tpu.memory_space<vmem>>, %arg6: memref<8x128xi32, #tpu.memory_space<vmem>>, %arg7: memref<1024x16xf32, #tpu.memory_space<vmem>>, %arg8: memref<64x16xf32, #tpu.memory_space<vmem>>, %arg9: memref<16x128xf32, #tpu.memory_space<vmem>>, %arg10: memref<!tpu.dma_semaphore, #tpu.memory_space<semaphore_mem>>) attributes {dimension_semantics = [#tpu.dimension_semantics<core_parallel>, #tpu.dimension_semantics<subcore_parallel>], iteration_bounds = array<i64: 2, 16>, scalar_prefetch = 0 : i64, scratch_operands = 6 : i64, tpu.core_type = #tpu.core_type<sc_vector_subcore>, window_params = [{transform_indices = #map}, {transform_indices = #map1}, {transform_indices = #map2}]} {
    %mul3A = arith.constant 2 : i32
    %mul3A_0 = arith.muli %arg1, %mul3A : i32
    %add3A = arith.addi %mul3A_0, %arg0 : i32
    %jit3A = arith.constant 8 : i32
    %div3A = arith.divsi %add3A, %jit3A : i32
    %sign3A = arith.constant 0 : i32
    %sign3A_1 = arith.cmpi sgt, %add3A, %sign3A : i32
    %sign3A_2 = arith.extui %sign3A_1 : i1 to i32
    %sign3A_3 = arith.constant 0 : i32
    %sign3A_4 = arith.cmpi slt, %add3A, %sign3A_3 : i32
    %sign3A_5 = arith.extui %sign3A_4 : i1 to i32
    %sign3A_6 = arith.subi %sign3A_2, %sign3A_5 : i32
    %sign3A_7 = arith.constant 0 : i32
    %sign3A_8 = arith.cmpi sgt, %jit3A, %sign3A_7 : i32
    %sign3A_9 = arith.extui %sign3A_8 : i1 to i32
    %sign3A_10 = arith.constant 0 : i32
    %sign3A_11 = arith.cmpi slt, %jit3A, %sign3A_10 : i32
    %sign3A_12 = arith.extui %sign3A_11 : i1 to i32
    %sign3A_13 = arith.subi %sign3A_9, %sign3A_12 : i32
    %ne3A = arith.cmpi ne, %sign3A_6, %sign3A_13 : i32
    %rem3A = arith.remsi %add3A, %jit3A : i32
    %ne3A_14 = arith.constant 0 : i32
    %ne3A_15 = arith.cmpi ne, %rem3A, %ne3A_14 : i32
    %and3A = arith.andi %ne3A, %ne3A_15 : i1
    %sub3A = arith.constant 1 : i32
    %sub3A_16 = arith.subi %div3A, %sub3A : i32
    %select_n3A = arith.select %and3A, %sub3A_16, %div3A : i32
    %mul3A_17 = arith.constant 2 : i32
    %mul3A_18 = arith.muli %add3A, %mul3A_17 : i32
    %mul3A_19 = arith.constant 16 : i32
    %mul3A_20 = arith.muli %mul3A_18, %mul3A_19 : i32
    "tpu.region"() ({
      %run_scoped3A = tpu.sem_alloc : memref<!tpu.dma_semaphore, #tpu.memory_space<semaphore_mem>>
      %dma_start3A_2410 = tpu.memref_slice %arg2[%mul3A_20] : memref<1024xf32, #tpu.memory_space<hbm>> -> memref<32xf32, #tpu.memory_space<hbm>>
      %dma_start3A_2411 = tpu.memref_slice %arg2[%mul3A_20] : memref<1024xf32, #tpu.memory_space<hbm>> -> memref<32xf32, #tpu.memory_space<hbm>>
      tpu.enqueue_dma source(%dma_start3A_2411 : memref<32xf32, #tpu.memory_space<hbm>>) target(%arg5 : memref<32xf32, #tpu.memory_space<vmem>>) target_semaphore(%run_scoped3A : memref<!tpu.dma_semaphore, #tpu.memory_space<semaphore_mem>>)
      %dma_wait3A_2412 = tpu.memref_slice %arg2[%mul3A_20] : memref<1024xf32, #tpu.memory_space<hbm>> -> memref<32xf32, #tpu.memory_space<hbm>>
      %dma_wait3A_2413 = tpu.memref_slice %arg2[%mul3A_20] : memref<1024xf32, #tpu.memory_space<hbm>> -> memref<32xf32, #tpu.memory_space<hbm>>
      tpu.wait_dma2 semaphore(%run_scoped3A : memref<!tpu.dma_semaphore, #tpu.memory_space<semaphore_mem>>) src(%dma_wait3A_2413 : memref<32xf32, #tpu.memory_space<hbm>>) dst(%arg5 : memref<32xf32, #tpu.memory_space<vmem>>)
      tpu.yield
    }) : () -> ()
    %iota3A = tpu.iota {dimensions = array<i32: 0>} : vector<16xi32>
    %mul3A_21 = arith.constant 2 : i32
    %mul3A_22 = vector.broadcast %mul3A_21 : i32 to vector<16xi32>
    %mul3A_23 = arith.muli %iota3A, %mul3A_22 : vector<16xi32>
    %gather3A = tpu.vector_load_idx %arg5[%mul3A_23] : memref<32xf32, #tpu.memory_space<vmem>>[vector<16xi32>], vector<16xf32>,
    %mul3A_24 = arith.constant 2 : i32
    %mul3A_25 = vector.broadcast %mul3A_24 : i32 to vector<16xi32>
    %mul3A_26 = arith.muli %iota3A, %mul3A_25 : vector<16xi32>
    %add3A_27 = arith.constant 1 : i32
    %add3A_28 = vector.broadcast %add3A_27 : i32 to vector<16xi32>
    %add3A_29 = arith.addi %mul3A_26, %add3A_28 : vector<16xi32>
    %gather3A_30 = tpu.vector_load_idx %arg5[%add3A_29] : memref<32xf32, #tpu.memory_space<vmem>>[vector<16xi32>], vector<16xf32>,
    %mul3A_31 = arith.constant 3.840000e+02 : f32
    %mul3A_32 = vector.broadcast %mul3A_31 : f32 to vector<16xf32>
    %mul3A_33 = arith.mulf %gather3A, %mul3A_32 : vector<16xf32>
    %convert_element_type3A = arith.fptosi %mul3A_33 : vector<16xf32> to vector<16xi32>
    %mul3A_34 = arith.constant 3.840000e+02 : f32
    %mul3A_35 = vector.broadcast %mul3A_34 : f32 to vector<16xf32>
    %mul3A_36 = arith.mulf %gather3A_30, %mul3A_35 : vector<16xf32>
    %convert_element_type3A_37 = arith.fptosi %mul3A_36 : vector<16xf32> to vector<16xi32>
    %mul3A_38 = arith.constant 589824 : i32
    %mul3A_39 = arith.muli %select_n3A, %mul3A_38 : i32
    %add3A_40 = arith.constant -9 : i32
    %add3A_41 = vector.broadcast %add3A_40 : i32 to vector<16xi32>
    %add3A_42 = arith.addi %convert_element_type3A, %add3A_41 : vector<16xi32>
    %mul3A_43 = arith.constant 384 : i32
    %mul3A_44 = vector.broadcast %mul3A_43 : i32 to vector<16xi32>
    %mul3A_45 = arith.muli %add3A_42, %mul3A_44 : vector<16xi32>
    %add3A_46 = arith.constant -9 : i32
    %add3A_47 = vector.broadcast %add3A_46 : i32 to vector<16xi32>
    %add3A_48 = arith.addi %convert_element_type3A_37, %add3A_47 : vector<16xi32>
    %add3A_49 = arith.addi %mul3A_45, %add3A_48 : vector<16xi32>
    %jit3A_50 = arith.constant 0 : i32
    %jit3A_51 = arith.constant 147455 : i32
    %max3A = vector.broadcast %jit3A_50 : i32 to vector<16xi32>
    %max3A_52 = arith.maxsi %max3A, %add3A_49 : vector<16xi32>
    %min3A = vector.broadcast %jit3A_51 : i32 to vector<16xi32>
    %min3A_53 = arith.minsi %min3A, %max3A_52 : vector<16xi32>
    %jit3A_54 = arith.constant 384 : i32
    %div3A_55 = vector.broadcast %jit3A_54 : i32 to vector<16xi32>
    %div3A_56 = arith.divsi %min3A_53, %div3A_55 : vector<16xi32>
    %sign3A_57 = arith.constant 0 : i32
    %sign3A_58 = vector.broadcast %sign3A_57 : i32 to vector<16xi32>
    %sign3A_59 = arith.cmpi sgt, %min3A_53, %sign3A_58 : vector<16xi32>
    %sign3A_60 = arith.extui %sign3A_59 : vector<16xi1> to vector<16xi32>
    %sign3A_61 = arith.constant 0 : i32
    %sign3A_62 = vector.broadcast %sign3A_61 : i32 to vector<16xi32>
    %sign3A_63 = arith.cmpi slt, %min3A_53, %sign3A_62 : vector<16xi32>
    %sign3A_64 = arith.extui %sign3A_63 : vector<16xi1> to vector<16xi32>
    %sign3A_65 = arith.subi %sign3A_60, %sign3A_64 : vector<16xi32>
    %sign3A_66 = arith.constant 0 : i32
    %sign3A_67 = arith.cmpi sgt, %jit3A_54, %sign3A_66 : i32
    %sign3A_68 = arith.extui %sign3A_67 : i1 to i32
    %sign3A_69 = arith.constant 0 : i32
    %sign3A_70 = arith.cmpi slt, %jit3A_54, %sign3A_69 : i32
    %sign3A_71 = arith.extui %sign3A_70 : i1 to i32
    %sign3A_72 = arith.subi %sign3A_68, %sign3A_71 : i32
    %ne3A_73 = vector.broadcast %sign3A_72 : i32 to vector<16xi32>
    %ne3A_74 = arith.cmpi ne, %sign3A_65, %ne3A_73 : vector<16xi32>
    %rem3A_75 = vector.broadcast %jit3A_54 : i32 to vector<16xi32>
    %rem3A_76 = arith.remsi %min3A_53, %rem3A_75 : vector<16xi32>
    %ne3A_77 = arith.constant 0 : i32
    %ne3A_78 = vector.broadcast %ne3A_77 : i32 to vector<16xi32>
    %ne3A_79 = arith.cmpi ne, %rem3A_76, %ne3A_78 : vector<16xi32>
    %and3A_80 = arith.andi %ne3A_74, %ne3A_79 : vector<16xi1>
    %sub3A_81 = arith.constant 1 : i32
    %sub3A_82 = vector.broadcast %sub3A_81 : i32 to vector<16xi32>
    %sub3A_83 = arith.subi %div3A_56, %sub3A_82 : vector<16xi32>
    %select_n3A_84 = arith.select %and3A_80, %sub3A_83, %div3A_56 : vector<16xi1>, vector<16xi32>
    %mul3A_85 = arith.constant 384 : i32
    %mul3A_86 = vector.broadcast %mul3A_85 : i32 to vector<16xi32>
    %mul3A_87 = arith.muli %select_n3A_84, %mul3A_86 : vector<16xi32>
    %sub3A_88 = arith.subi %min3A_53, %mul3A_87 : vector<16xi32>
    %shift_right_logical3A = arith.constant 3 : i32
    %shift_right_logical3A_89 = vector.broadcast %shift_right_logical3A : i32 to vector<16xi32>
    %shift_right_logical3A_90 = arith.shrui %select_n3A_84, %shift_right_logical3A_89 : vector<16xi32>
    %mul3A_91 = arith.constant 3 : i32
    %mul3A_92 = vector.broadcast %mul3A_91 : i32 to vector<16xi32>
    %mul3A_93 = arith.muli %shift_right_logical3A_90, %mul3A_92 : vector<16xi32>
    %shift_right_logical3A_94 = arith.constant 7 : i32
    %shift_right_logical3A_95 = vector.broadcast %shift_right_logical3A_94 : i32 to vector<16xi32>
    %shift_right_logical3A_96 = arith.shrui %sub3A_88, %shift_right_logical3A_95 : vector<16xi32>
    %add3A_97 = arith.addi %mul3A_93, %shift_right_logical3A_96 : vector<16xi32>
    %mul3A_98 = arith.constant 64 : i32
    %mul3A_99 = vector.broadcast %mul3A_98 : i32 to vector<16xi32>
    %mul3A_100 = arith.muli %add3A_97, %mul3A_99 : vector<16xi32>
    %and3A_101 = arith.constant 7 : i32
    %and3A_102 = vector.broadcast %and3A_101 : i32 to vector<16xi32>
    %and3A_103 = arith.andi %select_n3A_84, %and3A_102 : vector<16xi32>
    %mul3A_104 = arith.constant 8 : i32
    %mul3A_105 = vector.broadcast %mul3A_104 : i32 to vector<16xi32>
    %mul3A_106 = arith.muli %and3A_103, %mul3A_105 : vector<16xi32>
    %add3A_107 = arith.addi %mul3A_100, %mul3A_106 : vector<16xi32>
    %and3A_108 = arith.constant 127 : i32
    %and3A_109 = vector.broadcast %and3A_108 : i32 to vector<16xi32>
    %and3A_110 = arith.andi %sub3A_88, %and3A_109 : vector<16xi32>
    %shift_right_logical3A_111 = arith.constant 4 : i32
    %shift_right_logical3A_112 = vector.broadcast %shift_right_logical3A_111 : i32 to vector<16xi32>
    %shift_right_logical3A_113 = arith.shrui %and3A_110, %shift_right_logical3A_112 : vector<16xi32>
    %add3A_114 = arith.addi %add3A_107, %shift_right_logical3A_113 : vector<16xi32>
    %and3A_115 = arith.constant 15 : i32
    %and3A_116 = vector.broadcast %and3A_115 : i32 to vector<16xi32>
    %and3A_117 = arith.andi %sub3A_88, %and3A_116 : vector<16xi32>
    %scan3A = arith.constant 0 : i32
    %scan3A_118 = arith.constant 0 : i32
    %scan3A_119 = arith.constant 64 : i32
    %scan3A_120 = arith.addi %scan3A_118, %scan3A_119 : i32
    %scan3A_121 = arith.constant 1 : i32
    %scan3A_122 = scf.for %scan3A_2410 = %scan3A_118 to %scan3A_120 step %scan3A_121 iter_args(%scan3A_2411 = %scan3A) -> (i32)  : i32 {
      %mul3A_2412 = arith.constant 9216 : i32
      %mul3A_2413 = arith.muli %scan3A_2410, %mul3A_2412 : i32
      %add3A_2414 = arith.addi %mul3A_39, %mul3A_2413 : i32
      %broadcast_in_dim3A = vector.broadcast %add3A_2414 : i32 to vector<16xi32>
      %add3A_2415 = arith.addi %broadcast_in_dim3A, %add3A_114 : vector<16xi32>
      %shift_right_logical3A_2416 = arith.constant 3 : i32
      %shift_right_logical3A_2417 = arith.shrui %scan3A_2410, %shift_right_logical3A_2416 : i32
      %and3A_2418 = arith.constant 7 : i32
      %and3A_2419 = arith.andi %scan3A_2410, %and3A_2418 : i32
      %mul3A_2420 = arith.constant 16 : i32
      %mul3A_2421 = arith.muli %and3A_2419, %mul3A_2420 : i32
      %swap3A = arith.index_cast %shift_right_logical3A_2417 : i32 to index
      %swap3A_2422 = arith.index_cast %mul3A_2421 : i32 to index
      %swap3A_2423 = tpu.vector_load %arg6[%swap3A, %swap3A_2422] {strides = array<i32>} : memref<8x128xi32, #tpu.memory_space<vmem>>, vector<16xi32>,
      tpu.vector_store %arg6[%swap3A, %swap3A_2422], %add3A_2415 {strides = array<i32>} : memref<8x128xi32, #tpu.memory_space<vmem>>, vector<16xi32>,
      %scan3A_2424 = arith.constant 0 : i32
      scf.yield %scan3A_2424 : i32
    }
    %scan3A_123 = arith.constant 64 : i32
    %dma_start3A = arith.constant 0 : i32
    %dma_start3A_124 = arith.constant 0 : i32
    %dma_start3A_125 = arith.constant 0 : i32
    %dma_start3A_126 = tpu.memref_slice %arg7[%dma_start3A_124, %dma_start3A_125] : memref<1024x16xf32, #tpu.memory_space<vmem>> -> memref<128x16xf32, #tpu.memory_space<vmem>>
    %dma_start3A_127 = arith.constant 0 : i32
    %dma_start3A_128 = tpu.memref_slice %arg6[%dma_start3A, %dma_start3A_127] : memref<8x128xi32, #tpu.memory_space<vmem>> -> memref<1x128xi32, #tpu.memory_space<vmem>>
    %dma_start3A_129 = tpu.memref_squeeze %dma_start3A_128 : memref<1x128xi32, #tpu.memory_space<vmem>> -> memref<128xi32, #tpu.memory_space<vmem>>
    %dma_start3A_130 = arith.constant 0 : i32
    %dma_start3A_131 = arith.constant 0 : i32
    %dma_start3A_132 = tpu.memref_slice %arg3[%dma_start3A_130, %dma_start3A_131] : memref<2359296x16xf32, #tpu.memory_space<hbm>> -> memref<2359296x16xf32, #tpu.memory_space<hbm>>
    tpu.enqueue_indirect_dma source(%dma_start3A_132 : memref<2359296x16xf32, #tpu.memory_space<hbm>>) target(%dma_start3A_126 : memref<128x16xf32, #tpu.memory_space<vmem>>) offsets(%dma_start3A_129 : memref<128xi32, #tpu.memory_space<vmem>>) semaphore(%arg10 : memref<!tpu.dma_semaphore, #tpu.memory_space<semaphore_mem>>)
    %dma_start3A_133 = arith.constant 1 : i32
    %dma_start3A_134 = arith.constant 128 : i32
    %dma_start3A_135 = arith.constant 0 : i32
    %dma_start3A_136 = tpu.memref_slice %arg7[%dma_start3A_134, %dma_start3A_135] : memref<1024x16xf32, #tpu.memory_space<vmem>> -> memref<128x16xf32, #tpu.memory_space<vmem>>
    %dma_start3A_137 = arith.constant 0 : i32
    %dma_start3A_138 = tpu.memref_slice %arg6[%dma_start3A_133, %dma_start3A_137] : memref<8x128xi32, #tpu.memory_space<vmem>> -> memref<1x128xi32, #tpu.memory_space<vmem>>
    %dma_start3A_139 = tpu.memref_squeeze %dma_start3A_138 : memref<1x128xi32, #tpu.memory_space<vmem>> -> memref<128xi32, #tpu.memory_space<vmem>>
    %dma_start3A_140 = arith.constant 0 : i32
    %dma_start3A_141 = arith.constant 0 : i32
    %dma_start3A_142 = tpu.memref_slice %arg3[%dma_start3A_140, %dma_start3A_141] : memref<2359296x16xf32, #tpu.memory_space<hbm>> -> memref<2359296x16xf32, #tpu.memory_space<hbm>>
    tpu.enqueue_indirect_dma source(%dma_start3A_142 : memref<2359296x16xf32, #tpu.memory_space<hbm>>) target(%dma_start3A_136 : memref<128x16xf32, #tpu.memory_space<vmem>>) offsets(%dma_start3A_139 : memref<128xi32, #tpu.memory_space<vmem>>) semaphore(%arg10 : memref<!tpu.dma_semaphore, #tpu.memory_space<semaphore_mem>>)
    %dma_start3A_143 = arith.constant 2 : i32
    %dma_start3A_144 = arith.constant 256 : i32
    %dma_start3A_145 = arith.constant 0 : i32
    %dma_start3A_146 = tpu.memref_slice %arg7[%dma_start3A_144, %dma_start3A_145] : memref<1024x16xf32, #tpu.memory_space<vmem>> -> memref<128x16xf32, #tpu.memory_space<vmem>>
    %dma_start3A_147 = arith.constant 0 : i32
    %dma_start3A_148 = tpu.memref_slice %arg6[%dma_start3A_143, %dma_start3A_147] : memref<8x128xi32, #tpu.memory_space<vmem>> -> memref<1x128xi32, #tpu.memory_space<vmem>>
    %dma_start3A_149 = tpu.memref_squeeze %dma_start3A_148 : memref<1x128xi32, #tpu.memory_space<vmem>> -> memref<128xi32, #tpu.memory_space<vmem>>
    %dma_start3A_150 = arith.constant 0 : i32
    %dma_start3A_151 = arith.constant 0 : i32
    %dma_start3A_152 = tpu.memref_slice %arg3[%dma_start3A_150, %dma_start3A_151] : memref<2359296x16xf32, #tpu.memory_space<hbm>> -> memref<2359296x16xf32, #tpu.memory_space<hbm>>
    tpu.enqueue_indirect_dma source(%dma_start3A_152 : memref<2359296x16xf32, #tpu.memory_space<hbm>>) target(%dma_start3A_146 : memref<128x16xf32, #tpu.memory_space<vmem>>) offsets(%dma_start3A_149 : memref<128xi32, #tpu.memory_space<vmem>>) semaphore(%arg10 : memref<!tpu.dma_semaphore, #tpu.memory_space<semaphore_mem>>)
    %dma_start3A_153 = arith.constant 3 : i32
    %dma_start3A_154 = arith.constant 384 : i32
    %dma_start3A_155 = arith.constant 0 : i32
    %dma_start3A_156 = tpu.memref_slice %arg7[%dma_start3A_154, %dma_start3A_155] : memref<1024x16xf32, #tpu.memory_space<vmem>> -> memref<128x16xf32, #tpu.memory_space<vmem>>
    %dma_start3A_157 = arith.constant 0 : i32
    %dma_start3A_158 = tpu.memref_slice %arg6[%dma_start3A_153, %dma_start3A_157] : memref<8x128xi32, #tpu.memory_space<vmem>> -> memref<1x128xi32, #tpu.memory_space<vmem>>
    %dma_start3A_159 = tpu.memref_squeeze %dma_start3A_158 : memref<1x128xi32, #tpu.memory_space<vmem>> -> memref<128xi32, #tpu.memory_space<vmem>>
    %dma_start3A_160 = arith.constant 0 : i32
    %dma_start3A_161 = arith.constant 0 : i32
    %dma_start3A_162 = tpu.memref_slice %arg3[%dma_start3A_160, %dma_start3A_161] : memref<2359296x16xf32, #tpu.memory_space<hbm>> -> memref<2359296x16xf32, #tpu.memory_space<hbm>>
    tpu.enqueue_indirect_dma source(%dma_start3A_162 : memref<2359296x16xf32, #tpu.memory_space<hbm>>) target(%dma_start3A_156 : memref<128x16xf32, #tpu.memory_space<vmem>>) offsets(%dma_start3A_159 : memref<128xi32, #tpu.memory_space<vmem>>) semaphore(%arg10 : memref<!tpu.dma_semaphore, #tpu.memory_space<semaphore_mem>>)
    %dma_start3A_163 = arith.constant 4 : i32
    %dma_start3A_164 = arith.constant 512 : i32
    %dma_start3A_165 = arith.constant 0 : i32
    %dma_start3A_166 = tpu.memref_slice %arg7[%dma_start3A_164, %dma_start3A_165] : memref<1024x16xf32, #tpu.memory_space<vmem>> -> memref<128x16xf32, #tpu.memory_space<vmem>>
    %dma_start3A_167 = arith.constant 0 : i32
    %dma_start3A_168 = tpu.memref_slice %arg6[%dma_start3A_163, %dma_start3A_167] : memref<8x128xi32, #tpu.memory_space<vmem>> -> memref<1x128xi32, #tpu.memory_space<vmem>>
    %dma_start3A_169 = tpu.memref_squeeze %dma_start3A_168 : memref<1x128xi32, #tpu.memory_space<vmem>> -> memref<128xi32, #tpu.memory_space<vmem>>
    %dma_start3A_170 = arith.constant 0 : i32
    %dma_start3A_171 = arith.constant 0 : i32
    %dma_start3A_172 = tpu.memref_slice %arg3[%dma_start3A_170, %dma_start3A_171] : memref<2359296x16xf32, #tpu.memory_space<hbm>> -> memref<2359296x16xf32, #tpu.memory_space<hbm>>
    tpu.enqueue_indirect_dma source(%dma_start3A_172 : memref<2359296x16xf32, #tpu.memory_space<hbm>>) target(%dma_start3A_166 : memref<128x16xf32, #tpu.memory_space<vmem>>) offsets(%dma_start3A_169 : memref<128xi32, #tpu.memory_space<vmem>>) semaphore(%arg10 : memref<!tpu.dma_semaphore, #tpu.memory_space<semaphore_mem>>)
    %dma_start3A_173 = arith.constant 5 : i32
    %dma_start3A_174 = arith.constant 640 : i32
    %dma_start3A_175 = arith.constant 0 : i32
    %dma_start3A_176 = tpu.memref_slice %arg7[%dma_start3A_174, %dma_start3A_175] : memref<1024x16xf32, #tpu.memory_space<vmem>> -> memref<128x16xf32, #tpu.memory_space<vmem>>
    %dma_start3A_177 = arith.constant 0 : i32
    %dma_start3A_178 = tpu.memref_slice %arg6[%dma_start3A_173, %dma_start3A_177] : memref<8x128xi32, #tpu.memory_space<vmem>> -> memref<1x128xi32, #tpu.memory_space<vmem>>
    %dma_start3A_179 = tpu.memref_squeeze %dma_start3A_178 : memref<1x128xi32, #tpu.memory_space<vmem>> -> memref<128xi32, #tpu.memory_space<vmem>>
    %dma_start3A_180 = arith.constant 0 : i32
    %dma_start3A_181 = arith.constant 0 : i32
    %dma_start3A_182 = tpu.memref_slice %arg3[%dma_start3A_180, %dma_start3A_181] : memref<2359296x16xf32, #tpu.memory_space<hbm>> -> memref<2359296x16xf32, #tpu.memory_space<hbm>>
    tpu.enqueue_indirect_dma source(%dma_start3A_182 : memref<2359296x16xf32, #tpu.memory_space<hbm>>) target(%dma_start3A_176 : memref<128x16xf32, #tpu.memory_space<vmem>>) offsets(%dma_start3A_179 : memref<128xi32, #tpu.memory_space<vmem>>) semaphore(%arg10 : memref<!tpu.dma_semaphore, #tpu.memory_space<semaphore_mem>>)
    %dma_start3A_183 = arith.constant 6 : i32
    %dma_start3A_184 = arith.constant 768 : i32
    %dma_start3A_185 = arith.constant 0 : i32
    %dma_start3A_186 = tpu.memref_slice %arg7[%dma_start3A_184, %dma_start3A_185] : memref<1024x16xf32, #tpu.memory_space<vmem>> -> memref<128x16xf32, #tpu.memory_space<vmem>>
    %dma_start3A_187 = arith.constant 0 : i32
    %dma_start3A_188 = tpu.memref_slice %arg6[%dma_start3A_183, %dma_start3A_187] : memref<8x128xi32, #tpu.memory_space<vmem>> -> memref<1x128xi32, #tpu.memory_space<vmem>>
    %dma_start3A_189 = tpu.memref_squeeze %dma_start3A_188 : memref<1x128xi32, #tpu.memory_space<vmem>> -> memref<128xi32, #tpu.memory_space<vmem>>
    %dma_start3A_190 = arith.constant 0 : i32
    %dma_start3A_191 = arith.constant 0 : i32
    %dma_start3A_192 = tpu.memref_slice %arg3[%dma_start3A_190, %dma_start3A_191] : memref<2359296x16xf32, #tpu.memory_space<hbm>> -> memref<2359296x16xf32, #tpu.memory_space<hbm>>
    tpu.enqueue_indirect_dma source(%dma_start3A_192 : memref<2359296x16xf32, #tpu.memory_space<hbm>>) target(%dma_start3A_186 : memref<128x16xf32, #tpu.memory_space<vmem>>) offsets(%dma_start3A_189 : memref<128xi32, #tpu.memory_space<vmem>>) semaphore(%arg10 : memref<!tpu.dma_semaphore, #tpu.memory_space<semaphore_mem>>)
    %dma_start3A_193 = arith.constant 7 : i32
    %dma_start3A_194 = arith.constant 896 : i32
    %dma_start3A_195 = arith.constant 0 : i32
    %dma_start3A_196 = tpu.memref_slice %arg7[%dma_start3A_194, %dma_start3A_195] : memref<1024x16xf32, #tpu.memory_space<vmem>> -> memref<128x16xf32, #tpu.memory_space<vmem>>
    %dma_start3A_197 = arith.constant 0 : i32
    %dma_start3A_198 = tpu.memref_slice %arg6[%dma_start3A_193, %dma_start3A_197] : memref<8x128xi32, #tpu.memory_space<vmem>> -> memref<1x128xi32, #tpu.memory_space<vmem>>
    %dma_start3A_199 = tpu.memref_squeeze %dma_start3A_198 : memref<1x128xi32, #tpu.memory_space<vmem>> -> memref<128xi32, #tpu.memory_space<vmem>>
    %dma_start3A_200 = arith.constant 0 : i32
    %dma_start3A_201 = arith.constant 0 : i32
    %dma_start3A_202 = tpu.memref_slice %arg3[%dma_start3A_200, %dma_start3A_201] : memref<2359296x16xf32, #tpu.memory_space<hbm>> -> memref<2359296x16xf32, #tpu.memory_space<hbm>>
    tpu.enqueue_indirect_dma source(%dma_start3A_202 : memref<2359296x16xf32, #tpu.memory_space<hbm>>) target(%dma_start3A_196 : memref<128x16xf32, #tpu.memory_space<vmem>>) offsets(%dma_start3A_199 : memref<128xi32, #tpu.memory_space<vmem>>) semaphore(%arg10 : memref<!tpu.dma_semaphore, #tpu.memory_space<semaphore_mem>>)
    %dma_wait3A = arith.constant 0 : i32
    %dma_wait3A_203 = arith.constant 0 : i32
    %dma_wait3A_204 = arith.constant 0 : i32
    %dma_wait3A_205 = tpu.memref_slice %arg7[%dma_wait3A_203, %dma_wait3A_204] : memref<1024x16xf32, #tpu.memory_space<vmem>> -> memref<128x16xf32, #tpu.memory_space<vmem>>
    %dma_wait3A_206 = arith.constant 0 : i32
    %dma_wait3A_207 = tpu.memref_slice %arg6[%dma_wait3A, %dma_wait3A_206] : memref<8x128xi32, #tpu.memory_space<vmem>> -> memref<1x128xi32, #tpu.memory_space<vmem>>
    %dma_wait3A_208 = tpu.memref_squeeze %dma_wait3A_207 : memref<1x128xi32, #tpu.memory_space<vmem>> -> memref<128xi32, #tpu.memory_space<vmem>>
    %dma_wait3A_209 = arith.constant 0 : i32
    %dma_wait3A_210 = arith.constant 0 : i32
    %dma_wait3A_211 = tpu.memref_slice %arg3[%dma_wait3A_209, %dma_wait3A_210] : memref<2359296x16xf32, #tpu.memory_space<hbm>> -> memref<2359296x16xf32, #tpu.memory_space<hbm>>
    tpu.wait_indirect_dma semaphore(%arg10 : memref<!tpu.dma_semaphore, #tpu.memory_space<semaphore_mem>>) src(%dma_wait3A_211 : memref<2359296x16xf32, #tpu.memory_space<hbm>>) dst(%dma_wait3A_205 : memref<128x16xf32, #tpu.memory_space<vmem>>)
    %dma_wait3A_212 = arith.constant 1 : i32
    %dma_wait3A_213 = arith.constant 128 : i32
    %dma_wait3A_214 = arith.constant 0 : i32
    %dma_wait3A_215 = tpu.memref_slice %arg7[%dma_wait3A_213, %dma_wait3A_214] : memref<1024x16xf32, #tpu.memory_space<vmem>> -> memref<128x16xf32, #tpu.memory_space<vmem>>
    %dma_wait3A_216 = arith.constant 0 : i32
    %dma_wait3A_217 = tpu.memref_slice %arg6[%dma_wait3A_212, %dma_wait3A_216] : memref<8x128xi32, #tpu.memory_space<vmem>> -> memref<1x128xi32, #tpu.memory_space<vmem>>
    %dma_wait3A_218 = tpu.memref_squeeze %dma_wait3A_217 : memref<1x128xi32, #tpu.memory_space<vmem>> -> memref<128xi32, #tpu.memory_space<vmem>>
    %dma_wait3A_219 = arith.constant 0 : i32
    %dma_wait3A_220 = arith.constant 0 : i32
    %dma_wait3A_221 = tpu.memref_slice %arg3[%dma_wait3A_219, %dma_wait3A_220] : memref<2359296x16xf32, #tpu.memory_space<hbm>> -> memref<2359296x16xf32, #tpu.memory_space<hbm>>
    tpu.wait_indirect_dma semaphore(%arg10 : memref<!tpu.dma_semaphore, #tpu.memory_space<semaphore_mem>>) src(%dma_wait3A_221 : memref<2359296x16xf32, #tpu.memory_space<hbm>>) dst(%dma_wait3A_215 : memref<128x16xf32, #tpu.memory_space<vmem>>)
    %dma_wait3A_222 = arith.constant 2 : i32
    %dma_wait3A_223 = arith.constant 256 : i32
    %dma_wait3A_224 = arith.constant 0 : i32
    %dma_wait3A_225 = tpu.memref_slice %arg7[%dma_wait3A_223, %dma_wait3A_224] : memref<1024x16xf32, #tpu.memory_space<vmem>> -> memref<128x16xf32, #tpu.memory_space<vmem>>
    %dma_wait3A_226 = arith.constant 0 : i32
    %dma_wait3A_227 = tpu.memref_slice %arg6[%dma_wait3A_222, %dma_wait3A_226] : memref<8x128xi32, #tpu.memory_space<vmem>> -> memref<1x128xi32, #tpu.memory_space<vmem>>
    %dma_wait3A_228 = tpu.memref_squeeze %dma_wait3A_227 : memref<1x128xi32, #tpu.memory_space<vmem>> -> memref<128xi32, #tpu.memory_space<vmem>>
    %dma_wait3A_229 = arith.constant 0 : i32
    %dma_wait3A_230 = arith.constant 0 : i32
    %dma_wait3A_231 = tpu.memref_slice %arg3[%dma_wait3A_229, %dma_wait3A_230] : memref<2359296x16xf32, #tpu.memory_space<hbm>> -> memref<2359296x16xf32, #tpu.memory_space<hbm>>
    tpu.wait_indirect_dma semaphore(%arg10 : memref<!tpu.dma_semaphore, #tpu.memory_space<semaphore_mem>>) src(%dma_wait3A_231 : memref<2359296x16xf32, #tpu.memory_space<hbm>>) dst(%dma_wait3A_225 : memref<128x16xf32, #tpu.memory_space<vmem>>)
    %dma_wait3A_232 = arith.constant 3 : i32
    %dma_wait3A_233 = arith.constant 384 : i32
    %dma_wait3A_234 = arith.constant 0 : i32
    %dma_wait3A_235 = tpu.memref_slice %arg7[%dma_wait3A_233, %dma_wait3A_234] : memref<1024x16xf32, #tpu.memory_space<vmem>> -> memref<128x16xf32, #tpu.memory_space<vmem>>
    %dma_wait3A_236 = arith.constant 0 : i32
    %dma_wait3A_237 = tpu.memref_slice %arg6[%dma_wait3A_232, %dma_wait3A_236] : memref<8x128xi32, #tpu.memory_space<vmem>> -> memref<1x128xi32, #tpu.memory_space<vmem>>
    %dma_wait3A_238 = tpu.memref_squeeze %dma_wait3A_237 : memref<1x128xi32, #tpu.memory_space<vmem>> -> memref<128xi32, #tpu.memory_space<vmem>>
    %dma_wait3A_239 = arith.constant 0 : i32
    %dma_wait3A_240 = arith.constant 0 : i32
    %dma_wait3A_241 = tpu.memref_slice %arg3[%dma_wait3A_239, %dma_wait3A_240] : memref<2359296x16xf32, #tpu.memory_space<hbm>> -> memref<2359296x16xf32, #tpu.memory_space<hbm>>
    tpu.wait_indirect_dma semaphore(%arg10 : memref<!tpu.dma_semaphore, #tpu.memory_space<semaphore_mem>>) src(%dma_wait3A_241 : memref<2359296x16xf32, #tpu.memory_space<hbm>>) dst(%dma_wait3A_235 : memref<128x16xf32, #tpu.memory_space<vmem>>)
    %dma_wait3A_242 = arith.constant 4 : i32
    %dma_wait3A_243 = arith.constant 512 : i32
    %dma_wait3A_244 = arith.constant 0 : i32
    %dma_wait3A_245 = tpu.memref_slice %arg7[%dma_wait3A_243, %dma_wait3A_244] : memref<1024x16xf32, #tpu.memory_space<vmem>> -> memref<128x16xf32, #tpu.memory_space<vmem>>
    %dma_wait3A_246 = arith.constant 0 : i32
    %dma_wait3A_247 = tpu.memref_slice %arg6[%dma_wait3A_242, %dma_wait3A_246] : memref<8x128xi32, #tpu.memory_space<vmem>> -> memref<1x128xi32, #tpu.memory_space<vmem>>
    %dma_wait3A_248 = tpu.memref_squeeze %dma_wait3A_247 : memref<1x128xi32, #tpu.memory_space<vmem>> -> memref<128xi32, #tpu.memory_space<vmem>>
    %dma_wait3A_249 = arith.constant 0 : i32
    %dma_wait3A_250 = arith.constant 0 : i32
    %dma_wait3A_251 = tpu.memref_slice %arg3[%dma_wait3A_249, %dma_wait3A_250] : memref<2359296x16xf32, #tpu.memory_space<hbm>> -> memref<2359296x16xf32, #tpu.memory_space<hbm>>
    tpu.wait_indirect_dma semaphore(%arg10 : memref<!tpu.dma_semaphore, #tpu.memory_space<semaphore_mem>>) src(%dma_wait3A_251 : memref<2359296x16xf32, #tpu.memory_space<hbm>>) dst(%dma_wait3A_245 : memref<128x16xf32, #tpu.memory_space<vmem>>)
    %dma_wait3A_252 = arith.constant 5 : i32
    %dma_wait3A_253 = arith.constant 640 : i32
    %dma_wait3A_254 = arith.constant 0 : i32
    %dma_wait3A_255 = tpu.memref_slice %arg7[%dma_wait3A_253, %dma_wait3A_254] : memref<1024x16xf32, #tpu.memory_space<vmem>> -> memref<128x16xf32, #tpu.memory_space<vmem>>
    %dma_wait3A_256 = arith.constant 0 : i32
    %dma_wait3A_257 = tpu.memref_slice %arg6[%dma_wait3A_252, %dma_wait3A_256] : memref<8x128xi32, #tpu.memory_space<vmem>> -> memref<1x128xi32, #tpu.memory_space<vmem>>
    %dma_wait3A_258 = tpu.memref_squeeze %dma_wait3A_257 : memref<1x128xi32, #tpu.memory_space<vmem>> -> memref<128xi32, #tpu.memory_space<vmem>>
    %dma_wait3A_259 = arith.constant 0 : i32
    %dma_wait3A_260 = arith.constant 0 : i32
    %dma_wait3A_261 = tpu.memref_slice %arg3[%dma_wait3A_259, %dma_wait3A_260] : memref<2359296x16xf32, #tpu.memory_space<hbm>> -> memref<2359296x16xf32, #tpu.memory_space<hbm>>
    tpu.wait_indirect_dma semaphore(%arg10 : memref<!tpu.dma_semaphore, #tpu.memory_space<semaphore_mem>>) src(%dma_wait3A_261 : memref<2359296x16xf32, #tpu.memory_space<hbm>>) dst(%dma_wait3A_255 : memref<128x16xf32, #tpu.memory_space<vmem>>)
    %dma_wait3A_262 = arith.constant 6 : i32
    %dma_wait3A_263 = arith.constant 768 : i32
    %dma_wait3A_264 = arith.constant 0 : i32
    %dma_wait3A_265 = tpu.memref_slice %arg7[%dma_wait3A_263, %dma_wait3A_264] : memref<1024x16xf32, #tpu.memory_space<vmem>> -> memref<128x16xf32, #tpu.memory_space<vmem>>
    %dma_wait3A_266 = arith.constant 0 : i32
    %dma_wait3A_267 = tpu.memref_slice %arg6[%dma_wait3A_262, %dma_wait3A_266] : memref<8x128xi32, #tpu.memory_space<vmem>> -> memref<1x128xi32, #tpu.memory_space<vmem>>
    %dma_wait3A_268 = tpu.memref_squeeze %dma_wait3A_267 : memref<1x128xi32, #tpu.memory_space<vmem>> -> memref<128xi32, #tpu.memory_space<vmem>>
    %dma_wait3A_269 = arith.constant 0 : i32
    %dma_wait3A_270 = arith.constant 0 : i32
    %dma_wait3A_271 = tpu.memref_slice %arg3[%dma_wait3A_269, %dma_wait3A_270] : memref<2359296x16xf32, #tpu.memory_space<hbm>> -> memref<2359296x16xf32, #tpu.memory_space<hbm>>
    tpu.wait_indirect_dma semaphore(%arg10 : memref<!tpu.dma_semaphore, #tpu.memory_space<semaphore_mem>>) src(%dma_wait3A_271 : memref<2359296x16xf32, #tpu.memory_space<hbm>>) dst(%dma_wait3A_265 : memref<128x16xf32, #tpu.memory_space<vmem>>)
    %dma_wait3A_272 = arith.constant 7 : i32
    %dma_wait3A_273 = arith.constant 896 : i32
    %dma_wait3A_274 = arith.constant 0 : i32
    %dma_wait3A_275 = tpu.memref_slice %arg7[%dma_wait3A_273, %dma_wait3A_274] : memref<1024x16xf32, #tpu.memory_space<vmem>> -> memref<128x16xf32, #tpu.memory_space<vmem>>
    %dma_wait3A_276 = arith.constant 0 : i32
    %dma_wait3A_277 = tpu.memref_slice %arg6[%dma_wait3A_272, %dma_wait3A_276] : memref<8x128xi32, #tpu.memory_space<vmem>> -> memref<1x128xi32, #tpu.memory_space<vmem>>
    %dma_wait3A_278 = tpu.memref_squeeze %dma_wait3A_277 : memref<1x128xi32, #tpu.memory_space<vmem>> -> memref<128xi32, #tpu.memory_space<vmem>>
    %dma_wait3A_279 = arith.constant 0 : i32
    %dma_wait3A_280 = arith.constant 0 : i32
    %dma_wait3A_281 = tpu.memref_slice %arg3[%dma_wait3A_279, %dma_wait3A_280] : memref<2359296x16xf32, #tpu.memory_space<hbm>> -> memref<2359296x16xf32, #tpu.memory_space<hbm>>
    tpu.wait_indirect_dma semaphore(%arg10 : memref<!tpu.dma_semaphore, #tpu.memory_space<semaphore_mem>>) src(%dma_wait3A_281 : memref<2359296x16xf32, #tpu.memory_space<hbm>>) dst(%dma_wait3A_275 : memref<128x16xf32, #tpu.memory_space<vmem>>)
    %scan3A_282 = arith.constant 0 : i32
    %scan3A_283 = arith.constant 0 : i32
    %scan3A_284 = arith.constant 64 : i32
    %scan3A_285 = arith.addi %scan3A_283, %scan3A_284 : i32
    %scan3A_286 = arith.constant 1 : i32
    %scan3A_287 = scf.for %scan3A_2410 = %scan3A_283 to %scan3A_285 step %scan3A_286 iter_args(%scan3A_2411 = %scan3A_282) -> (i32)  : i32 {
      %mul3A_2412 = arith.constant 16 : i32
      %mul3A_2413 = arith.muli %scan3A_2410, %mul3A_2412 : i32
      %add3A_2414 = vector.broadcast %mul3A_2413 : i32 to vector<16xi32>
      %add3A_2415 = arith.addi %add3A_2414, %iota3A : vector<16xi32>
      %gather3A_2416 = tpu.vector_load_idx %arg7[%add3A_2415, %and3A_117] : memref<1024x16xf32, #tpu.memory_space<vmem>>[vector<16xi32>, vector<16xi32>], vector<16xf32>,
      %swap3A = arith.index_cast %scan3A_2410 : i32 to index
      %swap3A_2417 = arith.constant 0 : index
      %swap3A_2418 = tpu.vector_load %arg8[%swap3A, %swap3A_2417] {strides = array<i32>} : memref<64x16xf32, #tpu.memory_space<vmem>>, vector<16xf32>,
      tpu.vector_store %arg8[%swap3A, %swap3A_2417], %gather3A_2416 {strides = array<i32>} : memref<64x16xf32, #tpu.memory_space<vmem>>, vector<16xf32>,
      %scan3A_2419 = arith.constant 0 : i32
      scf.yield %scan3A_2419 : i32
    }
    %scan3A_288 = arith.constant 64 : i32
    %scan3A_289 = arith.constant 0 : i32
    %scan3A_290 = arith.constant 0 : i32
    %scan3A_291 = arith.constant 64 : i32
    %scan3A_292 = arith.addi %scan3A_290, %scan3A_291 : i32
    %scan3A_293 = arith.constant 1 : i32
    %scan3A_294 = scf.for %scan3A_2410 = %scan3A_290 to %scan3A_292 step %scan3A_293 iter_args(%scan3A_2411 = %scan3A_289) -> (i32)  : i32 {
      %broadcast_in_dim3A = vector.broadcast %scan3A_2410 : i32 to vector<16xi32>
      %get3A = arith.index_cast %scan3A_2410 : i32 to index
      %get3A_2412 = arith.constant 0 : index
      %get3A_2413 = tpu.vector_load %arg8[%get3A, %get3A_2412] {strides = array<i32>} : memref<64x16xf32, #tpu.memory_space<vmem>>, vector<16xf32>,
      tpu.vector_store_idx %arg9[%iota3A, %broadcast_in_dim3A], %get3A_2413 : memref<16x128xf32, #tpu.memory_space<vmem>>[vector<16xi32>, vector<16xi32>], vector<16xf32>,
      %scan3A_2414 = arith.constant 0 : i32
      scf.yield %scan3A_2414 : i32
    }
    %scan3A_295 = arith.constant 64 : i32
    %add3A_296 = arith.constant 0 : i32
    %add3A_297 = arith.addi %add3A_296, %add3A : i32
    "tpu.region"() ({
      %run_scoped3A = tpu.sem_alloc : memref<!tpu.dma_semaphore, #tpu.memory_space<semaphore_mem>>
      %dma_start3A_2410 = arith.constant 0 : i32
      %dma_start3A_2411 = arith.constant 0 : i32
      %dma_start3A_2412 = tpu.memref_slice %arg4[%add3A_297, %dma_start3A_2410, %dma_start3A_2411] : memref<288x16x128xf32, #tpu.memory_space<hbm>> -> memref<1x16x128xf32, #tpu.memory_space<hbm>>
      %dma_start3A_2413 = tpu.memref_squeeze %dma_start3A_2412 : memref<1x16x128xf32, #tpu.memory_space<hbm>> -> memref<16x128xf32, #tpu.memory_space<hbm>>
      %dma_start3A_2414 = arith.constant 0 : i32
      %dma_start3A_2415 = arith.constant 0 : i32
      %dma_start3A_2416 = tpu.memref_slice %arg4[%add3A_297, %dma_start3A_2414, %dma_start3A_2415] : memref<288x16x128xf32, #tpu.memory_space<hbm>> -> memref<1x16x128xf32, #tpu.memory_space<hbm>>
      %dma_start3A_2417 = tpu.memref_squeeze %dma_start3A_2416 : memref<1x16x128xf32, #tpu.memory_space<hbm>> -> memref<16x128xf32, #tpu.memory_space<hbm>>
      tpu.enqueue_dma source(%arg9 : memref<16x128xf32, #tpu.memory_space<vmem>>) target(%dma_start3A_2417 : memref<16x128xf32, #tpu.memory_space<hbm>>) target_semaphore(%run_scoped3A : memref<!tpu.dma_semaphore, #tpu.memory_space<semaphore_mem>>)
      %dma_wait3A_2418 = arith.constant 0 : i32
      %dma_wait3A_2419 = arith.constant 0 : i32
      %dma_wait3A_2420 = tpu.memref_slice %arg4[%add3A_297, %dma_wait3A_2418, %dma_wait3A_2419] : memref<288x16x128xf32, #tpu.memory_space<hbm>> -> memref<1x16x128xf32, #tpu.memory_space<hbm>>
      %dma_wait3A_2421 = tpu.memref_squeeze %dma_wait3A_2420 : memref<1x16x128xf32, #tpu.memory_space<hbm>> -> memref<16x128xf32, #tpu.memory_space<hbm>>
      %dma_wait3A_2422 = arith.constant 0 : i32
      %dma_wait3A_2423 = arith.constant 0 : i32
      %dma_wait3A_2424 = tpu.memref_slice %arg4[%add3A_297, %dma_wait3A_2422, %dma_wait3A_2423] : memref<288x16x128xf32, #tpu.memory_space<hbm>> -> memref<1x16x128xf32, #tpu.memory_space<hbm>>
      %dma_wait3A_2425 = tpu.memref_squeeze %dma_wait3A_2424 : memref<1x16x128xf32, #tpu.memory_space<hbm>> -> memref<16x128xf32, #tpu.memory_space<hbm>>
      tpu.wait_dma2 semaphore(%run_scoped3A : memref<!tpu.dma_semaphore, #tpu.memory_space<semaphore_mem>>) src(%arg9 : memref<16x128xf32, #tpu.memory_space<vmem>>) dst(%dma_wait3A_2425 : memref<16x128xf32, #tpu.memory_space<hbm>>)
      tpu.yield
    }) : () -> ()
    %add3A_298 = arith.constant -9 : i32
    %add3A_299 = vector.broadcast %add3A_298 : i32 to vector<16xi32>
    %add3A_300 = arith.addi %convert_element_type3A, %add3A_299 : vector<16xi32>
    %mul3A_301 = arith.constant 384 : i32
    %mul3A_302 = vector.broadcast %mul3A_301 : i32 to vector<16xi32>
    %mul3A_303 = arith.muli %add3A_300, %mul3A_302 : vector<16xi32>
    %add3A_304 = arith.constant 0 : i32
    %add3A_305 = vector.broadcast %add3A_304 : i32 to vector<16xi32>
    %add3A_306 = arith.addi %convert_element_type3A_37, %add3A_305 : vector<16xi32>
    %add3A_307 = arith.addi %mul3A_303, %add3A_306 : vector<16xi32>
    %jit3A_308 = arith.constant 0 : i32
    %jit3A_309 = arith.constant 147455 : i32
    %max3A_310 = vector.broadcast %jit3A_308 : i32 to vector<16xi32>
    %max3A_311 = arith.maxsi %max3A_310, %add3A_307 : vector<16xi32>
    %min3A_312 = vector.broadcast %jit3A_309 : i32 to vector<16xi32>
    %min3A_313 = arith.minsi %min3A_312, %max3A_311 : vector<16xi32>
    %jit3A_314 = arith.constant 384 : i32
    %div3A_315 = vector.broadcast %jit3A_314 : i32 to vector<16xi32>
    %div3A_316 = arith.divsi %min3A_313, %div3A_315 : vector<16xi32>
    %sign3A_317 = arith.constant 0 : i32
    %sign3A_318 = vector.broadcast %sign3A_317 : i32 to vector<16xi32>
    %sign3A_319 = arith.cmpi sgt, %min3A_313, %sign3A_318 : vector<16xi32>
    %sign3A_320 = arith.extui %sign3A_319 : vector<16xi1> to vector<16xi32>
    %sign3A_321 = arith.constant 0 : i32
    %sign3A_322 = vector.broadcast %sign3A_321 : i32 to vector<16xi32>
    %sign3A_323 = arith.cmpi slt, %min3A_313, %sign3A_322 : vector<16xi32>
    %sign3A_324 = arith.extui %sign3A_323 : vector<16xi1> to vector<16xi32>
    %sign3A_325 = arith.subi %sign3A_320, %sign3A_324 : vector<16xi32>
    %sign3A_326 = arith.constant 0 : i32
    %sign3A_327 = arith.cmpi sgt, %jit3A_314, %sign3A_326 : i32
    %sign3A_328 = arith.extui %sign3A_327 : i1 to i32
    %sign3A_329 = arith.constant 0 : i32
    %sign3A_330 = arith.cmpi slt, %jit3A_314, %sign3A_329 : i32
    %sign3A_331 = arith.extui %sign3A_330 : i1 to i32
    %sign3A_332 = arith.subi %sign3A_328, %sign3A_331 : i32
    %ne3A_333 = vector.broadcast %sign3A_332 : i32 to vector<16xi32>
    %ne3A_334 = arith.cmpi ne, %sign3A_325, %ne3A_333 : vector<16xi32>
    %rem3A_335 = vector.broadcast %jit3A_314 : i32 to vector<16xi32>
    %rem3A_336 = arith.remsi %min3A_313, %rem3A_335 : vector<16xi32>
    %ne3A_337 = arith.constant 0 : i32
    %ne3A_338 = vector.broadcast %ne3A_337 : i32 to vector<16xi32>
    %ne3A_339 = arith.cmpi ne, %rem3A_336, %ne3A_338 : vector<16xi32>
    %and3A_340 = arith.andi %ne3A_334, %ne3A_339 : vector<16xi1>
    %sub3A_341 = arith.constant 1 : i32
    %sub3A_342 = vector.broadcast %sub3A_341 : i32 to vector<16xi32>
    %sub3A_343 = arith.subi %div3A_316, %sub3A_342 : vector<16xi32>
    %select_n3A_344 = arith.select %and3A_340, %sub3A_343, %div3A_316 : vector<16xi1>, vector<16xi32>
    %mul3A_345 = arith.constant 384 : i32
    %mul3A_346 = vector.broadcast %mul3A_345 : i32 to vector<16xi32>
    %mul3A_347 = arith.muli %select_n3A_344, %mul3A_346 : vector<16xi32>
    %sub3A_348 = arith.subi %min3A_313, %mul3A_347 : vector<16xi32>
    %shift_right_logical3A_349 = arith.constant 3 : i32
    %shift_right_logical3A_350 = vector.broadcast %shift_right_logical3A_349 : i32 to vector<16xi32>
    %shift_right_logical3A_351 = arith.shrui %select_n3A_344, %shift_right_logical3A_350 : vector<16xi32>
    %mul3A_352 = arith.constant 3 : i32
    %mul3A_353 = vector.broadcast %mul3A_352 : i32 to vector<16xi32>
    %mul3A_354 = arith.muli %shift_right_logical3A_351, %mul3A_353 : vector<16xi32>
    %shift_right_logical3A_355 = arith.constant 7 : i32
    %shift_right_logical3A_356 = vector.broadcast %shift_right_logical3A_355 : i32 to vector<16xi32>
    %shift_right_logical3A_357 = arith.shrui %sub3A_348, %shift_right_logical3A_356 : vector<16xi32>
    %add3A_358 = arith.addi %mul3A_354, %shift_right_logical3A_357 : vector<16xi32>
    %mul3A_359 = arith.constant 64 : i32
    %mul3A_360 = vector.broadcast %mul3A_359 : i32 to vector<16xi32>
    %mul3A_361 = arith.muli %add3A_358, %mul3A_360 : vector<16xi32>
    %and3A_362 = arith.constant 7 : i32
    %and3A_363 = vector.broadcast %and3A_362 : i32 to vector<16xi32>
    %and3A_364 = arith.andi %select_n3A_344, %and3A_363 : vector<16xi32>
    %mul3A_365 = arith.constant 8 : i32
    %mul3A_366 = vector.broadcast %mul3A_365 : i32 to vector<16xi32>
    %mul3A_367 = arith.muli %and3A_364, %mul3A_366 : vector<16xi32>
    %add3A_368 = arith.addi %mul3A_361, %mul3A_367 : vector<16xi32>
    %and3A_369 = arith.constant 127 : i32
    %and3A_370 = vector.broadcast %and3A_369 : i32 to vector<16xi32>
    %and3A_371 = arith.andi %sub3A_348, %and3A_370 : vector<16xi32>
    %shift_right_logical3A_372 = arith.constant 4 : i32
    %shift_right_logical3A_373 = vector.broadcast %shift_right_logical3A_372 : i32 to vector<16xi32>
    %shift_right_logical3A_374 = arith.shrui %and3A_371, %shift_right_logical3A_373 : vector<16xi32>
    %add3A_375 = arith.addi %add3A_368, %shift_right_logical3A_374 : vector<16xi32>
    %and3A_376 = arith.constant 15 : i32
    %and3A_377 = vector.broadcast %and3A_376 : i32 to vector<16xi32>
    %and3A_378 = arith.andi %sub3A_348, %and3A_377 : vector<16xi32>
    %scan3A_379 = arith.constant 0 : i32
    %scan3A_380 = arith.constant 0 : i32
    %scan3A_381 = arith.constant 64 : i32
    %scan3A_382 = arith.addi %scan3A_380, %scan3A_381 : i32
    %scan3A_383 = arith.constant 1 : i32
    %scan3A_384 = scf.for %scan3A_2410 = %scan3A_380 to %scan3A_382 step %scan3A_383 iter_args(%scan3A_2411 = %scan3A_379) -> (i32)  : i32 {
      %mul3A_2412 = arith.constant 9216 : i32
      %mul3A_2413 = arith.muli %scan3A_2410, %mul3A_2412 : i32
      %add3A_2414 = arith.addi %mul3A_39, %mul3A_2413 : i32
      %broadcast_in_dim3A = vector.broadcast %add3A_2414 : i32 to vector<16xi32>
      %add3A_2415 = arith.addi %broadcast_in_dim3A, %add3A_375 : vector<16xi32>
      %shift_right_logical3A_2416 = arith.constant 3 : i32
      %shift_right_logical3A_2417 = arith.shrui %scan3A_2410, %shift_right_logical3A_2416 : i32
      %and3A_2418 = arith.constant 7 : i32
      %and3A_2419 = arith.andi %scan3A_2410, %and3A_2418 : i32
      %mul3A_2420 = arith.constant 16 : i32
      %mul3A_2421 = arith.muli %and3A_2419, %mul3A_2420 : i32
      %swap3A = arith.index_cast %shift_right_logical3A_2417 : i32 to index
      %swap3A_2422 = arith.index_cast %mul3A_2421 : i32 to index
      %swap3A_2423 = tpu.vector_load %arg6[%swap3A, %swap3A_2422] {strides = array<i32>} : memref<8x128xi32, #tpu.memory_space<vmem>>, vector<16xi32>,
      tpu.vector_store %arg6[%swap3A, %swap3A_2422], %add3A_2415 {strides = array<i32>} : memref<8x128xi32, #tpu.memory_space<vmem>>, vector<16xi32>,
      %scan3A_2424 = arith.constant 0 : i32
      scf.yield %scan3A_2424 : i32
    }
    %scan3A_385 = arith.constant 64 : i32
    %dma_start3A_386 = arith.constant 0 : i32
    %dma_start3A_387 = arith.constant 0 : i32
    %dma_start3A_388 = arith.constant 0 : i32
    %dma_start3A_389 = tpu.memref_slice %arg7[%dma_start3A_387, %dma_start3A_388] : memref<1024x16xf32, #tpu.memory_space<vmem>> -> memref<128x16xf32, #tpu.memory_space<vmem>>
    %dma_start3A_390 = arith.constant 0 : i32
    %dma_start3A_391 = tpu.memref_slice %arg6[%dma_start3A_386, %dma_start3A_390] : memref<8x128xi32, #tpu.memory_space<vmem>> -> memref<1x128xi32, #tpu.memory_space<vmem>>
    %dma_start3A_392 = tpu.memref_squeeze %dma_start3A_391 : memref<1x128xi32, #tpu.memory_space<vmem>> -> memref<128xi32, #tpu.memory_space<vmem>>
    %dma_start3A_393 = arith.constant 0 : i32
    %dma_start3A_394 = arith.constant 0 : i32
    %dma_start3A_395 = tpu.memref_slice %arg3[%dma_start3A_393, %dma_start3A_394] : memref<2359296x16xf32, #tpu.memory_space<hbm>> -> memref<2359296x16xf32, #tpu.memory_space<hbm>>
    tpu.enqueue_indirect_dma source(%dma_start3A_395 : memref<2359296x16xf32, #tpu.memory_space<hbm>>) target(%dma_start3A_389 : memref<128x16xf32, #tpu.memory_space<vmem>>) offsets(%dma_start3A_392 : memref<128xi32, #tpu.memory_space<vmem>>) semaphore(%arg10 : memref<!tpu.dma_semaphore, #tpu.memory_space<semaphore_mem>>)
    %dma_start3A_396 = arith.constant 1 : i32
    %dma_start3A_397 = arith.constant 128 : i32
    %dma_start3A_398 = arith.constant 0 : i32
    %dma_start3A_399 = tpu.memref_slice %arg7[%dma_start3A_397, %dma_start3A_398] : memref<1024x16xf32, #tpu.memory_space<vmem>> -> memref<128x16xf32, #tpu.memory_space<vmem>>
    %dma_start3A_400 = arith.constant 0 : i32
    %dma_start3A_401 = tpu.memref_slice %arg6[%dma_start3A_396, %dma_start3A_400] : memref<8x128xi32, #tpu.memory_space<vmem>> -> memref<1x128xi32, #tpu.memory_space<vmem>>
    %dma_start3A_402 = tpu.memref_squeeze %dma_start3A_401 : memref<1x128xi32, #tpu.memory_space<vmem>> -> memref<128xi32, #tpu.memory_space<vmem>>
    %dma_start3A_403 = arith.constant 0 : i32
    %dma_start3A_404 = arith.constant 0 : i32
    %dma_start3A_405 = tpu.memref_slice %arg3[%dma_start3A_403, %dma_start3A_404] : memref<2359296x16xf32, #tpu.memory_space<hbm>> -> memref<2359296x16xf32, #tpu.memory_space<hbm>>
    tpu.enqueue_indirect_dma source(%dma_start3A_405 : memref<2359296x16xf32, #tpu.memory_space<hbm>>) target(%dma_start3A_399 : memref<128x16xf32, #tpu.memory_space<vmem>>) offsets(%dma_start3A_402 : memref<128xi32, #tpu.memory_space<vmem>>) semaphore(%arg10 : memref<!tpu.dma_semaphore, #tpu.memory_space<semaphore_mem>>)
    %dma_start3A_406 = arith.constant 2 : i32
    %dma_start3A_407 = arith.constant 256 : i32
    %dma_start3A_408 = arith.constant 0 : i32
    %dma_start3A_409 = tpu.memref_slice %arg7[%dma_start3A_407, %dma_start3A_408] : memref<1024x16xf32, #tpu.memory_space<vmem>> -> memref<128x16xf32, #tpu.memory_space<vmem>>
    %dma_start3A_410 = arith.constant 0 : i32
    %dma_start3A_411 = tpu.memref_slice %arg6[%dma_start3A_406, %dma_start3A_410] : memref<8x128xi32, #tpu.memory_space<vmem>> -> memref<1x128xi32, #tpu.memory_space<vmem>>
    %dma_start3A_412 = tpu.memref_squeeze %dma_start3A_411 : memref<1x128xi32, #tpu.memory_space<vmem>> -> memref<128xi32, #tpu.memory_space<vmem>>
    %dma_start3A_413 = arith.constant 0 : i32
    %dma_start3A_414 = arith.constant 0 : i32
    %dma_start3A_415 = tpu.memref_slice %arg3[%dma_start3A_413, %dma_start3A_414] : memref<2359296x16xf32, #tpu.memory_space<hbm>> -> memref<2359296x16xf32, #tpu.memory_space<hbm>>
    tpu.enqueue_indirect_dma source(%dma_start3A_415 : memref<2359296x16xf32, #tpu.memory_space<hbm>>) target(%dma_start3A_409 : memref<128x16xf32, #tpu.memory_space<vmem>>) offsets(%dma_start3A_412 : memref<128xi32, #tpu.memory_space<vmem>>) semaphore(%arg10 : memref<!tpu.dma_semaphore, #tpu.memory_space<semaphore_mem>>)
    %dma_start3A_416 = arith.constant 3 : i32
    %dma_start3A_417 = arith.constant 384 : i32
    %dma_start3A_418 = arith.constant 0 : i32
    %dma_start3A_419 = tpu.memref_slice %arg7[%dma_start3A_417, %dma_start3A_418] : memref<1024x16xf32, #tpu.memory_space<vmem>> -> memref<128x16xf32, #tpu.memory_space<vmem>>
    %dma_start3A_420 = arith.constant 0 : i32
    %dma_start3A_421 = tpu.memref_slice %arg6[%dma_start3A_416, %dma_start3A_420] : memref<8x128xi32, #tpu.memory_space<vmem>> -> memref<1x128xi32, #tpu.memory_space<vmem>>
    %dma_start3A_422 = tpu.memref_squeeze %dma_start3A_421 : memref<1x128xi32, #tpu.memory_space<vmem>> -> memref<128xi32, #tpu.memory_space<vmem>>
    %dma_start3A_423 = arith.constant 0 : i32
    %dma_start3A_424 = arith.constant 0 : i32
    %dma_start3A_425 = tpu.memref_slice %arg3[%dma_start3A_423, %dma_start3A_424] : memref<2359296x16xf32, #tpu.memory_space<hbm>> -> memref<2359296x16xf32, #tpu.memory_space<hbm>>
    tpu.enqueue_indirect_dma source(%dma_start3A_425 : memref<2359296x16xf32, #tpu.memory_space<hbm>>) target(%dma_start3A_419 : memref<128x16xf32, #tpu.memory_space<vmem>>) offsets(%dma_start3A_422 : memref<128xi32, #tpu.memory_space<vmem>>) semaphore(%arg10 : memref<!tpu.dma_semaphore, #tpu.memory_space<semaphore_mem>>)
    %dma_start3A_426 = arith.constant 4 : i32
    %dma_start3A_427 = arith.constant 512 : i32
    %dma_start3A_428 = arith.constant 0 : i32
    %dma_start3A_429 = tpu.memref_slice %arg7[%dma_start3A_427, %dma_start3A_428] : memref<1024x16xf32, #tpu.memory_space<vmem>> -> memref<128x16xf32, #tpu.memory_space<vmem>>
    %dma_start3A_430 = arith.constant 0 : i32
    %dma_start3A_431 = tpu.memref_slice %arg6[%dma_start3A_426, %dma_start3A_430] : memref<8x128xi32, #tpu.memory_space<vmem>> -> memref<1x128xi32, #tpu.memory_space<vmem>>
    %dma_start3A_432 = tpu.memref_squeeze %dma_start3A_431 : memref<1x128xi32, #tpu.memory_space<vmem>> -> memref<128xi32, #tpu.memory_space<vmem>>
    %dma_start3A_433 = arith.constant 0 : i32
    %dma_start3A_434 = arith.constant 0 : i32
    %dma_start3A_435 = tpu.memref_slice %arg3[%dma_start3A_433, %dma_start3A_434] : memref<2359296x16xf32, #tpu.memory_space<hbm>> -> memref<2359296x16xf32, #tpu.memory_space<hbm>>
    tpu.enqueue_indirect_dma source(%dma_start3A_435 : memref<2359296x16xf32, #tpu.memory_space<hbm>>) target(%dma_start3A_429 : memref<128x16xf32, #tpu.memory_space<vmem>>) offsets(%dma_start3A_432 : memref<128xi32, #tpu.memory_space<vmem>>) semaphore(%arg10 : memref<!tpu.dma_semaphore, #tpu.memory_space<semaphore_mem>>)
    %dma_start3A_436 = arith.constant 5 : i32
    %dma_start3A_437 = arith.constant 640 : i32
    %dma_start3A_438 = arith.constant 0 : i32
    %dma_start3A_439 = tpu.memref_slice %arg7[%dma_start3A_437, %dma_start3A_438] : memref<1024x16xf32, #tpu.memory_space<vmem>> -> memref<128x16xf32, #tpu.memory_space<vmem>>
    %dma_start3A_440 = arith.constant 0 : i32
    %dma_start3A_441 = tpu.memref_slice %arg6[%dma_start3A_436, %dma_start3A_440] : memref<8x128xi32, #tpu.memory_space<vmem>> -> memref<1x128xi32, #tpu.memory_space<vmem>>
    %dma_start3A_442 = tpu.memref_squeeze %dma_start3A_441 : memref<1x128xi32, #tpu.memory_space<vmem>> -> memref<128xi32, #tpu.memory_space<vmem>>
    %dma_start3A_443 = arith.constant 0 : i32
    %dma_start3A_444 = arith.constant 0 : i32
    %dma_start3A_445 = tpu.memref_slice %arg3[%dma_start3A_443, %dma_start3A_444] : memref<2359296x16xf32, #tpu.memory_space<hbm>> -> memref<2359296x16xf32, #tpu.memory_space<hbm>>
    tpu.enqueue_indirect_dma source(%dma_start3A_445 : memref<2359296x16xf32, #tpu.memory_space<hbm>>) target(%dma_start3A_439 : memref<128x16xf32, #tpu.memory_space<vmem>>) offsets(%dma_start3A_442 : memref<128xi32, #tpu.memory_space<vmem>>) semaphore(%arg10 : memref<!tpu.dma_semaphore, #tpu.memory_space<semaphore_mem>>)
    %dma_start3A_446 = arith.constant 6 : i32
    %dma_start3A_447 = arith.constant 768 : i32
    %dma_start3A_448 = arith.constant 0 : i32
    %dma_start3A_449 = tpu.memref_slice %arg7[%dma_start3A_447, %dma_start3A_448] : memref<1024x16xf32, #tpu.memory_space<vmem>> -> memref<128x16xf32, #tpu.memory_space<vmem>>
    %dma_start3A_450 = arith.constant 0 : i32
    %dma_start3A_451 = tpu.memref_slice %arg6[%dma_start3A_446, %dma_start3A_450] : memref<8x128xi32, #tpu.memory_space<vmem>> -> memref<1x128xi32, #tpu.memory_space<vmem>>
    %dma_start3A_452 = tpu.memref_squeeze %dma_start3A_451 : memref<1x128xi32, #tpu.memory_space<vmem>> -> memref<128xi32, #tpu.memory_space<vmem>>
    %dma_start3A_453 = arith.constant 0 : i32
    %dma_start3A_454 = arith.constant 0 : i32
    %dma_start3A_455 = tpu.memref_slice %arg3[%dma_start3A_453, %dma_start3A_454] : memref<2359296x16xf32, #tpu.memory_space<hbm>> -> memref<2359296x16xf32, #tpu.memory_space<hbm>>
    tpu.enqueue_indirect_dma source(%dma_start3A_455 : memref<2359296x16xf32, #tpu.memory_space<hbm>>) target(%dma_start3A_449 : memref<128x16xf32, #tpu.memory_space<vmem>>) offsets(%dma_start3A_452 : memref<128xi32, #tpu.memory_space<vmem>>) semaphore(%arg10 : memref<!tpu.dma_semaphore, #tpu.memory_space<semaphore_mem>>)
    %dma_start3A_456 = arith.constant 7 : i32
    %dma_start3A_457 = arith.constant 896 : i32
    %dma_start3A_458 = arith.constant 0 : i32
    %dma_start3A_459 = tpu.memref_slice %arg7[%dma_start3A_457, %dma_start3A_458] : memref<1024x16xf32, #tpu.memory_space<vmem>> -> memref<128x16xf32, #tpu.memory_space<vmem>>
    %dma_start3A_460 = arith.constant 0 : i32
    %dma_start3A_461 = tpu.memref_slice %arg6[%dma_start3A_456, %dma_start3A_460] : memref<8x128xi32, #tpu.memory_space<vmem>> -> memref<1x128xi32, #tpu.memory_space<vmem>>
    %dma_start3A_462 = tpu.memref_squeeze %dma_start3A_461 : memref<1x128xi32, #tpu.memory_space<vmem>> -> memref<128xi32, #tpu.memory_space<vmem>>
    %dma_start3A_463 = arith.constant 0 : i32
    %dma_start3A_464 = arith.constant 0 : i32
    %dma_start3A_465 = tpu.memref_slice %arg3[%dma_start3A_463, %dma_start3A_464] : memref<2359296x16xf32, #tpu.memory_space<hbm>> -> memref<2359296x16xf32, #tpu.memory_space<hbm>>
    tpu.enqueue_indirect_dma source(%dma_start3A_465 : memref<2359296x16xf32, #tpu.memory_space<hbm>>) target(%dma_start3A_459 : memref<128x16xf32, #tpu.memory_space<vmem>>) offsets(%dma_start3A_462 : memref<128xi32, #tpu.memory_space<vmem>>) semaphore(%arg10 : memref<!tpu.dma_semaphore, #tpu.memory_space<semaphore_mem>>)
    %dma_wait3A_466 = arith.constant 0 : i32
    %dma_wait3A_467 = arith.constant 0 : i32
    %dma_wait3A_468 = arith.constant 0 : i32
    %dma_wait3A_469 = tpu.memref_slice %arg7[%dma_wait3A_467, %dma_wait3A_468] : memref<1024x16xf32, #tpu.memory_space<vmem>> -> memref<128x16xf32, #tpu.memory_space<vmem>>
    %dma_wait3A_470 = arith.constant 0 : i32
    %dma_wait3A_471 = tpu.memref_slice %arg6[%dma_wait3A_466, %dma_wait3A_470] : memref<8x128xi32, #tpu.memory_space<vmem>> -> memref<1x128xi32, #tpu.memory_space<vmem>>
    %dma_wait3A_472 = tpu.memref_squeeze %dma_wait3A_471 : memref<1x128xi32, #tpu.memory_space<vmem>> -> memref<128xi32, #tpu.memory_space<vmem>>
    %dma_wait3A_473 = arith.constant 0 : i32
    %dma_wait3A_474 = arith.constant 0 : i32
    %dma_wait3A_475 = tpu.memref_slice %arg3[%dma_wait3A_473, %dma_wait3A_474] : memref<2359296x16xf32, #tpu.memory_space<hbm>> -> memref<2359296x16xf32, #tpu.memory_space<hbm>>
    tpu.wait_indirect_dma semaphore(%arg10 : memref<!tpu.dma_semaphore, #tpu.memory_space<semaphore_mem>>) src(%dma_wait3A_475 : memref<2359296x16xf32, #tpu.memory_space<hbm>>) dst(%dma_wait3A_469 : memref<128x16xf32, #tpu.memory_space<vmem>>)
    %dma_wait3A_476 = arith.constant 1 : i32
    %dma_wait3A_477 = arith.constant 128 : i32
    %dma_wait3A_478 = arith.constant 0 : i32
    %dma_wait3A_479 = tpu.memref_slice %arg7[%dma_wait3A_477, %dma_wait3A_478] : memref<1024x16xf32, #tpu.memory_space<vmem>> -> memref<128x16xf32, #tpu.memory_space<vmem>>
    %dma_wait3A_480 = arith.constant 0 : i32
    %dma_wait3A_481 = tpu.memref_slice %arg6[%dma_wait3A_476, %dma_wait3A_480] : memref<8x128xi32, #tpu.memory_space<vmem>> -> memref<1x128xi32, #tpu.memory_space<vmem>>
    %dma_wait3A_482 = tpu.memref_squeeze %dma_wait3A_481 : memref<1x128xi32, #tpu.memory_space<vmem>> -> memref<128xi32, #tpu.memory_space<vmem>>
    %dma_wait3A_483 = arith.constant 0 : i32
    %dma_wait3A_484 = arith.constant 0 : i32
    %dma_wait3A_485 = tpu.memref_slice %arg3[%dma_wait3A_483, %dma_wait3A_484] : memref<2359296x16xf32, #tpu.memory_space<hbm>> -> memref<2359296x16xf32, #tpu.memory_space<hbm>>
    tpu.wait_indirect_dma semaphore(%arg10 : memref<!tpu.dma_semaphore, #tpu.memory_space<semaphore_mem>>) src(%dma_wait3A_485 : memref<2359296x16xf32, #tpu.memory_space<hbm>>) dst(%dma_wait3A_479 : memref<128x16xf32, #tpu.memory_space<vmem>>)
    %dma_wait3A_486 = arith.constant 2 : i32
    %dma_wait3A_487 = arith.constant 256 : i32
    %dma_wait3A_488 = arith.constant 0 : i32
    %dma_wait3A_489 = tpu.memref_slice %arg7[%dma_wait3A_487, %dma_wait3A_488] : memref<1024x16xf32, #tpu.memory_space<vmem>> -> memref<128x16xf32, #tpu.memory_space<vmem>>
    %dma_wait3A_490 = arith.constant 0 : i32
    %dma_wait3A_491 = tpu.memref_slice %arg6[%dma_wait3A_486, %dma_wait3A_490] : memref<8x128xi32, #tpu.memory_space<vmem>> -> memref<1x128xi32, #tpu.memory_space<vmem>>
    %dma_wait3A_492 = tpu.memref_squeeze %dma_wait3A_491 : memref<1x128xi32, #tpu.memory_space<vmem>> -> memref<128xi32, #tpu.memory_space<vmem>>
    %dma_wait3A_493 = arith.constant 0 : i32
    %dma_wait3A_494 = arith.constant 0 : i32
    %dma_wait3A_495 = tpu.memref_slice %arg3[%dma_wait3A_493, %dma_wait3A_494] : memref<2359296x16xf32, #tpu.memory_space<hbm>> -> memref<2359296x16xf32, #tpu.memory_space<hbm>>
    tpu.wait_indirect_dma semaphore(%arg10 : memref<!tpu.dma_semaphore, #tpu.memory_space<semaphore_mem>>) src(%dma_wait3A_495 : memref<2359296x16xf32, #tpu.memory_space<hbm>>) dst(%dma_wait3A_489 : memref<128x16xf32, #tpu.memory_space<vmem>>)
    %dma_wait3A_496 = arith.constant 3 : i32
    %dma_wait3A_497 = arith.constant 384 : i32
    %dma_wait3A_498 = arith.constant 0 : i32
    %dma_wait3A_499 = tpu.memref_slice %arg7[%dma_wait3A_497, %dma_wait3A_498] : memref<1024x16xf32, #tpu.memory_space<vmem>> -> memref<128x16xf32, #tpu.memory_space<vmem>>
    %dma_wait3A_500 = arith.constant 0 : i32
    %dma_wait3A_501 = tpu.memref_slice %arg6[%dma_wait3A_496, %dma_wait3A_500] : memref<8x128xi32, #tpu.memory_space<vmem>> -> memref<1x128xi32, #tpu.memory_space<vmem>>
    %dma_wait3A_502 = tpu.memref_squeeze %dma_wait3A_501 : memref<1x128xi32, #tpu.memory_space<vmem>> -> memref<128xi32, #tpu.memory_space<vmem>>
    %dma_wait3A_503 = arith.constant 0 : i32
    %dma_wait3A_504 = arith.constant 0 : i32
    %dma_wait3A_505 = tpu.memref_slice %arg3[%dma_wait3A_503, %dma_wait3A_504] : memref<2359296x16xf32, #tpu.memory_space<hbm>> -> memref<2359296x16xf32, #tpu.memory_space<hbm>>
    tpu.wait_indirect_dma semaphore(%arg10 : memref<!tpu.dma_semaphore, #tpu.memory_space<semaphore_mem>>) src(%dma_wait3A_505 : memref<2359296x16xf32, #tpu.memory_space<hbm>>) dst(%dma_wait3A_499 : memref<128x16xf32, #tpu.memory_space<vmem>>)
    %dma_wait3A_506 = arith.constant 4 : i32
    %dma_wait3A_507 = arith.constant 512 : i32
    %dma_wait3A_508 = arith.constant 0 : i32
    %dma_wait3A_509 = tpu.memref_slice %arg7[%dma_wait3A_507, %dma_wait3A_508] : memref<1024x16xf32, #tpu.memory_space<vmem>> -> memref<128x16xf32, #tpu.memory_space<vmem>>
    %dma_wait3A_510 = arith.constant 0 : i32
    %dma_wait3A_511 = tpu.memref_slice %arg6[%dma_wait3A_506, %dma_wait3A_510] : memref<8x128xi32, #tpu.memory_space<vmem>> -> memref<1x128xi32, #tpu.memory_space<vmem>>
    %dma_wait3A_512 = tpu.memref_squeeze %dma_wait3A_511 : memref<1x128xi32, #tpu.memory_space<vmem>> -> memref<128xi32, #tpu.memory_space<vmem>>
    %dma_wait3A_513 = arith.constant 0 : i32
    %dma_wait3A_514 = arith.constant 0 : i32
    %dma_wait3A_515 = tpu.memref_slice %arg3[%dma_wait3A_513, %dma_wait3A_514] : memref<2359296x16xf32, #tpu.memory_space<hbm>> -> memref<2359296x16xf32, #tpu.memory_space<hbm>>
    tpu.wait_indirect_dma semaphore(%arg10 : memref<!tpu.dma_semaphore, #tpu.memory_space<semaphore_mem>>) src(%dma_wait3A_515 : memref<2359296x16xf32, #tpu.memory_space<hbm>>) dst(%dma_wait3A_509 : memref<128x16xf32, #tpu.memory_space<vmem>>)
    %dma_wait3A_516 = arith.constant 5 : i32
    %dma_wait3A_517 = arith.constant 640 : i32
    %dma_wait3A_518 = arith.constant 0 : i32
    %dma_wait3A_519 = tpu.memref_slice %arg7[%dma_wait3A_517, %dma_wait3A_518] : memref<1024x16xf32, #tpu.memory_space<vmem>> -> memref<128x16xf32, #tpu.memory_space<vmem>>
    %dma_wait3A_520 = arith.constant 0 : i32
    %dma_wait3A_521 = tpu.memref_slice %arg6[%dma_wait3A_516, %dma_wait3A_520] : memref<8x128xi32, #tpu.memory_space<vmem>> -> memref<1x128xi32, #tpu.memory_space<vmem>>
    %dma_wait3A_522 = tpu.memref_squeeze %dma_wait3A_521 : memref<1x128xi32, #tpu.memory_space<vmem>> -> memref<128xi32, #tpu.memory_space<vmem>>
    %dma_wait3A_523 = arith.constant 0 : i32
    %dma_wait3A_524 = arith.constant 0 : i32
    %dma_wait3A_525 = tpu.memref_slice %arg3[%dma_wait3A_523, %dma_wait3A_524] : memref<2359296x16xf32, #tpu.memory_space<hbm>> -> memref<2359296x16xf32, #tpu.memory_space<hbm>>
    tpu.wait_indirect_dma semaphore(%arg10 : memref<!tpu.dma_semaphore, #tpu.memory_space<semaphore_mem>>) src(%dma_wait3A_525 : memref<2359296x16xf32, #tpu.memory_space<hbm>>) dst(%dma_wait3A_519 : memref<128x16xf32, #tpu.memory_space<vmem>>)
    %dma_wait3A_526 = arith.constant 6 : i32
    %dma_wait3A_527 = arith.constant 768 : i32
    %dma_wait3A_528 = arith.constant 0 : i32
    %dma_wait3A_529 = tpu.memref_slice %arg7[%dma_wait3A_527, %dma_wait3A_528] : memref<1024x16xf32, #tpu.memory_space<vmem>> -> memref<128x16xf32, #tpu.memory_space<vmem>>
    %dma_wait3A_530 = arith.constant 0 : i32
    %dma_wait3A_531 = tpu.memref_slice %arg6[%dma_wait3A_526, %dma_wait3A_530] : memref<8x128xi32, #tpu.memory_space<vmem>> -> memref<1x128xi32, #tpu.memory_space<vmem>>
    %dma_wait3A_532 = tpu.memref_squeeze %dma_wait3A_531 : memref<1x128xi32, #tpu.memory_space<vmem>> -> memref<128xi32, #tpu.memory_space<vmem>>
    %dma_wait3A_533 = arith.constant 0 : i32
    %dma_wait3A_534 = arith.constant 0 : i32
    %dma_wait3A_535 = tpu.memref_slice %arg3[%dma_wait3A_533, %dma_wait3A_534] : memref<2359296x16xf32, #tpu.memory_space<hbm>> -> memref<2359296x16xf32, #tpu.memory_space<hbm>>
    tpu.wait_indirect_dma semaphore(%arg10 : memref<!tpu.dma_semaphore, #tpu.memory_space<semaphore_mem>>) src(%dma_wait3A_535 : memref<2359296x16xf32, #tpu.memory_space<hbm>>) dst(%dma_wait3A_529 : memref<128x16xf32, #tpu.memory_space<vmem>>)
    %dma_wait3A_536 = arith.constant 7 : i32
    %dma_wait3A_537 = arith.constant 896 : i32
    %dma_wait3A_538 = arith.constant 0 : i32
    %dma_wait3A_539 = tpu.memref_slice %arg7[%dma_wait3A_537, %dma_wait3A_538] : memref<1024x16xf32, #tpu.memory_space<vmem>> -> memref<128x16xf32, #tpu.memory_space<vmem>>
    %dma_wait3A_540 = arith.constant 0 : i32
    %dma_wait3A_541 = tpu.memref_slice %arg6[%dma_wait3A_536, %dma_wait3A_540] : memref<8x128xi32, #tpu.memory_space<vmem>> -> memref<1x128xi32, #tpu.memory_space<vmem>>
    %dma_wait3A_542 = tpu.memref_squeeze %dma_wait3A_541 : memref<1x128xi32, #tpu.memory_space<vmem>> -> memref<128xi32, #tpu.memory_space<vmem>>
    %dma_wait3A_543 = arith.constant 0 : i32
    %dma_wait3A_544 = arith.constant 0 : i32
    %dma_wait3A_545 = tpu.memref_slice %arg3[%dma_wait3A_543, %dma_wait3A_544] : memref<2359296x16xf32, #tpu.memory_space<hbm>> -> memref<2359296x16xf32, #tpu.memory_space<hbm>>
    tpu.wait_indirect_dma semaphore(%arg10 : memref<!tpu.dma_semaphore, #tpu.memory_space<semaphore_mem>>) src(%dma_wait3A_545 : memref<2359296x16xf32, #tpu.memory_space<hbm>>) dst(%dma_wait3A_539 : memref<128x16xf32, #tpu.memory_space<vmem>>)
    %scan3A_546 = arith.constant 0 : i32
    %scan3A_547 = arith.constant 0 : i32
    %scan3A_548 = arith.constant 64 : i32
    %scan3A_549 = arith.addi %scan3A_547, %scan3A_548 : i32
    %scan3A_550 = arith.constant 1 : i32
    %scan3A_551 = scf.for %scan3A_2410 = %scan3A_547 to %scan3A_549 step %scan3A_550 iter_args(%scan3A_2411 = %scan3A_546) -> (i32)  : i32 {
      %mul3A_2412 = arith.constant 16 : i32
      %mul3A_2413 = arith.muli %scan3A_2410, %mul3A_2412 : i32
      %add3A_2414 = vector.broadcast %mul3A_2413 : i32 to vector<16xi32>
      %add3A_2415 = arith.addi %add3A_2414, %iota3A : vector<16xi32>
      %gather3A_2416 = tpu.vector_load_idx %arg7[%add3A_2415, %and3A_378] : memref<1024x16xf32, #tpu.memory_space<vmem>>[vector<16xi32>, vector<16xi32>], vector<16xf32>,
      %swap3A = arith.index_cast %scan3A_2410 : i32 to index
      %swap3A_2417 = arith.constant 0 : index
      %swap3A_2418 = tpu.vector_load %arg8[%swap3A, %swap3A_2417] {strides = array<i32>} : memref<64x16xf32, #tpu.memory_space<vmem>>, vector<16xf32>,
      tpu.vector_store %arg8[%swap3A, %swap3A_2417], %gather3A_2416 {strides = array<i32>} : memref<64x16xf32, #tpu.memory_space<vmem>>, vector<16xf32>,
      %scan3A_2419 = arith.constant 0 : i32
      scf.yield %scan3A_2419 : i32
    }
    %scan3A_552 = arith.constant 64 : i32
    %scan3A_553 = arith.constant 0 : i32
    %scan3A_554 = arith.constant 0 : i32
    %scan3A_555 = arith.constant 64 : i32
    %scan3A_556 = arith.addi %scan3A_554, %scan3A_555 : i32
    %scan3A_557 = arith.constant 1 : i32
    %scan3A_558 = scf.for %scan3A_2410 = %scan3A_554 to %scan3A_556 step %scan3A_557 iter_args(%scan3A_2411 = %scan3A_553) -> (i32)  : i32 {
      %broadcast_in_dim3A = vector.broadcast %scan3A_2410 : i32 to vector<16xi32>
      %get3A = arith.index_cast %scan3A_2410 : i32 to index
      %get3A_2412 = arith.constant 0 : index
      %get3A_2413 = tpu.vector_load %arg8[%get3A, %get3A_2412] {strides = array<i32>} : memref<64x16xf32, #tpu.memory_space<vmem>>, vector<16xf32>,
      tpu.vector_store_idx %arg9[%iota3A, %broadcast_in_dim3A], %get3A_2413 : memref<16x128xf32, #tpu.memory_space<vmem>>[vector<16xi32>, vector<16xi32>], vector<16xf32>,
      %scan3A_2414 = arith.constant 0 : i32
      scf.yield %scan3A_2414 : i32
    }
    %scan3A_559 = arith.constant 64 : i32
    %add3A_560 = arith.constant 32 : i32
    %add3A_561 = arith.addi %add3A_560, %add3A : i32
    "tpu.region"() ({
      %run_scoped3A = tpu.sem_alloc : memref<!tpu.dma_semaphore, #tpu.memory_space<semaphore_mem>>
      %dma_start3A_2410 = arith.constant 0 : i32
      %dma_start3A_2411 = arith.constant 0 : i32
      %dma_start3A_2412 = tpu.memref_slice %arg4[%add3A_561, %dma_start3A_2410, %dma_start3A_2411] : memref<288x16x128xf32, #tpu.memory_space<hbm>> -> memref<1x16x128xf32, #tpu.memory_space<hbm>>
      %dma_start3A_2413 = tpu.memref_squeeze %dma_start3A_2412 : memref<1x16x128xf32, #tpu.memory_space<hbm>> -> memref<16x128xf32, #tpu.memory_space<hbm>>
      %dma_start3A_2414 = arith.constant 0 : i32
      %dma_start3A_2415 = arith.constant 0 : i32
      %dma_start3A_2416 = tpu.memref_slice %arg4[%add3A_561, %dma_start3A_2414, %dma_start3A_2415] : memref<288x16x128xf32, #tpu.memory_space<hbm>> -> memref<1x16x128xf32, #tpu.memory_space<hbm>>
      %dma_start3A_2417 = tpu.memref_squeeze %dma_start3A_2416 : memref<1x16x128xf32, #tpu.memory_space<hbm>> -> memref<16x128xf32, #tpu.memory_space<hbm>>
      tpu.enqueue_dma source(%arg9 : memref<16x128xf32, #tpu.memory_space<vmem>>) target(%dma_start3A_2417 : memref<16x128xf32, #tpu.memory_space<hbm>>) target_semaphore(%run_scoped3A : memref<!tpu.dma_semaphore, #tpu.memory_space<semaphore_mem>>)
      %dma_wait3A_2418 = arith.constant 0 : i32
      %dma_wait3A_2419 = arith.constant 0 : i32
      %dma_wait3A_2420 = tpu.memref_slice %arg4[%add3A_561, %dma_wait3A_2418, %dma_wait3A_2419] : memref<288x16x128xf32, #tpu.memory_space<hbm>> -> memref<1x16x128xf32, #tpu.memory_space<hbm>>
      %dma_wait3A_2421 = tpu.memref_squeeze %dma_wait3A_2420 : memref<1x16x128xf32, #tpu.memory_space<hbm>> -> memref<16x128xf32, #tpu.memory_space<hbm>>
      %dma_wait3A_2422 = arith.constant 0 : i32
      %dma_wait3A_2423 = arith.constant 0 : i32
      %dma_wait3A_2424 = tpu.memref_slice %arg4[%add3A_561, %dma_wait3A_2422, %dma_wait3A_2423] : memref<288x16x128xf32, #tpu.memory_space<hbm>> -> memref<1x16x128xf32, #tpu.memory_space<hbm>>
      %dma_wait3A_2425 = tpu.memref_squeeze %dma_wait3A_2424 : memref<1x16x128xf32, #tpu.memory_space<hbm>> -> memref<16x128xf32, #tpu.memory_space<hbm>>
      tpu.wait_dma2 semaphore(%run_scoped3A : memref<!tpu.dma_semaphore, #tpu.memory_space<semaphore_mem>>) src(%arg9 : memref<16x128xf32, #tpu.memory_space<vmem>>) dst(%dma_wait3A_2425 : memref<16x128xf32, #tpu.memory_space<hbm>>)
      tpu.yield
    }) : () -> ()
    %add3A_562 = arith.constant -9 : i32
    %add3A_563 = vector.broadcast %add3A_562 : i32 to vector<16xi32>
    %add3A_564 = arith.addi %convert_element_type3A, %add3A_563 : vector<16xi32>
    %mul3A_565 = arith.constant 384 : i32
    %mul3A_566 = vector.broadcast %mul3A_565 : i32 to vector<16xi32>
    %mul3A_567 = arith.muli %add3A_564, %mul3A_566 : vector<16xi32>
    %add3A_568 = arith.constant 9 : i32
    %add3A_569 = vector.broadcast %add3A_568 : i32 to vector<16xi32>
    %add3A_570 = arith.addi %convert_element_type3A_37, %add3A_569 : vector<16xi32>
    %add3A_571 = arith.addi %mul3A_567, %add3A_570 : vector<16xi32>
    %jit3A_572 = arith.constant 0 : i32
    %jit3A_573 = arith.constant 147455 : i32
    %max3A_574 = vector.broadcast %jit3A_572 : i32 to vector<16xi32>
    %max3A_575 = arith.maxsi %max3A_574, %add3A_571 : vector<16xi32>
    %min3A_576 = vector.broadcast %jit3A_573 : i32 to vector<16xi32>
    %min3A_577 = arith.minsi %min3A_576, %max3A_575 : vector<16xi32>
    %jit3A_578 = arith.constant 384 : i32
    %div3A_579 = vector.broadcast %jit3A_578 : i32 to vector<16xi32>
    %div3A_580 = arith.divsi %min3A_577, %div3A_579 : vector<16xi32>
    %sign3A_581 = arith.constant 0 : i32
    %sign3A_582 = vector.broadcast %sign3A_581 : i32 to vector<16xi32>
    %sign3A_583 = arith.cmpi sgt, %min3A_577, %sign3A_582 : vector<16xi32>
    %sign3A_584 = arith.extui %sign3A_583 : vector<16xi1> to vector<16xi32>
    %sign3A_585 = arith.constant 0 : i32
    %sign3A_586 = vector.broadcast %sign3A_585 : i32 to vector<16xi32>
    %sign3A_587 = arith.cmpi slt, %min3A_577, %sign3A_586 : vector<16xi32>
    %sign3A_588 = arith.extui %sign3A_587 : vector<16xi1> to vector<16xi32>
    %sign3A_589 = arith.subi %sign3A_584, %sign3A_588 : vector<16xi32>
    %sign3A_590 = arith.constant 0 : i32
    %sign3A_591 = arith.cmpi sgt, %jit3A_578, %sign3A_590 : i32
    %sign3A_592 = arith.extui %sign3A_591 : i1 to i32
    %sign3A_593 = arith.constant 0 : i32
    %sign3A_594 = arith.cmpi slt, %jit3A_578, %sign3A_593 : i32
    %sign3A_595 = arith.extui %sign3A_594 : i1 to i32
    %sign3A_596 = arith.subi %sign3A_592, %sign3A_595 : i32
    %ne3A_597 = vector.broadcast %sign3A_596 : i32 to vector<16xi32>
    %ne3A_598 = arith.cmpi ne, %sign3A_589, %ne3A_597 : vector<16xi32>
    %rem3A_599 = vector.broadcast %jit3A_578 : i32 to vector<16xi32>
    %rem3A_600 = arith.remsi %min3A_577, %rem3A_599 : vector<16xi32>
    %ne3A_601 = arith.constant 0 : i32
    %ne3A_602 = vector.broadcast %ne3A_601 : i32 to vector<16xi32>
    %ne3A_603 = arith.cmpi ne, %rem3A_600, %ne3A_602 : vector<16xi32>
    %and3A_604 = arith.andi %ne3A_598, %ne3A_603 : vector<16xi1>
    %sub3A_605 = arith.constant 1 : i32
    %sub3A_606 = vector.broadcast %sub3A_605 : i32 to vector<16xi32>
    %sub3A_607 = arith.subi %div3A_580, %sub3A_606 : vector<16xi32>
    %select_n3A_608 = arith.select %and3A_604, %sub3A_607, %div3A_580 : vector<16xi1>, vector<16xi32>
    %mul3A_609 = arith.constant 384 : i32
    %mul3A_610 = vector.broadcast %mul3A_609 : i32 to vector<16xi32>
    %mul3A_611 = arith.muli %select_n3A_608, %mul3A_610 : vector<16xi32>
    %sub3A_612 = arith.subi %min3A_577, %mul3A_611 : vector<16xi32>
    %shift_right_logical3A_613 = arith.constant 3 : i32
    %shift_right_logical3A_614 = vector.broadcast %shift_right_logical3A_613 : i32 to vector<16xi32>
    %shift_right_logical3A_615 = arith.shrui %select_n3A_608, %shift_right_logical3A_614 : vector<16xi32>
    %mul3A_616 = arith.constant 3 : i32
    %mul3A_617 = vector.broadcast %mul3A_616 : i32 to vector<16xi32>
    %mul3A_618 = arith.muli %shift_right_logical3A_615, %mul3A_617 : vector<16xi32>
    %shift_right_logical3A_619 = arith.constant 7 : i32
    %shift_right_logical3A_620 = vector.broadcast %shift_right_logical3A_619 : i32 to vector<16xi32>
    %shift_right_logical3A_621 = arith.shrui %sub3A_612, %shift_right_logical3A_620 : vector<16xi32>
    %add3A_622 = arith.addi %mul3A_618, %shift_right_logical3A_621 : vector<16xi32>
    %mul3A_623 = arith.constant 64 : i32
    %mul3A_624 = vector.broadcast %mul3A_623 : i32 to vector<16xi32>
    %mul3A_625 = arith.muli %add3A_622, %mul3A_624 : vector<16xi32>
    %and3A_626 = arith.constant 7 : i32
    %and3A_627 = vector.broadcast %and3A_626 : i32 to vector<16xi32>
    %and3A_628 = arith.andi %select_n3A_608, %and3A_627 : vector<16xi32>
    %mul3A_629 = arith.constant 8 : i32
    %mul3A_630 = vector.broadcast %mul3A_629 : i32 to vector<16xi32>
    %mul3A_631 = arith.muli %and3A_628, %mul3A_630 : vector<16xi32>
    %add3A_632 = arith.addi %mul3A_625, %mul3A_631 : vector<16xi32>
    %and3A_633 = arith.constant 127 : i32
    %and3A_634 = vector.broadcast %and3A_633 : i32 to vector<16xi32>
    %and3A_635 = arith.andi %sub3A_612, %and3A_634 : vector<16xi32>
    %shift_right_logical3A_636 = arith.constant 4 : i32
    %shift_right_logical3A_637 = vector.broadcast %shift_right_logical3A_636 : i32 to vector<16xi32>
    %shift_right_logical3A_638 = arith.shrui %and3A_635, %shift_right_logical3A_637 : vector<16xi32>
    %add3A_639 = arith.addi %add3A_632, %shift_right_logical3A_638 : vector<16xi32>
    %and3A_640 = arith.constant 15 : i32
    %and3A_641 = vector.broadcast %and3A_640 : i32 to vector<16xi32>
    %and3A_642 = arith.andi %sub3A_612, %and3A_641 : vector<16xi32>
    %scan3A_643 = arith.constant 0 : i32
    %scan3A_644 = arith.constant 0 : i32
    %scan3A_645 = arith.constant 64 : i32
    %scan3A_646 = arith.addi %scan3A_644, %scan3A_645 : i32
    %scan3A_647 = arith.constant 1 : i32
    %scan3A_648 = scf.for %scan3A_2410 = %scan3A_644 to %scan3A_646 step %scan3A_647 iter_args(%scan3A_2411 = %scan3A_643) -> (i32)  : i32 {
      %mul3A_2412 = arith.constant 9216 : i32
      %mul3A_2413 = arith.muli %scan3A_2410, %mul3A_2412 : i32
      %add3A_2414 = arith.addi %mul3A_39, %mul3A_2413 : i32
      %broadcast_in_dim3A = vector.broadcast %add3A_2414 : i32 to vector<16xi32>
      %add3A_2415 = arith.addi %broadcast_in_dim3A, %add3A_639 : vector<16xi32>
      %shift_right_logical3A_2416 = arith.constant 3 : i32
      %shift_right_logical3A_2417 = arith.shrui %scan3A_2410, %shift_right_logical3A_2416 : i32
      %and3A_2418 = arith.constant 7 : i32
      %and3A_2419 = arith.andi %scan3A_2410, %and3A_2418 : i32
      %mul3A_2420 = arith.constant 16 : i32
      %mul3A_2421 = arith.muli %and3A_2419, %mul3A_2420 : i32
      %swap3A = arith.index_cast %shift_right_logical3A_2417 : i32 to index
      %swap3A_2422 = arith.index_cast %mul3A_2421 : i32 to index
      %swap3A_2423 = tpu.vector_load %arg6[%swap3A, %swap3A_2422] {strides = array<i32>} : memref<8x128xi32, #tpu.memory_space<vmem>>, vector<16xi32>,
      tpu.vector_store %arg6[%swap3A, %swap3A_2422], %add3A_2415 {strides = array<i32>} : memref<8x128xi32, #tpu.memory_space<vmem>>, vector<16xi32>,
      %scan3A_2424 = arith.constant 0 : i32
      scf.yield %scan3A_2424 : i32
    }
    %scan3A_649 = arith.constant 64 : i32
    %dma_start3A_650 = arith.constant 0 : i32
    %dma_start3A_651 = arith.constant 0 : i32
    %dma_start3A_652 = arith.constant 0 : i32
    %dma_start3A_653 = tpu.memref_slice %arg7[%dma_start3A_651, %dma_start3A_652] : memref<1024x16xf32, #tpu.memory_space<vmem>> -> memref<128x16xf32, #tpu.memory_space<vmem>>
    %dma_start3A_654 = arith.constant 0 : i32
    %dma_start3A_655 = tpu.memref_slice %arg6[%dma_start3A_650, %dma_start3A_654] : memref<8x128xi32, #tpu.memory_space<vmem>> -> memref<1x128xi32, #tpu.memory_space<vmem>>
    %dma_start3A_656 = tpu.memref_squeeze %dma_start3A_655 : memref<1x128xi32, #tpu.memory_space<vmem>> -> memref<128xi32, #tpu.memory_space<vmem>>
    %dma_start3A_657 = arith.constant 0 : i32
    %dma_start3A_658 = arith.constant 0 : i32
    %dma_start3A_659 = tpu.memref_slice %arg3[%dma_start3A_657, %dma_start3A_658] : memref<2359296x16xf32, #tpu.memory_space<hbm>> -> memref<2359296x16xf32, #tpu.memory_space<hbm>>
    tpu.enqueue_indirect_dma source(%dma_start3A_659 : memref<2359296x16xf32, #tpu.memory_space<hbm>>) target(%dma_start3A_653 : memref<128x16xf32, #tpu.memory_space<vmem>>) offsets(%dma_start3A_656 : memref<128xi32, #tpu.memory_space<vmem>>) semaphore(%arg10 : memref<!tpu.dma_semaphore, #tpu.memory_space<semaphore_mem>>)
    %dma_start3A_660 = arith.constant 1 : i32
    %dma_start3A_661 = arith.constant 128 : i32
    %dma_start3A_662 = arith.constant 0 : i32
    %dma_start3A_663 = tpu.memref_slice %arg7[%dma_start3A_661, %dma_start3A_662] : memref<1024x16xf32, #tpu.memory_space<vmem>> -> memref<128x16xf32, #tpu.memory_space<vmem>>
    %dma_start3A_664 = arith.constant 0 : i32
    %dma_start3A_665 = tpu.memref_slice %arg6[%dma_start3A_660, %dma_start3A_664] : memref<8x128xi32, #tpu.memory_space<vmem>> -> memref<1x128xi32, #tpu.memory_space<vmem>>
    %dma_start3A_666 = tpu.memref_squeeze %dma_start3A_665 : memref<1x128xi32, #tpu.memory_space<vmem>> -> memref<128xi32, #tpu.memory_space<vmem>>
    %dma_start3A_667 = arith.constant 0 : i32
    %dma_start3A_668 = arith.constant 0 : i32
    %dma_start3A_669 = tpu.memref_slice %arg3[%dma_start3A_667, %dma_start3A_668] : memref<2359296x16xf32, #tpu.memory_space<hbm>> -> memref<2359296x16xf32, #tpu.memory_space<hbm>>
    tpu.enqueue_indirect_dma source(%dma_start3A_669 : memref<2359296x16xf32, #tpu.memory_space<hbm>>) target(%dma_start3A_663 : memref<128x16xf32, #tpu.memory_space<vmem>>) offsets(%dma_start3A_666 : memref<128xi32, #tpu.memory_space<vmem>>) semaphore(%arg10 : memref<!tpu.dma_semaphore, #tpu.memory_space<semaphore_mem>>)
    %dma_start3A_670 = arith.constant 2 : i32
    %dma_start3A_671 = arith.constant 256 : i32
    %dma_start3A_672 = arith.constant 0 : i32
    %dma_start3A_673 = tpu.memref_slice %arg7[%dma_start3A_671, %dma_start3A_672] : memref<1024x16xf32, #tpu.memory_space<vmem>> -> memref<128x16xf32, #tpu.memory_space<vmem>>
    %dma_start3A_674 = arith.constant 0 : i32
    %dma_start3A_675 = tpu.memref_slice %arg6[%dma_start3A_670, %dma_start3A_674] : memref<8x128xi32, #tpu.memory_space<vmem>> -> memref<1x128xi32, #tpu.memory_space<vmem>>
    %dma_start3A_676 = tpu.memref_squeeze %dma_start3A_675 : memref<1x128xi32, #tpu.memory_space<vmem>> -> memref<128xi32, #tpu.memory_space<vmem>>
    %dma_start3A_677 = arith.constant 0 : i32
    %dma_start3A_678 = arith.constant 0 : i32
    %dma_start3A_679 = tpu.memref_slice %arg3[%dma_start3A_677, %dma_start3A_678] : memref<2359296x16xf32, #tpu.memory_space<hbm>> -> memref<2359296x16xf32, #tpu.memory_space<hbm>>
    tpu.enqueue_indirect_dma source(%dma_start3A_679 : memref<2359296x16xf32, #tpu.memory_space<hbm>>) target(%dma_start3A_673 : memref<128x16xf32, #tpu.memory_space<vmem>>) offsets(%dma_start3A_676 : memref<128xi32, #tpu.memory_space<vmem>>) semaphore(%arg10 : memref<!tpu.dma_semaphore, #tpu.memory_space<semaphore_mem>>)
    %dma_start3A_680 = arith.constant 3 : i32
    %dma_start3A_681 = arith.constant 384 : i32
    %dma_start3A_682 = arith.constant 0 : i32
    %dma_start3A_683 = tpu.memref_slice %arg7[%dma_start3A_681, %dma_start3A_682] : memref<1024x16xf32, #tpu.memory_space<vmem>> -> memref<128x16xf32, #tpu.memory_space<vmem>>
    %dma_start3A_684 = arith.constant 0 : i32
    %dma_start3A_685 = tpu.memref_slice %arg6[%dma_start3A_680, %dma_start3A_684] : memref<8x128xi32, #tpu.memory_space<vmem>> -> memref<1x128xi32, #tpu.memory_space<vmem>>
    %dma_start3A_686 = tpu.memref_squeeze %dma_start3A_685 : memref<1x128xi32, #tpu.memory_space<vmem>> -> memref<128xi32, #tpu.memory_space<vmem>>
    %dma_start3A_687 = arith.constant 0 : i32
    %dma_start3A_688 = arith.constant 0 : i32
    %dma_start3A_689 = tpu.memref_slice %arg3[%dma_start3A_687, %dma_start3A_688] : memref<2359296x16xf32, #tpu.memory_space<hbm>> -> memref<2359296x16xf32, #tpu.memory_space<hbm>>
    tpu.enqueue_indirect_dma source(%dma_start3A_689 : memref<2359296x16xf32, #tpu.memory_space<hbm>>) target(%dma_start3A_683 : memref<128x16xf32, #tpu.memory_space<vmem>>) offsets(%dma_start3A_686 : memref<128xi32, #tpu.memory_space<vmem>>) semaphore(%arg10 : memref<!tpu.dma_semaphore, #tpu.memory_space<semaphore_mem>>)
    %dma_start3A_690 = arith.constant 4 : i32
    %dma_start3A_691 = arith.constant 512 : i32
    %dma_start3A_692 = arith.constant 0 : i32
    %dma_start3A_693 = tpu.memref_slice %arg7[%dma_start3A_691, %dma_start3A_692] : memref<1024x16xf32, #tpu.memory_space<vmem>> -> memref<128x16xf32, #tpu.memory_space<vmem>>
    %dma_start3A_694 = arith.constant 0 : i32
    %dma_start3A_695 = tpu.memref_slice %arg6[%dma_start3A_690, %dma_start3A_694] : memref<8x128xi32, #tpu.memory_space<vmem>> -> memref<1x128xi32, #tpu.memory_space<vmem>>
    %dma_start3A_696 = tpu.memref_squeeze %dma_start3A_695 : memref<1x128xi32, #tpu.memory_space<vmem>> -> memref<128xi32, #tpu.memory_space<vmem>>
    %dma_start3A_697 = arith.constant 0 : i32
    %dma_start3A_698 = arith.constant 0 : i32
    %dma_start3A_699 = tpu.memref_slice %arg3[%dma_start3A_697, %dma_start3A_698] : memref<2359296x16xf32, #tpu.memory_space<hbm>> -> memref<2359296x16xf32, #tpu.memory_space<hbm>>
    tpu.enqueue_indirect_dma source(%dma_start3A_699 : memref<2359296x16xf32, #tpu.memory_space<hbm>>) target(%dma_start3A_693 : memref<128x16xf32, #tpu.memory_space<vmem>>) offsets(%dma_start3A_696 : memref<128xi32, #tpu.memory_space<vmem>>) semaphore(%arg10 : memref<!tpu.dma_semaphore, #tpu.memory_space<semaphore_mem>>)
    %dma_start3A_700 = arith.constant 5 : i32
    %dma_start3A_701 = arith.constant 640 : i32
    %dma_start3A_702 = arith.constant 0 : i32
    %dma_start3A_703 = tpu.memref_slice %arg7[%dma_start3A_701, %dma_start3A_702] : memref<1024x16xf32, #tpu.memory_space<vmem>> -> memref<128x16xf32, #tpu.memory_space<vmem>>
    %dma_start3A_704 = arith.constant 0 : i32
    %dma_start3A_705 = tpu.memref_slice %arg6[%dma_start3A_700, %dma_start3A_704] : memref<8x128xi32, #tpu.memory_space<vmem>> -> memref<1x128xi32, #tpu.memory_space<vmem>>
    %dma_start3A_706 = tpu.memref_squeeze %dma_start3A_705 : memref<1x128xi32, #tpu.memory_space<vmem>> -> memref<128xi32, #tpu.memory_space<vmem>>
    %dma_start3A_707 = arith.constant 0 : i32
    %dma_start3A_708 = arith.constant 0 : i32
    %dma_start3A_709 = tpu.memref_slice %arg3[%dma_start3A_707, %dma_start3A_708] : memref<2359296x16xf32, #tpu.memory_space<hbm>> -> memref<2359296x16xf32, #tpu.memory_space<hbm>>
    tpu.enqueue_indirect_dma source(%dma_start3A_709 : memref<2359296x16xf32, #tpu.memory_space<hbm>>) target(%dma_start3A_703 : memref<128x16xf32, #tpu.memory_space<vmem>>) offsets(%dma_start3A_706 : memref<128xi32, #tpu.memory_space<vmem>>) semaphore(%arg10 : memref<!tpu.dma_semaphore, #tpu.memory_space<semaphore_mem>>)
    %dma_start3A_710 = arith.constant 6 : i32
    %dma_start3A_711 = arith.constant 768 : i32
    %dma_start3A_712 = arith.constant 0 : i32
    %dma_start3A_713 = tpu.memref_slice %arg7[%dma_start3A_711, %dma_start3A_712] : memref<1024x16xf32, #tpu.memory_space<vmem>> -> memref<128x16xf32, #tpu.memory_space<vmem>>
    %dma_start3A_714 = arith.constant 0 : i32
    %dma_start3A_715 = tpu.memref_slice %arg6[%dma_start3A_710, %dma_start3A_714] : memref<8x128xi32, #tpu.memory_space<vmem>> -> memref<1x128xi32, #tpu.memory_space<vmem>>
    %dma_start3A_716 = tpu.memref_squeeze %dma_start3A_715 : memref<1x128xi32, #tpu.memory_space<vmem>> -> memref<128xi32, #tpu.memory_space<vmem>>
    %dma_start3A_717 = arith.constant 0 : i32
    %dma_start3A_718 = arith.constant 0 : i32
    %dma_start3A_719 = tpu.memref_slice %arg3[%dma_start3A_717, %dma_start3A_718] : memref<2359296x16xf32, #tpu.memory_space<hbm>> -> memref<2359296x16xf32, #tpu.memory_space<hbm>>
    tpu.enqueue_indirect_dma source(%dma_start3A_719 : memref<2359296x16xf32, #tpu.memory_space<hbm>>) target(%dma_start3A_713 : memref<128x16xf32, #tpu.memory_space<vmem>>) offsets(%dma_start3A_716 : memref<128xi32, #tpu.memory_space<vmem>>) semaphore(%arg10 : memref<!tpu.dma_semaphore, #tpu.memory_space<semaphore_mem>>)
    %dma_start3A_720 = arith.constant 7 : i32
    %dma_start3A_721 = arith.constant 896 : i32
    %dma_start3A_722 = arith.constant 0 : i32
    %dma_start3A_723 = tpu.memref_slice %arg7[%dma_start3A_721, %dma_start3A_722] : memref<1024x16xf32, #tpu.memory_space<vmem>> -> memref<128x16xf32, #tpu.memory_space<vmem>>
    %dma_start3A_724 = arith.constant 0 : i32
    %dma_start3A_725 = tpu.memref_slice %arg6[%dma_start3A_720, %dma_start3A_724] : memref<8x128xi32, #tpu.memory_space<vmem>> -> memref<1x128xi32, #tpu.memory_space<vmem>>
    %dma_start3A_726 = tpu.memref_squeeze %dma_start3A_725 : memref<1x128xi32, #tpu.memory_space<vmem>> -> memref<128xi32, #tpu.memory_space<vmem>>
    %dma_start3A_727 = arith.constant 0 : i32
    %dma_start3A_728 = arith.constant 0 : i32
    %dma_start3A_729 = tpu.memref_slice %arg3[%dma_start3A_727, %dma_start3A_728] : memref<2359296x16xf32, #tpu.memory_space<hbm>> -> memref<2359296x16xf32, #tpu.memory_space<hbm>>
    tpu.enqueue_indirect_dma source(%dma_start3A_729 : memref<2359296x16xf32, #tpu.memory_space<hbm>>) target(%dma_start3A_723 : memref<128x16xf32, #tpu.memory_space<vmem>>) offsets(%dma_start3A_726 : memref<128xi32, #tpu.memory_space<vmem>>) semaphore(%arg10 : memref<!tpu.dma_semaphore, #tpu.memory_space<semaphore_mem>>)
    %dma_wait3A_730 = arith.constant 0 : i32
    %dma_wait3A_731 = arith.constant 0 : i32
    %dma_wait3A_732 = arith.constant 0 : i32
    %dma_wait3A_733 = tpu.memref_slice %arg7[%dma_wait3A_731, %dma_wait3A_732] : memref<1024x16xf32, #tpu.memory_space<vmem>> -> memref<128x16xf32, #tpu.memory_space<vmem>>
    %dma_wait3A_734 = arith.constant 0 : i32
    %dma_wait3A_735 = tpu.memref_slice %arg6[%dma_wait3A_730, %dma_wait3A_734] : memref<8x128xi32, #tpu.memory_space<vmem>> -> memref<1x128xi32, #tpu.memory_space<vmem>>
    %dma_wait3A_736 = tpu.memref_squeeze %dma_wait3A_735 : memref<1x128xi32, #tpu.memory_space<vmem>> -> memref<128xi32, #tpu.memory_space<vmem>>
    %dma_wait3A_737 = arith.constant 0 : i32
    %dma_wait3A_738 = arith.constant 0 : i32
    %dma_wait3A_739 = tpu.memref_slice %arg3[%dma_wait3A_737, %dma_wait3A_738] : memref<2359296x16xf32, #tpu.memory_space<hbm>> -> memref<2359296x16xf32, #tpu.memory_space<hbm>>
    tpu.wait_indirect_dma semaphore(%arg10 : memref<!tpu.dma_semaphore, #tpu.memory_space<semaphore_mem>>) src(%dma_wait3A_739 : memref<2359296x16xf32, #tpu.memory_space<hbm>>) dst(%dma_wait3A_733 : memref<128x16xf32, #tpu.memory_space<vmem>>)
    %dma_wait3A_740 = arith.constant 1 : i32
    %dma_wait3A_741 = arith.constant 128 : i32
    %dma_wait3A_742 = arith.constant 0 : i32
    %dma_wait3A_743 = tpu.memref_slice %arg7[%dma_wait3A_741, %dma_wait3A_742] : memref<1024x16xf32, #tpu.memory_space<vmem>> -> memref<128x16xf32, #tpu.memory_space<vmem>>
    %dma_wait3A_744 = arith.constant 0 : i32
    %dma_wait3A_745 = tpu.memref_slice %arg6[%dma_wait3A_740, %dma_wait3A_744] : memref<8x128xi32, #tpu.memory_space<vmem>> -> memref<1x128xi32, #tpu.memory_space<vmem>>
    %dma_wait3A_746 = tpu.memref_squeeze %dma_wait3A_745 : memref<1x128xi32, #tpu.memory_space<vmem>> -> memref<128xi32, #tpu.memory_space<vmem>>
    %dma_wait3A_747 = arith.constant 0 : i32
    %dma_wait3A_748 = arith.constant 0 : i32
    %dma_wait3A_749 = tpu.memref_slice %arg3[%dma_wait3A_747, %dma_wait3A_748] : memref<2359296x16xf32, #tpu.memory_space<hbm>> -> memref<2359296x16xf32, #tpu.memory_space<hbm>>
    tpu.wait_indirect_dma semaphore(%arg10 : memref<!tpu.dma_semaphore, #tpu.memory_space<semaphore_mem>>) src(%dma_wait3A_749 : memref<2359296x16xf32, #tpu.memory_space<hbm>>) dst(%dma_wait3A_743 : memref<128x16xf32, #tpu.memory_space<vmem>>)
    %dma_wait3A_750 = arith.constant 2 : i32
    %dma_wait3A_751 = arith.constant 256 : i32
    %dma_wait3A_752 = arith.constant 0 : i32
    %dma_wait3A_753 = tpu.memref_slice %arg7[%dma_wait3A_751, %dma_wait3A_752] : memref<1024x16xf32, #tpu.memory_space<vmem>> -> memref<128x16xf32, #tpu.memory_space<vmem>>
    %dma_wait3A_754 = arith.constant 0 : i32
    %dma_wait3A_755 = tpu.memref_slice %arg6[%dma_wait3A_750, %dma_wait3A_754] : memref<8x128xi32, #tpu.memory_space<vmem>> -> memref<1x128xi32, #tpu.memory_space<vmem>>
    %dma_wait3A_756 = tpu.memref_squeeze %dma_wait3A_755 : memref<1x128xi32, #tpu.memory_space<vmem>> -> memref<128xi32, #tpu.memory_space<vmem>>
    %dma_wait3A_757 = arith.constant 0 : i32
    %dma_wait3A_758 = arith.constant 0 : i32
    %dma_wait3A_759 = tpu.memref_slice %arg3[%dma_wait3A_757, %dma_wait3A_758] : memref<2359296x16xf32, #tpu.memory_space<hbm>> -> memref<2359296x16xf32, #tpu.memory_space<hbm>>
    tpu.wait_indirect_dma semaphore(%arg10 : memref<!tpu.dma_semaphore, #tpu.memory_space<semaphore_mem>>) src(%dma_wait3A_759 : memref<2359296x16xf32, #tpu.memory_space<hbm>>) dst(%dma_wait3A_753 : memref<128x16xf32, #tpu.memory_space<vmem>>)
    %dma_wait3A_760 = arith.constant 3 : i32
    %dma_wait3A_761 = arith.constant 384 : i32
    %dma_wait3A_762 = arith.constant 0 : i32
    %dma_wait3A_763 = tpu.memref_slice %arg7[%dma_wait3A_761, %dma_wait3A_762] : memref<1024x16xf32, #tpu.memory_space<vmem>> -> memref<128x16xf32, #tpu.memory_space<vmem>>
    %dma_wait3A_764 = arith.constant 0 : i32
    %dma_wait3A_765 = tpu.memref_slice %arg6[%dma_wait3A_760, %dma_wait3A_764] : memref<8x128xi32, #tpu.memory_space<vmem>> -> memref<1x128xi32, #tpu.memory_space<vmem>>
    %dma_wait3A_766 = tpu.memref_squeeze %dma_wait3A_765 : memref<1x128xi32, #tpu.memory_space<vmem>> -> memref<128xi32, #tpu.memory_space<vmem>>
    %dma_wait3A_767 = arith.constant 0 : i32
    %dma_wait3A_768 = arith.constant 0 : i32
    %dma_wait3A_769 = tpu.memref_slice %arg3[%dma_wait3A_767, %dma_wait3A_768] : memref<2359296x16xf32, #tpu.memory_space<hbm>> -> memref<2359296x16xf32, #tpu.memory_space<hbm>>
    tpu.wait_indirect_dma semaphore(%arg10 : memref<!tpu.dma_semaphore, #tpu.memory_space<semaphore_mem>>) src(%dma_wait3A_769 : memref<2359296x16xf32, #tpu.memory_space<hbm>>) dst(%dma_wait3A_763 : memref<128x16xf32, #tpu.memory_space<vmem>>)
    %dma_wait3A_770 = arith.constant 4 : i32
    %dma_wait3A_771 = arith.constant 512 : i32
    %dma_wait3A_772 = arith.constant 0 : i32
    %dma_wait3A_773 = tpu.memref_slice %arg7[%dma_wait3A_771, %dma_wait3A_772] : memref<1024x16xf32, #tpu.memory_space<vmem>> -> memref<128x16xf32, #tpu.memory_space<vmem>>
    %dma_wait3A_774 = arith.constant 0 : i32
    %dma_wait3A_775 = tpu.memref_slice %arg6[%dma_wait3A_770, %dma_wait3A_774] : memref<8x128xi32, #tpu.memory_space<vmem>> -> memref<1x128xi32, #tpu.memory_space<vmem>>
    %dma_wait3A_776 = tpu.memref_squeeze %dma_wait3A_775 : memref<1x128xi32, #tpu.memory_space<vmem>> -> memref<128xi32, #tpu.memory_space<vmem>>
    %dma_wait3A_777 = arith.constant 0 : i32
    %dma_wait3A_778 = arith.constant 0 : i32
    %dma_wait3A_779 = tpu.memref_slice %arg3[%dma_wait3A_777, %dma_wait3A_778] : memref<2359296x16xf32, #tpu.memory_space<hbm>> -> memref<2359296x16xf32, #tpu.memory_space<hbm>>
    tpu.wait_indirect_dma semaphore(%arg10 : memref<!tpu.dma_semaphore, #tpu.memory_space<semaphore_mem>>) src(%dma_wait3A_779 : memref<2359296x16xf32, #tpu.memory_space<hbm>>) dst(%dma_wait3A_773 : memref<128x16xf32, #tpu.memory_space<vmem>>)
    %dma_wait3A_780 = arith.constant 5 : i32
    %dma_wait3A_781 = arith.constant 640 : i32
    %dma_wait3A_782 = arith.constant 0 : i32
    %dma_wait3A_783 = tpu.memref_slice %arg7[%dma_wait3A_781, %dma_wait3A_782] : memref<1024x16xf32, #tpu.memory_space<vmem>> -> memref<128x16xf32, #tpu.memory_space<vmem>>
    %dma_wait3A_784 = arith.constant 0 : i32
    %dma_wait3A_785 = tpu.memref_slice %arg6[%dma_wait3A_780, %dma_wait3A_784] : memref<8x128xi32, #tpu.memory_space<vmem>> -> memref<1x128xi32, #tpu.memory_space<vmem>>
    %dma_wait3A_786 = tpu.memref_squeeze %dma_wait3A_785 : memref<1x128xi32, #tpu.memory_space<vmem>> -> memref<128xi32, #tpu.memory_space<vmem>>
    %dma_wait3A_787 = arith.constant 0 : i32
    %dma_wait3A_788 = arith.constant 0 : i32
    %dma_wait3A_789 = tpu.memref_slice %arg3[%dma_wait3A_787, %dma_wait3A_788] : memref<2359296x16xf32, #tpu.memory_space<hbm>> -> memref<2359296x16xf32, #tpu.memory_space<hbm>>
    tpu.wait_indirect_dma semaphore(%arg10 : memref<!tpu.dma_semaphore, #tpu.memory_space<semaphore_mem>>) src(%dma_wait3A_789 : memref<2359296x16xf32, #tpu.memory_space<hbm>>) dst(%dma_wait3A_783 : memref<128x16xf32, #tpu.memory_space<vmem>>)
    %dma_wait3A_790 = arith.constant 6 : i32
    %dma_wait3A_791 = arith.constant 768 : i32
    %dma_wait3A_792 = arith.constant 0 : i32
    %dma_wait3A_793 = tpu.memref_slice %arg7[%dma_wait3A_791, %dma_wait3A_792] : memref<1024x16xf32, #tpu.memory_space<vmem>> -> memref<128x16xf32, #tpu.memory_space<vmem>>
    %dma_wait3A_794 = arith.constant 0 : i32
    %dma_wait3A_795 = tpu.memref_slice %arg6[%dma_wait3A_790, %dma_wait3A_794] : memref<8x128xi32, #tpu.memory_space<vmem>> -> memref<1x128xi32, #tpu.memory_space<vmem>>
    %dma_wait3A_796 = tpu.memref_squeeze %dma_wait3A_795 : memref<1x128xi32, #tpu.memory_space<vmem>> -> memref<128xi32, #tpu.memory_space<vmem>>
    %dma_wait3A_797 = arith.constant 0 : i32
    %dma_wait3A_798 = arith.constant 0 : i32
    %dma_wait3A_799 = tpu.memref_slice %arg3[%dma_wait3A_797, %dma_wait3A_798] : memref<2359296x16xf32, #tpu.memory_space<hbm>> -> memref<2359296x16xf32, #tpu.memory_space<hbm>>
    tpu.wait_indirect_dma semaphore(%arg10 : memref<!tpu.dma_semaphore, #tpu.memory_space<semaphore_mem>>) src(%dma_wait3A_799 : memref<2359296x16xf32, #tpu.memory_space<hbm>>) dst(%dma_wait3A_793 : memref<128x16xf32, #tpu.memory_space<vmem>>)
    %dma_wait3A_800 = arith.constant 7 : i32
    %dma_wait3A_801 = arith.constant 896 : i32
    %dma_wait3A_802 = arith.constant 0 : i32
    %dma_wait3A_803 = tpu.memref_slice %arg7[%dma_wait3A_801, %dma_wait3A_802] : memref<1024x16xf32, #tpu.memory_space<vmem>> -> memref<128x16xf32, #tpu.memory_space<vmem>>
    %dma_wait3A_804 = arith.constant 0 : i32
    %dma_wait3A_805 = tpu.memref_slice %arg6[%dma_wait3A_800, %dma_wait3A_804] : memref<8x128xi32, #tpu.memory_space<vmem>> -> memref<1x128xi32, #tpu.memory_space<vmem>>
    %dma_wait3A_806 = tpu.memref_squeeze %dma_wait3A_805 : memref<1x128xi32, #tpu.memory_space<vmem>> -> memref<128xi32, #tpu.memory_space<vmem>>
    %dma_wait3A_807 = arith.constant 0 : i32
    %dma_wait3A_808 = arith.constant 0 : i32
    %dma_wait3A_809 = tpu.memref_slice %arg3[%dma_wait3A_807, %dma_wait3A_808] : memref<2359296x16xf32, #tpu.memory_space<hbm>> -> memref<2359296x16xf32, #tpu.memory_space<hbm>>
    tpu.wait_indirect_dma semaphore(%arg10 : memref<!tpu.dma_semaphore, #tpu.memory_space<semaphore_mem>>) src(%dma_wait3A_809 : memref<2359296x16xf32, #tpu.memory_space<hbm>>) dst(%dma_wait3A_803 : memref<128x16xf32, #tpu.memory_space<vmem>>)
    %scan3A_810 = arith.constant 0 : i32
    %scan3A_811 = arith.constant 0 : i32
    %scan3A_812 = arith.constant 64 : i32
    %scan3A_813 = arith.addi %scan3A_811, %scan3A_812 : i32
    %scan3A_814 = arith.constant 1 : i32
    %scan3A_815 = scf.for %scan3A_2410 = %scan3A_811 to %scan3A_813 step %scan3A_814 iter_args(%scan3A_2411 = %scan3A_810) -> (i32)  : i32 {
      %mul3A_2412 = arith.constant 16 : i32
      %mul3A_2413 = arith.muli %scan3A_2410, %mul3A_2412 : i32
      %add3A_2414 = vector.broadcast %mul3A_2413 : i32 to vector<16xi32>
      %add3A_2415 = arith.addi %add3A_2414, %iota3A : vector<16xi32>
      %gather3A_2416 = tpu.vector_load_idx %arg7[%add3A_2415, %and3A_642] : memref<1024x16xf32, #tpu.memory_space<vmem>>[vector<16xi32>, vector<16xi32>], vector<16xf32>,
      %swap3A = arith.index_cast %scan3A_2410 : i32 to index
      %swap3A_2417 = arith.constant 0 : index
      %swap3A_2418 = tpu.vector_load %arg8[%swap3A, %swap3A_2417] {strides = array<i32>} : memref<64x16xf32, #tpu.memory_space<vmem>>, vector<16xf32>,
      tpu.vector_store %arg8[%swap3A, %swap3A_2417], %gather3A_2416 {strides = array<i32>} : memref<64x16xf32, #tpu.memory_space<vmem>>, vector<16xf32>,
      %scan3A_2419 = arith.constant 0 : i32
      scf.yield %scan3A_2419 : i32
    }
    %scan3A_816 = arith.constant 64 : i32
    %scan3A_817 = arith.constant 0 : i32
    %scan3A_818 = arith.constant 0 : i32
    %scan3A_819 = arith.constant 64 : i32
    %scan3A_820 = arith.addi %scan3A_818, %scan3A_819 : i32
    %scan3A_821 = arith.constant 1 : i32
    %scan3A_822 = scf.for %scan3A_2410 = %scan3A_818 to %scan3A_820 step %scan3A_821 iter_args(%scan3A_2411 = %scan3A_817) -> (i32)  : i32 {
      %broadcast_in_dim3A = vector.broadcast %scan3A_2410 : i32 to vector<16xi32>
      %get3A = arith.index_cast %scan3A_2410 : i32 to index
      %get3A_2412 = arith.constant 0 : index
      %get3A_2413 = tpu.vector_load %arg8[%get3A, %get3A_2412] {strides = array<i32>} : memref<64x16xf32, #tpu.memory_space<vmem>>, vector<16xf32>,
      tpu.vector_store_idx %arg9[%iota3A, %broadcast_in_dim3A], %get3A_2413 : memref<16x128xf32, #tpu.memory_space<vmem>>[vector<16xi32>, vector<16xi32>], vector<16xf32>,
      %scan3A_2414 = arith.constant 0 : i32
      scf.yield %scan3A_2414 : i32
    }
    %scan3A_823 = arith.constant 64 : i32
    %add3A_824 = arith.constant 64 : i32
    %add3A_825 = arith.addi %add3A_824, %add3A : i32
    "tpu.region"() ({
      %run_scoped3A = tpu.sem_alloc : memref<!tpu.dma_semaphore, #tpu.memory_space<semaphore_mem>>
      %dma_start3A_2410 = arith.constant 0 : i32
      %dma_start3A_2411 = arith.constant 0 : i32
      %dma_start3A_2412 = tpu.memref_slice %arg4[%add3A_825, %dma_start3A_2410, %dma_start3A_2411] : memref<288x16x128xf32, #tpu.memory_space<hbm>> -> memref<1x16x128xf32, #tpu.memory_space<hbm>>
      %dma_start3A_2413 = tpu.memref_squeeze %dma_start3A_2412 : memref<1x16x128xf32, #tpu.memory_space<hbm>> -> memref<16x128xf32, #tpu.memory_space<hbm>>
      %dma_start3A_2414 = arith.constant 0 : i32
      %dma_start3A_2415 = arith.constant 0 : i32
      %dma_start3A_2416 = tpu.memref_slice %arg4[%add3A_825, %dma_start3A_2414, %dma_start3A_2415] : memref<288x16x128xf32, #tpu.memory_space<hbm>> -> memref<1x16x128xf32, #tpu.memory_space<hbm>>
      %dma_start3A_2417 = tpu.memref_squeeze %dma_start3A_2416 : memref<1x16x128xf32, #tpu.memory_space<hbm>> -> memref<16x128xf32, #tpu.memory_space<hbm>>
      tpu.enqueue_dma source(%arg9 : memref<16x128xf32, #tpu.memory_space<vmem>>) target(%dma_start3A_2417 : memref<16x128xf32, #tpu.memory_space<hbm>>) target_semaphore(%run_scoped3A : memref<!tpu.dma_semaphore, #tpu.memory_space<semaphore_mem>>)
      %dma_wait3A_2418 = arith.constant 0 : i32
      %dma_wait3A_2419 = arith.constant 0 : i32
      %dma_wait3A_2420 = tpu.memref_slice %arg4[%add3A_825, %dma_wait3A_2418, %dma_wait3A_2419] : memref<288x16x128xf32, #tpu.memory_space<hbm>> -> memref<1x16x128xf32, #tpu.memory_space<hbm>>
      %dma_wait3A_2421 = tpu.memref_squeeze %dma_wait3A_2420 : memref<1x16x128xf32, #tpu.memory_space<hbm>> -> memref<16x128xf32, #tpu.memory_space<hbm>>
      %dma_wait3A_2422 = arith.constant 0 : i32
      %dma_wait3A_2423 = arith.constant 0 : i32
      %dma_wait3A_2424 = tpu.memref_slice %arg4[%add3A_825, %dma_wait3A_2422, %dma_wait3A_2423] : memref<288x16x128xf32, #tpu.memory_space<hbm>> -> memref<1x16x128xf32, #tpu.memory_space<hbm>>
      %dma_wait3A_2425 = tpu.memref_squeeze %dma_wait3A_2424 : memref<1x16x128xf32, #tpu.memory_space<hbm>> -> memref<16x128xf32, #tpu.memory_space<hbm>>
      tpu.wait_dma2 semaphore(%run_scoped3A : memref<!tpu.dma_semaphore, #tpu.memory_space<semaphore_mem>>) src(%arg9 : memref<16x128xf32, #tpu.memory_space<vmem>>) dst(%dma_wait3A_2425 : memref<16x128xf32, #tpu.memory_space<hbm>>)
      tpu.yield
    }) : () -> ()
    %add3A_826 = arith.constant 0 : i32
    %add3A_827 = vector.broadcast %add3A_826 : i32 to vector<16xi32>
    %add3A_828 = arith.addi %convert_element_type3A, %add3A_827 : vector<16xi32>
    %mul3A_829 = arith.constant 384 : i32
    %mul3A_830 = vector.broadcast %mul3A_829 : i32 to vector<16xi32>
    %mul3A_831 = arith.muli %add3A_828, %mul3A_830 : vector<16xi32>
    %add3A_832 = arith.constant -9 : i32
    %add3A_833 = vector.broadcast %add3A_832 : i32 to vector<16xi32>
    %add3A_834 = arith.addi %convert_element_type3A_37, %add3A_833 : vector<16xi32>
    %add3A_835 = arith.addi %mul3A_831, %add3A_834 : vector<16xi32>
    %jit3A_836 = arith.constant 0 : i32
    %jit3A_837 = arith.constant 147455 : i32
    %max3A_838 = vector.broadcast %jit3A_836 : i32 to vector<16xi32>
    %max3A_839 = arith.maxsi %max3A_838, %add3A_835 : vector<16xi32>
    %min3A_840 = vector.broadcast %jit3A_837 : i32 to vector<16xi32>
    %min3A_841 = arith.minsi %min3A_840, %max3A_839 : vector<16xi32>
    %jit3A_842 = arith.constant 384 : i32
    %div3A_843 = vector.broadcast %jit3A_842 : i32 to vector<16xi32>
    %div3A_844 = arith.divsi %min3A_841, %div3A_843 : vector<16xi32>
    %sign3A_845 = arith.constant 0 : i32
    %sign3A_846 = vector.broadcast %sign3A_845 : i32 to vector<16xi32>
    %sign3A_847 = arith.cmpi sgt, %min3A_841, %sign3A_846 : vector<16xi32>
    %sign3A_848 = arith.extui %sign3A_847 : vector<16xi1> to vector<16xi32>
    %sign3A_849 = arith.constant 0 : i32
    %sign3A_850 = vector.broadcast %sign3A_849 : i32 to vector<16xi32>
    %sign3A_851 = arith.cmpi slt, %min3A_841, %sign3A_850 : vector<16xi32>
    %sign3A_852 = arith.extui %sign3A_851 : vector<16xi1> to vector<16xi32>
    %sign3A_853 = arith.subi %sign3A_848, %sign3A_852 : vector<16xi32>
    %sign3A_854 = arith.constant 0 : i32
    %sign3A_855 = arith.cmpi sgt, %jit3A_842, %sign3A_854 : i32
    %sign3A_856 = arith.extui %sign3A_855 : i1 to i32
    %sign3A_857 = arith.constant 0 : i32
    %sign3A_858 = arith.cmpi slt, %jit3A_842, %sign3A_857 : i32
    %sign3A_859 = arith.extui %sign3A_858 : i1 to i32
    %sign3A_860 = arith.subi %sign3A_856, %sign3A_859 : i32
    %ne3A_861 = vector.broadcast %sign3A_860 : i32 to vector<16xi32>
    %ne3A_862 = arith.cmpi ne, %sign3A_853, %ne3A_861 : vector<16xi32>
    %rem3A_863 = vector.broadcast %jit3A_842 : i32 to vector<16xi32>
    %rem3A_864 = arith.remsi %min3A_841, %rem3A_863 : vector<16xi32>
    %ne3A_865 = arith.constant 0 : i32
    %ne3A_866 = vector.broadcast %ne3A_865 : i32 to vector<16xi32>
    %ne3A_867 = arith.cmpi ne, %rem3A_864, %ne3A_866 : vector<16xi32>
    %and3A_868 = arith.andi %ne3A_862, %ne3A_867 : vector<16xi1>
    %sub3A_869 = arith.constant 1 : i32
    %sub3A_870 = vector.broadcast %sub3A_869 : i32 to vector<16xi32>
    %sub3A_871 = arith.subi %div3A_844, %sub3A_870 : vector<16xi32>
    %select_n3A_872 = arith.select %and3A_868, %sub3A_871, %div3A_844 : vector<16xi1>, vector<16xi32>
    %mul3A_873 = arith.constant 384 : i32
    %mul3A_874 = vector.broadcast %mul3A_873 : i32 to vector<16xi32>
    %mul3A_875 = arith.muli %select_n3A_872, %mul3A_874 : vector<16xi32>
    %sub3A_876 = arith.subi %min3A_841, %mul3A_875 : vector<16xi32>
    %shift_right_logical3A_877 = arith.constant 3 : i32
    %shift_right_logical3A_878 = vector.broadcast %shift_right_logical3A_877 : i32 to vector<16xi32>
    %shift_right_logical3A_879 = arith.shrui %select_n3A_872, %shift_right_logical3A_878 : vector<16xi32>
    %mul3A_880 = arith.constant 3 : i32
    %mul3A_881 = vector.broadcast %mul3A_880 : i32 to vector<16xi32>
    %mul3A_882 = arith.muli %shift_right_logical3A_879, %mul3A_881 : vector<16xi32>
    %shift_right_logical3A_883 = arith.constant 7 : i32
    %shift_right_logical3A_884 = vector.broadcast %shift_right_logical3A_883 : i32 to vector<16xi32>
    %shift_right_logical3A_885 = arith.shrui %sub3A_876, %shift_right_logical3A_884 : vector<16xi32>
    %add3A_886 = arith.addi %mul3A_882, %shift_right_logical3A_885 : vector<16xi32>
    %mul3A_887 = arith.constant 64 : i32
    %mul3A_888 = vector.broadcast %mul3A_887 : i32 to vector<16xi32>
    %mul3A_889 = arith.muli %add3A_886, %mul3A_888 : vector<16xi32>
    %and3A_890 = arith.constant 7 : i32
    %and3A_891 = vector.broadcast %and3A_890 : i32 to vector<16xi32>
    %and3A_892 = arith.andi %select_n3A_872, %and3A_891 : vector<16xi32>
    %mul3A_893 = arith.constant 8 : i32
    %mul3A_894 = vector.broadcast %mul3A_893 : i32 to vector<16xi32>
    %mul3A_895 = arith.muli %and3A_892, %mul3A_894 : vector<16xi32>
    %add3A_896 = arith.addi %mul3A_889, %mul3A_895 : vector<16xi32>
    %and3A_897 = arith.constant 127 : i32
    %and3A_898 = vector.broadcast %and3A_897 : i32 to vector<16xi32>
    %and3A_899 = arith.andi %sub3A_876, %and3A_898 : vector<16xi32>
    %shift_right_logical3A_900 = arith.constant 4 : i32
    %shift_right_logical3A_901 = vector.broadcast %shift_right_logical3A_900 : i32 to vector<16xi32>
    %shift_right_logical3A_902 = arith.shrui %and3A_899, %shift_right_logical3A_901 : vector<16xi32>
    %add3A_903 = arith.addi %add3A_896, %shift_right_logical3A_902 : vector<16xi32>
    %and3A_904 = arith.constant 15 : i32
    %and3A_905 = vector.broadcast %and3A_904 : i32 to vector<16xi32>
    %and3A_906 = arith.andi %sub3A_876, %and3A_905 : vector<16xi32>
    %scan3A_907 = arith.constant 0 : i32
    %scan3A_908 = arith.constant 0 : i32
    %scan3A_909 = arith.constant 64 : i32
    %scan3A_910 = arith.addi %scan3A_908, %scan3A_909 : i32
    %scan3A_911 = arith.constant 1 : i32
    %scan3A_912 = scf.for %scan3A_2410 = %scan3A_908 to %scan3A_910 step %scan3A_911 iter_args(%scan3A_2411 = %scan3A_907) -> (i32)  : i32 {
      %mul3A_2412 = arith.constant 9216 : i32
      %mul3A_2413 = arith.muli %scan3A_2410, %mul3A_2412 : i32
      %add3A_2414 = arith.addi %mul3A_39, %mul3A_2413 : i32
      %broadcast_in_dim3A = vector.broadcast %add3A_2414 : i32 to vector<16xi32>
      %add3A_2415 = arith.addi %broadcast_in_dim3A, %add3A_903 : vector<16xi32>
      %shift_right_logical3A_2416 = arith.constant 3 : i32
      %shift_right_logical3A_2417 = arith.shrui %scan3A_2410, %shift_right_logical3A_2416 : i32
      %and3A_2418 = arith.constant 7 : i32
      %and3A_2419 = arith.andi %scan3A_2410, %and3A_2418 : i32
      %mul3A_2420 = arith.constant 16 : i32
      %mul3A_2421 = arith.muli %and3A_2419, %mul3A_2420 : i32
      %swap3A = arith.index_cast %shift_right_logical3A_2417 : i32 to index
      %swap3A_2422 = arith.index_cast %mul3A_2421 : i32 to index
      %swap3A_2423 = tpu.vector_load %arg6[%swap3A, %swap3A_2422] {strides = array<i32>} : memref<8x128xi32, #tpu.memory_space<vmem>>, vector<16xi32>,
      tpu.vector_store %arg6[%swap3A, %swap3A_2422], %add3A_2415 {strides = array<i32>} : memref<8x128xi32, #tpu.memory_space<vmem>>, vector<16xi32>,
      %scan3A_2424 = arith.constant 0 : i32
      scf.yield %scan3A_2424 : i32
    }
    %scan3A_913 = arith.constant 64 : i32
    %dma_start3A_914 = arith.constant 0 : i32
    %dma_start3A_915 = arith.constant 0 : i32
    %dma_start3A_916 = arith.constant 0 : i32
    %dma_start3A_917 = tpu.memref_slice %arg7[%dma_start3A_915, %dma_start3A_916] : memref<1024x16xf32, #tpu.memory_space<vmem>> -> memref<128x16xf32, #tpu.memory_space<vmem>>
    %dma_start3A_918 = arith.constant 0 : i32
    %dma_start3A_919 = tpu.memref_slice %arg6[%dma_start3A_914, %dma_start3A_918] : memref<8x128xi32, #tpu.memory_space<vmem>> -> memref<1x128xi32, #tpu.memory_space<vmem>>
    %dma_start3A_920 = tpu.memref_squeeze %dma_start3A_919 : memref<1x128xi32, #tpu.memory_space<vmem>> -> memref<128xi32, #tpu.memory_space<vmem>>
    %dma_start3A_921 = arith.constant 0 : i32
    %dma_start3A_922 = arith.constant 0 : i32
    %dma_start3A_923 = tpu.memref_slice %arg3[%dma_start3A_921, %dma_start3A_922] : memref<2359296x16xf32, #tpu.memory_space<hbm>> -> memref<2359296x16xf32, #tpu.memory_space<hbm>>
    tpu.enqueue_indirect_dma source(%dma_start3A_923 : memref<2359296x16xf32, #tpu.memory_space<hbm>>) target(%dma_start3A_917 : memref<128x16xf32, #tpu.memory_space<vmem>>) offsets(%dma_start3A_920 : memref<128xi32, #tpu.memory_space<vmem>>) semaphore(%arg10 : memref<!tpu.dma_semaphore, #tpu.memory_space<semaphore_mem>>)
    %dma_start3A_924 = arith.constant 1 : i32
    %dma_start3A_925 = arith.constant 128 : i32
    %dma_start3A_926 = arith.constant 0 : i32
    %dma_start3A_927 = tpu.memref_slice %arg7[%dma_start3A_925, %dma_start3A_926] : memref<1024x16xf32, #tpu.memory_space<vmem>> -> memref<128x16xf32, #tpu.memory_space<vmem>>
    %dma_start3A_928 = arith.constant 0 : i32
    %dma_start3A_929 = tpu.memref_slice %arg6[%dma_start3A_924, %dma_start3A_928] : memref<8x128xi32, #tpu.memory_space<vmem>> -> memref<1x128xi32, #tpu.memory_space<vmem>>
    %dma_start3A_930 = tpu.memref_squeeze %dma_start3A_929 : memref<1x128xi32, #tpu.memory_space<vmem>> -> memref<128xi32, #tpu.memory_space<vmem>>
    %dma_start3A_931 = arith.constant 0 : i32
    %dma_start3A_932 = arith.constant 0 : i32
    %dma_start3A_933 = tpu.memref_slice %arg3[%dma_start3A_931, %dma_start3A_932] : memref<2359296x16xf32, #tpu.memory_space<hbm>> -> memref<2359296x16xf32, #tpu.memory_space<hbm>>
    tpu.enqueue_indirect_dma source(%dma_start3A_933 : memref<2359296x16xf32, #tpu.memory_space<hbm>>) target(%dma_start3A_927 : memref<128x16xf32, #tpu.memory_space<vmem>>) offsets(%dma_start3A_930 : memref<128xi32, #tpu.memory_space<vmem>>) semaphore(%arg10 : memref<!tpu.dma_semaphore, #tpu.memory_space<semaphore_mem>>)
    %dma_start3A_934 = arith.constant 2 : i32
    %dma_start3A_935 = arith.constant 256 : i32
    %dma_start3A_936 = arith.constant 0 : i32
    %dma_start3A_937 = tpu.memref_slice %arg7[%dma_start3A_935, %dma_start3A_936] : memref<1024x16xf32, #tpu.memory_space<vmem>> -> memref<128x16xf32, #tpu.memory_space<vmem>>
    %dma_start3A_938 = arith.constant 0 : i32
    %dma_start3A_939 = tpu.memref_slice %arg6[%dma_start3A_934, %dma_start3A_938] : memref<8x128xi32, #tpu.memory_space<vmem>> -> memref<1x128xi32, #tpu.memory_space<vmem>>
    %dma_start3A_940 = tpu.memref_squeeze %dma_start3A_939 : memref<1x128xi32, #tpu.memory_space<vmem>> -> memref<128xi32, #tpu.memory_space<vmem>>
    %dma_start3A_941 = arith.constant 0 : i32
    %dma_start3A_942 = arith.constant 0 : i32
    %dma_start3A_943 = tpu.memref_slice %arg3[%dma_start3A_941, %dma_start3A_942] : memref<2359296x16xf32, #tpu.memory_space<hbm>> -> memref<2359296x16xf32, #tpu.memory_space<hbm>>
    tpu.enqueue_indirect_dma source(%dma_start3A_943 : memref<2359296x16xf32, #tpu.memory_space<hbm>>) target(%dma_start3A_937 : memref<128x16xf32, #tpu.memory_space<vmem>>) offsets(%dma_start3A_940 : memref<128xi32, #tpu.memory_space<vmem>>) semaphore(%arg10 : memref<!tpu.dma_semaphore, #tpu.memory_space<semaphore_mem>>)
    %dma_start3A_944 = arith.constant 3 : i32
    %dma_start3A_945 = arith.constant 384 : i32
    %dma_start3A_946 = arith.constant 0 : i32
    %dma_start3A_947 = tpu.memref_slice %arg7[%dma_start3A_945, %dma_start3A_946] : memref<1024x16xf32, #tpu.memory_space<vmem>> -> memref<128x16xf32, #tpu.memory_space<vmem>>
    %dma_start3A_948 = arith.constant 0 : i32
    %dma_start3A_949 = tpu.memref_slice %arg6[%dma_start3A_944, %dma_start3A_948] : memref<8x128xi32, #tpu.memory_space<vmem>> -> memref<1x128xi32, #tpu.memory_space<vmem>>
    %dma_start3A_950 = tpu.memref_squeeze %dma_start3A_949 : memref<1x128xi32, #tpu.memory_space<vmem>> -> memref<128xi32, #tpu.memory_space<vmem>>
    %dma_start3A_951 = arith.constant 0 : i32
    %dma_start3A_952 = arith.constant 0 : i32
    %dma_start3A_953 = tpu.memref_slice %arg3[%dma_start3A_951, %dma_start3A_952] : memref<2359296x16xf32, #tpu.memory_space<hbm>> -> memref<2359296x16xf32, #tpu.memory_space<hbm>>
    tpu.enqueue_indirect_dma source(%dma_start3A_953 : memref<2359296x16xf32, #tpu.memory_space<hbm>>) target(%dma_start3A_947 : memref<128x16xf32, #tpu.memory_space<vmem>>) offsets(%dma_start3A_950 : memref<128xi32, #tpu.memory_space<vmem>>) semaphore(%arg10 : memref<!tpu.dma_semaphore, #tpu.memory_space<semaphore_mem>>)
    %dma_start3A_954 = arith.constant 4 : i32
    %dma_start3A_955 = arith.constant 512 : i32
    %dma_start3A_956 = arith.constant 0 : i32
    %dma_start3A_957 = tpu.memref_slice %arg7[%dma_start3A_955, %dma_start3A_956] : memref<1024x16xf32, #tpu.memory_space<vmem>> -> memref<128x16xf32, #tpu.memory_space<vmem>>
    %dma_start3A_958 = arith.constant 0 : i32
    %dma_start3A_959 = tpu.memref_slice %arg6[%dma_start3A_954, %dma_start3A_958] : memref<8x128xi32, #tpu.memory_space<vmem>> -> memref<1x128xi32, #tpu.memory_space<vmem>>
    %dma_start3A_960 = tpu.memref_squeeze %dma_start3A_959 : memref<1x128xi32, #tpu.memory_space<vmem>> -> memref<128xi32, #tpu.memory_space<vmem>>
    %dma_start3A_961 = arith.constant 0 : i32
    %dma_start3A_962 = arith.constant 0 : i32
    %dma_start3A_963 = tpu.memref_slice %arg3[%dma_start3A_961, %dma_start3A_962] : memref<2359296x16xf32, #tpu.memory_space<hbm>> -> memref<2359296x16xf32, #tpu.memory_space<hbm>>
    tpu.enqueue_indirect_dma source(%dma_start3A_963 : memref<2359296x16xf32, #tpu.memory_space<hbm>>) target(%dma_start3A_957 : memref<128x16xf32, #tpu.memory_space<vmem>>) offsets(%dma_start3A_960 : memref<128xi32, #tpu.memory_space<vmem>>) semaphore(%arg10 : memref<!tpu.dma_semaphore, #tpu.memory_space<semaphore_mem>>)
    %dma_start3A_964 = arith.constant 5 : i32
    %dma_start3A_965 = arith.constant 640 : i32
    %dma_start3A_966 = arith.constant 0 : i32
    %dma_start3A_967 = tpu.memref_slice %arg7[%dma_start3A_965, %dma_start3A_966] : memref<1024x16xf32, #tpu.memory_space<vmem>> -> memref<128x16xf32, #tpu.memory_space<vmem>>
    %dma_start3A_968 = arith.constant 0 : i32
    %dma_start3A_969 = tpu.memref_slice %arg6[%dma_start3A_964, %dma_start3A_968] : memref<8x128xi32, #tpu.memory_space<vmem>> -> memref<1x128xi32, #tpu.memory_space<vmem>>
    %dma_start3A_970 = tpu.memref_squeeze %dma_start3A_969 : memref<1x128xi32, #tpu.memory_space<vmem>> -> memref<128xi32, #tpu.memory_space<vmem>>
    %dma_start3A_971 = arith.constant 0 : i32
    %dma_start3A_972 = arith.constant 0 : i32
    %dma_start3A_973 = tpu.memref_slice %arg3[%dma_start3A_971, %dma_start3A_972] : memref<2359296x16xf32, #tpu.memory_space<hbm>> -> memref<2359296x16xf32, #tpu.memory_space<hbm>>
    tpu.enqueue_indirect_dma source(%dma_start3A_973 : memref<2359296x16xf32, #tpu.memory_space<hbm>>) target(%dma_start3A_967 : memref<128x16xf32, #tpu.memory_space<vmem>>) offsets(%dma_start3A_970 : memref<128xi32, #tpu.memory_space<vmem>>) semaphore(%arg10 : memref<!tpu.dma_semaphore, #tpu.memory_space<semaphore_mem>>)
    %dma_start3A_974 = arith.constant 6 : i32
    %dma_start3A_975 = arith.constant 768 : i32
    %dma_start3A_976 = arith.constant 0 : i32
    %dma_start3A_977 = tpu.memref_slice %arg7[%dma_start3A_975, %dma_start3A_976] : memref<1024x16xf32, #tpu.memory_space<vmem>> -> memref<128x16xf32, #tpu.memory_space<vmem>>
    %dma_start3A_978 = arith.constant 0 : i32
    %dma_start3A_979 = tpu.memref_slice %arg6[%dma_start3A_974, %dma_start3A_978] : memref<8x128xi32, #tpu.memory_space<vmem>> -> memref<1x128xi32, #tpu.memory_space<vmem>>
    %dma_start3A_980 = tpu.memref_squeeze %dma_start3A_979 : memref<1x128xi32, #tpu.memory_space<vmem>> -> memref<128xi32, #tpu.memory_space<vmem>>
    %dma_start3A_981 = arith.constant 0 : i32
    %dma_start3A_982 = arith.constant 0 : i32
    %dma_start3A_983 = tpu.memref_slice %arg3[%dma_start3A_981, %dma_start3A_982] : memref<2359296x16xf32, #tpu.memory_space<hbm>> -> memref<2359296x16xf32, #tpu.memory_space<hbm>>
    tpu.enqueue_indirect_dma source(%dma_start3A_983 : memref<2359296x16xf32, #tpu.memory_space<hbm>>) target(%dma_start3A_977 : memref<128x16xf32, #tpu.memory_space<vmem>>) offsets(%dma_start3A_980 : memref<128xi32, #tpu.memory_space<vmem>>) semaphore(%arg10 : memref<!tpu.dma_semaphore, #tpu.memory_space<semaphore_mem>>)
    %dma_start3A_984 = arith.constant 7 : i32
    %dma_start3A_985 = arith.constant 896 : i32
    %dma_start3A_986 = arith.constant 0 : i32
    %dma_start3A_987 = tpu.memref_slice %arg7[%dma_start3A_985, %dma_start3A_986] : memref<1024x16xf32, #tpu.memory_space<vmem>> -> memref<128x16xf32, #tpu.memory_space<vmem>>
    %dma_start3A_988 = arith.constant 0 : i32
    %dma_start3A_989 = tpu.memref_slice %arg6[%dma_start3A_984, %dma_start3A_988] : memref<8x128xi32, #tpu.memory_space<vmem>> -> memref<1x128xi32, #tpu.memory_space<vmem>>
    %dma_start3A_990 = tpu.memref_squeeze %dma_start3A_989 : memref<1x128xi32, #tpu.memory_space<vmem>> -> memref<128xi32, #tpu.memory_space<vmem>>
    %dma_start3A_991 = arith.constant 0 : i32
    %dma_start3A_992 = arith.constant 0 : i32
    %dma_start3A_993 = tpu.memref_slice %arg3[%dma_start3A_991, %dma_start3A_992] : memref<2359296x16xf32, #tpu.memory_space<hbm>> -> memref<2359296x16xf32, #tpu.memory_space<hbm>>
    tpu.enqueue_indirect_dma source(%dma_start3A_993 : memref<2359296x16xf32, #tpu.memory_space<hbm>>) target(%dma_start3A_987 : memref<128x16xf32, #tpu.memory_space<vmem>>) offsets(%dma_start3A_990 : memref<128xi32, #tpu.memory_space<vmem>>) semaphore(%arg10 : memref<!tpu.dma_semaphore, #tpu.memory_space<semaphore_mem>>)
    %dma_wait3A_994 = arith.constant 0 : i32
    %dma_wait3A_995 = arith.constant 0 : i32
    %dma_wait3A_996 = arith.constant 0 : i32
    %dma_wait3A_997 = tpu.memref_slice %arg7[%dma_wait3A_995, %dma_wait3A_996] : memref<1024x16xf32, #tpu.memory_space<vmem>> -> memref<128x16xf32, #tpu.memory_space<vmem>>
    %dma_wait3A_998 = arith.constant 0 : i32
    %dma_wait3A_999 = tpu.memref_slice %arg6[%dma_wait3A_994, %dma_wait3A_998] : memref<8x128xi32, #tpu.memory_space<vmem>> -> memref<1x128xi32, #tpu.memory_space<vmem>>
    %dma_wait3A_1000 = tpu.memref_squeeze %dma_wait3A_999 : memref<1x128xi32, #tpu.memory_space<vmem>> -> memref<128xi32, #tpu.memory_space<vmem>>
    %dma_wait3A_1001 = arith.constant 0 : i32
    %dma_wait3A_1002 = arith.constant 0 : i32
    %dma_wait3A_1003 = tpu.memref_slice %arg3[%dma_wait3A_1001, %dma_wait3A_1002] : memref<2359296x16xf32, #tpu.memory_space<hbm>> -> memref<2359296x16xf32, #tpu.memory_space<hbm>>
    tpu.wait_indirect_dma semaphore(%arg10 : memref<!tpu.dma_semaphore, #tpu.memory_space<semaphore_mem>>) src(%dma_wait3A_1003 : memref<2359296x16xf32, #tpu.memory_space<hbm>>) dst(%dma_wait3A_997 : memref<128x16xf32, #tpu.memory_space<vmem>>)
    %dma_wait3A_1004 = arith.constant 1 : i32
    %dma_wait3A_1005 = arith.constant 128 : i32
    %dma_wait3A_1006 = arith.constant 0 : i32
    %dma_wait3A_1007 = tpu.memref_slice %arg7[%dma_wait3A_1005, %dma_wait3A_1006] : memref<1024x16xf32, #tpu.memory_space<vmem>> -> memref<128x16xf32, #tpu.memory_space<vmem>>
    %dma_wait3A_1008 = arith.constant 0 : i32
    %dma_wait3A_1009 = tpu.memref_slice %arg6[%dma_wait3A_1004, %dma_wait3A_1008] : memref<8x128xi32, #tpu.memory_space<vmem>> -> memref<1x128xi32, #tpu.memory_space<vmem>>
    %dma_wait3A_1010 = tpu.memref_squeeze %dma_wait3A_1009 : memref<1x128xi32, #tpu.memory_space<vmem>> -> memref<128xi32, #tpu.memory_space<vmem>>
    %dma_wait3A_1011 = arith.constant 0 : i32
    %dma_wait3A_1012 = arith.constant 0 : i32
    %dma_wait3A_1013 = tpu.memref_slice %arg3[%dma_wait3A_1011, %dma_wait3A_1012] : memref<2359296x16xf32, #tpu.memory_space<hbm>> -> memref<2359296x16xf32, #tpu.memory_space<hbm>>
    tpu.wait_indirect_dma semaphore(%arg10 : memref<!tpu.dma_semaphore, #tpu.memory_space<semaphore_mem>>) src(%dma_wait3A_1013 : memref<2359296x16xf32, #tpu.memory_space<hbm>>) dst(%dma_wait3A_1007 : memref<128x16xf32, #tpu.memory_space<vmem>>)
    %dma_wait3A_1014 = arith.constant 2 : i32
    %dma_wait3A_1015 = arith.constant 256 : i32
    %dma_wait3A_1016 = arith.constant 0 : i32
    %dma_wait3A_1017 = tpu.memref_slice %arg7[%dma_wait3A_1015, %dma_wait3A_1016] : memref<1024x16xf32, #tpu.memory_space<vmem>> -> memref<128x16xf32, #tpu.memory_space<vmem>>
    %dma_wait3A_1018 = arith.constant 0 : i32
    %dma_wait3A_1019 = tpu.memref_slice %arg6[%dma_wait3A_1014, %dma_wait3A_1018] : memref<8x128xi32, #tpu.memory_space<vmem>> -> memref<1x128xi32, #tpu.memory_space<vmem>>
    %dma_wait3A_1020 = tpu.memref_squeeze %dma_wait3A_1019 : memref<1x128xi32, #tpu.memory_space<vmem>> -> memref<128xi32, #tpu.memory_space<vmem>>
    %dma_wait3A_1021 = arith.constant 0 : i32
    %dma_wait3A_1022 = arith.constant 0 : i32
    %dma_wait3A_1023 = tpu.memref_slice %arg3[%dma_wait3A_1021, %dma_wait3A_1022] : memref<2359296x16xf32, #tpu.memory_space<hbm>> -> memref<2359296x16xf32, #tpu.memory_space<hbm>>
    tpu.wait_indirect_dma semaphore(%arg10 : memref<!tpu.dma_semaphore, #tpu.memory_space<semaphore_mem>>) src(%dma_wait3A_1023 : memref<2359296x16xf32, #tpu.memory_space<hbm>>) dst(%dma_wait3A_1017 : memref<128x16xf32, #tpu.memory_space<vmem>>)
    %dma_wait3A_1024 = arith.constant 3 : i32
    %dma_wait3A_1025 = arith.constant 384 : i32
    %dma_wait3A_1026 = arith.constant 0 : i32
    %dma_wait3A_1027 = tpu.memref_slice %arg7[%dma_wait3A_1025, %dma_wait3A_1026] : memref<1024x16xf32, #tpu.memory_space<vmem>> -> memref<128x16xf32, #tpu.memory_space<vmem>>
    %dma_wait3A_1028 = arith.constant 0 : i32
    %dma_wait3A_1029 = tpu.memref_slice %arg6[%dma_wait3A_1024, %dma_wait3A_1028] : memref<8x128xi32, #tpu.memory_space<vmem>> -> memref<1x128xi32, #tpu.memory_space<vmem>>
    %dma_wait3A_1030 = tpu.memref_squeeze %dma_wait3A_1029 : memref<1x128xi32, #tpu.memory_space<vmem>> -> memref<128xi32, #tpu.memory_space<vmem>>
    %dma_wait3A_1031 = arith.constant 0 : i32
    %dma_wait3A_1032 = arith.constant 0 : i32
    %dma_wait3A_1033 = tpu.memref_slice %arg3[%dma_wait3A_1031, %dma_wait3A_1032] : memref<2359296x16xf32, #tpu.memory_space<hbm>> -> memref<2359296x16xf32, #tpu.memory_space<hbm>>
    tpu.wait_indirect_dma semaphore(%arg10 : memref<!tpu.dma_semaphore, #tpu.memory_space<semaphore_mem>>) src(%dma_wait3A_1033 : memref<2359296x16xf32, #tpu.memory_space<hbm>>) dst(%dma_wait3A_1027 : memref<128x16xf32, #tpu.memory_space<vmem>>)
    %dma_wait3A_1034 = arith.constant 4 : i32
    %dma_wait3A_1035 = arith.constant 512 : i32
    %dma_wait3A_1036 = arith.constant 0 : i32
    %dma_wait3A_1037 = tpu.memref_slice %arg7[%dma_wait3A_1035, %dma_wait3A_1036] : memref<1024x16xf32, #tpu.memory_space<vmem>> -> memref<128x16xf32, #tpu.memory_space<vmem>>
    %dma_wait3A_1038 = arith.constant 0 : i32
    %dma_wait3A_1039 = tpu.memref_slice %arg6[%dma_wait3A_1034, %dma_wait3A_1038] : memref<8x128xi32, #tpu.memory_space<vmem>> -> memref<1x128xi32, #tpu.memory_space<vmem>>
    %dma_wait3A_1040 = tpu.memref_squeeze %dma_wait3A_1039 : memref<1x128xi32, #tpu.memory_space<vmem>> -> memref<128xi32, #tpu.memory_space<vmem>>
    %dma_wait3A_1041 = arith.constant 0 : i32
    %dma_wait3A_1042 = arith.constant 0 : i32
    %dma_wait3A_1043 = tpu.memref_slice %arg3[%dma_wait3A_1041, %dma_wait3A_1042] : memref<2359296x16xf32, #tpu.memory_space<hbm>> -> memref<2359296x16xf32, #tpu.memory_space<hbm>>
    tpu.wait_indirect_dma semaphore(%arg10 : memref<!tpu.dma_semaphore, #tpu.memory_space<semaphore_mem>>) src(%dma_wait3A_1043 : memref<2359296x16xf32, #tpu.memory_space<hbm>>) dst(%dma_wait3A_1037 : memref<128x16xf32, #tpu.memory_space<vmem>>)
    %dma_wait3A_1044 = arith.constant 5 : i32
    %dma_wait3A_1045 = arith.constant 640 : i32
    %dma_wait3A_1046 = arith.constant 0 : i32
    %dma_wait3A_1047 = tpu.memref_slice %arg7[%dma_wait3A_1045, %dma_wait3A_1046] : memref<1024x16xf32, #tpu.memory_space<vmem>> -> memref<128x16xf32, #tpu.memory_space<vmem>>
    %dma_wait3A_1048 = arith.constant 0 : i32
    %dma_wait3A_1049 = tpu.memref_slice %arg6[%dma_wait3A_1044, %dma_wait3A_1048] : memref<8x128xi32, #tpu.memory_space<vmem>> -> memref<1x128xi32, #tpu.memory_space<vmem>>
    %dma_wait3A_1050 = tpu.memref_squeeze %dma_wait3A_1049 : memref<1x128xi32, #tpu.memory_space<vmem>> -> memref<128xi32, #tpu.memory_space<vmem>>
    %dma_wait3A_1051 = arith.constant 0 : i32
    %dma_wait3A_1052 = arith.constant 0 : i32
    %dma_wait3A_1053 = tpu.memref_slice %arg3[%dma_wait3A_1051, %dma_wait3A_1052] : memref<2359296x16xf32, #tpu.memory_space<hbm>> -> memref<2359296x16xf32, #tpu.memory_space<hbm>>
    tpu.wait_indirect_dma semaphore(%arg10 : memref<!tpu.dma_semaphore, #tpu.memory_space<semaphore_mem>>) src(%dma_wait3A_1053 : memref<2359296x16xf32, #tpu.memory_space<hbm>>) dst(%dma_wait3A_1047 : memref<128x16xf32, #tpu.memory_space<vmem>>)
    %dma_wait3A_1054 = arith.constant 6 : i32
    %dma_wait3A_1055 = arith.constant 768 : i32
    %dma_wait3A_1056 = arith.constant 0 : i32
    %dma_wait3A_1057 = tpu.memref_slice %arg7[%dma_wait3A_1055, %dma_wait3A_1056] : memref<1024x16xf32, #tpu.memory_space<vmem>> -> memref<128x16xf32, #tpu.memory_space<vmem>>
    %dma_wait3A_1058 = arith.constant 0 : i32
    %dma_wait3A_1059 = tpu.memref_slice %arg6[%dma_wait3A_1054, %dma_wait3A_1058] : memref<8x128xi32, #tpu.memory_space<vmem>> -> memref<1x128xi32, #tpu.memory_space<vmem>>
    %dma_wait3A_1060 = tpu.memref_squeeze %dma_wait3A_1059 : memref<1x128xi32, #tpu.memory_space<vmem>> -> memref<128xi32, #tpu.memory_space<vmem>>
    %dma_wait3A_1061 = arith.constant 0 : i32
    %dma_wait3A_1062 = arith.constant 0 : i32
    %dma_wait3A_1063 = tpu.memref_slice %arg3[%dma_wait3A_1061, %dma_wait3A_1062] : memref<2359296x16xf32, #tpu.memory_space<hbm>> -> memref<2359296x16xf32, #tpu.memory_space<hbm>>
    tpu.wait_indirect_dma semaphore(%arg10 : memref<!tpu.dma_semaphore, #tpu.memory_space<semaphore_mem>>) src(%dma_wait3A_1063 : memref<2359296x16xf32, #tpu.memory_space<hbm>>) dst(%dma_wait3A_1057 : memref<128x16xf32, #tpu.memory_space<vmem>>)
    %dma_wait3A_1064 = arith.constant 7 : i32
    %dma_wait3A_1065 = arith.constant 896 : i32
    %dma_wait3A_1066 = arith.constant 0 : i32
    %dma_wait3A_1067 = tpu.memref_slice %arg7[%dma_wait3A_1065, %dma_wait3A_1066] : memref<1024x16xf32, #tpu.memory_space<vmem>> -> memref<128x16xf32, #tpu.memory_space<vmem>>
    %dma_wait3A_1068 = arith.constant 0 : i32
    %dma_wait3A_1069 = tpu.memref_slice %arg6[%dma_wait3A_1064, %dma_wait3A_1068] : memref<8x128xi32, #tpu.memory_space<vmem>> -> memref<1x128xi32, #tpu.memory_space<vmem>>
    %dma_wait3A_1070 = tpu.memref_squeeze %dma_wait3A_1069 : memref<1x128xi32, #tpu.memory_space<vmem>> -> memref<128xi32, #tpu.memory_space<vmem>>
    %dma_wait3A_1071 = arith.constant 0 : i32
    %dma_wait3A_1072 = arith.constant 0 : i32
    %dma_wait3A_1073 = tpu.memref_slice %arg3[%dma_wait3A_1071, %dma_wait3A_1072] : memref<2359296x16xf32, #tpu.memory_space<hbm>> -> memref<2359296x16xf32, #tpu.memory_space<hbm>>
    tpu.wait_indirect_dma semaphore(%arg10 : memref<!tpu.dma_semaphore, #tpu.memory_space<semaphore_mem>>) src(%dma_wait3A_1073 : memref<2359296x16xf32, #tpu.memory_space<hbm>>) dst(%dma_wait3A_1067 : memref<128x16xf32, #tpu.memory_space<vmem>>)
    %scan3A_1074 = arith.constant 0 : i32
    %scan3A_1075 = arith.constant 0 : i32
    %scan3A_1076 = arith.constant 64 : i32
    %scan3A_1077 = arith.addi %scan3A_1075, %scan3A_1076 : i32
    %scan3A_1078 = arith.constant 1 : i32
    %scan3A_1079 = scf.for %scan3A_2410 = %scan3A_1075 to %scan3A_1077 step %scan3A_1078 iter_args(%scan3A_2411 = %scan3A_1074) -> (i32)  : i32 {
      %mul3A_2412 = arith.constant 16 : i32
      %mul3A_2413 = arith.muli %scan3A_2410, %mul3A_2412 : i32
      %add3A_2414 = vector.broadcast %mul3A_2413 : i32 to vector<16xi32>
      %add3A_2415 = arith.addi %add3A_2414, %iota3A : vector<16xi32>
      %gather3A_2416 = tpu.vector_load_idx %arg7[%add3A_2415, %and3A_906] : memref<1024x16xf32, #tpu.memory_space<vmem>>[vector<16xi32>, vector<16xi32>], vector<16xf32>,
      %swap3A = arith.index_cast %scan3A_2410 : i32 to index
      %swap3A_2417 = arith.constant 0 : index
      %swap3A_2418 = tpu.vector_load %arg8[%swap3A, %swap3A_2417] {strides = array<i32>} : memref<64x16xf32, #tpu.memory_space<vmem>>, vector<16xf32>,
      tpu.vector_store %arg8[%swap3A, %swap3A_2417], %gather3A_2416 {strides = array<i32>} : memref<64x16xf32, #tpu.memory_space<vmem>>, vector<16xf32>,
      %scan3A_2419 = arith.constant 0 : i32
      scf.yield %scan3A_2419 : i32
    }
    %scan3A_1080 = arith.constant 64 : i32
    %scan3A_1081 = arith.constant 0 : i32
    %scan3A_1082 = arith.constant 0 : i32
    %scan3A_1083 = arith.constant 64 : i32
    %scan3A_1084 = arith.addi %scan3A_1082, %scan3A_1083 : i32
    %scan3A_1085 = arith.constant 1 : i32
    %scan3A_1086 = scf.for %scan3A_2410 = %scan3A_1082 to %scan3A_1084 step %scan3A_1085 iter_args(%scan3A_2411 = %scan3A_1081) -> (i32)  : i32 {
      %broadcast_in_dim3A = vector.broadcast %scan3A_2410 : i32 to vector<16xi32>
      %get3A = arith.index_cast %scan3A_2410 : i32 to index
      %get3A_2412 = arith.constant 0 : index
      %get3A_2413 = tpu.vector_load %arg8[%get3A, %get3A_2412] {strides = array<i32>} : memref<64x16xf32, #tpu.memory_space<vmem>>, vector<16xf32>,
      tpu.vector_store_idx %arg9[%iota3A, %broadcast_in_dim3A], %get3A_2413 : memref<16x128xf32, #tpu.memory_space<vmem>>[vector<16xi32>, vector<16xi32>], vector<16xf32>,
      %scan3A_2414 = arith.constant 0 : i32
      scf.yield %scan3A_2414 : i32
    }
    %scan3A_1087 = arith.constant 64 : i32
    %add3A_1088 = arith.constant 96 : i32
    %add3A_1089 = arith.addi %add3A_1088, %add3A : i32
    "tpu.region"() ({
      %run_scoped3A = tpu.sem_alloc : memref<!tpu.dma_semaphore, #tpu.memory_space<semaphore_mem>>
      %dma_start3A_2410 = arith.constant 0 : i32
      %dma_start3A_2411 = arith.constant 0 : i32
      %dma_start3A_2412 = tpu.memref_slice %arg4[%add3A_1089, %dma_start3A_2410, %dma_start3A_2411] : memref<288x16x128xf32, #tpu.memory_space<hbm>> -> memref<1x16x128xf32, #tpu.memory_space<hbm>>
      %dma_start3A_2413 = tpu.memref_squeeze %dma_start3A_2412 : memref<1x16x128xf32, #tpu.memory_space<hbm>> -> memref<16x128xf32, #tpu.memory_space<hbm>>
      %dma_start3A_2414 = arith.constant 0 : i32
      %dma_start3A_2415 = arith.constant 0 : i32
      %dma_start3A_2416 = tpu.memref_slice %arg4[%add3A_1089, %dma_start3A_2414, %dma_start3A_2415] : memref<288x16x128xf32, #tpu.memory_space<hbm>> -> memref<1x16x128xf32, #tpu.memory_space<hbm>>
      %dma_start3A_2417 = tpu.memref_squeeze %dma_start3A_2416 : memref<1x16x128xf32, #tpu.memory_space<hbm>> -> memref<16x128xf32, #tpu.memory_space<hbm>>
      tpu.enqueue_dma source(%arg9 : memref<16x128xf32, #tpu.memory_space<vmem>>) target(%dma_start3A_2417 : memref<16x128xf32, #tpu.memory_space<hbm>>) target_semaphore(%run_scoped3A : memref<!tpu.dma_semaphore, #tpu.memory_space<semaphore_mem>>)
      %dma_wait3A_2418 = arith.constant 0 : i32
      %dma_wait3A_2419 = arith.constant 0 : i32
      %dma_wait3A_2420 = tpu.memref_slice %arg4[%add3A_1089, %dma_wait3A_2418, %dma_wait3A_2419] : memref<288x16x128xf32, #tpu.memory_space<hbm>> -> memref<1x16x128xf32, #tpu.memory_space<hbm>>
      %dma_wait3A_2421 = tpu.memref_squeeze %dma_wait3A_2420 : memref<1x16x128xf32, #tpu.memory_space<hbm>> -> memref<16x128xf32, #tpu.memory_space<hbm>>
      %dma_wait3A_2422 = arith.constant 0 : i32
      %dma_wait3A_2423 = arith.constant 0 : i32
      %dma_wait3A_2424 = tpu.memref_slice %arg4[%add3A_1089, %dma_wait3A_2422, %dma_wait3A_2423] : memref<288x16x128xf32, #tpu.memory_space<hbm>> -> memref<1x16x128xf32, #tpu.memory_space<hbm>>
      %dma_wait3A_2425 = tpu.memref_squeeze %dma_wait3A_2424 : memref<1x16x128xf32, #tpu.memory_space<hbm>> -> memref<16x128xf32, #tpu.memory_space<hbm>>
      tpu.wait_dma2 semaphore(%run_scoped3A : memref<!tpu.dma_semaphore, #tpu.memory_space<semaphore_mem>>) src(%arg9 : memref<16x128xf32, #tpu.memory_space<vmem>>) dst(%dma_wait3A_2425 : memref<16x128xf32, #tpu.memory_space<hbm>>)
      tpu.yield
    }) : () -> ()
    %add3A_1090 = arith.constant 0 : i32
    %add3A_1091 = vector.broadcast %add3A_1090 : i32 to vector<16xi32>
    %add3A_1092 = arith.addi %convert_element_type3A, %add3A_1091 : vector<16xi32>
    %mul3A_1093 = arith.constant 384 : i32
    %mul3A_1094 = vector.broadcast %mul3A_1093 : i32 to vector<16xi32>
    %mul3A_1095 = arith.muli %add3A_1092, %mul3A_1094 : vector<16xi32>
    %add3A_1096 = arith.constant 0 : i32
    %add3A_1097 = vector.broadcast %add3A_1096 : i32 to vector<16xi32>
    %add3A_1098 = arith.addi %convert_element_type3A_37, %add3A_1097 : vector<16xi32>
    %add3A_1099 = arith.addi %mul3A_1095, %add3A_1098 : vector<16xi32>
    %jit3A_1100 = arith.constant 0 : i32
    %jit3A_1101 = arith.constant 147455 : i32
    %max3A_1102 = vector.broadcast %jit3A_1100 : i32 to vector<16xi32>
    %max3A_1103 = arith.maxsi %max3A_1102, %add3A_1099 : vector<16xi32>
    %min3A_1104 = vector.broadcast %jit3A_1101 : i32 to vector<16xi32>
    %min3A_1105 = arith.minsi %min3A_1104, %max3A_1103 : vector<16xi32>
    %jit3A_1106 = arith.constant 384 : i32
    %div3A_1107 = vector.broadcast %jit3A_1106 : i32 to vector<16xi32>
    %div3A_1108 = arith.divsi %min3A_1105, %div3A_1107 : vector<16xi32>
    %sign3A_1109 = arith.constant 0 : i32
    %sign3A_1110 = vector.broadcast %sign3A_1109 : i32 to vector<16xi32>
    %sign3A_1111 = arith.cmpi sgt, %min3A_1105, %sign3A_1110 : vector<16xi32>
    %sign3A_1112 = arith.extui %sign3A_1111 : vector<16xi1> to vector<16xi32>
    %sign3A_1113 = arith.constant 0 : i32
    %sign3A_1114 = vector.broadcast %sign3A_1113 : i32 to vector<16xi32>
    %sign3A_1115 = arith.cmpi slt, %min3A_1105, %sign3A_1114 : vector<16xi32>
    %sign3A_1116 = arith.extui %sign3A_1115 : vector<16xi1> to vector<16xi32>
    %sign3A_1117 = arith.subi %sign3A_1112, %sign3A_1116 : vector<16xi32>
    %sign3A_1118 = arith.constant 0 : i32
    %sign3A_1119 = arith.cmpi sgt, %jit3A_1106, %sign3A_1118 : i32
    %sign3A_1120 = arith.extui %sign3A_1119 : i1 to i32
    %sign3A_1121 = arith.constant 0 : i32
    %sign3A_1122 = arith.cmpi slt, %jit3A_1106, %sign3A_1121 : i32
    %sign3A_1123 = arith.extui %sign3A_1122 : i1 to i32
    %sign3A_1124 = arith.subi %sign3A_1120, %sign3A_1123 : i32
    %ne3A_1125 = vector.broadcast %sign3A_1124 : i32 to vector<16xi32>
    %ne3A_1126 = arith.cmpi ne, %sign3A_1117, %ne3A_1125 : vector<16xi32>
    %rem3A_1127 = vector.broadcast %jit3A_1106 : i32 to vector<16xi32>
    %rem3A_1128 = arith.remsi %min3A_1105, %rem3A_1127 : vector<16xi32>
    %ne3A_1129 = arith.constant 0 : i32
    %ne3A_1130 = vector.broadcast %ne3A_1129 : i32 to vector<16xi32>
    %ne3A_1131 = arith.cmpi ne, %rem3A_1128, %ne3A_1130 : vector<16xi32>
    %and3A_1132 = arith.andi %ne3A_1126, %ne3A_1131 : vector<16xi1>
    %sub3A_1133 = arith.constant 1 : i32
    %sub3A_1134 = vector.broadcast %sub3A_1133 : i32 to vector<16xi32>
    %sub3A_1135 = arith.subi %div3A_1108, %sub3A_1134 : vector<16xi32>
    %select_n3A_1136 = arith.select %and3A_1132, %sub3A_1135, %div3A_1108 : vector<16xi1>, vector<16xi32>
    %mul3A_1137 = arith.constant 384 : i32
    %mul3A_1138 = vector.broadcast %mul3A_1137 : i32 to vector<16xi32>
    %mul3A_1139 = arith.muli %select_n3A_1136, %mul3A_1138 : vector<16xi32>
    %sub3A_1140 = arith.subi %min3A_1105, %mul3A_1139 : vector<16xi32>
    %shift_right_logical3A_1141 = arith.constant 3 : i32
    %shift_right_logical3A_1142 = vector.broadcast %shift_right_logical3A_1141 : i32 to vector<16xi32>
    %shift_right_logical3A_1143 = arith.shrui %select_n3A_1136, %shift_right_logical3A_1142 : vector<16xi32>
    %mul3A_1144 = arith.constant 3 : i32
    %mul3A_1145 = vector.broadcast %mul3A_1144 : i32 to vector<16xi32>
    %mul3A_1146 = arith.muli %shift_right_logical3A_1143, %mul3A_1145 : vector<16xi32>
    %shift_right_logical3A_1147 = arith.constant 7 : i32
    %shift_right_logical3A_1148 = vector.broadcast %shift_right_logical3A_1147 : i32 to vector<16xi32>
    %shift_right_logical3A_1149 = arith.shrui %sub3A_1140, %shift_right_logical3A_1148 : vector<16xi32>
    %add3A_1150 = arith.addi %mul3A_1146, %shift_right_logical3A_1149 : vector<16xi32>
    %mul3A_1151 = arith.constant 64 : i32
    %mul3A_1152 = vector.broadcast %mul3A_1151 : i32 to vector<16xi32>
    %mul3A_1153 = arith.muli %add3A_1150, %mul3A_1152 : vector<16xi32>
    %and3A_1154 = arith.constant 7 : i32
    %and3A_1155 = vector.broadcast %and3A_1154 : i32 to vector<16xi32>
    %and3A_1156 = arith.andi %select_n3A_1136, %and3A_1155 : vector<16xi32>
    %mul3A_1157 = arith.constant 8 : i32
    %mul3A_1158 = vector.broadcast %mul3A_1157 : i32 to vector<16xi32>
    %mul3A_1159 = arith.muli %and3A_1156, %mul3A_1158 : vector<16xi32>
    %add3A_1160 = arith.addi %mul3A_1153, %mul3A_1159 : vector<16xi32>
    %and3A_1161 = arith.constant 127 : i32
    %and3A_1162 = vector.broadcast %and3A_1161 : i32 to vector<16xi32>
    %and3A_1163 = arith.andi %sub3A_1140, %and3A_1162 : vector<16xi32>
    %shift_right_logical3A_1164 = arith.constant 4 : i32
    %shift_right_logical3A_1165 = vector.broadcast %shift_right_logical3A_1164 : i32 to vector<16xi32>
    %shift_right_logical3A_1166 = arith.shrui %and3A_1163, %shift_right_logical3A_1165 : vector<16xi32>
    %add3A_1167 = arith.addi %add3A_1160, %shift_right_logical3A_1166 : vector<16xi32>
    %and3A_1168 = arith.constant 15 : i32
    %and3A_1169 = vector.broadcast %and3A_1168 : i32 to vector<16xi32>
    %and3A_1170 = arith.andi %sub3A_1140, %and3A_1169 : vector<16xi32>
    %scan3A_1171 = arith.constant 0 : i32
    %scan3A_1172 = arith.constant 0 : i32
    %scan3A_1173 = arith.constant 64 : i32
    %scan3A_1174 = arith.addi %scan3A_1172, %scan3A_1173 : i32
    %scan3A_1175 = arith.constant 1 : i32
    %scan3A_1176 = scf.for %scan3A_2410 = %scan3A_1172 to %scan3A_1174 step %scan3A_1175 iter_args(%scan3A_2411 = %scan3A_1171) -> (i32)  : i32 {
      %mul3A_2412 = arith.constant 9216 : i32
      %mul3A_2413 = arith.muli %scan3A_2410, %mul3A_2412 : i32
      %add3A_2414 = arith.addi %mul3A_39, %mul3A_2413 : i32
      %broadcast_in_dim3A = vector.broadcast %add3A_2414 : i32 to vector<16xi32>
      %add3A_2415 = arith.addi %broadcast_in_dim3A, %add3A_1167 : vector<16xi32>
      %shift_right_logical3A_2416 = arith.constant 3 : i32
      %shift_right_logical3A_2417 = arith.shrui %scan3A_2410, %shift_right_logical3A_2416 : i32
      %and3A_2418 = arith.constant 7 : i32
      %and3A_2419 = arith.andi %scan3A_2410, %and3A_2418 : i32
      %mul3A_2420 = arith.constant 16 : i32
      %mul3A_2421 = arith.muli %and3A_2419, %mul3A_2420 : i32
      %swap3A = arith.index_cast %shift_right_logical3A_2417 : i32 to index
      %swap3A_2422 = arith.index_cast %mul3A_2421 : i32 to index
      %swap3A_2423 = tpu.vector_load %arg6[%swap3A, %swap3A_2422] {strides = array<i32>} : memref<8x128xi32, #tpu.memory_space<vmem>>, vector<16xi32>,
      tpu.vector_store %arg6[%swap3A, %swap3A_2422], %add3A_2415 {strides = array<i32>} : memref<8x128xi32, #tpu.memory_space<vmem>>, vector<16xi32>,
      %scan3A_2424 = arith.constant 0 : i32
      scf.yield %scan3A_2424 : i32
    }
    %scan3A_1177 = arith.constant 64 : i32
    %dma_start3A_1178 = arith.constant 0 : i32
    %dma_start3A_1179 = arith.constant 0 : i32
    %dma_start3A_1180 = arith.constant 0 : i32
    %dma_start3A_1181 = tpu.memref_slice %arg7[%dma_start3A_1179, %dma_start3A_1180] : memref<1024x16xf32, #tpu.memory_space<vmem>> -> memref<128x16xf32, #tpu.memory_space<vmem>>
    %dma_start3A_1182 = arith.constant 0 : i32
    %dma_start3A_1183 = tpu.memref_slice %arg6[%dma_start3A_1178, %dma_start3A_1182] : memref<8x128xi32, #tpu.memory_space<vmem>> -> memref<1x128xi32, #tpu.memory_space<vmem>>
    %dma_start3A_1184 = tpu.memref_squeeze %dma_start3A_1183 : memref<1x128xi32, #tpu.memory_space<vmem>> -> memref<128xi32, #tpu.memory_space<vmem>>
    %dma_start3A_1185 = arith.constant 0 : i32
    %dma_start3A_1186 = arith.constant 0 : i32
    %dma_start3A_1187 = tpu.memref_slice %arg3[%dma_start3A_1185, %dma_start3A_1186] : memref<2359296x16xf32, #tpu.memory_space<hbm>> -> memref<2359296x16xf32, #tpu.memory_space<hbm>>
    tpu.enqueue_indirect_dma source(%dma_start3A_1187 : memref<2359296x16xf32, #tpu.memory_space<hbm>>) target(%dma_start3A_1181 : memref<128x16xf32, #tpu.memory_space<vmem>>) offsets(%dma_start3A_1184 : memref<128xi32, #tpu.memory_space<vmem>>) semaphore(%arg10 : memref<!tpu.dma_semaphore, #tpu.memory_space<semaphore_mem>>)
    %dma_start3A_1188 = arith.constant 1 : i32
    %dma_start3A_1189 = arith.constant 128 : i32
    %dma_start3A_1190 = arith.constant 0 : i32
    %dma_start3A_1191 = tpu.memref_slice %arg7[%dma_start3A_1189, %dma_start3A_1190] : memref<1024x16xf32, #tpu.memory_space<vmem>> -> memref<128x16xf32, #tpu.memory_space<vmem>>
    %dma_start3A_1192 = arith.constant 0 : i32
    %dma_start3A_1193 = tpu.memref_slice %arg6[%dma_start3A_1188, %dma_start3A_1192] : memref<8x128xi32, #tpu.memory_space<vmem>> -> memref<1x128xi32, #tpu.memory_space<vmem>>
    %dma_start3A_1194 = tpu.memref_squeeze %dma_start3A_1193 : memref<1x128xi32, #tpu.memory_space<vmem>> -> memref<128xi32, #tpu.memory_space<vmem>>
    %dma_start3A_1195 = arith.constant 0 : i32
    %dma_start3A_1196 = arith.constant 0 : i32
    %dma_start3A_1197 = tpu.memref_slice %arg3[%dma_start3A_1195, %dma_start3A_1196] : memref<2359296x16xf32, #tpu.memory_space<hbm>> -> memref<2359296x16xf32, #tpu.memory_space<hbm>>
    tpu.enqueue_indirect_dma source(%dma_start3A_1197 : memref<2359296x16xf32, #tpu.memory_space<hbm>>) target(%dma_start3A_1191 : memref<128x16xf32, #tpu.memory_space<vmem>>) offsets(%dma_start3A_1194 : memref<128xi32, #tpu.memory_space<vmem>>) semaphore(%arg10 : memref<!tpu.dma_semaphore, #tpu.memory_space<semaphore_mem>>)
    %dma_start3A_1198 = arith.constant 2 : i32
    %dma_start3A_1199 = arith.constant 256 : i32
    %dma_start3A_1200 = arith.constant 0 : i32
    %dma_start3A_1201 = tpu.memref_slice %arg7[%dma_start3A_1199, %dma_start3A_1200] : memref<1024x16xf32, #tpu.memory_space<vmem>> -> memref<128x16xf32, #tpu.memory_space<vmem>>
    %dma_start3A_1202 = arith.constant 0 : i32
    %dma_start3A_1203 = tpu.memref_slice %arg6[%dma_start3A_1198, %dma_start3A_1202] : memref<8x128xi32, #tpu.memory_space<vmem>> -> memref<1x128xi32, #tpu.memory_space<vmem>>
    %dma_start3A_1204 = tpu.memref_squeeze %dma_start3A_1203 : memref<1x128xi32, #tpu.memory_space<vmem>> -> memref<128xi32, #tpu.memory_space<vmem>>
    %dma_start3A_1205 = arith.constant 0 : i32
    %dma_start3A_1206 = arith.constant 0 : i32
    %dma_start3A_1207 = tpu.memref_slice %arg3[%dma_start3A_1205, %dma_start3A_1206] : memref<2359296x16xf32, #tpu.memory_space<hbm>> -> memref<2359296x16xf32, #tpu.memory_space<hbm>>
    tpu.enqueue_indirect_dma source(%dma_start3A_1207 : memref<2359296x16xf32, #tpu.memory_space<hbm>>) target(%dma_start3A_1201 : memref<128x16xf32, #tpu.memory_space<vmem>>) offsets(%dma_start3A_1204 : memref<128xi32, #tpu.memory_space<vmem>>) semaphore(%arg10 : memref<!tpu.dma_semaphore, #tpu.memory_space<semaphore_mem>>)
    %dma_start3A_1208 = arith.constant 3 : i32
    %dma_start3A_1209 = arith.constant 384 : i32
    %dma_start3A_1210 = arith.constant 0 : i32
    %dma_start3A_1211 = tpu.memref_slice %arg7[%dma_start3A_1209, %dma_start3A_1210] : memref<1024x16xf32, #tpu.memory_space<vmem>> -> memref<128x16xf32, #tpu.memory_space<vmem>>
    %dma_start3A_1212 = arith.constant 0 : i32
    %dma_start3A_1213 = tpu.memref_slice %arg6[%dma_start3A_1208, %dma_start3A_1212] : memref<8x128xi32, #tpu.memory_space<vmem>> -> memref<1x128xi32, #tpu.memory_space<vmem>>
    %dma_start3A_1214 = tpu.memref_squeeze %dma_start3A_1213 : memref<1x128xi32, #tpu.memory_space<vmem>> -> memref<128xi32, #tpu.memory_space<vmem>>
    %dma_start3A_1215 = arith.constant 0 : i32
    %dma_start3A_1216 = arith.constant 0 : i32
    %dma_start3A_1217 = tpu.memref_slice %arg3[%dma_start3A_1215, %dma_start3A_1216] : memref<2359296x16xf32, #tpu.memory_space<hbm>> -> memref<2359296x16xf32, #tpu.memory_space<hbm>>
    tpu.enqueue_indirect_dma source(%dma_start3A_1217 : memref<2359296x16xf32, #tpu.memory_space<hbm>>) target(%dma_start3A_1211 : memref<128x16xf32, #tpu.memory_space<vmem>>) offsets(%dma_start3A_1214 : memref<128xi32, #tpu.memory_space<vmem>>) semaphore(%arg10 : memref<!tpu.dma_semaphore, #tpu.memory_space<semaphore_mem>>)
    %dma_start3A_1218 = arith.constant 4 : i32
    %dma_start3A_1219 = arith.constant 512 : i32
    %dma_start3A_1220 = arith.constant 0 : i32
    %dma_start3A_1221 = tpu.memref_slice %arg7[%dma_start3A_1219, %dma_start3A_1220] : memref<1024x16xf32, #tpu.memory_space<vmem>> -> memref<128x16xf32, #tpu.memory_space<vmem>>
    %dma_start3A_1222 = arith.constant 0 : i32
    %dma_start3A_1223 = tpu.memref_slice %arg6[%dma_start3A_1218, %dma_start3A_1222] : memref<8x128xi32, #tpu.memory_space<vmem>> -> memref<1x128xi32, #tpu.memory_space<vmem>>
    %dma_start3A_1224 = tpu.memref_squeeze %dma_start3A_1223 : memref<1x128xi32, #tpu.memory_space<vmem>> -> memref<128xi32, #tpu.memory_space<vmem>>
    %dma_start3A_1225 = arith.constant 0 : i32
    %dma_start3A_1226 = arith.constant 0 : i32
    %dma_start3A_1227 = tpu.memref_slice %arg3[%dma_start3A_1225, %dma_start3A_1226] : memref<2359296x16xf32, #tpu.memory_space<hbm>> -> memref<2359296x16xf32, #tpu.memory_space<hbm>>
    tpu.enqueue_indirect_dma source(%dma_start3A_1227 : memref<2359296x16xf32, #tpu.memory_space<hbm>>) target(%dma_start3A_1221 : memref<128x16xf32, #tpu.memory_space<vmem>>) offsets(%dma_start3A_1224 : memref<128xi32, #tpu.memory_space<vmem>>) semaphore(%arg10 : memref<!tpu.dma_semaphore, #tpu.memory_space<semaphore_mem>>)
    %dma_start3A_1228 = arith.constant 5 : i32
    %dma_start3A_1229 = arith.constant 640 : i32
    %dma_start3A_1230 = arith.constant 0 : i32
    %dma_start3A_1231 = tpu.memref_slice %arg7[%dma_start3A_1229, %dma_start3A_1230] : memref<1024x16xf32, #tpu.memory_space<vmem>> -> memref<128x16xf32, #tpu.memory_space<vmem>>
    %dma_start3A_1232 = arith.constant 0 : i32
    %dma_start3A_1233 = tpu.memref_slice %arg6[%dma_start3A_1228, %dma_start3A_1232] : memref<8x128xi32, #tpu.memory_space<vmem>> -> memref<1x128xi32, #tpu.memory_space<vmem>>
    %dma_start3A_1234 = tpu.memref_squeeze %dma_start3A_1233 : memref<1x128xi32, #tpu.memory_space<vmem>> -> memref<128xi32, #tpu.memory_space<vmem>>
    %dma_start3A_1235 = arith.constant 0 : i32
    %dma_start3A_1236 = arith.constant 0 : i32
    %dma_start3A_1237 = tpu.memref_slice %arg3[%dma_start3A_1235, %dma_start3A_1236] : memref<2359296x16xf32, #tpu.memory_space<hbm>> -> memref<2359296x16xf32, #tpu.memory_space<hbm>>
    tpu.enqueue_indirect_dma source(%dma_start3A_1237 : memref<2359296x16xf32, #tpu.memory_space<hbm>>) target(%dma_start3A_1231 : memref<128x16xf32, #tpu.memory_space<vmem>>) offsets(%dma_start3A_1234 : memref<128xi32, #tpu.memory_space<vmem>>) semaphore(%arg10 : memref<!tpu.dma_semaphore, #tpu.memory_space<semaphore_mem>>)
    %dma_start3A_1238 = arith.constant 6 : i32
    %dma_start3A_1239 = arith.constant 768 : i32
    %dma_start3A_1240 = arith.constant 0 : i32
    %dma_start3A_1241 = tpu.memref_slice %arg7[%dma_start3A_1239, %dma_start3A_1240] : memref<1024x16xf32, #tpu.memory_space<vmem>> -> memref<128x16xf32, #tpu.memory_space<vmem>>
    %dma_start3A_1242 = arith.constant 0 : i32
    %dma_start3A_1243 = tpu.memref_slice %arg6[%dma_start3A_1238, %dma_start3A_1242] : memref<8x128xi32, #tpu.memory_space<vmem>> -> memref<1x128xi32, #tpu.memory_space<vmem>>
    %dma_start3A_1244 = tpu.memref_squeeze %dma_start3A_1243 : memref<1x128xi32, #tpu.memory_space<vmem>> -> memref<128xi32, #tpu.memory_space<vmem>>
    %dma_start3A_1245 = arith.constant 0 : i32
    %dma_start3A_1246 = arith.constant 0 : i32
    %dma_start3A_1247 = tpu.memref_slice %arg3[%dma_start3A_1245, %dma_start3A_1246] : memref<2359296x16xf32, #tpu.memory_space<hbm>> -> memref<2359296x16xf32, #tpu.memory_space<hbm>>
    tpu.enqueue_indirect_dma source(%dma_start3A_1247 : memref<2359296x16xf32, #tpu.memory_space<hbm>>) target(%dma_start3A_1241 : memref<128x16xf32, #tpu.memory_space<vmem>>) offsets(%dma_start3A_1244 : memref<128xi32, #tpu.memory_space<vmem>>) semaphore(%arg10 : memref<!tpu.dma_semaphore, #tpu.memory_space<semaphore_mem>>)
    %dma_start3A_1248 = arith.constant 7 : i32
    %dma_start3A_1249 = arith.constant 896 : i32
    %dma_start3A_1250 = arith.constant 0 : i32
    %dma_start3A_1251 = tpu.memref_slice %arg7[%dma_start3A_1249, %dma_start3A_1250] : memref<1024x16xf32, #tpu.memory_space<vmem>> -> memref<128x16xf32, #tpu.memory_space<vmem>>
    %dma_start3A_1252 = arith.constant 0 : i32
    %dma_start3A_1253 = tpu.memref_slice %arg6[%dma_start3A_1248, %dma_start3A_1252] : memref<8x128xi32, #tpu.memory_space<vmem>> -> memref<1x128xi32, #tpu.memory_space<vmem>>
    %dma_start3A_1254 = tpu.memref_squeeze %dma_start3A_1253 : memref<1x128xi32, #tpu.memory_space<vmem>> -> memref<128xi32, #tpu.memory_space<vmem>>
    %dma_start3A_1255 = arith.constant 0 : i32
    %dma_start3A_1256 = arith.constant 0 : i32
    %dma_start3A_1257 = tpu.memref_slice %arg3[%dma_start3A_1255, %dma_start3A_1256] : memref<2359296x16xf32, #tpu.memory_space<hbm>> -> memref<2359296x16xf32, #tpu.memory_space<hbm>>
    tpu.enqueue_indirect_dma source(%dma_start3A_1257 : memref<2359296x16xf32, #tpu.memory_space<hbm>>) target(%dma_start3A_1251 : memref<128x16xf32, #tpu.memory_space<vmem>>) offsets(%dma_start3A_1254 : memref<128xi32, #tpu.memory_space<vmem>>) semaphore(%arg10 : memref<!tpu.dma_semaphore, #tpu.memory_space<semaphore_mem>>)
    %dma_wait3A_1258 = arith.constant 0 : i32
    %dma_wait3A_1259 = arith.constant 0 : i32
    %dma_wait3A_1260 = arith.constant 0 : i32
    %dma_wait3A_1261 = tpu.memref_slice %arg7[%dma_wait3A_1259, %dma_wait3A_1260] : memref<1024x16xf32, #tpu.memory_space<vmem>> -> memref<128x16xf32, #tpu.memory_space<vmem>>
    %dma_wait3A_1262 = arith.constant 0 : i32
    %dma_wait3A_1263 = tpu.memref_slice %arg6[%dma_wait3A_1258, %dma_wait3A_1262] : memref<8x128xi32, #tpu.memory_space<vmem>> -> memref<1x128xi32, #tpu.memory_space<vmem>>
    %dma_wait3A_1264 = tpu.memref_squeeze %dma_wait3A_1263 : memref<1x128xi32, #tpu.memory_space<vmem>> -> memref<128xi32, #tpu.memory_space<vmem>>
    %dma_wait3A_1265 = arith.constant 0 : i32
    %dma_wait3A_1266 = arith.constant 0 : i32
    %dma_wait3A_1267 = tpu.memref_slice %arg3[%dma_wait3A_1265, %dma_wait3A_1266] : memref<2359296x16xf32, #tpu.memory_space<hbm>> -> memref<2359296x16xf32, #tpu.memory_space<hbm>>
    tpu.wait_indirect_dma semaphore(%arg10 : memref<!tpu.dma_semaphore, #tpu.memory_space<semaphore_mem>>) src(%dma_wait3A_1267 : memref<2359296x16xf32, #tpu.memory_space<hbm>>) dst(%dma_wait3A_1261 : memref<128x16xf32, #tpu.memory_space<vmem>>)
    %dma_wait3A_1268 = arith.constant 1 : i32
    %dma_wait3A_1269 = arith.constant 128 : i32
    %dma_wait3A_1270 = arith.constant 0 : i32
    %dma_wait3A_1271 = tpu.memref_slice %arg7[%dma_wait3A_1269, %dma_wait3A_1270] : memref<1024x16xf32, #tpu.memory_space<vmem>> -> memref<128x16xf32, #tpu.memory_space<vmem>>
    %dma_wait3A_1272 = arith.constant 0 : i32
    %dma_wait3A_1273 = tpu.memref_slice %arg6[%dma_wait3A_1268, %dma_wait3A_1272] : memref<8x128xi32, #tpu.memory_space<vmem>> -> memref<1x128xi32, #tpu.memory_space<vmem>>
    %dma_wait3A_1274 = tpu.memref_squeeze %dma_wait3A_1273 : memref<1x128xi32, #tpu.memory_space<vmem>> -> memref<128xi32, #tpu.memory_space<vmem>>
    %dma_wait3A_1275 = arith.constant 0 : i32
    %dma_wait3A_1276 = arith.constant 0 : i32
    %dma_wait3A_1277 = tpu.memref_slice %arg3[%dma_wait3A_1275, %dma_wait3A_1276] : memref<2359296x16xf32, #tpu.memory_space<hbm>> -> memref<2359296x16xf32, #tpu.memory_space<hbm>>
    tpu.wait_indirect_dma semaphore(%arg10 : memref<!tpu.dma_semaphore, #tpu.memory_space<semaphore_mem>>) src(%dma_wait3A_1277 : memref<2359296x16xf32, #tpu.memory_space<hbm>>) dst(%dma_wait3A_1271 : memref<128x16xf32, #tpu.memory_space<vmem>>)
    %dma_wait3A_1278 = arith.constant 2 : i32
    %dma_wait3A_1279 = arith.constant 256 : i32
    %dma_wait3A_1280 = arith.constant 0 : i32
    %dma_wait3A_1281 = tpu.memref_slice %arg7[%dma_wait3A_1279, %dma_wait3A_1280] : memref<1024x16xf32, #tpu.memory_space<vmem>> -> memref<128x16xf32, #tpu.memory_space<vmem>>
    %dma_wait3A_1282 = arith.constant 0 : i32
    %dma_wait3A_1283 = tpu.memref_slice %arg6[%dma_wait3A_1278, %dma_wait3A_1282] : memref<8x128xi32, #tpu.memory_space<vmem>> -> memref<1x128xi32, #tpu.memory_space<vmem>>
    %dma_wait3A_1284 = tpu.memref_squeeze %dma_wait3A_1283 : memref<1x128xi32, #tpu.memory_space<vmem>> -> memref<128xi32, #tpu.memory_space<vmem>>
    %dma_wait3A_1285 = arith.constant 0 : i32
    %dma_wait3A_1286 = arith.constant 0 : i32
    %dma_wait3A_1287 = tpu.memref_slice %arg3[%dma_wait3A_1285, %dma_wait3A_1286] : memref<2359296x16xf32, #tpu.memory_space<hbm>> -> memref<2359296x16xf32, #tpu.memory_space<hbm>>
    tpu.wait_indirect_dma semaphore(%arg10 : memref<!tpu.dma_semaphore, #tpu.memory_space<semaphore_mem>>) src(%dma_wait3A_1287 : memref<2359296x16xf32, #tpu.memory_space<hbm>>) dst(%dma_wait3A_1281 : memref<128x16xf32, #tpu.memory_space<vmem>>)
    %dma_wait3A_1288 = arith.constant 3 : i32
    %dma_wait3A_1289 = arith.constant 384 : i32
    %dma_wait3A_1290 = arith.constant 0 : i32
    %dma_wait3A_1291 = tpu.memref_slice %arg7[%dma_wait3A_1289, %dma_wait3A_1290] : memref<1024x16xf32, #tpu.memory_space<vmem>> -> memref<128x16xf32, #tpu.memory_space<vmem>>
    %dma_wait3A_1292 = arith.constant 0 : i32
    %dma_wait3A_1293 = tpu.memref_slice %arg6[%dma_wait3A_1288, %dma_wait3A_1292] : memref<8x128xi32, #tpu.memory_space<vmem>> -> memref<1x128xi32, #tpu.memory_space<vmem>>
    %dma_wait3A_1294 = tpu.memref_squeeze %dma_wait3A_1293 : memref<1x128xi32, #tpu.memory_space<vmem>> -> memref<128xi32, #tpu.memory_space<vmem>>
    %dma_wait3A_1295 = arith.constant 0 : i32
    %dma_wait3A_1296 = arith.constant 0 : i32
    %dma_wait3A_1297 = tpu.memref_slice %arg3[%dma_wait3A_1295, %dma_wait3A_1296] : memref<2359296x16xf32, #tpu.memory_space<hbm>> -> memref<2359296x16xf32, #tpu.memory_space<hbm>>
    tpu.wait_indirect_dma semaphore(%arg10 : memref<!tpu.dma_semaphore, #tpu.memory_space<semaphore_mem>>) src(%dma_wait3A_1297 : memref<2359296x16xf32, #tpu.memory_space<hbm>>) dst(%dma_wait3A_1291 : memref<128x16xf32, #tpu.memory_space<vmem>>)
    %dma_wait3A_1298 = arith.constant 4 : i32
    %dma_wait3A_1299 = arith.constant 512 : i32
    %dma_wait3A_1300 = arith.constant 0 : i32
    %dma_wait3A_1301 = tpu.memref_slice %arg7[%dma_wait3A_1299, %dma_wait3A_1300] : memref<1024x16xf32, #tpu.memory_space<vmem>> -> memref<128x16xf32, #tpu.memory_space<vmem>>
    %dma_wait3A_1302 = arith.constant 0 : i32
    %dma_wait3A_1303 = tpu.memref_slice %arg6[%dma_wait3A_1298, %dma_wait3A_1302] : memref<8x128xi32, #tpu.memory_space<vmem>> -> memref<1x128xi32, #tpu.memory_space<vmem>>
    %dma_wait3A_1304 = tpu.memref_squeeze %dma_wait3A_1303 : memref<1x128xi32, #tpu.memory_space<vmem>> -> memref<128xi32, #tpu.memory_space<vmem>>
    %dma_wait3A_1305 = arith.constant 0 : i32
    %dma_wait3A_1306 = arith.constant 0 : i32
    %dma_wait3A_1307 = tpu.memref_slice %arg3[%dma_wait3A_1305, %dma_wait3A_1306] : memref<2359296x16xf32, #tpu.memory_space<hbm>> -> memref<2359296x16xf32, #tpu.memory_space<hbm>>
    tpu.wait_indirect_dma semaphore(%arg10 : memref<!tpu.dma_semaphore, #tpu.memory_space<semaphore_mem>>) src(%dma_wait3A_1307 : memref<2359296x16xf32, #tpu.memory_space<hbm>>) dst(%dma_wait3A_1301 : memref<128x16xf32, #tpu.memory_space<vmem>>)
    %dma_wait3A_1308 = arith.constant 5 : i32
    %dma_wait3A_1309 = arith.constant 640 : i32
    %dma_wait3A_1310 = arith.constant 0 : i32
    %dma_wait3A_1311 = tpu.memref_slice %arg7[%dma_wait3A_1309, %dma_wait3A_1310] : memref<1024x16xf32, #tpu.memory_space<vmem>> -> memref<128x16xf32, #tpu.memory_space<vmem>>
    %dma_wait3A_1312 = arith.constant 0 : i32
    %dma_wait3A_1313 = tpu.memref_slice %arg6[%dma_wait3A_1308, %dma_wait3A_1312] : memref<8x128xi32, #tpu.memory_space<vmem>> -> memref<1x128xi32, #tpu.memory_space<vmem>>
    %dma_wait3A_1314 = tpu.memref_squeeze %dma_wait3A_1313 : memref<1x128xi32, #tpu.memory_space<vmem>> -> memref<128xi32, #tpu.memory_space<vmem>>
    %dma_wait3A_1315 = arith.constant 0 : i32
    %dma_wait3A_1316 = arith.constant 0 : i32
    %dma_wait3A_1317 = tpu.memref_slice %arg3[%dma_wait3A_1315, %dma_wait3A_1316] : memref<2359296x16xf32, #tpu.memory_space<hbm>> -> memref<2359296x16xf32, #tpu.memory_space<hbm>>
    tpu.wait_indirect_dma semaphore(%arg10 : memref<!tpu.dma_semaphore, #tpu.memory_space<semaphore_mem>>) src(%dma_wait3A_1317 : memref<2359296x16xf32, #tpu.memory_space<hbm>>) dst(%dma_wait3A_1311 : memref<128x16xf32, #tpu.memory_space<vmem>>)
    %dma_wait3A_1318 = arith.constant 6 : i32
    %dma_wait3A_1319 = arith.constant 768 : i32
    %dma_wait3A_1320 = arith.constant 0 : i32
    %dma_wait3A_1321 = tpu.memref_slice %arg7[%dma_wait3A_1319, %dma_wait3A_1320] : memref<1024x16xf32, #tpu.memory_space<vmem>> -> memref<128x16xf32, #tpu.memory_space<vmem>>
    %dma_wait3A_1322 = arith.constant 0 : i32
    %dma_wait3A_1323 = tpu.memref_slice %arg6[%dma_wait3A_1318, %dma_wait3A_1322] : memref<8x128xi32, #tpu.memory_space<vmem>> -> memref<1x128xi32, #tpu.memory_space<vmem>>
    %dma_wait3A_1324 = tpu.memref_squeeze %dma_wait3A_1323 : memref<1x128xi32, #tpu.memory_space<vmem>> -> memref<128xi32, #tpu.memory_space<vmem>>
    %dma_wait3A_1325 = arith.constant 0 : i32
    %dma_wait3A_1326 = arith.constant 0 : i32
    %dma_wait3A_1327 = tpu.memref_slice %arg3[%dma_wait3A_1325, %dma_wait3A_1326] : memref<2359296x16xf32, #tpu.memory_space<hbm>> -> memref<2359296x16xf32, #tpu.memory_space<hbm>>
    tpu.wait_indirect_dma semaphore(%arg10 : memref<!tpu.dma_semaphore, #tpu.memory_space<semaphore_mem>>) src(%dma_wait3A_1327 : memref<2359296x16xf32, #tpu.memory_space<hbm>>) dst(%dma_wait3A_1321 : memref<128x16xf32, #tpu.memory_space<vmem>>)
    %dma_wait3A_1328 = arith.constant 7 : i32
    %dma_wait3A_1329 = arith.constant 896 : i32
    %dma_wait3A_1330 = arith.constant 0 : i32
    %dma_wait3A_1331 = tpu.memref_slice %arg7[%dma_wait3A_1329, %dma_wait3A_1330] : memref<1024x16xf32, #tpu.memory_space<vmem>> -> memref<128x16xf32, #tpu.memory_space<vmem>>
    %dma_wait3A_1332 = arith.constant 0 : i32
    %dma_wait3A_1333 = tpu.memref_slice %arg6[%dma_wait3A_1328, %dma_wait3A_1332] : memref<8x128xi32, #tpu.memory_space<vmem>> -> memref<1x128xi32, #tpu.memory_space<vmem>>
    %dma_wait3A_1334 = tpu.memref_squeeze %dma_wait3A_1333 : memref<1x128xi32, #tpu.memory_space<vmem>> -> memref<128xi32, #tpu.memory_space<vmem>>
    %dma_wait3A_1335 = arith.constant 0 : i32
    %dma_wait3A_1336 = arith.constant 0 : i32
    %dma_wait3A_1337 = tpu.memref_slice %arg3[%dma_wait3A_1335, %dma_wait3A_1336] : memref<2359296x16xf32, #tpu.memory_space<hbm>> -> memref<2359296x16xf32, #tpu.memory_space<hbm>>
    tpu.wait_indirect_dma semaphore(%arg10 : memref<!tpu.dma_semaphore, #tpu.memory_space<semaphore_mem>>) src(%dma_wait3A_1337 : memref<2359296x16xf32, #tpu.memory_space<hbm>>) dst(%dma_wait3A_1331 : memref<128x16xf32, #tpu.memory_space<vmem>>)
    %scan3A_1338 = arith.constant 0 : i32
    %scan3A_1339 = arith.constant 0 : i32
    %scan3A_1340 = arith.constant 64 : i32
    %scan3A_1341 = arith.addi %scan3A_1339, %scan3A_1340 : i32
    %scan3A_1342 = arith.constant 1 : i32
    %scan3A_1343 = scf.for %scan3A_2410 = %scan3A_1339 to %scan3A_1341 step %scan3A_1342 iter_args(%scan3A_2411 = %scan3A_1338) -> (i32)  : i32 {
      %mul3A_2412 = arith.constant 16 : i32
      %mul3A_2413 = arith.muli %scan3A_2410, %mul3A_2412 : i32
      %add3A_2414 = vector.broadcast %mul3A_2413 : i32 to vector<16xi32>
      %add3A_2415 = arith.addi %add3A_2414, %iota3A : vector<16xi32>
      %gather3A_2416 = tpu.vector_load_idx %arg7[%add3A_2415, %and3A_1170] : memref<1024x16xf32, #tpu.memory_space<vmem>>[vector<16xi32>, vector<16xi32>], vector<16xf32>,
      %swap3A = arith.index_cast %scan3A_2410 : i32 to index
      %swap3A_2417 = arith.constant 0 : index
      %swap3A_2418 = tpu.vector_load %arg8[%swap3A, %swap3A_2417] {strides = array<i32>} : memref<64x16xf32, #tpu.memory_space<vmem>>, vector<16xf32>,
      tpu.vector_store %arg8[%swap3A, %swap3A_2417], %gather3A_2416 {strides = array<i32>} : memref<64x16xf32, #tpu.memory_space<vmem>>, vector<16xf32>,
      %scan3A_2419 = arith.constant 0 : i32
      scf.yield %scan3A_2419 : i32
    }
    %scan3A_1344 = arith.constant 64 : i32
    %scan3A_1345 = arith.constant 0 : i32
    %scan3A_1346 = arith.constant 0 : i32
    %scan3A_1347 = arith.constant 64 : i32
    %scan3A_1348 = arith.addi %scan3A_1346, %scan3A_1347 : i32
    %scan3A_1349 = arith.constant 1 : i32
    %scan3A_1350 = scf.for %scan3A_2410 = %scan3A_1346 to %scan3A_1348 step %scan3A_1349 iter_args(%scan3A_2411 = %scan3A_1345) -> (i32)  : i32 {
      %broadcast_in_dim3A = vector.broadcast %scan3A_2410 : i32 to vector<16xi32>
      %get3A = arith.index_cast %scan3A_2410 : i32 to index
      %get3A_2412 = arith.constant 0 : index
      %get3A_2413 = tpu.vector_load %arg8[%get3A, %get3A_2412] {strides = array<i32>} : memref<64x16xf32, #tpu.memory_space<vmem>>, vector<16xf32>,
      tpu.vector_store_idx %arg9[%iota3A, %broadcast_in_dim3A], %get3A_2413 : memref<16x128xf32, #tpu.memory_space<vmem>>[vector<16xi32>, vector<16xi32>], vector<16xf32>,
      %scan3A_2414 = arith.constant 0 : i32
      scf.yield %scan3A_2414 : i32
    }
    %scan3A_1351 = arith.constant 64 : i32
    %add3A_1352 = arith.constant 128 : i32
    %add3A_1353 = arith.addi %add3A_1352, %add3A : i32
    "tpu.region"() ({
      %run_scoped3A = tpu.sem_alloc : memref<!tpu.dma_semaphore, #tpu.memory_space<semaphore_mem>>
      %dma_start3A_2410 = arith.constant 0 : i32
      %dma_start3A_2411 = arith.constant 0 : i32
      %dma_start3A_2412 = tpu.memref_slice %arg4[%add3A_1353, %dma_start3A_2410, %dma_start3A_2411] : memref<288x16x128xf32, #tpu.memory_space<hbm>> -> memref<1x16x128xf32, #tpu.memory_space<hbm>>
      %dma_start3A_2413 = tpu.memref_squeeze %dma_start3A_2412 : memref<1x16x128xf32, #tpu.memory_space<hbm>> -> memref<16x128xf32, #tpu.memory_space<hbm>>
      %dma_start3A_2414 = arith.constant 0 : i32
      %dma_start3A_2415 = arith.constant 0 : i32
      %dma_start3A_2416 = tpu.memref_slice %arg4[%add3A_1353, %dma_start3A_2414, %dma_start3A_2415] : memref<288x16x128xf32, #tpu.memory_space<hbm>> -> memref<1x16x128xf32, #tpu.memory_space<hbm>>
      %dma_start3A_2417 = tpu.memref_squeeze %dma_start3A_2416 : memref<1x16x128xf32, #tpu.memory_space<hbm>> -> memref<16x128xf32, #tpu.memory_space<hbm>>
      tpu.enqueue_dma source(%arg9 : memref<16x128xf32, #tpu.memory_space<vmem>>) target(%dma_start3A_2417 : memref<16x128xf32, #tpu.memory_space<hbm>>) target_semaphore(%run_scoped3A : memref<!tpu.dma_semaphore, #tpu.memory_space<semaphore_mem>>)
      %dma_wait3A_2418 = arith.constant 0 : i32
      %dma_wait3A_2419 = arith.constant 0 : i32
      %dma_wait3A_2420 = tpu.memref_slice %arg4[%add3A_1353, %dma_wait3A_2418, %dma_wait3A_2419] : memref<288x16x128xf32, #tpu.memory_space<hbm>> -> memref<1x16x128xf32, #tpu.memory_space<hbm>>
      %dma_wait3A_2421 = tpu.memref_squeeze %dma_wait3A_2420 : memref<1x16x128xf32, #tpu.memory_space<hbm>> -> memref<16x128xf32, #tpu.memory_space<hbm>>
      %dma_wait3A_2422 = arith.constant 0 : i32
      %dma_wait3A_2423 = arith.constant 0 : i32
      %dma_wait3A_2424 = tpu.memref_slice %arg4[%add3A_1353, %dma_wait3A_2422, %dma_wait3A_2423] : memref<288x16x128xf32, #tpu.memory_space<hbm>> -> memref<1x16x128xf32, #tpu.memory_space<hbm>>
      %dma_wait3A_2425 = tpu.memref_squeeze %dma_wait3A_2424 : memref<1x16x128xf32, #tpu.memory_space<hbm>> -> memref<16x128xf32, #tpu.memory_space<hbm>>
      tpu.wait_dma2 semaphore(%run_scoped3A : memref<!tpu.dma_semaphore, #tpu.memory_space<semaphore_mem>>) src(%arg9 : memref<16x128xf32, #tpu.memory_space<vmem>>) dst(%dma_wait3A_2425 : memref<16x128xf32, #tpu.memory_space<hbm>>)
      tpu.yield
    }) : () -> ()
    %add3A_1354 = arith.constant 0 : i32
    %add3A_1355 = vector.broadcast %add3A_1354 : i32 to vector<16xi32>
    %add3A_1356 = arith.addi %convert_element_type3A, %add3A_1355 : vector<16xi32>
    %mul3A_1357 = arith.constant 384 : i32
    %mul3A_1358 = vector.broadcast %mul3A_1357 : i32 to vector<16xi32>
    %mul3A_1359 = arith.muli %add3A_1356, %mul3A_1358 : vector<16xi32>
    %add3A_1360 = arith.constant 9 : i32
    %add3A_1361 = vector.broadcast %add3A_1360 : i32 to vector<16xi32>
    %add3A_1362 = arith.addi %convert_element_type3A_37, %add3A_1361 : vector<16xi32>
    %add3A_1363 = arith.addi %mul3A_1359, %add3A_1362 : vector<16xi32>
    %jit3A_1364 = arith.constant 0 : i32
    %jit3A_1365 = arith.constant 147455 : i32
    %max3A_1366 = vector.broadcast %jit3A_1364 : i32 to vector<16xi32>
    %max3A_1367 = arith.maxsi %max3A_1366, %add3A_1363 : vector<16xi32>
    %min3A_1368 = vector.broadcast %jit3A_1365 : i32 to vector<16xi32>
    %min3A_1369 = arith.minsi %min3A_1368, %max3A_1367 : vector<16xi32>
    %jit3A_1370 = arith.constant 384 : i32
    %div3A_1371 = vector.broadcast %jit3A_1370 : i32 to vector<16xi32>
    %div3A_1372 = arith.divsi %min3A_1369, %div3A_1371 : vector<16xi32>
    %sign3A_1373 = arith.constant 0 : i32
    %sign3A_1374 = vector.broadcast %sign3A_1373 : i32 to vector<16xi32>
    %sign3A_1375 = arith.cmpi sgt, %min3A_1369, %sign3A_1374 : vector<16xi32>
    %sign3A_1376 = arith.extui %sign3A_1375 : vector<16xi1> to vector<16xi32>
    %sign3A_1377 = arith.constant 0 : i32
    %sign3A_1378 = vector.broadcast %sign3A_1377 : i32 to vector<16xi32>
    %sign3A_1379 = arith.cmpi slt, %min3A_1369, %sign3A_1378 : vector<16xi32>
    %sign3A_1380 = arith.extui %sign3A_1379 : vector<16xi1> to vector<16xi32>
    %sign3A_1381 = arith.subi %sign3A_1376, %sign3A_1380 : vector<16xi32>
    %sign3A_1382 = arith.constant 0 : i32
    %sign3A_1383 = arith.cmpi sgt, %jit3A_1370, %sign3A_1382 : i32
    %sign3A_1384 = arith.extui %sign3A_1383 : i1 to i32
    %sign3A_1385 = arith.constant 0 : i32
    %sign3A_1386 = arith.cmpi slt, %jit3A_1370, %sign3A_1385 : i32
    %sign3A_1387 = arith.extui %sign3A_1386 : i1 to i32
    %sign3A_1388 = arith.subi %sign3A_1384, %sign3A_1387 : i32
    %ne3A_1389 = vector.broadcast %sign3A_1388 : i32 to vector<16xi32>
    %ne3A_1390 = arith.cmpi ne, %sign3A_1381, %ne3A_1389 : vector<16xi32>
    %rem3A_1391 = vector.broadcast %jit3A_1370 : i32 to vector<16xi32>
    %rem3A_1392 = arith.remsi %min3A_1369, %rem3A_1391 : vector<16xi32>
    %ne3A_1393 = arith.constant 0 : i32
    %ne3A_1394 = vector.broadcast %ne3A_1393 : i32 to vector<16xi32>
    %ne3A_1395 = arith.cmpi ne, %rem3A_1392, %ne3A_1394 : vector<16xi32>
    %and3A_1396 = arith.andi %ne3A_1390, %ne3A_1395 : vector<16xi1>
    %sub3A_1397 = arith.constant 1 : i32
    %sub3A_1398 = vector.broadcast %sub3A_1397 : i32 to vector<16xi32>
    %sub3A_1399 = arith.subi %div3A_1372, %sub3A_1398 : vector<16xi32>
    %select_n3A_1400 = arith.select %and3A_1396, %sub3A_1399, %div3A_1372 : vector<16xi1>, vector<16xi32>
    %mul3A_1401 = arith.constant 384 : i32
    %mul3A_1402 = vector.broadcast %mul3A_1401 : i32 to vector<16xi32>
    %mul3A_1403 = arith.muli %select_n3A_1400, %mul3A_1402 : vector<16xi32>
    %sub3A_1404 = arith.subi %min3A_1369, %mul3A_1403 : vector<16xi32>
    %shift_right_logical3A_1405 = arith.constant 3 : i32
    %shift_right_logical3A_1406 = vector.broadcast %shift_right_logical3A_1405 : i32 to vector<16xi32>
    %shift_right_logical3A_1407 = arith.shrui %select_n3A_1400, %shift_right_logical3A_1406 : vector<16xi32>
    %mul3A_1408 = arith.constant 3 : i32
    %mul3A_1409 = vector.broadcast %mul3A_1408 : i32 to vector<16xi32>
    %mul3A_1410 = arith.muli %shift_right_logical3A_1407, %mul3A_1409 : vector<16xi32>
    %shift_right_logical3A_1411 = arith.constant 7 : i32
    %shift_right_logical3A_1412 = vector.broadcast %shift_right_logical3A_1411 : i32 to vector<16xi32>
    %shift_right_logical3A_1413 = arith.shrui %sub3A_1404, %shift_right_logical3A_1412 : vector<16xi32>
    %add3A_1414 = arith.addi %mul3A_1410, %shift_right_logical3A_1413 : vector<16xi32>
    %mul3A_1415 = arith.constant 64 : i32
    %mul3A_1416 = vector.broadcast %mul3A_1415 : i32 to vector<16xi32>
    %mul3A_1417 = arith.muli %add3A_1414, %mul3A_1416 : vector<16xi32>
    %and3A_1418 = arith.constant 7 : i32
    %and3A_1419 = vector.broadcast %and3A_1418 : i32 to vector<16xi32>
    %and3A_1420 = arith.andi %select_n3A_1400, %and3A_1419 : vector<16xi32>
    %mul3A_1421 = arith.constant 8 : i32
    %mul3A_1422 = vector.broadcast %mul3A_1421 : i32 to vector<16xi32>
    %mul3A_1423 = arith.muli %and3A_1420, %mul3A_1422 : vector<16xi32>
    %add3A_1424 = arith.addi %mul3A_1417, %mul3A_1423 : vector<16xi32>
    %and3A_1425 = arith.constant 127 : i32
    %and3A_1426 = vector.broadcast %and3A_1425 : i32 to vector<16xi32>
    %and3A_1427 = arith.andi %sub3A_1404, %and3A_1426 : vector<16xi32>
    %shift_right_logical3A_1428 = arith.constant 4 : i32
    %shift_right_logical3A_1429 = vector.broadcast %shift_right_logical3A_1428 : i32 to vector<16xi32>
    %shift_right_logical3A_1430 = arith.shrui %and3A_1427, %shift_right_logical3A_1429 : vector<16xi32>
    %add3A_1431 = arith.addi %add3A_1424, %shift_right_logical3A_1430 : vector<16xi32>
    %and3A_1432 = arith.constant 15 : i32
    %and3A_1433 = vector.broadcast %and3A_1432 : i32 to vector<16xi32>
    %and3A_1434 = arith.andi %sub3A_1404, %and3A_1433 : vector<16xi32>
    %scan3A_1435 = arith.constant 0 : i32
    %scan3A_1436 = arith.constant 0 : i32
    %scan3A_1437 = arith.constant 64 : i32
    %scan3A_1438 = arith.addi %scan3A_1436, %scan3A_1437 : i32
    %scan3A_1439 = arith.constant 1 : i32
    %scan3A_1440 = scf.for %scan3A_2410 = %scan3A_1436 to %scan3A_1438 step %scan3A_1439 iter_args(%scan3A_2411 = %scan3A_1435) -> (i32)  : i32 {
      %mul3A_2412 = arith.constant 9216 : i32
      %mul3A_2413 = arith.muli %scan3A_2410, %mul3A_2412 : i32
      %add3A_2414 = arith.addi %mul3A_39, %mul3A_2413 : i32
      %broadcast_in_dim3A = vector.broadcast %add3A_2414 : i32 to vector<16xi32>
      %add3A_2415 = arith.addi %broadcast_in_dim3A, %add3A_1431 : vector<16xi32>
      %shift_right_logical3A_2416 = arith.constant 3 : i32
      %shift_right_logical3A_2417 = arith.shrui %scan3A_2410, %shift_right_logical3A_2416 : i32
      %and3A_2418 = arith.constant 7 : i32
      %and3A_2419 = arith.andi %scan3A_2410, %and3A_2418 : i32
      %mul3A_2420 = arith.constant 16 : i32
      %mul3A_2421 = arith.muli %and3A_2419, %mul3A_2420 : i32
      %swap3A = arith.index_cast %shift_right_logical3A_2417 : i32 to index
      %swap3A_2422 = arith.index_cast %mul3A_2421 : i32 to index
      %swap3A_2423 = tpu.vector_load %arg6[%swap3A, %swap3A_2422] {strides = array<i32>} : memref<8x128xi32, #tpu.memory_space<vmem>>, vector<16xi32>,
      tpu.vector_store %arg6[%swap3A, %swap3A_2422], %add3A_2415 {strides = array<i32>} : memref<8x128xi32, #tpu.memory_space<vmem>>, vector<16xi32>,
      %scan3A_2424 = arith.constant 0 : i32
      scf.yield %scan3A_2424 : i32
    }
    %scan3A_1441 = arith.constant 64 : i32
    %dma_start3A_1442 = arith.constant 0 : i32
    %dma_start3A_1443 = arith.constant 0 : i32
    %dma_start3A_1444 = arith.constant 0 : i32
    %dma_start3A_1445 = tpu.memref_slice %arg7[%dma_start3A_1443, %dma_start3A_1444] : memref<1024x16xf32, #tpu.memory_space<vmem>> -> memref<128x16xf32, #tpu.memory_space<vmem>>
    %dma_start3A_1446 = arith.constant 0 : i32
    %dma_start3A_1447 = tpu.memref_slice %arg6[%dma_start3A_1442, %dma_start3A_1446] : memref<8x128xi32, #tpu.memory_space<vmem>> -> memref<1x128xi32, #tpu.memory_space<vmem>>
    %dma_start3A_1448 = tpu.memref_squeeze %dma_start3A_1447 : memref<1x128xi32, #tpu.memory_space<vmem>> -> memref<128xi32, #tpu.memory_space<vmem>>
    %dma_start3A_1449 = arith.constant 0 : i32
    %dma_start3A_1450 = arith.constant 0 : i32
    %dma_start3A_1451 = tpu.memref_slice %arg3[%dma_start3A_1449, %dma_start3A_1450] : memref<2359296x16xf32, #tpu.memory_space<hbm>> -> memref<2359296x16xf32, #tpu.memory_space<hbm>>
    tpu.enqueue_indirect_dma source(%dma_start3A_1451 : memref<2359296x16xf32, #tpu.memory_space<hbm>>) target(%dma_start3A_1445 : memref<128x16xf32, #tpu.memory_space<vmem>>) offsets(%dma_start3A_1448 : memref<128xi32, #tpu.memory_space<vmem>>) semaphore(%arg10 : memref<!tpu.dma_semaphore, #tpu.memory_space<semaphore_mem>>)
    %dma_start3A_1452 = arith.constant 1 : i32
    %dma_start3A_1453 = arith.constant 128 : i32
    %dma_start3A_1454 = arith.constant 0 : i32
    %dma_start3A_1455 = tpu.memref_slice %arg7[%dma_start3A_1453, %dma_start3A_1454] : memref<1024x16xf32, #tpu.memory_space<vmem>> -> memref<128x16xf32, #tpu.memory_space<vmem>>
    %dma_start3A_1456 = arith.constant 0 : i32
    %dma_start3A_1457 = tpu.memref_slice %arg6[%dma_start3A_1452, %dma_start3A_1456] : memref<8x128xi32, #tpu.memory_space<vmem>> -> memref<1x128xi32, #tpu.memory_space<vmem>>
    %dma_start3A_1458 = tpu.memref_squeeze %dma_start3A_1457 : memref<1x128xi32, #tpu.memory_space<vmem>> -> memref<128xi32, #tpu.memory_space<vmem>>
    %dma_start3A_1459 = arith.constant 0 : i32
    %dma_start3A_1460 = arith.constant 0 : i32
    %dma_start3A_1461 = tpu.memref_slice %arg3[%dma_start3A_1459, %dma_start3A_1460] : memref<2359296x16xf32, #tpu.memory_space<hbm>> -> memref<2359296x16xf32, #tpu.memory_space<hbm>>
    tpu.enqueue_indirect_dma source(%dma_start3A_1461 : memref<2359296x16xf32, #tpu.memory_space<hbm>>) target(%dma_start3A_1455 : memref<128x16xf32, #tpu.memory_space<vmem>>) offsets(%dma_start3A_1458 : memref<128xi32, #tpu.memory_space<vmem>>) semaphore(%arg10 : memref<!tpu.dma_semaphore, #tpu.memory_space<semaphore_mem>>)
    %dma_start3A_1462 = arith.constant 2 : i32
    %dma_start3A_1463 = arith.constant 256 : i32
    %dma_start3A_1464 = arith.constant 0 : i32
    %dma_start3A_1465 = tpu.memref_slice %arg7[%dma_start3A_1463, %dma_start3A_1464] : memref<1024x16xf32, #tpu.memory_space<vmem>> -> memref<128x16xf32, #tpu.memory_space<vmem>>
    %dma_start3A_1466 = arith.constant 0 : i32
    %dma_start3A_1467 = tpu.memref_slice %arg6[%dma_start3A_1462, %dma_start3A_1466] : memref<8x128xi32, #tpu.memory_space<vmem>> -> memref<1x128xi32, #tpu.memory_space<vmem>>
    %dma_start3A_1468 = tpu.memref_squeeze %dma_start3A_1467 : memref<1x128xi32, #tpu.memory_space<vmem>> -> memref<128xi32, #tpu.memory_space<vmem>>
    %dma_start3A_1469 = arith.constant 0 : i32
    %dma_start3A_1470 = arith.constant 0 : i32
    %dma_start3A_1471 = tpu.memref_slice %arg3[%dma_start3A_1469, %dma_start3A_1470] : memref<2359296x16xf32, #tpu.memory_space<hbm>> -> memref<2359296x16xf32, #tpu.memory_space<hbm>>
    tpu.enqueue_indirect_dma source(%dma_start3A_1471 : memref<2359296x16xf32, #tpu.memory_space<hbm>>) target(%dma_start3A_1465 : memref<128x16xf32, #tpu.memory_space<vmem>>) offsets(%dma_start3A_1468 : memref<128xi32, #tpu.memory_space<vmem>>) semaphore(%arg10 : memref<!tpu.dma_semaphore, #tpu.memory_space<semaphore_mem>>)
    %dma_start3A_1472 = arith.constant 3 : i32
    %dma_start3A_1473 = arith.constant 384 : i32
    %dma_start3A_1474 = arith.constant 0 : i32
    %dma_start3A_1475 = tpu.memref_slice %arg7[%dma_start3A_1473, %dma_start3A_1474] : memref<1024x16xf32, #tpu.memory_space<vmem>> -> memref<128x16xf32, #tpu.memory_space<vmem>>
    %dma_start3A_1476 = arith.constant 0 : i32
    %dma_start3A_1477 = tpu.memref_slice %arg6[%dma_start3A_1472, %dma_start3A_1476] : memref<8x128xi32, #tpu.memory_space<vmem>> -> memref<1x128xi32, #tpu.memory_space<vmem>>
    %dma_start3A_1478 = tpu.memref_squeeze %dma_start3A_1477 : memref<1x128xi32, #tpu.memory_space<vmem>> -> memref<128xi32, #tpu.memory_space<vmem>>
    %dma_start3A_1479 = arith.constant 0 : i32
    %dma_start3A_1480 = arith.constant 0 : i32
    %dma_start3A_1481 = tpu.memref_slice %arg3[%dma_start3A_1479, %dma_start3A_1480] : memref<2359296x16xf32, #tpu.memory_space<hbm>> -> memref<2359296x16xf32, #tpu.memory_space<hbm>>
    tpu.enqueue_indirect_dma source(%dma_start3A_1481 : memref<2359296x16xf32, #tpu.memory_space<hbm>>) target(%dma_start3A_1475 : memref<128x16xf32, #tpu.memory_space<vmem>>) offsets(%dma_start3A_1478 : memref<128xi32, #tpu.memory_space<vmem>>) semaphore(%arg10 : memref<!tpu.dma_semaphore, #tpu.memory_space<semaphore_mem>>)
    %dma_start3A_1482 = arith.constant 4 : i32
    %dma_start3A_1483 = arith.constant 512 : i32
    %dma_start3A_1484 = arith.constant 0 : i32
    %dma_start3A_1485 = tpu.memref_slice %arg7[%dma_start3A_1483, %dma_start3A_1484] : memref<1024x16xf32, #tpu.memory_space<vmem>> -> memref<128x16xf32, #tpu.memory_space<vmem>>
    %dma_start3A_1486 = arith.constant 0 : i32
    %dma_start3A_1487 = tpu.memref_slice %arg6[%dma_start3A_1482, %dma_start3A_1486] : memref<8x128xi32, #tpu.memory_space<vmem>> -> memref<1x128xi32, #tpu.memory_space<vmem>>
    %dma_start3A_1488 = tpu.memref_squeeze %dma_start3A_1487 : memref<1x128xi32, #tpu.memory_space<vmem>> -> memref<128xi32, #tpu.memory_space<vmem>>
    %dma_start3A_1489 = arith.constant 0 : i32
    %dma_start3A_1490 = arith.constant 0 : i32
    %dma_start3A_1491 = tpu.memref_slice %arg3[%dma_start3A_1489, %dma_start3A_1490] : memref<2359296x16xf32, #tpu.memory_space<hbm>> -> memref<2359296x16xf32, #tpu.memory_space<hbm>>
    tpu.enqueue_indirect_dma source(%dma_start3A_1491 : memref<2359296x16xf32, #tpu.memory_space<hbm>>) target(%dma_start3A_1485 : memref<128x16xf32, #tpu.memory_space<vmem>>) offsets(%dma_start3A_1488 : memref<128xi32, #tpu.memory_space<vmem>>) semaphore(%arg10 : memref<!tpu.dma_semaphore, #tpu.memory_space<semaphore_mem>>)
    %dma_start3A_1492 = arith.constant 5 : i32
    %dma_start3A_1493 = arith.constant 640 : i32
    %dma_start3A_1494 = arith.constant 0 : i32
    %dma_start3A_1495 = tpu.memref_slice %arg7[%dma_start3A_1493, %dma_start3A_1494] : memref<1024x16xf32, #tpu.memory_space<vmem>> -> memref<128x16xf32, #tpu.memory_space<vmem>>
    %dma_start3A_1496 = arith.constant 0 : i32
    %dma_start3A_1497 = tpu.memref_slice %arg6[%dma_start3A_1492, %dma_start3A_1496] : memref<8x128xi32, #tpu.memory_space<vmem>> -> memref<1x128xi32, #tpu.memory_space<vmem>>
    %dma_start3A_1498 = tpu.memref_squeeze %dma_start3A_1497 : memref<1x128xi32, #tpu.memory_space<vmem>> -> memref<128xi32, #tpu.memory_space<vmem>>
    %dma_start3A_1499 = arith.constant 0 : i32
    %dma_start3A_1500 = arith.constant 0 : i32
    %dma_start3A_1501 = tpu.memref_slice %arg3[%dma_start3A_1499, %dma_start3A_1500] : memref<2359296x16xf32, #tpu.memory_space<hbm>> -> memref<2359296x16xf32, #tpu.memory_space<hbm>>
    tpu.enqueue_indirect_dma source(%dma_start3A_1501 : memref<2359296x16xf32, #tpu.memory_space<hbm>>) target(%dma_start3A_1495 : memref<128x16xf32, #tpu.memory_space<vmem>>) offsets(%dma_start3A_1498 : memref<128xi32, #tpu.memory_space<vmem>>) semaphore(%arg10 : memref<!tpu.dma_semaphore, #tpu.memory_space<semaphore_mem>>)
    %dma_start3A_1502 = arith.constant 6 : i32
    %dma_start3A_1503 = arith.constant 768 : i32
    %dma_start3A_1504 = arith.constant 0 : i32
    %dma_start3A_1505 = tpu.memref_slice %arg7[%dma_start3A_1503, %dma_start3A_1504] : memref<1024x16xf32, #tpu.memory_space<vmem>> -> memref<128x16xf32, #tpu.memory_space<vmem>>
    %dma_start3A_1506 = arith.constant 0 : i32
    %dma_start3A_1507 = tpu.memref_slice %arg6[%dma_start3A_1502, %dma_start3A_1506] : memref<8x128xi32, #tpu.memory_space<vmem>> -> memref<1x128xi32, #tpu.memory_space<vmem>>
    %dma_start3A_1508 = tpu.memref_squeeze %dma_start3A_1507 : memref<1x128xi32, #tpu.memory_space<vmem>> -> memref<128xi32, #tpu.memory_space<vmem>>
    %dma_start3A_1509 = arith.constant 0 : i32
    %dma_start3A_1510 = arith.constant 0 : i32
    %dma_start3A_1511 = tpu.memref_slice %arg3[%dma_start3A_1509, %dma_start3A_1510] : memref<2359296x16xf32, #tpu.memory_space<hbm>> -> memref<2359296x16xf32, #tpu.memory_space<hbm>>
    tpu.enqueue_indirect_dma source(%dma_start3A_1511 : memref<2359296x16xf32, #tpu.memory_space<hbm>>) target(%dma_start3A_1505 : memref<128x16xf32, #tpu.memory_space<vmem>>) offsets(%dma_start3A_1508 : memref<128xi32, #tpu.memory_space<vmem>>) semaphore(%arg10 : memref<!tpu.dma_semaphore, #tpu.memory_space<semaphore_mem>>)
    %dma_start3A_1512 = arith.constant 7 : i32
    %dma_start3A_1513 = arith.constant 896 : i32
    %dma_start3A_1514 = arith.constant 0 : i32
    %dma_start3A_1515 = tpu.memref_slice %arg7[%dma_start3A_1513, %dma_start3A_1514] : memref<1024x16xf32, #tpu.memory_space<vmem>> -> memref<128x16xf32, #tpu.memory_space<vmem>>
    %dma_start3A_1516 = arith.constant 0 : i32
    %dma_start3A_1517 = tpu.memref_slice %arg6[%dma_start3A_1512, %dma_start3A_1516] : memref<8x128xi32, #tpu.memory_space<vmem>> -> memref<1x128xi32, #tpu.memory_space<vmem>>
    %dma_start3A_1518 = tpu.memref_squeeze %dma_start3A_1517 : memref<1x128xi32, #tpu.memory_space<vmem>> -> memref<128xi32, #tpu.memory_space<vmem>>
    %dma_start3A_1519 = arith.constant 0 : i32
    %dma_start3A_1520 = arith.constant 0 : i32
    %dma_start3A_1521 = tpu.memref_slice %arg3[%dma_start3A_1519, %dma_start3A_1520] : memref<2359296x16xf32, #tpu.memory_space<hbm>> -> memref<2359296x16xf32, #tpu.memory_space<hbm>>
    tpu.enqueue_indirect_dma source(%dma_start3A_1521 : memref<2359296x16xf32, #tpu.memory_space<hbm>>) target(%dma_start3A_1515 : memref<128x16xf32, #tpu.memory_space<vmem>>) offsets(%dma_start3A_1518 : memref<128xi32, #tpu.memory_space<vmem>>) semaphore(%arg10 : memref<!tpu.dma_semaphore, #tpu.memory_space<semaphore_mem>>)
    %dma_wait3A_1522 = arith.constant 0 : i32
    %dma_wait3A_1523 = arith.constant 0 : i32
    %dma_wait3A_1524 = arith.constant 0 : i32
    %dma_wait3A_1525 = tpu.memref_slice %arg7[%dma_wait3A_1523, %dma_wait3A_1524] : memref<1024x16xf32, #tpu.memory_space<vmem>> -> memref<128x16xf32, #tpu.memory_space<vmem>>
    %dma_wait3A_1526 = arith.constant 0 : i32
    %dma_wait3A_1527 = tpu.memref_slice %arg6[%dma_wait3A_1522, %dma_wait3A_1526] : memref<8x128xi32, #tpu.memory_space<vmem>> -> memref<1x128xi32, #tpu.memory_space<vmem>>
    %dma_wait3A_1528 = tpu.memref_squeeze %dma_wait3A_1527 : memref<1x128xi32, #tpu.memory_space<vmem>> -> memref<128xi32, #tpu.memory_space<vmem>>
    %dma_wait3A_1529 = arith.constant 0 : i32
    %dma_wait3A_1530 = arith.constant 0 : i32
    %dma_wait3A_1531 = tpu.memref_slice %arg3[%dma_wait3A_1529, %dma_wait3A_1530] : memref<2359296x16xf32, #tpu.memory_space<hbm>> -> memref<2359296x16xf32, #tpu.memory_space<hbm>>
    tpu.wait_indirect_dma semaphore(%arg10 : memref<!tpu.dma_semaphore, #tpu.memory_space<semaphore_mem>>) src(%dma_wait3A_1531 : memref<2359296x16xf32, #tpu.memory_space<hbm>>) dst(%dma_wait3A_1525 : memref<128x16xf32, #tpu.memory_space<vmem>>)
    %dma_wait3A_1532 = arith.constant 1 : i32
    %dma_wait3A_1533 = arith.constant 128 : i32
    %dma_wait3A_1534 = arith.constant 0 : i32
    %dma_wait3A_1535 = tpu.memref_slice %arg7[%dma_wait3A_1533, %dma_wait3A_1534] : memref<1024x16xf32, #tpu.memory_space<vmem>> -> memref<128x16xf32, #tpu.memory_space<vmem>>
    %dma_wait3A_1536 = arith.constant 0 : i32
    %dma_wait3A_1537 = tpu.memref_slice %arg6[%dma_wait3A_1532, %dma_wait3A_1536] : memref<8x128xi32, #tpu.memory_space<vmem>> -> memref<1x128xi32, #tpu.memory_space<vmem>>
    %dma_wait3A_1538 = tpu.memref_squeeze %dma_wait3A_1537 : memref<1x128xi32, #tpu.memory_space<vmem>> -> memref<128xi32, #tpu.memory_space<vmem>>
    %dma_wait3A_1539 = arith.constant 0 : i32
    %dma_wait3A_1540 = arith.constant 0 : i32
    %dma_wait3A_1541 = tpu.memref_slice %arg3[%dma_wait3A_1539, %dma_wait3A_1540] : memref<2359296x16xf32, #tpu.memory_space<hbm>> -> memref<2359296x16xf32, #tpu.memory_space<hbm>>
    tpu.wait_indirect_dma semaphore(%arg10 : memref<!tpu.dma_semaphore, #tpu.memory_space<semaphore_mem>>) src(%dma_wait3A_1541 : memref<2359296x16xf32, #tpu.memory_space<hbm>>) dst(%dma_wait3A_1535 : memref<128x16xf32, #tpu.memory_space<vmem>>)
    %dma_wait3A_1542 = arith.constant 2 : i32
    %dma_wait3A_1543 = arith.constant 256 : i32
    %dma_wait3A_1544 = arith.constant 0 : i32
    %dma_wait3A_1545 = tpu.memref_slice %arg7[%dma_wait3A_1543, %dma_wait3A_1544] : memref<1024x16xf32, #tpu.memory_space<vmem>> -> memref<128x16xf32, #tpu.memory_space<vmem>>
    %dma_wait3A_1546 = arith.constant 0 : i32
    %dma_wait3A_1547 = tpu.memref_slice %arg6[%dma_wait3A_1542, %dma_wait3A_1546] : memref<8x128xi32, #tpu.memory_space<vmem>> -> memref<1x128xi32, #tpu.memory_space<vmem>>
    %dma_wait3A_1548 = tpu.memref_squeeze %dma_wait3A_1547 : memref<1x128xi32, #tpu.memory_space<vmem>> -> memref<128xi32, #tpu.memory_space<vmem>>
    %dma_wait3A_1549 = arith.constant 0 : i32
    %dma_wait3A_1550 = arith.constant 0 : i32
    %dma_wait3A_1551 = tpu.memref_slice %arg3[%dma_wait3A_1549, %dma_wait3A_1550] : memref<2359296x16xf32, #tpu.memory_space<hbm>> -> memref<2359296x16xf32, #tpu.memory_space<hbm>>
    tpu.wait_indirect_dma semaphore(%arg10 : memref<!tpu.dma_semaphore, #tpu.memory_space<semaphore_mem>>) src(%dma_wait3A_1551 : memref<2359296x16xf32, #tpu.memory_space<hbm>>) dst(%dma_wait3A_1545 : memref<128x16xf32, #tpu.memory_space<vmem>>)
    %dma_wait3A_1552 = arith.constant 3 : i32
    %dma_wait3A_1553 = arith.constant 384 : i32
    %dma_wait3A_1554 = arith.constant 0 : i32
    %dma_wait3A_1555 = tpu.memref_slice %arg7[%dma_wait3A_1553, %dma_wait3A_1554] : memref<1024x16xf32, #tpu.memory_space<vmem>> -> memref<128x16xf32, #tpu.memory_space<vmem>>
    %dma_wait3A_1556 = arith.constant 0 : i32
    %dma_wait3A_1557 = tpu.memref_slice %arg6[%dma_wait3A_1552, %dma_wait3A_1556] : memref<8x128xi32, #tpu.memory_space<vmem>> -> memref<1x128xi32, #tpu.memory_space<vmem>>
    %dma_wait3A_1558 = tpu.memref_squeeze %dma_wait3A_1557 : memref<1x128xi32, #tpu.memory_space<vmem>> -> memref<128xi32, #tpu.memory_space<vmem>>
    %dma_wait3A_1559 = arith.constant 0 : i32
    %dma_wait3A_1560 = arith.constant 0 : i32
    %dma_wait3A_1561 = tpu.memref_slice %arg3[%dma_wait3A_1559, %dma_wait3A_1560] : memref<2359296x16xf32, #tpu.memory_space<hbm>> -> memref<2359296x16xf32, #tpu.memory_space<hbm>>
    tpu.wait_indirect_dma semaphore(%arg10 : memref<!tpu.dma_semaphore, #tpu.memory_space<semaphore_mem>>) src(%dma_wait3A_1561 : memref<2359296x16xf32, #tpu.memory_space<hbm>>) dst(%dma_wait3A_1555 : memref<128x16xf32, #tpu.memory_space<vmem>>)
    %dma_wait3A_1562 = arith.constant 4 : i32
    %dma_wait3A_1563 = arith.constant 512 : i32
    %dma_wait3A_1564 = arith.constant 0 : i32
    %dma_wait3A_1565 = tpu.memref_slice %arg7[%dma_wait3A_1563, %dma_wait3A_1564] : memref<1024x16xf32, #tpu.memory_space<vmem>> -> memref<128x16xf32, #tpu.memory_space<vmem>>
    %dma_wait3A_1566 = arith.constant 0 : i32
    %dma_wait3A_1567 = tpu.memref_slice %arg6[%dma_wait3A_1562, %dma_wait3A_1566] : memref<8x128xi32, #tpu.memory_space<vmem>> -> memref<1x128xi32, #tpu.memory_space<vmem>>
    %dma_wait3A_1568 = tpu.memref_squeeze %dma_wait3A_1567 : memref<1x128xi32, #tpu.memory_space<vmem>> -> memref<128xi32, #tpu.memory_space<vmem>>
    %dma_wait3A_1569 = arith.constant 0 : i32
    %dma_wait3A_1570 = arith.constant 0 : i32
    %dma_wait3A_1571 = tpu.memref_slice %arg3[%dma_wait3A_1569, %dma_wait3A_1570] : memref<2359296x16xf32, #tpu.memory_space<hbm>> -> memref<2359296x16xf32, #tpu.memory_space<hbm>>
    tpu.wait_indirect_dma semaphore(%arg10 : memref<!tpu.dma_semaphore, #tpu.memory_space<semaphore_mem>>) src(%dma_wait3A_1571 : memref<2359296x16xf32, #tpu.memory_space<hbm>>) dst(%dma_wait3A_1565 : memref<128x16xf32, #tpu.memory_space<vmem>>)
    %dma_wait3A_1572 = arith.constant 5 : i32
    %dma_wait3A_1573 = arith.constant 640 : i32
    %dma_wait3A_1574 = arith.constant 0 : i32
    %dma_wait3A_1575 = tpu.memref_slice %arg7[%dma_wait3A_1573, %dma_wait3A_1574] : memref<1024x16xf32, #tpu.memory_space<vmem>> -> memref<128x16xf32, #tpu.memory_space<vmem>>
    %dma_wait3A_1576 = arith.constant 0 : i32
    %dma_wait3A_1577 = tpu.memref_slice %arg6[%dma_wait3A_1572, %dma_wait3A_1576] : memref<8x128xi32, #tpu.memory_space<vmem>> -> memref<1x128xi32, #tpu.memory_space<vmem>>
    %dma_wait3A_1578 = tpu.memref_squeeze %dma_wait3A_1577 : memref<1x128xi32, #tpu.memory_space<vmem>> -> memref<128xi32, #tpu.memory_space<vmem>>
    %dma_wait3A_1579 = arith.constant 0 : i32
    %dma_wait3A_1580 = arith.constant 0 : i32
    %dma_wait3A_1581 = tpu.memref_slice %arg3[%dma_wait3A_1579, %dma_wait3A_1580] : memref<2359296x16xf32, #tpu.memory_space<hbm>> -> memref<2359296x16xf32, #tpu.memory_space<hbm>>
    tpu.wait_indirect_dma semaphore(%arg10 : memref<!tpu.dma_semaphore, #tpu.memory_space<semaphore_mem>>) src(%dma_wait3A_1581 : memref<2359296x16xf32, #tpu.memory_space<hbm>>) dst(%dma_wait3A_1575 : memref<128x16xf32, #tpu.memory_space<vmem>>)
    %dma_wait3A_1582 = arith.constant 6 : i32
    %dma_wait3A_1583 = arith.constant 768 : i32
    %dma_wait3A_1584 = arith.constant 0 : i32
    %dma_wait3A_1585 = tpu.memref_slice %arg7[%dma_wait3A_1583, %dma_wait3A_1584] : memref<1024x16xf32, #tpu.memory_space<vmem>> -> memref<128x16xf32, #tpu.memory_space<vmem>>
    %dma_wait3A_1586 = arith.constant 0 : i32
    %dma_wait3A_1587 = tpu.memref_slice %arg6[%dma_wait3A_1582, %dma_wait3A_1586] : memref<8x128xi32, #tpu.memory_space<vmem>> -> memref<1x128xi32, #tpu.memory_space<vmem>>
    %dma_wait3A_1588 = tpu.memref_squeeze %dma_wait3A_1587 : memref<1x128xi32, #tpu.memory_space<vmem>> -> memref<128xi32, #tpu.memory_space<vmem>>
    %dma_wait3A_1589 = arith.constant 0 : i32
    %dma_wait3A_1590 = arith.constant 0 : i32
    %dma_wait3A_1591 = tpu.memref_slice %arg3[%dma_wait3A_1589, %dma_wait3A_1590] : memref<2359296x16xf32, #tpu.memory_space<hbm>> -> memref<2359296x16xf32, #tpu.memory_space<hbm>>
    tpu.wait_indirect_dma semaphore(%arg10 : memref<!tpu.dma_semaphore, #tpu.memory_space<semaphore_mem>>) src(%dma_wait3A_1591 : memref<2359296x16xf32, #tpu.memory_space<hbm>>) dst(%dma_wait3A_1585 : memref<128x16xf32, #tpu.memory_space<vmem>>)
    %dma_wait3A_1592 = arith.constant 7 : i32
    %dma_wait3A_1593 = arith.constant 896 : i32
    %dma_wait3A_1594 = arith.constant 0 : i32
    %dma_wait3A_1595 = tpu.memref_slice %arg7[%dma_wait3A_1593, %dma_wait3A_1594] : memref<1024x16xf32, #tpu.memory_space<vmem>> -> memref<128x16xf32, #tpu.memory_space<vmem>>
    %dma_wait3A_1596 = arith.constant 0 : i32
    %dma_wait3A_1597 = tpu.memref_slice %arg6[%dma_wait3A_1592, %dma_wait3A_1596] : memref<8x128xi32, #tpu.memory_space<vmem>> -> memref<1x128xi32, #tpu.memory_space<vmem>>
    %dma_wait3A_1598 = tpu.memref_squeeze %dma_wait3A_1597 : memref<1x128xi32, #tpu.memory_space<vmem>> -> memref<128xi32, #tpu.memory_space<vmem>>
    %dma_wait3A_1599 = arith.constant 0 : i32
    %dma_wait3A_1600 = arith.constant 0 : i32
    %dma_wait3A_1601 = tpu.memref_slice %arg3[%dma_wait3A_1599, %dma_wait3A_1600] : memref<2359296x16xf32, #tpu.memory_space<hbm>> -> memref<2359296x16xf32, #tpu.memory_space<hbm>>
    tpu.wait_indirect_dma semaphore(%arg10 : memref<!tpu.dma_semaphore, #tpu.memory_space<semaphore_mem>>) src(%dma_wait3A_1601 : memref<2359296x16xf32, #tpu.memory_space<hbm>>) dst(%dma_wait3A_1595 : memref<128x16xf32, #tpu.memory_space<vmem>>)
    %scan3A_1602 = arith.constant 0 : i32
    %scan3A_1603 = arith.constant 0 : i32
    %scan3A_1604 = arith.constant 64 : i32
    %scan3A_1605 = arith.addi %scan3A_1603, %scan3A_1604 : i32
    %scan3A_1606 = arith.constant 1 : i32
    %scan3A_1607 = scf.for %scan3A_2410 = %scan3A_1603 to %scan3A_1605 step %scan3A_1606 iter_args(%scan3A_2411 = %scan3A_1602) -> (i32)  : i32 {
      %mul3A_2412 = arith.constant 16 : i32
      %mul3A_2413 = arith.muli %scan3A_2410, %mul3A_2412 : i32
      %add3A_2414 = vector.broadcast %mul3A_2413 : i32 to vector<16xi32>
      %add3A_2415 = arith.addi %add3A_2414, %iota3A : vector<16xi32>
      %gather3A_2416 = tpu.vector_load_idx %arg7[%add3A_2415, %and3A_1434] : memref<1024x16xf32, #tpu.memory_space<vmem>>[vector<16xi32>, vector<16xi32>], vector<16xf32>,
      %swap3A = arith.index_cast %scan3A_2410 : i32 to index
      %swap3A_2417 = arith.constant 0 : index
      %swap3A_2418 = tpu.vector_load %arg8[%swap3A, %swap3A_2417] {strides = array<i32>} : memref<64x16xf32, #tpu.memory_space<vmem>>, vector<16xf32>,
      tpu.vector_store %arg8[%swap3A, %swap3A_2417], %gather3A_2416 {strides = array<i32>} : memref<64x16xf32, #tpu.memory_space<vmem>>, vector<16xf32>,
      %scan3A_2419 = arith.constant 0 : i32
      scf.yield %scan3A_2419 : i32
    }
    %scan3A_1608 = arith.constant 64 : i32
    %scan3A_1609 = arith.constant 0 : i32
    %scan3A_1610 = arith.constant 0 : i32
    %scan3A_1611 = arith.constant 64 : i32
    %scan3A_1612 = arith.addi %scan3A_1610, %scan3A_1611 : i32
    %scan3A_1613 = arith.constant 1 : i32
    %scan3A_1614 = scf.for %scan3A_2410 = %scan3A_1610 to %scan3A_1612 step %scan3A_1613 iter_args(%scan3A_2411 = %scan3A_1609) -> (i32)  : i32 {
      %broadcast_in_dim3A = vector.broadcast %scan3A_2410 : i32 to vector<16xi32>
      %get3A = arith.index_cast %scan3A_2410 : i32 to index
      %get3A_2412 = arith.constant 0 : index
      %get3A_2413 = tpu.vector_load %arg8[%get3A, %get3A_2412] {strides = array<i32>} : memref<64x16xf32, #tpu.memory_space<vmem>>, vector<16xf32>,
      tpu.vector_store_idx %arg9[%iota3A, %broadcast_in_dim3A], %get3A_2413 : memref<16x128xf32, #tpu.memory_space<vmem>>[vector<16xi32>, vector<16xi32>], vector<16xf32>,
      %scan3A_2414 = arith.constant 0 : i32
      scf.yield %scan3A_2414 : i32
    }
    %scan3A_1615 = arith.constant 64 : i32
    %add3A_1616 = arith.constant 160 : i32
    %add3A_1617 = arith.addi %add3A_1616, %add3A : i32
    "tpu.region"() ({
      %run_scoped3A = tpu.sem_alloc : memref<!tpu.dma_semaphore, #tpu.memory_space<semaphore_mem>>
      %dma_start3A_2410 = arith.constant 0 : i32
      %dma_start3A_2411 = arith.constant 0 : i32
      %dma_start3A_2412 = tpu.memref_slice %arg4[%add3A_1617, %dma_start3A_2410, %dma_start3A_2411] : memref<288x16x128xf32, #tpu.memory_space<hbm>> -> memref<1x16x128xf32, #tpu.memory_space<hbm>>
      %dma_start3A_2413 = tpu.memref_squeeze %dma_start3A_2412 : memref<1x16x128xf32, #tpu.memory_space<hbm>> -> memref<16x128xf32, #tpu.memory_space<hbm>>
      %dma_start3A_2414 = arith.constant 0 : i32
      %dma_start3A_2415 = arith.constant 0 : i32
      %dma_start3A_2416 = tpu.memref_slice %arg4[%add3A_1617, %dma_start3A_2414, %dma_start3A_2415] : memref<288x16x128xf32, #tpu.memory_space<hbm>> -> memref<1x16x128xf32, #tpu.memory_space<hbm>>
      %dma_start3A_2417 = tpu.memref_squeeze %dma_start3A_2416 : memref<1x16x128xf32, #tpu.memory_space<hbm>> -> memref<16x128xf32, #tpu.memory_space<hbm>>
      tpu.enqueue_dma source(%arg9 : memref<16x128xf32, #tpu.memory_space<vmem>>) target(%dma_start3A_2417 : memref<16x128xf32, #tpu.memory_space<hbm>>) target_semaphore(%run_scoped3A : memref<!tpu.dma_semaphore, #tpu.memory_space<semaphore_mem>>)
      %dma_wait3A_2418 = arith.constant 0 : i32
      %dma_wait3A_2419 = arith.constant 0 : i32
      %dma_wait3A_2420 = tpu.memref_slice %arg4[%add3A_1617, %dma_wait3A_2418, %dma_wait3A_2419] : memref<288x16x128xf32, #tpu.memory_space<hbm>> -> memref<1x16x128xf32, #tpu.memory_space<hbm>>
      %dma_wait3A_2421 = tpu.memref_squeeze %dma_wait3A_2420 : memref<1x16x128xf32, #tpu.memory_space<hbm>> -> memref<16x128xf32, #tpu.memory_space<hbm>>
      %dma_wait3A_2422 = arith.constant 0 : i32
      %dma_wait3A_2423 = arith.constant 0 : i32
      %dma_wait3A_2424 = tpu.memref_slice %arg4[%add3A_1617, %dma_wait3A_2422, %dma_wait3A_2423] : memref<288x16x128xf32, #tpu.memory_space<hbm>> -> memref<1x16x128xf32, #tpu.memory_space<hbm>>
      %dma_wait3A_2425 = tpu.memref_squeeze %dma_wait3A_2424 : memref<1x16x128xf32, #tpu.memory_space<hbm>> -> memref<16x128xf32, #tpu.memory_space<hbm>>
      tpu.wait_dma2 semaphore(%run_scoped3A : memref<!tpu.dma_semaphore, #tpu.memory_space<semaphore_mem>>) src(%arg9 : memref<16x128xf32, #tpu.memory_space<vmem>>) dst(%dma_wait3A_2425 : memref<16x128xf32, #tpu.memory_space<hbm>>)
      tpu.yield
    }) : () -> ()
    %add3A_1618 = arith.constant 9 : i32
    %add3A_1619 = vector.broadcast %add3A_1618 : i32 to vector<16xi32>
    %add3A_1620 = arith.addi %convert_element_type3A, %add3A_1619 : vector<16xi32>
    %mul3A_1621 = arith.constant 384 : i32
    %mul3A_1622 = vector.broadcast %mul3A_1621 : i32 to vector<16xi32>
    %mul3A_1623 = arith.muli %add3A_1620, %mul3A_1622 : vector<16xi32>
    %add3A_1624 = arith.constant -9 : i32
    %add3A_1625 = vector.broadcast %add3A_1624 : i32 to vector<16xi32>
    %add3A_1626 = arith.addi %convert_element_type3A_37, %add3A_1625 : vector<16xi32>
    %add3A_1627 = arith.addi %mul3A_1623, %add3A_1626 : vector<16xi32>
    %jit3A_1628 = arith.constant 0 : i32
    %jit3A_1629 = arith.constant 147455 : i32
    %max3A_1630 = vector.broadcast %jit3A_1628 : i32 to vector<16xi32>
    %max3A_1631 = arith.maxsi %max3A_1630, %add3A_1627 : vector<16xi32>
    %min3A_1632 = vector.broadcast %jit3A_1629 : i32 to vector<16xi32>
    %min3A_1633 = arith.minsi %min3A_1632, %max3A_1631 : vector<16xi32>
    %jit3A_1634 = arith.constant 384 : i32
    %div3A_1635 = vector.broadcast %jit3A_1634 : i32 to vector<16xi32>
    %div3A_1636 = arith.divsi %min3A_1633, %div3A_1635 : vector<16xi32>
    %sign3A_1637 = arith.constant 0 : i32
    %sign3A_1638 = vector.broadcast %sign3A_1637 : i32 to vector<16xi32>
    %sign3A_1639 = arith.cmpi sgt, %min3A_1633, %sign3A_1638 : vector<16xi32>
    %sign3A_1640 = arith.extui %sign3A_1639 : vector<16xi1> to vector<16xi32>
    %sign3A_1641 = arith.constant 0 : i32
    %sign3A_1642 = vector.broadcast %sign3A_1641 : i32 to vector<16xi32>
    %sign3A_1643 = arith.cmpi slt, %min3A_1633, %sign3A_1642 : vector<16xi32>
    %sign3A_1644 = arith.extui %sign3A_1643 : vector<16xi1> to vector<16xi32>
    %sign3A_1645 = arith.subi %sign3A_1640, %sign3A_1644 : vector<16xi32>
    %sign3A_1646 = arith.constant 0 : i32
    %sign3A_1647 = arith.cmpi sgt, %jit3A_1634, %sign3A_1646 : i32
    %sign3A_1648 = arith.extui %sign3A_1647 : i1 to i32
    %sign3A_1649 = arith.constant 0 : i32
    %sign3A_1650 = arith.cmpi slt, %jit3A_1634, %sign3A_1649 : i32
    %sign3A_1651 = arith.extui %sign3A_1650 : i1 to i32
    %sign3A_1652 = arith.subi %sign3A_1648, %sign3A_1651 : i32
    %ne3A_1653 = vector.broadcast %sign3A_1652 : i32 to vector<16xi32>
    %ne3A_1654 = arith.cmpi ne, %sign3A_1645, %ne3A_1653 : vector<16xi32>
    %rem3A_1655 = vector.broadcast %jit3A_1634 : i32 to vector<16xi32>
    %rem3A_1656 = arith.remsi %min3A_1633, %rem3A_1655 : vector<16xi32>
    %ne3A_1657 = arith.constant 0 : i32
    %ne3A_1658 = vector.broadcast %ne3A_1657 : i32 to vector<16xi32>
    %ne3A_1659 = arith.cmpi ne, %rem3A_1656, %ne3A_1658 : vector<16xi32>
    %and3A_1660 = arith.andi %ne3A_1654, %ne3A_1659 : vector<16xi1>
    %sub3A_1661 = arith.constant 1 : i32
    %sub3A_1662 = vector.broadcast %sub3A_1661 : i32 to vector<16xi32>
    %sub3A_1663 = arith.subi %div3A_1636, %sub3A_1662 : vector<16xi32>
    %select_n3A_1664 = arith.select %and3A_1660, %sub3A_1663, %div3A_1636 : vector<16xi1>, vector<16xi32>
    %mul3A_1665 = arith.constant 384 : i32
    %mul3A_1666 = vector.broadcast %mul3A_1665 : i32 to vector<16xi32>
    %mul3A_1667 = arith.muli %select_n3A_1664, %mul3A_1666 : vector<16xi32>
    %sub3A_1668 = arith.subi %min3A_1633, %mul3A_1667 : vector<16xi32>
    %shift_right_logical3A_1669 = arith.constant 3 : i32
    %shift_right_logical3A_1670 = vector.broadcast %shift_right_logical3A_1669 : i32 to vector<16xi32>
    %shift_right_logical3A_1671 = arith.shrui %select_n3A_1664, %shift_right_logical3A_1670 : vector<16xi32>
    %mul3A_1672 = arith.constant 3 : i32
    %mul3A_1673 = vector.broadcast %mul3A_1672 : i32 to vector<16xi32>
    %mul3A_1674 = arith.muli %shift_right_logical3A_1671, %mul3A_1673 : vector<16xi32>
    %shift_right_logical3A_1675 = arith.constant 7 : i32
    %shift_right_logical3A_1676 = vector.broadcast %shift_right_logical3A_1675 : i32 to vector<16xi32>
    %shift_right_logical3A_1677 = arith.shrui %sub3A_1668, %shift_right_logical3A_1676 : vector<16xi32>
    %add3A_1678 = arith.addi %mul3A_1674, %shift_right_logical3A_1677 : vector<16xi32>
    %mul3A_1679 = arith.constant 64 : i32
    %mul3A_1680 = vector.broadcast %mul3A_1679 : i32 to vector<16xi32>
    %mul3A_1681 = arith.muli %add3A_1678, %mul3A_1680 : vector<16xi32>
    %and3A_1682 = arith.constant 7 : i32
    %and3A_1683 = vector.broadcast %and3A_1682 : i32 to vector<16xi32>
    %and3A_1684 = arith.andi %select_n3A_1664, %and3A_1683 : vector<16xi32>
    %mul3A_1685 = arith.constant 8 : i32
    %mul3A_1686 = vector.broadcast %mul3A_1685 : i32 to vector<16xi32>
    %mul3A_1687 = arith.muli %and3A_1684, %mul3A_1686 : vector<16xi32>
    %add3A_1688 = arith.addi %mul3A_1681, %mul3A_1687 : vector<16xi32>
    %and3A_1689 = arith.constant 127 : i32
    %and3A_1690 = vector.broadcast %and3A_1689 : i32 to vector<16xi32>
    %and3A_1691 = arith.andi %sub3A_1668, %and3A_1690 : vector<16xi32>
    %shift_right_logical3A_1692 = arith.constant 4 : i32
    %shift_right_logical3A_1693 = vector.broadcast %shift_right_logical3A_1692 : i32 to vector<16xi32>
    %shift_right_logical3A_1694 = arith.shrui %and3A_1691, %shift_right_logical3A_1693 : vector<16xi32>
    %add3A_1695 = arith.addi %add3A_1688, %shift_right_logical3A_1694 : vector<16xi32>
    %and3A_1696 = arith.constant 15 : i32
    %and3A_1697 = vector.broadcast %and3A_1696 : i32 to vector<16xi32>
    %and3A_1698 = arith.andi %sub3A_1668, %and3A_1697 : vector<16xi32>
    %scan3A_1699 = arith.constant 0 : i32
    %scan3A_1700 = arith.constant 0 : i32
    %scan3A_1701 = arith.constant 64 : i32
    %scan3A_1702 = arith.addi %scan3A_1700, %scan3A_1701 : i32
    %scan3A_1703 = arith.constant 1 : i32
    %scan3A_1704 = scf.for %scan3A_2410 = %scan3A_1700 to %scan3A_1702 step %scan3A_1703 iter_args(%scan3A_2411 = %scan3A_1699) -> (i32)  : i32 {
      %mul3A_2412 = arith.constant 9216 : i32
      %mul3A_2413 = arith.muli %scan3A_2410, %mul3A_2412 : i32
      %add3A_2414 = arith.addi %mul3A_39, %mul3A_2413 : i32
      %broadcast_in_dim3A = vector.broadcast %add3A_2414 : i32 to vector<16xi32>
      %add3A_2415 = arith.addi %broadcast_in_dim3A, %add3A_1695 : vector<16xi32>
      %shift_right_logical3A_2416 = arith.constant 3 : i32
      %shift_right_logical3A_2417 = arith.shrui %scan3A_2410, %shift_right_logical3A_2416 : i32
      %and3A_2418 = arith.constant 7 : i32
      %and3A_2419 = arith.andi %scan3A_2410, %and3A_2418 : i32
      %mul3A_2420 = arith.constant 16 : i32
      %mul3A_2421 = arith.muli %and3A_2419, %mul3A_2420 : i32
      %swap3A = arith.index_cast %shift_right_logical3A_2417 : i32 to index
      %swap3A_2422 = arith.index_cast %mul3A_2421 : i32 to index
      %swap3A_2423 = tpu.vector_load %arg6[%swap3A, %swap3A_2422] {strides = array<i32>} : memref<8x128xi32, #tpu.memory_space<vmem>>, vector<16xi32>,
      tpu.vector_store %arg6[%swap3A, %swap3A_2422], %add3A_2415 {strides = array<i32>} : memref<8x128xi32, #tpu.memory_space<vmem>>, vector<16xi32>,
      %scan3A_2424 = arith.constant 0 : i32
      scf.yield %scan3A_2424 : i32
    }
    %scan3A_1705 = arith.constant 64 : i32
    %dma_start3A_1706 = arith.constant 0 : i32
    %dma_start3A_1707 = arith.constant 0 : i32
    %dma_start3A_1708 = arith.constant 0 : i32
    %dma_start3A_1709 = tpu.memref_slice %arg7[%dma_start3A_1707, %dma_start3A_1708] : memref<1024x16xf32, #tpu.memory_space<vmem>> -> memref<128x16xf32, #tpu.memory_space<vmem>>
    %dma_start3A_1710 = arith.constant 0 : i32
    %dma_start3A_1711 = tpu.memref_slice %arg6[%dma_start3A_1706, %dma_start3A_1710] : memref<8x128xi32, #tpu.memory_space<vmem>> -> memref<1x128xi32, #tpu.memory_space<vmem>>
    %dma_start3A_1712 = tpu.memref_squeeze %dma_start3A_1711 : memref<1x128xi32, #tpu.memory_space<vmem>> -> memref<128xi32, #tpu.memory_space<vmem>>
    %dma_start3A_1713 = arith.constant 0 : i32
    %dma_start3A_1714 = arith.constant 0 : i32
    %dma_start3A_1715 = tpu.memref_slice %arg3[%dma_start3A_1713, %dma_start3A_1714] : memref<2359296x16xf32, #tpu.memory_space<hbm>> -> memref<2359296x16xf32, #tpu.memory_space<hbm>>
    tpu.enqueue_indirect_dma source(%dma_start3A_1715 : memref<2359296x16xf32, #tpu.memory_space<hbm>>) target(%dma_start3A_1709 : memref<128x16xf32, #tpu.memory_space<vmem>>) offsets(%dma_start3A_1712 : memref<128xi32, #tpu.memory_space<vmem>>) semaphore(%arg10 : memref<!tpu.dma_semaphore, #tpu.memory_space<semaphore_mem>>)
    %dma_start3A_1716 = arith.constant 1 : i32
    %dma_start3A_1717 = arith.constant 128 : i32
    %dma_start3A_1718 = arith.constant 0 : i32
    %dma_start3A_1719 = tpu.memref_slice %arg7[%dma_start3A_1717, %dma_start3A_1718] : memref<1024x16xf32, #tpu.memory_space<vmem>> -> memref<128x16xf32, #tpu.memory_space<vmem>>
    %dma_start3A_1720 = arith.constant 0 : i32
    %dma_start3A_1721 = tpu.memref_slice %arg6[%dma_start3A_1716, %dma_start3A_1720] : memref<8x128xi32, #tpu.memory_space<vmem>> -> memref<1x128xi32, #tpu.memory_space<vmem>>
    %dma_start3A_1722 = tpu.memref_squeeze %dma_start3A_1721 : memref<1x128xi32, #tpu.memory_space<vmem>> -> memref<128xi32, #tpu.memory_space<vmem>>
    %dma_start3A_1723 = arith.constant 0 : i32
    %dma_start3A_1724 = arith.constant 0 : i32
    %dma_start3A_1725 = tpu.memref_slice %arg3[%dma_start3A_1723, %dma_start3A_1724] : memref<2359296x16xf32, #tpu.memory_space<hbm>> -> memref<2359296x16xf32, #tpu.memory_space<hbm>>
    tpu.enqueue_indirect_dma source(%dma_start3A_1725 : memref<2359296x16xf32, #tpu.memory_space<hbm>>) target(%dma_start3A_1719 : memref<128x16xf32, #tpu.memory_space<vmem>>) offsets(%dma_start3A_1722 : memref<128xi32, #tpu.memory_space<vmem>>) semaphore(%arg10 : memref<!tpu.dma_semaphore, #tpu.memory_space<semaphore_mem>>)
    %dma_start3A_1726 = arith.constant 2 : i32
    %dma_start3A_1727 = arith.constant 256 : i32
    %dma_start3A_1728 = arith.constant 0 : i32
    %dma_start3A_1729 = tpu.memref_slice %arg7[%dma_start3A_1727, %dma_start3A_1728] : memref<1024x16xf32, #tpu.memory_space<vmem>> -> memref<128x16xf32, #tpu.memory_space<vmem>>
    %dma_start3A_1730 = arith.constant 0 : i32
    %dma_start3A_1731 = tpu.memref_slice %arg6[%dma_start3A_1726, %dma_start3A_1730] : memref<8x128xi32, #tpu.memory_space<vmem>> -> memref<1x128xi32, #tpu.memory_space<vmem>>
    %dma_start3A_1732 = tpu.memref_squeeze %dma_start3A_1731 : memref<1x128xi32, #tpu.memory_space<vmem>> -> memref<128xi32, #tpu.memory_space<vmem>>
    %dma_start3A_1733 = arith.constant 0 : i32
    %dma_start3A_1734 = arith.constant 0 : i32
    %dma_start3A_1735 = tpu.memref_slice %arg3[%dma_start3A_1733, %dma_start3A_1734] : memref<2359296x16xf32, #tpu.memory_space<hbm>> -> memref<2359296x16xf32, #tpu.memory_space<hbm>>
    tpu.enqueue_indirect_dma source(%dma_start3A_1735 : memref<2359296x16xf32, #tpu.memory_space<hbm>>) target(%dma_start3A_1729 : memref<128x16xf32, #tpu.memory_space<vmem>>) offsets(%dma_start3A_1732 : memref<128xi32, #tpu.memory_space<vmem>>) semaphore(%arg10 : memref<!tpu.dma_semaphore, #tpu.memory_space<semaphore_mem>>)
    %dma_start3A_1736 = arith.constant 3 : i32
    %dma_start3A_1737 = arith.constant 384 : i32
    %dma_start3A_1738 = arith.constant 0 : i32
    %dma_start3A_1739 = tpu.memref_slice %arg7[%dma_start3A_1737, %dma_start3A_1738] : memref<1024x16xf32, #tpu.memory_space<vmem>> -> memref<128x16xf32, #tpu.memory_space<vmem>>
    %dma_start3A_1740 = arith.constant 0 : i32
    %dma_start3A_1741 = tpu.memref_slice %arg6[%dma_start3A_1736, %dma_start3A_1740] : memref<8x128xi32, #tpu.memory_space<vmem>> -> memref<1x128xi32, #tpu.memory_space<vmem>>
    %dma_start3A_1742 = tpu.memref_squeeze %dma_start3A_1741 : memref<1x128xi32, #tpu.memory_space<vmem>> -> memref<128xi32, #tpu.memory_space<vmem>>
    %dma_start3A_1743 = arith.constant 0 : i32
    %dma_start3A_1744 = arith.constant 0 : i32
    %dma_start3A_1745 = tpu.memref_slice %arg3[%dma_start3A_1743, %dma_start3A_1744] : memref<2359296x16xf32, #tpu.memory_space<hbm>> -> memref<2359296x16xf32, #tpu.memory_space<hbm>>
    tpu.enqueue_indirect_dma source(%dma_start3A_1745 : memref<2359296x16xf32, #tpu.memory_space<hbm>>) target(%dma_start3A_1739 : memref<128x16xf32, #tpu.memory_space<vmem>>) offsets(%dma_start3A_1742 : memref<128xi32, #tpu.memory_space<vmem>>) semaphore(%arg10 : memref<!tpu.dma_semaphore, #tpu.memory_space<semaphore_mem>>)
    %dma_start3A_1746 = arith.constant 4 : i32
    %dma_start3A_1747 = arith.constant 512 : i32
    %dma_start3A_1748 = arith.constant 0 : i32
    %dma_start3A_1749 = tpu.memref_slice %arg7[%dma_start3A_1747, %dma_start3A_1748] : memref<1024x16xf32, #tpu.memory_space<vmem>> -> memref<128x16xf32, #tpu.memory_space<vmem>>
    %dma_start3A_1750 = arith.constant 0 : i32
    %dma_start3A_1751 = tpu.memref_slice %arg6[%dma_start3A_1746, %dma_start3A_1750] : memref<8x128xi32, #tpu.memory_space<vmem>> -> memref<1x128xi32, #tpu.memory_space<vmem>>
    %dma_start3A_1752 = tpu.memref_squeeze %dma_start3A_1751 : memref<1x128xi32, #tpu.memory_space<vmem>> -> memref<128xi32, #tpu.memory_space<vmem>>
    %dma_start3A_1753 = arith.constant 0 : i32
    %dma_start3A_1754 = arith.constant 0 : i32
    %dma_start3A_1755 = tpu.memref_slice %arg3[%dma_start3A_1753, %dma_start3A_1754] : memref<2359296x16xf32, #tpu.memory_space<hbm>> -> memref<2359296x16xf32, #tpu.memory_space<hbm>>
    tpu.enqueue_indirect_dma source(%dma_start3A_1755 : memref<2359296x16xf32, #tpu.memory_space<hbm>>) target(%dma_start3A_1749 : memref<128x16xf32, #tpu.memory_space<vmem>>) offsets(%dma_start3A_1752 : memref<128xi32, #tpu.memory_space<vmem>>) semaphore(%arg10 : memref<!tpu.dma_semaphore, #tpu.memory_space<semaphore_mem>>)
    %dma_start3A_1756 = arith.constant 5 : i32
    %dma_start3A_1757 = arith.constant 640 : i32
    %dma_start3A_1758 = arith.constant 0 : i32
    %dma_start3A_1759 = tpu.memref_slice %arg7[%dma_start3A_1757, %dma_start3A_1758] : memref<1024x16xf32, #tpu.memory_space<vmem>> -> memref<128x16xf32, #tpu.memory_space<vmem>>
    %dma_start3A_1760 = arith.constant 0 : i32
    %dma_start3A_1761 = tpu.memref_slice %arg6[%dma_start3A_1756, %dma_start3A_1760] : memref<8x128xi32, #tpu.memory_space<vmem>> -> memref<1x128xi32, #tpu.memory_space<vmem>>
    %dma_start3A_1762 = tpu.memref_squeeze %dma_start3A_1761 : memref<1x128xi32, #tpu.memory_space<vmem>> -> memref<128xi32, #tpu.memory_space<vmem>>
    %dma_start3A_1763 = arith.constant 0 : i32
    %dma_start3A_1764 = arith.constant 0 : i32
    %dma_start3A_1765 = tpu.memref_slice %arg3[%dma_start3A_1763, %dma_start3A_1764] : memref<2359296x16xf32, #tpu.memory_space<hbm>> -> memref<2359296x16xf32, #tpu.memory_space<hbm>>
    tpu.enqueue_indirect_dma source(%dma_start3A_1765 : memref<2359296x16xf32, #tpu.memory_space<hbm>>) target(%dma_start3A_1759 : memref<128x16xf32, #tpu.memory_space<vmem>>) offsets(%dma_start3A_1762 : memref<128xi32, #tpu.memory_space<vmem>>) semaphore(%arg10 : memref<!tpu.dma_semaphore, #tpu.memory_space<semaphore_mem>>)
    %dma_start3A_1766 = arith.constant 6 : i32
    %dma_start3A_1767 = arith.constant 768 : i32
    %dma_start3A_1768 = arith.constant 0 : i32
    %dma_start3A_1769 = tpu.memref_slice %arg7[%dma_start3A_1767, %dma_start3A_1768] : memref<1024x16xf32, #tpu.memory_space<vmem>> -> memref<128x16xf32, #tpu.memory_space<vmem>>
    %dma_start3A_1770 = arith.constant 0 : i32
    %dma_start3A_1771 = tpu.memref_slice %arg6[%dma_start3A_1766, %dma_start3A_1770] : memref<8x128xi32, #tpu.memory_space<vmem>> -> memref<1x128xi32, #tpu.memory_space<vmem>>
    %dma_start3A_1772 = tpu.memref_squeeze %dma_start3A_1771 : memref<1x128xi32, #tpu.memory_space<vmem>> -> memref<128xi32, #tpu.memory_space<vmem>>
    %dma_start3A_1773 = arith.constant 0 : i32
    %dma_start3A_1774 = arith.constant 0 : i32
    %dma_start3A_1775 = tpu.memref_slice %arg3[%dma_start3A_1773, %dma_start3A_1774] : memref<2359296x16xf32, #tpu.memory_space<hbm>> -> memref<2359296x16xf32, #tpu.memory_space<hbm>>
    tpu.enqueue_indirect_dma source(%dma_start3A_1775 : memref<2359296x16xf32, #tpu.memory_space<hbm>>) target(%dma_start3A_1769 : memref<128x16xf32, #tpu.memory_space<vmem>>) offsets(%dma_start3A_1772 : memref<128xi32, #tpu.memory_space<vmem>>) semaphore(%arg10 : memref<!tpu.dma_semaphore, #tpu.memory_space<semaphore_mem>>)
    %dma_start3A_1776 = arith.constant 7 : i32
    %dma_start3A_1777 = arith.constant 896 : i32
    %dma_start3A_1778 = arith.constant 0 : i32
    %dma_start3A_1779 = tpu.memref_slice %arg7[%dma_start3A_1777, %dma_start3A_1778] : memref<1024x16xf32, #tpu.memory_space<vmem>> -> memref<128x16xf32, #tpu.memory_space<vmem>>
    %dma_start3A_1780 = arith.constant 0 : i32
    %dma_start3A_1781 = tpu.memref_slice %arg6[%dma_start3A_1776, %dma_start3A_1780] : memref<8x128xi32, #tpu.memory_space<vmem>> -> memref<1x128xi32, #tpu.memory_space<vmem>>
    %dma_start3A_1782 = tpu.memref_squeeze %dma_start3A_1781 : memref<1x128xi32, #tpu.memory_space<vmem>> -> memref<128xi32, #tpu.memory_space<vmem>>
    %dma_start3A_1783 = arith.constant 0 : i32
    %dma_start3A_1784 = arith.constant 0 : i32
    %dma_start3A_1785 = tpu.memref_slice %arg3[%dma_start3A_1783, %dma_start3A_1784] : memref<2359296x16xf32, #tpu.memory_space<hbm>> -> memref<2359296x16xf32, #tpu.memory_space<hbm>>
    tpu.enqueue_indirect_dma source(%dma_start3A_1785 : memref<2359296x16xf32, #tpu.memory_space<hbm>>) target(%dma_start3A_1779 : memref<128x16xf32, #tpu.memory_space<vmem>>) offsets(%dma_start3A_1782 : memref<128xi32, #tpu.memory_space<vmem>>) semaphore(%arg10 : memref<!tpu.dma_semaphore, #tpu.memory_space<semaphore_mem>>)
    %dma_wait3A_1786 = arith.constant 0 : i32
    %dma_wait3A_1787 = arith.constant 0 : i32
    %dma_wait3A_1788 = arith.constant 0 : i32
    %dma_wait3A_1789 = tpu.memref_slice %arg7[%dma_wait3A_1787, %dma_wait3A_1788] : memref<1024x16xf32, #tpu.memory_space<vmem>> -> memref<128x16xf32, #tpu.memory_space<vmem>>
    %dma_wait3A_1790 = arith.constant 0 : i32
    %dma_wait3A_1791 = tpu.memref_slice %arg6[%dma_wait3A_1786, %dma_wait3A_1790] : memref<8x128xi32, #tpu.memory_space<vmem>> -> memref<1x128xi32, #tpu.memory_space<vmem>>
    %dma_wait3A_1792 = tpu.memref_squeeze %dma_wait3A_1791 : memref<1x128xi32, #tpu.memory_space<vmem>> -> memref<128xi32, #tpu.memory_space<vmem>>
    %dma_wait3A_1793 = arith.constant 0 : i32
    %dma_wait3A_1794 = arith.constant 0 : i32
    %dma_wait3A_1795 = tpu.memref_slice %arg3[%dma_wait3A_1793, %dma_wait3A_1794] : memref<2359296x16xf32, #tpu.memory_space<hbm>> -> memref<2359296x16xf32, #tpu.memory_space<hbm>>
    tpu.wait_indirect_dma semaphore(%arg10 : memref<!tpu.dma_semaphore, #tpu.memory_space<semaphore_mem>>) src(%dma_wait3A_1795 : memref<2359296x16xf32, #tpu.memory_space<hbm>>) dst(%dma_wait3A_1789 : memref<128x16xf32, #tpu.memory_space<vmem>>)
    %dma_wait3A_1796 = arith.constant 1 : i32
    %dma_wait3A_1797 = arith.constant 128 : i32
    %dma_wait3A_1798 = arith.constant 0 : i32
    %dma_wait3A_1799 = tpu.memref_slice %arg7[%dma_wait3A_1797, %dma_wait3A_1798] : memref<1024x16xf32, #tpu.memory_space<vmem>> -> memref<128x16xf32, #tpu.memory_space<vmem>>
    %dma_wait3A_1800 = arith.constant 0 : i32
    %dma_wait3A_1801 = tpu.memref_slice %arg6[%dma_wait3A_1796, %dma_wait3A_1800] : memref<8x128xi32, #tpu.memory_space<vmem>> -> memref<1x128xi32, #tpu.memory_space<vmem>>
    %dma_wait3A_1802 = tpu.memref_squeeze %dma_wait3A_1801 : memref<1x128xi32, #tpu.memory_space<vmem>> -> memref<128xi32, #tpu.memory_space<vmem>>
    %dma_wait3A_1803 = arith.constant 0 : i32
    %dma_wait3A_1804 = arith.constant 0 : i32
    %dma_wait3A_1805 = tpu.memref_slice %arg3[%dma_wait3A_1803, %dma_wait3A_1804] : memref<2359296x16xf32, #tpu.memory_space<hbm>> -> memref<2359296x16xf32, #tpu.memory_space<hbm>>
    tpu.wait_indirect_dma semaphore(%arg10 : memref<!tpu.dma_semaphore, #tpu.memory_space<semaphore_mem>>) src(%dma_wait3A_1805 : memref<2359296x16xf32, #tpu.memory_space<hbm>>) dst(%dma_wait3A_1799 : memref<128x16xf32, #tpu.memory_space<vmem>>)
    %dma_wait3A_1806 = arith.constant 2 : i32
    %dma_wait3A_1807 = arith.constant 256 : i32
    %dma_wait3A_1808 = arith.constant 0 : i32
    %dma_wait3A_1809 = tpu.memref_slice %arg7[%dma_wait3A_1807, %dma_wait3A_1808] : memref<1024x16xf32, #tpu.memory_space<vmem>> -> memref<128x16xf32, #tpu.memory_space<vmem>>
    %dma_wait3A_1810 = arith.constant 0 : i32
    %dma_wait3A_1811 = tpu.memref_slice %arg6[%dma_wait3A_1806, %dma_wait3A_1810] : memref<8x128xi32, #tpu.memory_space<vmem>> -> memref<1x128xi32, #tpu.memory_space<vmem>>
    %dma_wait3A_1812 = tpu.memref_squeeze %dma_wait3A_1811 : memref<1x128xi32, #tpu.memory_space<vmem>> -> memref<128xi32, #tpu.memory_space<vmem>>
    %dma_wait3A_1813 = arith.constant 0 : i32
    %dma_wait3A_1814 = arith.constant 0 : i32
    %dma_wait3A_1815 = tpu.memref_slice %arg3[%dma_wait3A_1813, %dma_wait3A_1814] : memref<2359296x16xf32, #tpu.memory_space<hbm>> -> memref<2359296x16xf32, #tpu.memory_space<hbm>>
    tpu.wait_indirect_dma semaphore(%arg10 : memref<!tpu.dma_semaphore, #tpu.memory_space<semaphore_mem>>) src(%dma_wait3A_1815 : memref<2359296x16xf32, #tpu.memory_space<hbm>>) dst(%dma_wait3A_1809 : memref<128x16xf32, #tpu.memory_space<vmem>>)
    %dma_wait3A_1816 = arith.constant 3 : i32
    %dma_wait3A_1817 = arith.constant 384 : i32
    %dma_wait3A_1818 = arith.constant 0 : i32
    %dma_wait3A_1819 = tpu.memref_slice %arg7[%dma_wait3A_1817, %dma_wait3A_1818] : memref<1024x16xf32, #tpu.memory_space<vmem>> -> memref<128x16xf32, #tpu.memory_space<vmem>>
    %dma_wait3A_1820 = arith.constant 0 : i32
    %dma_wait3A_1821 = tpu.memref_slice %arg6[%dma_wait3A_1816, %dma_wait3A_1820] : memref<8x128xi32, #tpu.memory_space<vmem>> -> memref<1x128xi32, #tpu.memory_space<vmem>>
    %dma_wait3A_1822 = tpu.memref_squeeze %dma_wait3A_1821 : memref<1x128xi32, #tpu.memory_space<vmem>> -> memref<128xi32, #tpu.memory_space<vmem>>
    %dma_wait3A_1823 = arith.constant 0 : i32
    %dma_wait3A_1824 = arith.constant 0 : i32
    %dma_wait3A_1825 = tpu.memref_slice %arg3[%dma_wait3A_1823, %dma_wait3A_1824] : memref<2359296x16xf32, #tpu.memory_space<hbm>> -> memref<2359296x16xf32, #tpu.memory_space<hbm>>
    tpu.wait_indirect_dma semaphore(%arg10 : memref<!tpu.dma_semaphore, #tpu.memory_space<semaphore_mem>>) src(%dma_wait3A_1825 : memref<2359296x16xf32, #tpu.memory_space<hbm>>) dst(%dma_wait3A_1819 : memref<128x16xf32, #tpu.memory_space<vmem>>)
    %dma_wait3A_1826 = arith.constant 4 : i32
    %dma_wait3A_1827 = arith.constant 512 : i32
    %dma_wait3A_1828 = arith.constant 0 : i32
    %dma_wait3A_1829 = tpu.memref_slice %arg7[%dma_wait3A_1827, %dma_wait3A_1828] : memref<1024x16xf32, #tpu.memory_space<vmem>> -> memref<128x16xf32, #tpu.memory_space<vmem>>
    %dma_wait3A_1830 = arith.constant 0 : i32
    %dma_wait3A_1831 = tpu.memref_slice %arg6[%dma_wait3A_1826, %dma_wait3A_1830] : memref<8x128xi32, #tpu.memory_space<vmem>> -> memref<1x128xi32, #tpu.memory_space<vmem>>
    %dma_wait3A_1832 = tpu.memref_squeeze %dma_wait3A_1831 : memref<1x128xi32, #tpu.memory_space<vmem>> -> memref<128xi32, #tpu.memory_space<vmem>>
    %dma_wait3A_1833 = arith.constant 0 : i32
    %dma_wait3A_1834 = arith.constant 0 : i32
    %dma_wait3A_1835 = tpu.memref_slice %arg3[%dma_wait3A_1833, %dma_wait3A_1834] : memref<2359296x16xf32, #tpu.memory_space<hbm>> -> memref<2359296x16xf32, #tpu.memory_space<hbm>>
    tpu.wait_indirect_dma semaphore(%arg10 : memref<!tpu.dma_semaphore, #tpu.memory_space<semaphore_mem>>) src(%dma_wait3A_1835 : memref<2359296x16xf32, #tpu.memory_space<hbm>>) dst(%dma_wait3A_1829 : memref<128x16xf32, #tpu.memory_space<vmem>>)
    %dma_wait3A_1836 = arith.constant 5 : i32
    %dma_wait3A_1837 = arith.constant 640 : i32
    %dma_wait3A_1838 = arith.constant 0 : i32
    %dma_wait3A_1839 = tpu.memref_slice %arg7[%dma_wait3A_1837, %dma_wait3A_1838] : memref<1024x16xf32, #tpu.memory_space<vmem>> -> memref<128x16xf32, #tpu.memory_space<vmem>>
    %dma_wait3A_1840 = arith.constant 0 : i32
    %dma_wait3A_1841 = tpu.memref_slice %arg6[%dma_wait3A_1836, %dma_wait3A_1840] : memref<8x128xi32, #tpu.memory_space<vmem>> -> memref<1x128xi32, #tpu.memory_space<vmem>>
    %dma_wait3A_1842 = tpu.memref_squeeze %dma_wait3A_1841 : memref<1x128xi32, #tpu.memory_space<vmem>> -> memref<128xi32, #tpu.memory_space<vmem>>
    %dma_wait3A_1843 = arith.constant 0 : i32
    %dma_wait3A_1844 = arith.constant 0 : i32
    %dma_wait3A_1845 = tpu.memref_slice %arg3[%dma_wait3A_1843, %dma_wait3A_1844] : memref<2359296x16xf32, #tpu.memory_space<hbm>> -> memref<2359296x16xf32, #tpu.memory_space<hbm>>
    tpu.wait_indirect_dma semaphore(%arg10 : memref<!tpu.dma_semaphore, #tpu.memory_space<semaphore_mem>>) src(%dma_wait3A_1845 : memref<2359296x16xf32, #tpu.memory_space<hbm>>) dst(%dma_wait3A_1839 : memref<128x16xf32, #tpu.memory_space<vmem>>)
    %dma_wait3A_1846 = arith.constant 6 : i32
    %dma_wait3A_1847 = arith.constant 768 : i32
    %dma_wait3A_1848 = arith.constant 0 : i32
    %dma_wait3A_1849 = tpu.memref_slice %arg7[%dma_wait3A_1847, %dma_wait3A_1848] : memref<1024x16xf32, #tpu.memory_space<vmem>> -> memref<128x16xf32, #tpu.memory_space<vmem>>
    %dma_wait3A_1850 = arith.constant 0 : i32
    %dma_wait3A_1851 = tpu.memref_slice %arg6[%dma_wait3A_1846, %dma_wait3A_1850] : memref<8x128xi32, #tpu.memory_space<vmem>> -> memref<1x128xi32, #tpu.memory_space<vmem>>
    %dma_wait3A_1852 = tpu.memref_squeeze %dma_wait3A_1851 : memref<1x128xi32, #tpu.memory_space<vmem>> -> memref<128xi32, #tpu.memory_space<vmem>>
    %dma_wait3A_1853 = arith.constant 0 : i32
    %dma_wait3A_1854 = arith.constant 0 : i32
    %dma_wait3A_1855 = tpu.memref_slice %arg3[%dma_wait3A_1853, %dma_wait3A_1854] : memref<2359296x16xf32, #tpu.memory_space<hbm>> -> memref<2359296x16xf32, #tpu.memory_space<hbm>>
    tpu.wait_indirect_dma semaphore(%arg10 : memref<!tpu.dma_semaphore, #tpu.memory_space<semaphore_mem>>) src(%dma_wait3A_1855 : memref<2359296x16xf32, #tpu.memory_space<hbm>>) dst(%dma_wait3A_1849 : memref<128x16xf32, #tpu.memory_space<vmem>>)
    %dma_wait3A_1856 = arith.constant 7 : i32
    %dma_wait3A_1857 = arith.constant 896 : i32
    %dma_wait3A_1858 = arith.constant 0 : i32
    %dma_wait3A_1859 = tpu.memref_slice %arg7[%dma_wait3A_1857, %dma_wait3A_1858] : memref<1024x16xf32, #tpu.memory_space<vmem>> -> memref<128x16xf32, #tpu.memory_space<vmem>>
    %dma_wait3A_1860 = arith.constant 0 : i32
    %dma_wait3A_1861 = tpu.memref_slice %arg6[%dma_wait3A_1856, %dma_wait3A_1860] : memref<8x128xi32, #tpu.memory_space<vmem>> -> memref<1x128xi32, #tpu.memory_space<vmem>>
    %dma_wait3A_1862 = tpu.memref_squeeze %dma_wait3A_1861 : memref<1x128xi32, #tpu.memory_space<vmem>> -> memref<128xi32, #tpu.memory_space<vmem>>
    %dma_wait3A_1863 = arith.constant 0 : i32
    %dma_wait3A_1864 = arith.constant 0 : i32
    %dma_wait3A_1865 = tpu.memref_slice %arg3[%dma_wait3A_1863, %dma_wait3A_1864] : memref<2359296x16xf32, #tpu.memory_space<hbm>> -> memref<2359296x16xf32, #tpu.memory_space<hbm>>
    tpu.wait_indirect_dma semaphore(%arg10 : memref<!tpu.dma_semaphore, #tpu.memory_space<semaphore_mem>>) src(%dma_wait3A_1865 : memref<2359296x16xf32, #tpu.memory_space<hbm>>) dst(%dma_wait3A_1859 : memref<128x16xf32, #tpu.memory_space<vmem>>)
    %scan3A_1866 = arith.constant 0 : i32
    %scan3A_1867 = arith.constant 0 : i32
    %scan3A_1868 = arith.constant 64 : i32
    %scan3A_1869 = arith.addi %scan3A_1867, %scan3A_1868 : i32
    %scan3A_1870 = arith.constant 1 : i32
    %scan3A_1871 = scf.for %scan3A_2410 = %scan3A_1867 to %scan3A_1869 step %scan3A_1870 iter_args(%scan3A_2411 = %scan3A_1866) -> (i32)  : i32 {
      %mul3A_2412 = arith.constant 16 : i32
      %mul3A_2413 = arith.muli %scan3A_2410, %mul3A_2412 : i32
      %add3A_2414 = vector.broadcast %mul3A_2413 : i32 to vector<16xi32>
      %add3A_2415 = arith.addi %add3A_2414, %iota3A : vector<16xi32>
      %gather3A_2416 = tpu.vector_load_idx %arg7[%add3A_2415, %and3A_1698] : memref<1024x16xf32, #tpu.memory_space<vmem>>[vector<16xi32>, vector<16xi32>], vector<16xf32>,
      %swap3A = arith.index_cast %scan3A_2410 : i32 to index
      %swap3A_2417 = arith.constant 0 : index
      %swap3A_2418 = tpu.vector_load %arg8[%swap3A, %swap3A_2417] {strides = array<i32>} : memref<64x16xf32, #tpu.memory_space<vmem>>, vector<16xf32>,
      tpu.vector_store %arg8[%swap3A, %swap3A_2417], %gather3A_2416 {strides = array<i32>} : memref<64x16xf32, #tpu.memory_space<vmem>>, vector<16xf32>,
      %scan3A_2419 = arith.constant 0 : i32
      scf.yield %scan3A_2419 : i32
    }
    %scan3A_1872 = arith.constant 64 : i32
    %scan3A_1873 = arith.constant 0 : i32
    %scan3A_1874 = arith.constant 0 : i32
    %scan3A_1875 = arith.constant 64 : i32
    %scan3A_1876 = arith.addi %scan3A_1874, %scan3A_1875 : i32
    %scan3A_1877 = arith.constant 1 : i32
    %scan3A_1878 = scf.for %scan3A_2410 = %scan3A_1874 to %scan3A_1876 step %scan3A_1877 iter_args(%scan3A_2411 = %scan3A_1873) -> (i32)  : i32 {
      %broadcast_in_dim3A = vector.broadcast %scan3A_2410 : i32 to vector<16xi32>
      %get3A = arith.index_cast %scan3A_2410 : i32 to index
      %get3A_2412 = arith.constant 0 : index
      %get3A_2413 = tpu.vector_load %arg8[%get3A, %get3A_2412] {strides = array<i32>} : memref<64x16xf32, #tpu.memory_space<vmem>>, vector<16xf32>,
      tpu.vector_store_idx %arg9[%iota3A, %broadcast_in_dim3A], %get3A_2413 : memref<16x128xf32, #tpu.memory_space<vmem>>[vector<16xi32>, vector<16xi32>], vector<16xf32>,
      %scan3A_2414 = arith.constant 0 : i32
      scf.yield %scan3A_2414 : i32
    }
    %scan3A_1879 = arith.constant 64 : i32
    %add3A_1880 = arith.constant 192 : i32
    %add3A_1881 = arith.addi %add3A_1880, %add3A : i32
    "tpu.region"() ({
      %run_scoped3A = tpu.sem_alloc : memref<!tpu.dma_semaphore, #tpu.memory_space<semaphore_mem>>
      %dma_start3A_2410 = arith.constant 0 : i32
      %dma_start3A_2411 = arith.constant 0 : i32
      %dma_start3A_2412 = tpu.memref_slice %arg4[%add3A_1881, %dma_start3A_2410, %dma_start3A_2411] : memref<288x16x128xf32, #tpu.memory_space<hbm>> -> memref<1x16x128xf32, #tpu.memory_space<hbm>>
      %dma_start3A_2413 = tpu.memref_squeeze %dma_start3A_2412 : memref<1x16x128xf32, #tpu.memory_space<hbm>> -> memref<16x128xf32, #tpu.memory_space<hbm>>
      %dma_start3A_2414 = arith.constant 0 : i32
      %dma_start3A_2415 = arith.constant 0 : i32
      %dma_start3A_2416 = tpu.memref_slice %arg4[%add3A_1881, %dma_start3A_2414, %dma_start3A_2415] : memref<288x16x128xf32, #tpu.memory_space<hbm>> -> memref<1x16x128xf32, #tpu.memory_space<hbm>>
      %dma_start3A_2417 = tpu.memref_squeeze %dma_start3A_2416 : memref<1x16x128xf32, #tpu.memory_space<hbm>> -> memref<16x128xf32, #tpu.memory_space<hbm>>
      tpu.enqueue_dma source(%arg9 : memref<16x128xf32, #tpu.memory_space<vmem>>) target(%dma_start3A_2417 : memref<16x128xf32, #tpu.memory_space<hbm>>) target_semaphore(%run_scoped3A : memref<!tpu.dma_semaphore, #tpu.memory_space<semaphore_mem>>)
      %dma_wait3A_2418 = arith.constant 0 : i32
      %dma_wait3A_2419 = arith.constant 0 : i32
      %dma_wait3A_2420 = tpu.memref_slice %arg4[%add3A_1881, %dma_wait3A_2418, %dma_wait3A_2419] : memref<288x16x128xf32, #tpu.memory_space<hbm>> -> memref<1x16x128xf32, #tpu.memory_space<hbm>>
      %dma_wait3A_2421 = tpu.memref_squeeze %dma_wait3A_2420 : memref<1x16x128xf32, #tpu.memory_space<hbm>> -> memref<16x128xf32, #tpu.memory_space<hbm>>
      %dma_wait3A_2422 = arith.constant 0 : i32
      %dma_wait3A_2423 = arith.constant 0 : i32
      %dma_wait3A_2424 = tpu.memref_slice %arg4[%add3A_1881, %dma_wait3A_2422, %dma_wait3A_2423] : memref<288x16x128xf32, #tpu.memory_space<hbm>> -> memref<1x16x128xf32, #tpu.memory_space<hbm>>
      %dma_wait3A_2425 = tpu.memref_squeeze %dma_wait3A_2424 : memref<1x16x128xf32, #tpu.memory_space<hbm>> -> memref<16x128xf32, #tpu.memory_space<hbm>>
      tpu.wait_dma2 semaphore(%run_scoped3A : memref<!tpu.dma_semaphore, #tpu.memory_space<semaphore_mem>>) src(%arg9 : memref<16x128xf32, #tpu.memory_space<vmem>>) dst(%dma_wait3A_2425 : memref<16x128xf32, #tpu.memory_space<hbm>>)
      tpu.yield
    }) : () -> ()
    %add3A_1882 = arith.constant 9 : i32
    %add3A_1883 = vector.broadcast %add3A_1882 : i32 to vector<16xi32>
    %add3A_1884 = arith.addi %convert_element_type3A, %add3A_1883 : vector<16xi32>
    %mul3A_1885 = arith.constant 384 : i32
    %mul3A_1886 = vector.broadcast %mul3A_1885 : i32 to vector<16xi32>
    %mul3A_1887 = arith.muli %add3A_1884, %mul3A_1886 : vector<16xi32>
    %add3A_1888 = arith.constant 0 : i32
    %add3A_1889 = vector.broadcast %add3A_1888 : i32 to vector<16xi32>
    %add3A_1890 = arith.addi %convert_element_type3A_37, %add3A_1889 : vector<16xi32>
    %add3A_1891 = arith.addi %mul3A_1887, %add3A_1890 : vector<16xi32>
    %jit3A_1892 = arith.constant 0 : i32
    %jit3A_1893 = arith.constant 147455 : i32
    %max3A_1894 = vector.broadcast %jit3A_1892 : i32 to vector<16xi32>
    %max3A_1895 = arith.maxsi %max3A_1894, %add3A_1891 : vector<16xi32>
    %min3A_1896 = vector.broadcast %jit3A_1893 : i32 to vector<16xi32>
    %min3A_1897 = arith.minsi %min3A_1896, %max3A_1895 : vector<16xi32>
    %jit3A_1898 = arith.constant 384 : i32
    %div3A_1899 = vector.broadcast %jit3A_1898 : i32 to vector<16xi32>
    %div3A_1900 = arith.divsi %min3A_1897, %div3A_1899 : vector<16xi32>
    %sign3A_1901 = arith.constant 0 : i32
    %sign3A_1902 = vector.broadcast %sign3A_1901 : i32 to vector<16xi32>
    %sign3A_1903 = arith.cmpi sgt, %min3A_1897, %sign3A_1902 : vector<16xi32>
    %sign3A_1904 = arith.extui %sign3A_1903 : vector<16xi1> to vector<16xi32>
    %sign3A_1905 = arith.constant 0 : i32
    %sign3A_1906 = vector.broadcast %sign3A_1905 : i32 to vector<16xi32>
    %sign3A_1907 = arith.cmpi slt, %min3A_1897, %sign3A_1906 : vector<16xi32>
    %sign3A_1908 = arith.extui %sign3A_1907 : vector<16xi1> to vector<16xi32>
    %sign3A_1909 = arith.subi %sign3A_1904, %sign3A_1908 : vector<16xi32>
    %sign3A_1910 = arith.constant 0 : i32
    %sign3A_1911 = arith.cmpi sgt, %jit3A_1898, %sign3A_1910 : i32
    %sign3A_1912 = arith.extui %sign3A_1911 : i1 to i32
    %sign3A_1913 = arith.constant 0 : i32
    %sign3A_1914 = arith.cmpi slt, %jit3A_1898, %sign3A_1913 : i32
    %sign3A_1915 = arith.extui %sign3A_1914 : i1 to i32
    %sign3A_1916 = arith.subi %sign3A_1912, %sign3A_1915 : i32
    %ne3A_1917 = vector.broadcast %sign3A_1916 : i32 to vector<16xi32>
    %ne3A_1918 = arith.cmpi ne, %sign3A_1909, %ne3A_1917 : vector<16xi32>
    %rem3A_1919 = vector.broadcast %jit3A_1898 : i32 to vector<16xi32>
    %rem3A_1920 = arith.remsi %min3A_1897, %rem3A_1919 : vector<16xi32>
    %ne3A_1921 = arith.constant 0 : i32
    %ne3A_1922 = vector.broadcast %ne3A_1921 : i32 to vector<16xi32>
    %ne3A_1923 = arith.cmpi ne, %rem3A_1920, %ne3A_1922 : vector<16xi32>
    %and3A_1924 = arith.andi %ne3A_1918, %ne3A_1923 : vector<16xi1>
    %sub3A_1925 = arith.constant 1 : i32
    %sub3A_1926 = vector.broadcast %sub3A_1925 : i32 to vector<16xi32>
    %sub3A_1927 = arith.subi %div3A_1900, %sub3A_1926 : vector<16xi32>
    %select_n3A_1928 = arith.select %and3A_1924, %sub3A_1927, %div3A_1900 : vector<16xi1>, vector<16xi32>
    %mul3A_1929 = arith.constant 384 : i32
    %mul3A_1930 = vector.broadcast %mul3A_1929 : i32 to vector<16xi32>
    %mul3A_1931 = arith.muli %select_n3A_1928, %mul3A_1930 : vector<16xi32>
    %sub3A_1932 = arith.subi %min3A_1897, %mul3A_1931 : vector<16xi32>
    %shift_right_logical3A_1933 = arith.constant 3 : i32
    %shift_right_logical3A_1934 = vector.broadcast %shift_right_logical3A_1933 : i32 to vector<16xi32>
    %shift_right_logical3A_1935 = arith.shrui %select_n3A_1928, %shift_right_logical3A_1934 : vector<16xi32>
    %mul3A_1936 = arith.constant 3 : i32
    %mul3A_1937 = vector.broadcast %mul3A_1936 : i32 to vector<16xi32>
    %mul3A_1938 = arith.muli %shift_right_logical3A_1935, %mul3A_1937 : vector<16xi32>
    %shift_right_logical3A_1939 = arith.constant 7 : i32
    %shift_right_logical3A_1940 = vector.broadcast %shift_right_logical3A_1939 : i32 to vector<16xi32>
    %shift_right_logical3A_1941 = arith.shrui %sub3A_1932, %shift_right_logical3A_1940 : vector<16xi32>
    %add3A_1942 = arith.addi %mul3A_1938, %shift_right_logical3A_1941 : vector<16xi32>
    %mul3A_1943 = arith.constant 64 : i32
    %mul3A_1944 = vector.broadcast %mul3A_1943 : i32 to vector<16xi32>
    %mul3A_1945 = arith.muli %add3A_1942, %mul3A_1944 : vector<16xi32>
    %and3A_1946 = arith.constant 7 : i32
    %and3A_1947 = vector.broadcast %and3A_1946 : i32 to vector<16xi32>
    %and3A_1948 = arith.andi %select_n3A_1928, %and3A_1947 : vector<16xi32>
    %mul3A_1949 = arith.constant 8 : i32
    %mul3A_1950 = vector.broadcast %mul3A_1949 : i32 to vector<16xi32>
    %mul3A_1951 = arith.muli %and3A_1948, %mul3A_1950 : vector<16xi32>
    %add3A_1952 = arith.addi %mul3A_1945, %mul3A_1951 : vector<16xi32>
    %and3A_1953 = arith.constant 127 : i32
    %and3A_1954 = vector.broadcast %and3A_1953 : i32 to vector<16xi32>
    %and3A_1955 = arith.andi %sub3A_1932, %and3A_1954 : vector<16xi32>
    %shift_right_logical3A_1956 = arith.constant 4 : i32
    %shift_right_logical3A_1957 = vector.broadcast %shift_right_logical3A_1956 : i32 to vector<16xi32>
    %shift_right_logical3A_1958 = arith.shrui %and3A_1955, %shift_right_logical3A_1957 : vector<16xi32>
    %add3A_1959 = arith.addi %add3A_1952, %shift_right_logical3A_1958 : vector<16xi32>
    %and3A_1960 = arith.constant 15 : i32
    %and3A_1961 = vector.broadcast %and3A_1960 : i32 to vector<16xi32>
    %and3A_1962 = arith.andi %sub3A_1932, %and3A_1961 : vector<16xi32>
    %scan3A_1963 = arith.constant 0 : i32
    %scan3A_1964 = arith.constant 0 : i32
    %scan3A_1965 = arith.constant 64 : i32
    %scan3A_1966 = arith.addi %scan3A_1964, %scan3A_1965 : i32
    %scan3A_1967 = arith.constant 1 : i32
    %scan3A_1968 = scf.for %scan3A_2410 = %scan3A_1964 to %scan3A_1966 step %scan3A_1967 iter_args(%scan3A_2411 = %scan3A_1963) -> (i32)  : i32 {
      %mul3A_2412 = arith.constant 9216 : i32
      %mul3A_2413 = arith.muli %scan3A_2410, %mul3A_2412 : i32
      %add3A_2414 = arith.addi %mul3A_39, %mul3A_2413 : i32
      %broadcast_in_dim3A = vector.broadcast %add3A_2414 : i32 to vector<16xi32>
      %add3A_2415 = arith.addi %broadcast_in_dim3A, %add3A_1959 : vector<16xi32>
      %shift_right_logical3A_2416 = arith.constant 3 : i32
      %shift_right_logical3A_2417 = arith.shrui %scan3A_2410, %shift_right_logical3A_2416 : i32
      %and3A_2418 = arith.constant 7 : i32
      %and3A_2419 = arith.andi %scan3A_2410, %and3A_2418 : i32
      %mul3A_2420 = arith.constant 16 : i32
      %mul3A_2421 = arith.muli %and3A_2419, %mul3A_2420 : i32
      %swap3A = arith.index_cast %shift_right_logical3A_2417 : i32 to index
      %swap3A_2422 = arith.index_cast %mul3A_2421 : i32 to index
      %swap3A_2423 = tpu.vector_load %arg6[%swap3A, %swap3A_2422] {strides = array<i32>} : memref<8x128xi32, #tpu.memory_space<vmem>>, vector<16xi32>,
      tpu.vector_store %arg6[%swap3A, %swap3A_2422], %add3A_2415 {strides = array<i32>} : memref<8x128xi32, #tpu.memory_space<vmem>>, vector<16xi32>,
      %scan3A_2424 = arith.constant 0 : i32
      scf.yield %scan3A_2424 : i32
    }
    %scan3A_1969 = arith.constant 64 : i32
    %dma_start3A_1970 = arith.constant 0 : i32
    %dma_start3A_1971 = arith.constant 0 : i32
    %dma_start3A_1972 = arith.constant 0 : i32
    %dma_start3A_1973 = tpu.memref_slice %arg7[%dma_start3A_1971, %dma_start3A_1972] : memref<1024x16xf32, #tpu.memory_space<vmem>> -> memref<128x16xf32, #tpu.memory_space<vmem>>
    %dma_start3A_1974 = arith.constant 0 : i32
    %dma_start3A_1975 = tpu.memref_slice %arg6[%dma_start3A_1970, %dma_start3A_1974] : memref<8x128xi32, #tpu.memory_space<vmem>> -> memref<1x128xi32, #tpu.memory_space<vmem>>
    %dma_start3A_1976 = tpu.memref_squeeze %dma_start3A_1975 : memref<1x128xi32, #tpu.memory_space<vmem>> -> memref<128xi32, #tpu.memory_space<vmem>>
    %dma_start3A_1977 = arith.constant 0 : i32
    %dma_start3A_1978 = arith.constant 0 : i32
    %dma_start3A_1979 = tpu.memref_slice %arg3[%dma_start3A_1977, %dma_start3A_1978] : memref<2359296x16xf32, #tpu.memory_space<hbm>> -> memref<2359296x16xf32, #tpu.memory_space<hbm>>
    tpu.enqueue_indirect_dma source(%dma_start3A_1979 : memref<2359296x16xf32, #tpu.memory_space<hbm>>) target(%dma_start3A_1973 : memref<128x16xf32, #tpu.memory_space<vmem>>) offsets(%dma_start3A_1976 : memref<128xi32, #tpu.memory_space<vmem>>) semaphore(%arg10 : memref<!tpu.dma_semaphore, #tpu.memory_space<semaphore_mem>>)
    %dma_start3A_1980 = arith.constant 1 : i32
    %dma_start3A_1981 = arith.constant 128 : i32
    %dma_start3A_1982 = arith.constant 0 : i32
    %dma_start3A_1983 = tpu.memref_slice %arg7[%dma_start3A_1981, %dma_start3A_1982] : memref<1024x16xf32, #tpu.memory_space<vmem>> -> memref<128x16xf32, #tpu.memory_space<vmem>>
    %dma_start3A_1984 = arith.constant 0 : i32
    %dma_start3A_1985 = tpu.memref_slice %arg6[%dma_start3A_1980, %dma_start3A_1984] : memref<8x128xi32, #tpu.memory_space<vmem>> -> memref<1x128xi32, #tpu.memory_space<vmem>>
    %dma_start3A_1986 = tpu.memref_squeeze %dma_start3A_1985 : memref<1x128xi32, #tpu.memory_space<vmem>> -> memref<128xi32, #tpu.memory_space<vmem>>
    %dma_start3A_1987 = arith.constant 0 : i32
    %dma_start3A_1988 = arith.constant 0 : i32
    %dma_start3A_1989 = tpu.memref_slice %arg3[%dma_start3A_1987, %dma_start3A_1988] : memref<2359296x16xf32, #tpu.memory_space<hbm>> -> memref<2359296x16xf32, #tpu.memory_space<hbm>>
    tpu.enqueue_indirect_dma source(%dma_start3A_1989 : memref<2359296x16xf32, #tpu.memory_space<hbm>>) target(%dma_start3A_1983 : memref<128x16xf32, #tpu.memory_space<vmem>>) offsets(%dma_start3A_1986 : memref<128xi32, #tpu.memory_space<vmem>>) semaphore(%arg10 : memref<!tpu.dma_semaphore, #tpu.memory_space<semaphore_mem>>)
    %dma_start3A_1990 = arith.constant 2 : i32
    %dma_start3A_1991 = arith.constant 256 : i32
    %dma_start3A_1992 = arith.constant 0 : i32
    %dma_start3A_1993 = tpu.memref_slice %arg7[%dma_start3A_1991, %dma_start3A_1992] : memref<1024x16xf32, #tpu.memory_space<vmem>> -> memref<128x16xf32, #tpu.memory_space<vmem>>
    %dma_start3A_1994 = arith.constant 0 : i32
    %dma_start3A_1995 = tpu.memref_slice %arg6[%dma_start3A_1990, %dma_start3A_1994] : memref<8x128xi32, #tpu.memory_space<vmem>> -> memref<1x128xi32, #tpu.memory_space<vmem>>
    %dma_start3A_1996 = tpu.memref_squeeze %dma_start3A_1995 : memref<1x128xi32, #tpu.memory_space<vmem>> -> memref<128xi32, #tpu.memory_space<vmem>>
    %dma_start3A_1997 = arith.constant 0 : i32
    %dma_start3A_1998 = arith.constant 0 : i32
    %dma_start3A_1999 = tpu.memref_slice %arg3[%dma_start3A_1997, %dma_start3A_1998] : memref<2359296x16xf32, #tpu.memory_space<hbm>> -> memref<2359296x16xf32, #tpu.memory_space<hbm>>
    tpu.enqueue_indirect_dma source(%dma_start3A_1999 : memref<2359296x16xf32, #tpu.memory_space<hbm>>) target(%dma_start3A_1993 : memref<128x16xf32, #tpu.memory_space<vmem>>) offsets(%dma_start3A_1996 : memref<128xi32, #tpu.memory_space<vmem>>) semaphore(%arg10 : memref<!tpu.dma_semaphore, #tpu.memory_space<semaphore_mem>>)
    %dma_start3A_2000 = arith.constant 3 : i32
    %dma_start3A_2001 = arith.constant 384 : i32
    %dma_start3A_2002 = arith.constant 0 : i32
    %dma_start3A_2003 = tpu.memref_slice %arg7[%dma_start3A_2001, %dma_start3A_2002] : memref<1024x16xf32, #tpu.memory_space<vmem>> -> memref<128x16xf32, #tpu.memory_space<vmem>>
    %dma_start3A_2004 = arith.constant 0 : i32
    %dma_start3A_2005 = tpu.memref_slice %arg6[%dma_start3A_2000, %dma_start3A_2004] : memref<8x128xi32, #tpu.memory_space<vmem>> -> memref<1x128xi32, #tpu.memory_space<vmem>>
    %dma_start3A_2006 = tpu.memref_squeeze %dma_start3A_2005 : memref<1x128xi32, #tpu.memory_space<vmem>> -> memref<128xi32, #tpu.memory_space<vmem>>
    %dma_start3A_2007 = arith.constant 0 : i32
    %dma_start3A_2008 = arith.constant 0 : i32
    %dma_start3A_2009 = tpu.memref_slice %arg3[%dma_start3A_2007, %dma_start3A_2008] : memref<2359296x16xf32, #tpu.memory_space<hbm>> -> memref<2359296x16xf32, #tpu.memory_space<hbm>>
    tpu.enqueue_indirect_dma source(%dma_start3A_2009 : memref<2359296x16xf32, #tpu.memory_space<hbm>>) target(%dma_start3A_2003 : memref<128x16xf32, #tpu.memory_space<vmem>>) offsets(%dma_start3A_2006 : memref<128xi32, #tpu.memory_space<vmem>>) semaphore(%arg10 : memref<!tpu.dma_semaphore, #tpu.memory_space<semaphore_mem>>)
    %dma_start3A_2010 = arith.constant 4 : i32
    %dma_start3A_2011 = arith.constant 512 : i32
    %dma_start3A_2012 = arith.constant 0 : i32
    %dma_start3A_2013 = tpu.memref_slice %arg7[%dma_start3A_2011, %dma_start3A_2012] : memref<1024x16xf32, #tpu.memory_space<vmem>> -> memref<128x16xf32, #tpu.memory_space<vmem>>
    %dma_start3A_2014 = arith.constant 0 : i32
    %dma_start3A_2015 = tpu.memref_slice %arg6[%dma_start3A_2010, %dma_start3A_2014] : memref<8x128xi32, #tpu.memory_space<vmem>> -> memref<1x128xi32, #tpu.memory_space<vmem>>
    %dma_start3A_2016 = tpu.memref_squeeze %dma_start3A_2015 : memref<1x128xi32, #tpu.memory_space<vmem>> -> memref<128xi32, #tpu.memory_space<vmem>>
    %dma_start3A_2017 = arith.constant 0 : i32
    %dma_start3A_2018 = arith.constant 0 : i32
    %dma_start3A_2019 = tpu.memref_slice %arg3[%dma_start3A_2017, %dma_start3A_2018] : memref<2359296x16xf32, #tpu.memory_space<hbm>> -> memref<2359296x16xf32, #tpu.memory_space<hbm>>
    tpu.enqueue_indirect_dma source(%dma_start3A_2019 : memref<2359296x16xf32, #tpu.memory_space<hbm>>) target(%dma_start3A_2013 : memref<128x16xf32, #tpu.memory_space<vmem>>) offsets(%dma_start3A_2016 : memref<128xi32, #tpu.memory_space<vmem>>) semaphore(%arg10 : memref<!tpu.dma_semaphore, #tpu.memory_space<semaphore_mem>>)
    %dma_start3A_2020 = arith.constant 5 : i32
    %dma_start3A_2021 = arith.constant 640 : i32
    %dma_start3A_2022 = arith.constant 0 : i32
    %dma_start3A_2023 = tpu.memref_slice %arg7[%dma_start3A_2021, %dma_start3A_2022] : memref<1024x16xf32, #tpu.memory_space<vmem>> -> memref<128x16xf32, #tpu.memory_space<vmem>>
    %dma_start3A_2024 = arith.constant 0 : i32
    %dma_start3A_2025 = tpu.memref_slice %arg6[%dma_start3A_2020, %dma_start3A_2024] : memref<8x128xi32, #tpu.memory_space<vmem>> -> memref<1x128xi32, #tpu.memory_space<vmem>>
    %dma_start3A_2026 = tpu.memref_squeeze %dma_start3A_2025 : memref<1x128xi32, #tpu.memory_space<vmem>> -> memref<128xi32, #tpu.memory_space<vmem>>
    %dma_start3A_2027 = arith.constant 0 : i32
    %dma_start3A_2028 = arith.constant 0 : i32
    %dma_start3A_2029 = tpu.memref_slice %arg3[%dma_start3A_2027, %dma_start3A_2028] : memref<2359296x16xf32, #tpu.memory_space<hbm>> -> memref<2359296x16xf32, #tpu.memory_space<hbm>>
    tpu.enqueue_indirect_dma source(%dma_start3A_2029 : memref<2359296x16xf32, #tpu.memory_space<hbm>>) target(%dma_start3A_2023 : memref<128x16xf32, #tpu.memory_space<vmem>>) offsets(%dma_start3A_2026 : memref<128xi32, #tpu.memory_space<vmem>>) semaphore(%arg10 : memref<!tpu.dma_semaphore, #tpu.memory_space<semaphore_mem>>)
    %dma_start3A_2030 = arith.constant 6 : i32
    %dma_start3A_2031 = arith.constant 768 : i32
    %dma_start3A_2032 = arith.constant 0 : i32
    %dma_start3A_2033 = tpu.memref_slice %arg7[%dma_start3A_2031, %dma_start3A_2032] : memref<1024x16xf32, #tpu.memory_space<vmem>> -> memref<128x16xf32, #tpu.memory_space<vmem>>
    %dma_start3A_2034 = arith.constant 0 : i32
    %dma_start3A_2035 = tpu.memref_slice %arg6[%dma_start3A_2030, %dma_start3A_2034] : memref<8x128xi32, #tpu.memory_space<vmem>> -> memref<1x128xi32, #tpu.memory_space<vmem>>
    %dma_start3A_2036 = tpu.memref_squeeze %dma_start3A_2035 : memref<1x128xi32, #tpu.memory_space<vmem>> -> memref<128xi32, #tpu.memory_space<vmem>>
    %dma_start3A_2037 = arith.constant 0 : i32
    %dma_start3A_2038 = arith.constant 0 : i32
    %dma_start3A_2039 = tpu.memref_slice %arg3[%dma_start3A_2037, %dma_start3A_2038] : memref<2359296x16xf32, #tpu.memory_space<hbm>> -> memref<2359296x16xf32, #tpu.memory_space<hbm>>
    tpu.enqueue_indirect_dma source(%dma_start3A_2039 : memref<2359296x16xf32, #tpu.memory_space<hbm>>) target(%dma_start3A_2033 : memref<128x16xf32, #tpu.memory_space<vmem>>) offsets(%dma_start3A_2036 : memref<128xi32, #tpu.memory_space<vmem>>) semaphore(%arg10 : memref<!tpu.dma_semaphore, #tpu.memory_space<semaphore_mem>>)
    %dma_start3A_2040 = arith.constant 7 : i32
    %dma_start3A_2041 = arith.constant 896 : i32
    %dma_start3A_2042 = arith.constant 0 : i32
    %dma_start3A_2043 = tpu.memref_slice %arg7[%dma_start3A_2041, %dma_start3A_2042] : memref<1024x16xf32, #tpu.memory_space<vmem>> -> memref<128x16xf32, #tpu.memory_space<vmem>>
    %dma_start3A_2044 = arith.constant 0 : i32
    %dma_start3A_2045 = tpu.memref_slice %arg6[%dma_start3A_2040, %dma_start3A_2044] : memref<8x128xi32, #tpu.memory_space<vmem>> -> memref<1x128xi32, #tpu.memory_space<vmem>>
    %dma_start3A_2046 = tpu.memref_squeeze %dma_start3A_2045 : memref<1x128xi32, #tpu.memory_space<vmem>> -> memref<128xi32, #tpu.memory_space<vmem>>
    %dma_start3A_2047 = arith.constant 0 : i32
    %dma_start3A_2048 = arith.constant 0 : i32
    %dma_start3A_2049 = tpu.memref_slice %arg3[%dma_start3A_2047, %dma_start3A_2048] : memref<2359296x16xf32, #tpu.memory_space<hbm>> -> memref<2359296x16xf32, #tpu.memory_space<hbm>>
    tpu.enqueue_indirect_dma source(%dma_start3A_2049 : memref<2359296x16xf32, #tpu.memory_space<hbm>>) target(%dma_start3A_2043 : memref<128x16xf32, #tpu.memory_space<vmem>>) offsets(%dma_start3A_2046 : memref<128xi32, #tpu.memory_space<vmem>>) semaphore(%arg10 : memref<!tpu.dma_semaphore, #tpu.memory_space<semaphore_mem>>)
    %dma_wait3A_2050 = arith.constant 0 : i32
    %dma_wait3A_2051 = arith.constant 0 : i32
    %dma_wait3A_2052 = arith.constant 0 : i32
    %dma_wait3A_2053 = tpu.memref_slice %arg7[%dma_wait3A_2051, %dma_wait3A_2052] : memref<1024x16xf32, #tpu.memory_space<vmem>> -> memref<128x16xf32, #tpu.memory_space<vmem>>
    %dma_wait3A_2054 = arith.constant 0 : i32
    %dma_wait3A_2055 = tpu.memref_slice %arg6[%dma_wait3A_2050, %dma_wait3A_2054] : memref<8x128xi32, #tpu.memory_space<vmem>> -> memref<1x128xi32, #tpu.memory_space<vmem>>
    %dma_wait3A_2056 = tpu.memref_squeeze %dma_wait3A_2055 : memref<1x128xi32, #tpu.memory_space<vmem>> -> memref<128xi32, #tpu.memory_space<vmem>>
    %dma_wait3A_2057 = arith.constant 0 : i32
    %dma_wait3A_2058 = arith.constant 0 : i32
    %dma_wait3A_2059 = tpu.memref_slice %arg3[%dma_wait3A_2057, %dma_wait3A_2058] : memref<2359296x16xf32, #tpu.memory_space<hbm>> -> memref<2359296x16xf32, #tpu.memory_space<hbm>>
    tpu.wait_indirect_dma semaphore(%arg10 : memref<!tpu.dma_semaphore, #tpu.memory_space<semaphore_mem>>) src(%dma_wait3A_2059 : memref<2359296x16xf32, #tpu.memory_space<hbm>>) dst(%dma_wait3A_2053 : memref<128x16xf32, #tpu.memory_space<vmem>>)
    %dma_wait3A_2060 = arith.constant 1 : i32
    %dma_wait3A_2061 = arith.constant 128 : i32
    %dma_wait3A_2062 = arith.constant 0 : i32
    %dma_wait3A_2063 = tpu.memref_slice %arg7[%dma_wait3A_2061, %dma_wait3A_2062] : memref<1024x16xf32, #tpu.memory_space<vmem>> -> memref<128x16xf32, #tpu.memory_space<vmem>>
    %dma_wait3A_2064 = arith.constant 0 : i32
    %dma_wait3A_2065 = tpu.memref_slice %arg6[%dma_wait3A_2060, %dma_wait3A_2064] : memref<8x128xi32, #tpu.memory_space<vmem>> -> memref<1x128xi32, #tpu.memory_space<vmem>>
    %dma_wait3A_2066 = tpu.memref_squeeze %dma_wait3A_2065 : memref<1x128xi32, #tpu.memory_space<vmem>> -> memref<128xi32, #tpu.memory_space<vmem>>
    %dma_wait3A_2067 = arith.constant 0 : i32
    %dma_wait3A_2068 = arith.constant 0 : i32
    %dma_wait3A_2069 = tpu.memref_slice %arg3[%dma_wait3A_2067, %dma_wait3A_2068] : memref<2359296x16xf32, #tpu.memory_space<hbm>> -> memref<2359296x16xf32, #tpu.memory_space<hbm>>
    tpu.wait_indirect_dma semaphore(%arg10 : memref<!tpu.dma_semaphore, #tpu.memory_space<semaphore_mem>>) src(%dma_wait3A_2069 : memref<2359296x16xf32, #tpu.memory_space<hbm>>) dst(%dma_wait3A_2063 : memref<128x16xf32, #tpu.memory_space<vmem>>)
    %dma_wait3A_2070 = arith.constant 2 : i32
    %dma_wait3A_2071 = arith.constant 256 : i32
    %dma_wait3A_2072 = arith.constant 0 : i32
    %dma_wait3A_2073 = tpu.memref_slice %arg7[%dma_wait3A_2071, %dma_wait3A_2072] : memref<1024x16xf32, #tpu.memory_space<vmem>> -> memref<128x16xf32, #tpu.memory_space<vmem>>
    %dma_wait3A_2074 = arith.constant 0 : i32
    %dma_wait3A_2075 = tpu.memref_slice %arg6[%dma_wait3A_2070, %dma_wait3A_2074] : memref<8x128xi32, #tpu.memory_space<vmem>> -> memref<1x128xi32, #tpu.memory_space<vmem>>
    %dma_wait3A_2076 = tpu.memref_squeeze %dma_wait3A_2075 : memref<1x128xi32, #tpu.memory_space<vmem>> -> memref<128xi32, #tpu.memory_space<vmem>>
    %dma_wait3A_2077 = arith.constant 0 : i32
    %dma_wait3A_2078 = arith.constant 0 : i32
    %dma_wait3A_2079 = tpu.memref_slice %arg3[%dma_wait3A_2077, %dma_wait3A_2078] : memref<2359296x16xf32, #tpu.memory_space<hbm>> -> memref<2359296x16xf32, #tpu.memory_space<hbm>>
    tpu.wait_indirect_dma semaphore(%arg10 : memref<!tpu.dma_semaphore, #tpu.memory_space<semaphore_mem>>) src(%dma_wait3A_2079 : memref<2359296x16xf32, #tpu.memory_space<hbm>>) dst(%dma_wait3A_2073 : memref<128x16xf32, #tpu.memory_space<vmem>>)
    %dma_wait3A_2080 = arith.constant 3 : i32
    %dma_wait3A_2081 = arith.constant 384 : i32
    %dma_wait3A_2082 = arith.constant 0 : i32
    %dma_wait3A_2083 = tpu.memref_slice %arg7[%dma_wait3A_2081, %dma_wait3A_2082] : memref<1024x16xf32, #tpu.memory_space<vmem>> -> memref<128x16xf32, #tpu.memory_space<vmem>>
    %dma_wait3A_2084 = arith.constant 0 : i32
    %dma_wait3A_2085 = tpu.memref_slice %arg6[%dma_wait3A_2080, %dma_wait3A_2084] : memref<8x128xi32, #tpu.memory_space<vmem>> -> memref<1x128xi32, #tpu.memory_space<vmem>>
    %dma_wait3A_2086 = tpu.memref_squeeze %dma_wait3A_2085 : memref<1x128xi32, #tpu.memory_space<vmem>> -> memref<128xi32, #tpu.memory_space<vmem>>
    %dma_wait3A_2087 = arith.constant 0 : i32
    %dma_wait3A_2088 = arith.constant 0 : i32
    %dma_wait3A_2089 = tpu.memref_slice %arg3[%dma_wait3A_2087, %dma_wait3A_2088] : memref<2359296x16xf32, #tpu.memory_space<hbm>> -> memref<2359296x16xf32, #tpu.memory_space<hbm>>
    tpu.wait_indirect_dma semaphore(%arg10 : memref<!tpu.dma_semaphore, #tpu.memory_space<semaphore_mem>>) src(%dma_wait3A_2089 : memref<2359296x16xf32, #tpu.memory_space<hbm>>) dst(%dma_wait3A_2083 : memref<128x16xf32, #tpu.memory_space<vmem>>)
    %dma_wait3A_2090 = arith.constant 4 : i32
    %dma_wait3A_2091 = arith.constant 512 : i32
    %dma_wait3A_2092 = arith.constant 0 : i32
    %dma_wait3A_2093 = tpu.memref_slice %arg7[%dma_wait3A_2091, %dma_wait3A_2092] : memref<1024x16xf32, #tpu.memory_space<vmem>> -> memref<128x16xf32, #tpu.memory_space<vmem>>
    %dma_wait3A_2094 = arith.constant 0 : i32
    %dma_wait3A_2095 = tpu.memref_slice %arg6[%dma_wait3A_2090, %dma_wait3A_2094] : memref<8x128xi32, #tpu.memory_space<vmem>> -> memref<1x128xi32, #tpu.memory_space<vmem>>
    %dma_wait3A_2096 = tpu.memref_squeeze %dma_wait3A_2095 : memref<1x128xi32, #tpu.memory_space<vmem>> -> memref<128xi32, #tpu.memory_space<vmem>>
    %dma_wait3A_2097 = arith.constant 0 : i32
    %dma_wait3A_2098 = arith.constant 0 : i32
    %dma_wait3A_2099 = tpu.memref_slice %arg3[%dma_wait3A_2097, %dma_wait3A_2098] : memref<2359296x16xf32, #tpu.memory_space<hbm>> -> memref<2359296x16xf32, #tpu.memory_space<hbm>>
    tpu.wait_indirect_dma semaphore(%arg10 : memref<!tpu.dma_semaphore, #tpu.memory_space<semaphore_mem>>) src(%dma_wait3A_2099 : memref<2359296x16xf32, #tpu.memory_space<hbm>>) dst(%dma_wait3A_2093 : memref<128x16xf32, #tpu.memory_space<vmem>>)
    %dma_wait3A_2100 = arith.constant 5 : i32
    %dma_wait3A_2101 = arith.constant 640 : i32
    %dma_wait3A_2102 = arith.constant 0 : i32
    %dma_wait3A_2103 = tpu.memref_slice %arg7[%dma_wait3A_2101, %dma_wait3A_2102] : memref<1024x16xf32, #tpu.memory_space<vmem>> -> memref<128x16xf32, #tpu.memory_space<vmem>>
    %dma_wait3A_2104 = arith.constant 0 : i32
    %dma_wait3A_2105 = tpu.memref_slice %arg6[%dma_wait3A_2100, %dma_wait3A_2104] : memref<8x128xi32, #tpu.memory_space<vmem>> -> memref<1x128xi32, #tpu.memory_space<vmem>>
    %dma_wait3A_2106 = tpu.memref_squeeze %dma_wait3A_2105 : memref<1x128xi32, #tpu.memory_space<vmem>> -> memref<128xi32, #tpu.memory_space<vmem>>
    %dma_wait3A_2107 = arith.constant 0 : i32
    %dma_wait3A_2108 = arith.constant 0 : i32
    %dma_wait3A_2109 = tpu.memref_slice %arg3[%dma_wait3A_2107, %dma_wait3A_2108] : memref<2359296x16xf32, #tpu.memory_space<hbm>> -> memref<2359296x16xf32, #tpu.memory_space<hbm>>
    tpu.wait_indirect_dma semaphore(%arg10 : memref<!tpu.dma_semaphore, #tpu.memory_space<semaphore_mem>>) src(%dma_wait3A_2109 : memref<2359296x16xf32, #tpu.memory_space<hbm>>) dst(%dma_wait3A_2103 : memref<128x16xf32, #tpu.memory_space<vmem>>)
    %dma_wait3A_2110 = arith.constant 6 : i32
    %dma_wait3A_2111 = arith.constant 768 : i32
    %dma_wait3A_2112 = arith.constant 0 : i32
    %dma_wait3A_2113 = tpu.memref_slice %arg7[%dma_wait3A_2111, %dma_wait3A_2112] : memref<1024x16xf32, #tpu.memory_space<vmem>> -> memref<128x16xf32, #tpu.memory_space<vmem>>
    %dma_wait3A_2114 = arith.constant 0 : i32
    %dma_wait3A_2115 = tpu.memref_slice %arg6[%dma_wait3A_2110, %dma_wait3A_2114] : memref<8x128xi32, #tpu.memory_space<vmem>> -> memref<1x128xi32, #tpu.memory_space<vmem>>
    %dma_wait3A_2116 = tpu.memref_squeeze %dma_wait3A_2115 : memref<1x128xi32, #tpu.memory_space<vmem>> -> memref<128xi32, #tpu.memory_space<vmem>>
    %dma_wait3A_2117 = arith.constant 0 : i32
    %dma_wait3A_2118 = arith.constant 0 : i32
    %dma_wait3A_2119 = tpu.memref_slice %arg3[%dma_wait3A_2117, %dma_wait3A_2118] : memref<2359296x16xf32, #tpu.memory_space<hbm>> -> memref<2359296x16xf32, #tpu.memory_space<hbm>>
    tpu.wait_indirect_dma semaphore(%arg10 : memref<!tpu.dma_semaphore, #tpu.memory_space<semaphore_mem>>) src(%dma_wait3A_2119 : memref<2359296x16xf32, #tpu.memory_space<hbm>>) dst(%dma_wait3A_2113 : memref<128x16xf32, #tpu.memory_space<vmem>>)
    %dma_wait3A_2120 = arith.constant 7 : i32
    %dma_wait3A_2121 = arith.constant 896 : i32
    %dma_wait3A_2122 = arith.constant 0 : i32
    %dma_wait3A_2123 = tpu.memref_slice %arg7[%dma_wait3A_2121, %dma_wait3A_2122] : memref<1024x16xf32, #tpu.memory_space<vmem>> -> memref<128x16xf32, #tpu.memory_space<vmem>>
    %dma_wait3A_2124 = arith.constant 0 : i32
    %dma_wait3A_2125 = tpu.memref_slice %arg6[%dma_wait3A_2120, %dma_wait3A_2124] : memref<8x128xi32, #tpu.memory_space<vmem>> -> memref<1x128xi32, #tpu.memory_space<vmem>>
    %dma_wait3A_2126 = tpu.memref_squeeze %dma_wait3A_2125 : memref<1x128xi32, #tpu.memory_space<vmem>> -> memref<128xi32, #tpu.memory_space<vmem>>
    %dma_wait3A_2127 = arith.constant 0 : i32
    %dma_wait3A_2128 = arith.constant 0 : i32
    %dma_wait3A_2129 = tpu.memref_slice %arg3[%dma_wait3A_2127, %dma_wait3A_2128] : memref<2359296x16xf32, #tpu.memory_space<hbm>> -> memref<2359296x16xf32, #tpu.memory_space<hbm>>
    tpu.wait_indirect_dma semaphore(%arg10 : memref<!tpu.dma_semaphore, #tpu.memory_space<semaphore_mem>>) src(%dma_wait3A_2129 : memref<2359296x16xf32, #tpu.memory_space<hbm>>) dst(%dma_wait3A_2123 : memref<128x16xf32, #tpu.memory_space<vmem>>)
    %scan3A_2130 = arith.constant 0 : i32
    %scan3A_2131 = arith.constant 0 : i32
    %scan3A_2132 = arith.constant 64 : i32
    %scan3A_2133 = arith.addi %scan3A_2131, %scan3A_2132 : i32
    %scan3A_2134 = arith.constant 1 : i32
    %scan3A_2135 = scf.for %scan3A_2410 = %scan3A_2131 to %scan3A_2133 step %scan3A_2134 iter_args(%scan3A_2411 = %scan3A_2130) -> (i32)  : i32 {
      %mul3A_2412 = arith.constant 16 : i32
      %mul3A_2413 = arith.muli %scan3A_2410, %mul3A_2412 : i32
      %add3A_2414 = vector.broadcast %mul3A_2413 : i32 to vector<16xi32>
      %add3A_2415 = arith.addi %add3A_2414, %iota3A : vector<16xi32>
      %gather3A_2416 = tpu.vector_load_idx %arg7[%add3A_2415, %and3A_1962] : memref<1024x16xf32, #tpu.memory_space<vmem>>[vector<16xi32>, vector<16xi32>], vector<16xf32>,
      %swap3A = arith.index_cast %scan3A_2410 : i32 to index
      %swap3A_2417 = arith.constant 0 : index
      %swap3A_2418 = tpu.vector_load %arg8[%swap3A, %swap3A_2417] {strides = array<i32>} : memref<64x16xf32, #tpu.memory_space<vmem>>, vector<16xf32>,
      tpu.vector_store %arg8[%swap3A, %swap3A_2417], %gather3A_2416 {strides = array<i32>} : memref<64x16xf32, #tpu.memory_space<vmem>>, vector<16xf32>,
      %scan3A_2419 = arith.constant 0 : i32
      scf.yield %scan3A_2419 : i32
    }
    %scan3A_2136 = arith.constant 64 : i32
    %scan3A_2137 = arith.constant 0 : i32
    %scan3A_2138 = arith.constant 0 : i32
    %scan3A_2139 = arith.constant 64 : i32
    %scan3A_2140 = arith.addi %scan3A_2138, %scan3A_2139 : i32
    %scan3A_2141 = arith.constant 1 : i32
    %scan3A_2142 = scf.for %scan3A_2410 = %scan3A_2138 to %scan3A_2140 step %scan3A_2141 iter_args(%scan3A_2411 = %scan3A_2137) -> (i32)  : i32 {
      %broadcast_in_dim3A = vector.broadcast %scan3A_2410 : i32 to vector<16xi32>
      %get3A = arith.index_cast %scan3A_2410 : i32 to index
      %get3A_2412 = arith.constant 0 : index
      %get3A_2413 = tpu.vector_load %arg8[%get3A, %get3A_2412] {strides = array<i32>} : memref<64x16xf32, #tpu.memory_space<vmem>>, vector<16xf32>,
      tpu.vector_store_idx %arg9[%iota3A, %broadcast_in_dim3A], %get3A_2413 : memref<16x128xf32, #tpu.memory_space<vmem>>[vector<16xi32>, vector<16xi32>], vector<16xf32>,
      %scan3A_2414 = arith.constant 0 : i32
      scf.yield %scan3A_2414 : i32
    }
    %scan3A_2143 = arith.constant 64 : i32
    %add3A_2144 = arith.constant 224 : i32
    %add3A_2145 = arith.addi %add3A_2144, %add3A : i32
    "tpu.region"() ({
      %run_scoped3A = tpu.sem_alloc : memref<!tpu.dma_semaphore, #tpu.memory_space<semaphore_mem>>
      %dma_start3A_2410 = arith.constant 0 : i32
      %dma_start3A_2411 = arith.constant 0 : i32
      %dma_start3A_2412 = tpu.memref_slice %arg4[%add3A_2145, %dma_start3A_2410, %dma_start3A_2411] : memref<288x16x128xf32, #tpu.memory_space<hbm>> -> memref<1x16x128xf32, #tpu.memory_space<hbm>>
      %dma_start3A_2413 = tpu.memref_squeeze %dma_start3A_2412 : memref<1x16x128xf32, #tpu.memory_space<hbm>> -> memref<16x128xf32, #tpu.memory_space<hbm>>
      %dma_start3A_2414 = arith.constant 0 : i32
      %dma_start3A_2415 = arith.constant 0 : i32
      %dma_start3A_2416 = tpu.memref_slice %arg4[%add3A_2145, %dma_start3A_2414, %dma_start3A_2415] : memref<288x16x128xf32, #tpu.memory_space<hbm>> -> memref<1x16x128xf32, #tpu.memory_space<hbm>>
      %dma_start3A_2417 = tpu.memref_squeeze %dma_start3A_2416 : memref<1x16x128xf32, #tpu.memory_space<hbm>> -> memref<16x128xf32, #tpu.memory_space<hbm>>
      tpu.enqueue_dma source(%arg9 : memref<16x128xf32, #tpu.memory_space<vmem>>) target(%dma_start3A_2417 : memref<16x128xf32, #tpu.memory_space<hbm>>) target_semaphore(%run_scoped3A : memref<!tpu.dma_semaphore, #tpu.memory_space<semaphore_mem>>)
      %dma_wait3A_2418 = arith.constant 0 : i32
      %dma_wait3A_2419 = arith.constant 0 : i32
      %dma_wait3A_2420 = tpu.memref_slice %arg4[%add3A_2145, %dma_wait3A_2418, %dma_wait3A_2419] : memref<288x16x128xf32, #tpu.memory_space<hbm>> -> memref<1x16x128xf32, #tpu.memory_space<hbm>>
      %dma_wait3A_2421 = tpu.memref_squeeze %dma_wait3A_2420 : memref<1x16x128xf32, #tpu.memory_space<hbm>> -> memref<16x128xf32, #tpu.memory_space<hbm>>
      %dma_wait3A_2422 = arith.constant 0 : i32
      %dma_wait3A_2423 = arith.constant 0 : i32
      %dma_wait3A_2424 = tpu.memref_slice %arg4[%add3A_2145, %dma_wait3A_2422, %dma_wait3A_2423] : memref<288x16x128xf32, #tpu.memory_space<hbm>> -> memref<1x16x128xf32, #tpu.memory_space<hbm>>
      %dma_wait3A_2425 = tpu.memref_squeeze %dma_wait3A_2424 : memref<1x16x128xf32, #tpu.memory_space<hbm>> -> memref<16x128xf32, #tpu.memory_space<hbm>>
      tpu.wait_dma2 semaphore(%run_scoped3A : memref<!tpu.dma_semaphore, #tpu.memory_space<semaphore_mem>>) src(%arg9 : memref<16x128xf32, #tpu.memory_space<vmem>>) dst(%dma_wait3A_2425 : memref<16x128xf32, #tpu.memory_space<hbm>>)
      tpu.yield
    }) : () -> ()
    %add3A_2146 = arith.constant 9 : i32
    %add3A_2147 = vector.broadcast %add3A_2146 : i32 to vector<16xi32>
    %add3A_2148 = arith.addi %convert_element_type3A, %add3A_2147 : vector<16xi32>
    %mul3A_2149 = arith.constant 384 : i32
    %mul3A_2150 = vector.broadcast %mul3A_2149 : i32 to vector<16xi32>
    %mul3A_2151 = arith.muli %add3A_2148, %mul3A_2150 : vector<16xi32>
    %add3A_2152 = arith.constant 9 : i32
    %add3A_2153 = vector.broadcast %add3A_2152 : i32 to vector<16xi32>
    %add3A_2154 = arith.addi %convert_element_type3A_37, %add3A_2153 : vector<16xi32>
    %add3A_2155 = arith.addi %mul3A_2151, %add3A_2154 : vector<16xi32>
    %jit3A_2156 = arith.constant 0 : i32
    %jit3A_2157 = arith.constant 147455 : i32
    %max3A_2158 = vector.broadcast %jit3A_2156 : i32 to vector<16xi32>
    %max3A_2159 = arith.maxsi %max3A_2158, %add3A_2155 : vector<16xi32>
    %min3A_2160 = vector.broadcast %jit3A_2157 : i32 to vector<16xi32>
    %min3A_2161 = arith.minsi %min3A_2160, %max3A_2159 : vector<16xi32>
    %jit3A_2162 = arith.constant 384 : i32
    %div3A_2163 = vector.broadcast %jit3A_2162 : i32 to vector<16xi32>
    %div3A_2164 = arith.divsi %min3A_2161, %div3A_2163 : vector<16xi32>
    %sign3A_2165 = arith.constant 0 : i32
    %sign3A_2166 = vector.broadcast %sign3A_2165 : i32 to vector<16xi32>
    %sign3A_2167 = arith.cmpi sgt, %min3A_2161, %sign3A_2166 : vector<16xi32>
    %sign3A_2168 = arith.extui %sign3A_2167 : vector<16xi1> to vector<16xi32>
    %sign3A_2169 = arith.constant 0 : i32
    %sign3A_2170 = vector.broadcast %sign3A_2169 : i32 to vector<16xi32>
    %sign3A_2171 = arith.cmpi slt, %min3A_2161, %sign3A_2170 : vector<16xi32>
    %sign3A_2172 = arith.extui %sign3A_2171 : vector<16xi1> to vector<16xi32>
    %sign3A_2173 = arith.subi %sign3A_2168, %sign3A_2172 : vector<16xi32>
    %sign3A_2174 = arith.constant 0 : i32
    %sign3A_2175 = arith.cmpi sgt, %jit3A_2162, %sign3A_2174 : i32
    %sign3A_2176 = arith.extui %sign3A_2175 : i1 to i32
    %sign3A_2177 = arith.constant 0 : i32
    %sign3A_2178 = arith.cmpi slt, %jit3A_2162, %sign3A_2177 : i32
    %sign3A_2179 = arith.extui %sign3A_2178 : i1 to i32
    %sign3A_2180 = arith.subi %sign3A_2176, %sign3A_2179 : i32
    %ne3A_2181 = vector.broadcast %sign3A_2180 : i32 to vector<16xi32>
    %ne3A_2182 = arith.cmpi ne, %sign3A_2173, %ne3A_2181 : vector<16xi32>
    %rem3A_2183 = vector.broadcast %jit3A_2162 : i32 to vector<16xi32>
    %rem3A_2184 = arith.remsi %min3A_2161, %rem3A_2183 : vector<16xi32>
    %ne3A_2185 = arith.constant 0 : i32
    %ne3A_2186 = vector.broadcast %ne3A_2185 : i32 to vector<16xi32>
    %ne3A_2187 = arith.cmpi ne, %rem3A_2184, %ne3A_2186 : vector<16xi32>
    %and3A_2188 = arith.andi %ne3A_2182, %ne3A_2187 : vector<16xi1>
    %sub3A_2189 = arith.constant 1 : i32
    %sub3A_2190 = vector.broadcast %sub3A_2189 : i32 to vector<16xi32>
    %sub3A_2191 = arith.subi %div3A_2164, %sub3A_2190 : vector<16xi32>
    %select_n3A_2192 = arith.select %and3A_2188, %sub3A_2191, %div3A_2164 : vector<16xi1>, vector<16xi32>
    %mul3A_2193 = arith.constant 384 : i32
    %mul3A_2194 = vector.broadcast %mul3A_2193 : i32 to vector<16xi32>
    %mul3A_2195 = arith.muli %select_n3A_2192, %mul3A_2194 : vector<16xi32>
    %sub3A_2196 = arith.subi %min3A_2161, %mul3A_2195 : vector<16xi32>
    %shift_right_logical3A_2197 = arith.constant 3 : i32
    %shift_right_logical3A_2198 = vector.broadcast %shift_right_logical3A_2197 : i32 to vector<16xi32>
    %shift_right_logical3A_2199 = arith.shrui %select_n3A_2192, %shift_right_logical3A_2198 : vector<16xi32>
    %mul3A_2200 = arith.constant 3 : i32
    %mul3A_2201 = vector.broadcast %mul3A_2200 : i32 to vector<16xi32>
    %mul3A_2202 = arith.muli %shift_right_logical3A_2199, %mul3A_2201 : vector<16xi32>
    %shift_right_logical3A_2203 = arith.constant 7 : i32
    %shift_right_logical3A_2204 = vector.broadcast %shift_right_logical3A_2203 : i32 to vector<16xi32>
    %shift_right_logical3A_2205 = arith.shrui %sub3A_2196, %shift_right_logical3A_2204 : vector<16xi32>
    %add3A_2206 = arith.addi %mul3A_2202, %shift_right_logical3A_2205 : vector<16xi32>
    %mul3A_2207 = arith.constant 64 : i32
    %mul3A_2208 = vector.broadcast %mul3A_2207 : i32 to vector<16xi32>
    %mul3A_2209 = arith.muli %add3A_2206, %mul3A_2208 : vector<16xi32>
    %and3A_2210 = arith.constant 7 : i32
    %and3A_2211 = vector.broadcast %and3A_2210 : i32 to vector<16xi32>
    %and3A_2212 = arith.andi %select_n3A_2192, %and3A_2211 : vector<16xi32>
    %mul3A_2213 = arith.constant 8 : i32
    %mul3A_2214 = vector.broadcast %mul3A_2213 : i32 to vector<16xi32>
    %mul3A_2215 = arith.muli %and3A_2212, %mul3A_2214 : vector<16xi32>
    %add3A_2216 = arith.addi %mul3A_2209, %mul3A_2215 : vector<16xi32>
    %and3A_2217 = arith.constant 127 : i32
    %and3A_2218 = vector.broadcast %and3A_2217 : i32 to vector<16xi32>
    %and3A_2219 = arith.andi %sub3A_2196, %and3A_2218 : vector<16xi32>
    %shift_right_logical3A_2220 = arith.constant 4 : i32
    %shift_right_logical3A_2221 = vector.broadcast %shift_right_logical3A_2220 : i32 to vector<16xi32>
    %shift_right_logical3A_2222 = arith.shrui %and3A_2219, %shift_right_logical3A_2221 : vector<16xi32>
    %add3A_2223 = arith.addi %add3A_2216, %shift_right_logical3A_2222 : vector<16xi32>
    %and3A_2224 = arith.constant 15 : i32
    %and3A_2225 = vector.broadcast %and3A_2224 : i32 to vector<16xi32>
    %and3A_2226 = arith.andi %sub3A_2196, %and3A_2225 : vector<16xi32>
    %scan3A_2227 = arith.constant 0 : i32
    %scan3A_2228 = arith.constant 0 : i32
    %scan3A_2229 = arith.constant 64 : i32
    %scan3A_2230 = arith.addi %scan3A_2228, %scan3A_2229 : i32
    %scan3A_2231 = arith.constant 1 : i32
    %scan3A_2232 = scf.for %scan3A_2410 = %scan3A_2228 to %scan3A_2230 step %scan3A_2231 iter_args(%scan3A_2411 = %scan3A_2227) -> (i32)  : i32 {
      %mul3A_2412 = arith.constant 9216 : i32
      %mul3A_2413 = arith.muli %scan3A_2410, %mul3A_2412 : i32
      %add3A_2414 = arith.addi %mul3A_39, %mul3A_2413 : i32
      %broadcast_in_dim3A = vector.broadcast %add3A_2414 : i32 to vector<16xi32>
      %add3A_2415 = arith.addi %broadcast_in_dim3A, %add3A_2223 : vector<16xi32>
      %shift_right_logical3A_2416 = arith.constant 3 : i32
      %shift_right_logical3A_2417 = arith.shrui %scan3A_2410, %shift_right_logical3A_2416 : i32
      %and3A_2418 = arith.constant 7 : i32
      %and3A_2419 = arith.andi %scan3A_2410, %and3A_2418 : i32
      %mul3A_2420 = arith.constant 16 : i32
      %mul3A_2421 = arith.muli %and3A_2419, %mul3A_2420 : i32
      %swap3A = arith.index_cast %shift_right_logical3A_2417 : i32 to index
      %swap3A_2422 = arith.index_cast %mul3A_2421 : i32 to index
      %swap3A_2423 = tpu.vector_load %arg6[%swap3A, %swap3A_2422] {strides = array<i32>} : memref<8x128xi32, #tpu.memory_space<vmem>>, vector<16xi32>,
      tpu.vector_store %arg6[%swap3A, %swap3A_2422], %add3A_2415 {strides = array<i32>} : memref<8x128xi32, #tpu.memory_space<vmem>>, vector<16xi32>,
      %scan3A_2424 = arith.constant 0 : i32
      scf.yield %scan3A_2424 : i32
    }
    %scan3A_2233 = arith.constant 64 : i32
    %dma_start3A_2234 = arith.constant 0 : i32
    %dma_start3A_2235 = arith.constant 0 : i32
    %dma_start3A_2236 = arith.constant 0 : i32
    %dma_start3A_2237 = tpu.memref_slice %arg7[%dma_start3A_2235, %dma_start3A_2236] : memref<1024x16xf32, #tpu.memory_space<vmem>> -> memref<128x16xf32, #tpu.memory_space<vmem>>
    %dma_start3A_2238 = arith.constant 0 : i32
    %dma_start3A_2239 = tpu.memref_slice %arg6[%dma_start3A_2234, %dma_start3A_2238] : memref<8x128xi32, #tpu.memory_space<vmem>> -> memref<1x128xi32, #tpu.memory_space<vmem>>
    %dma_start3A_2240 = tpu.memref_squeeze %dma_start3A_2239 : memref<1x128xi32, #tpu.memory_space<vmem>> -> memref<128xi32, #tpu.memory_space<vmem>>
    %dma_start3A_2241 = arith.constant 0 : i32
    %dma_start3A_2242 = arith.constant 0 : i32
    %dma_start3A_2243 = tpu.memref_slice %arg3[%dma_start3A_2241, %dma_start3A_2242] : memref<2359296x16xf32, #tpu.memory_space<hbm>> -> memref<2359296x16xf32, #tpu.memory_space<hbm>>
    tpu.enqueue_indirect_dma source(%dma_start3A_2243 : memref<2359296x16xf32, #tpu.memory_space<hbm>>) target(%dma_start3A_2237 : memref<128x16xf32, #tpu.memory_space<vmem>>) offsets(%dma_start3A_2240 : memref<128xi32, #tpu.memory_space<vmem>>) semaphore(%arg10 : memref<!tpu.dma_semaphore, #tpu.memory_space<semaphore_mem>>)
    %dma_start3A_2244 = arith.constant 1 : i32
    %dma_start3A_2245 = arith.constant 128 : i32
    %dma_start3A_2246 = arith.constant 0 : i32
    %dma_start3A_2247 = tpu.memref_slice %arg7[%dma_start3A_2245, %dma_start3A_2246] : memref<1024x16xf32, #tpu.memory_space<vmem>> -> memref<128x16xf32, #tpu.memory_space<vmem>>
    %dma_start3A_2248 = arith.constant 0 : i32
    %dma_start3A_2249 = tpu.memref_slice %arg6[%dma_start3A_2244, %dma_start3A_2248] : memref<8x128xi32, #tpu.memory_space<vmem>> -> memref<1x128xi32, #tpu.memory_space<vmem>>
    %dma_start3A_2250 = tpu.memref_squeeze %dma_start3A_2249 : memref<1x128xi32, #tpu.memory_space<vmem>> -> memref<128xi32, #tpu.memory_space<vmem>>
    %dma_start3A_2251 = arith.constant 0 : i32
    %dma_start3A_2252 = arith.constant 0 : i32
    %dma_start3A_2253 = tpu.memref_slice %arg3[%dma_start3A_2251, %dma_start3A_2252] : memref<2359296x16xf32, #tpu.memory_space<hbm>> -> memref<2359296x16xf32, #tpu.memory_space<hbm>>
    tpu.enqueue_indirect_dma source(%dma_start3A_2253 : memref<2359296x16xf32, #tpu.memory_space<hbm>>) target(%dma_start3A_2247 : memref<128x16xf32, #tpu.memory_space<vmem>>) offsets(%dma_start3A_2250 : memref<128xi32, #tpu.memory_space<vmem>>) semaphore(%arg10 : memref<!tpu.dma_semaphore, #tpu.memory_space<semaphore_mem>>)
    %dma_start3A_2254 = arith.constant 2 : i32
    %dma_start3A_2255 = arith.constant 256 : i32
    %dma_start3A_2256 = arith.constant 0 : i32
    %dma_start3A_2257 = tpu.memref_slice %arg7[%dma_start3A_2255, %dma_start3A_2256] : memref<1024x16xf32, #tpu.memory_space<vmem>> -> memref<128x16xf32, #tpu.memory_space<vmem>>
    %dma_start3A_2258 = arith.constant 0 : i32
    %dma_start3A_2259 = tpu.memref_slice %arg6[%dma_start3A_2254, %dma_start3A_2258] : memref<8x128xi32, #tpu.memory_space<vmem>> -> memref<1x128xi32, #tpu.memory_space<vmem>>
    %dma_start3A_2260 = tpu.memref_squeeze %dma_start3A_2259 : memref<1x128xi32, #tpu.memory_space<vmem>> -> memref<128xi32, #tpu.memory_space<vmem>>
    %dma_start3A_2261 = arith.constant 0 : i32
    %dma_start3A_2262 = arith.constant 0 : i32
    %dma_start3A_2263 = tpu.memref_slice %arg3[%dma_start3A_2261, %dma_start3A_2262] : memref<2359296x16xf32, #tpu.memory_space<hbm>> -> memref<2359296x16xf32, #tpu.memory_space<hbm>>
    tpu.enqueue_indirect_dma source(%dma_start3A_2263 : memref<2359296x16xf32, #tpu.memory_space<hbm>>) target(%dma_start3A_2257 : memref<128x16xf32, #tpu.memory_space<vmem>>) offsets(%dma_start3A_2260 : memref<128xi32, #tpu.memory_space<vmem>>) semaphore(%arg10 : memref<!tpu.dma_semaphore, #tpu.memory_space<semaphore_mem>>)
    %dma_start3A_2264 = arith.constant 3 : i32
    %dma_start3A_2265 = arith.constant 384 : i32
    %dma_start3A_2266 = arith.constant 0 : i32
    %dma_start3A_2267 = tpu.memref_slice %arg7[%dma_start3A_2265, %dma_start3A_2266] : memref<1024x16xf32, #tpu.memory_space<vmem>> -> memref<128x16xf32, #tpu.memory_space<vmem>>
    %dma_start3A_2268 = arith.constant 0 : i32
    %dma_start3A_2269 = tpu.memref_slice %arg6[%dma_start3A_2264, %dma_start3A_2268] : memref<8x128xi32, #tpu.memory_space<vmem>> -> memref<1x128xi32, #tpu.memory_space<vmem>>
    %dma_start3A_2270 = tpu.memref_squeeze %dma_start3A_2269 : memref<1x128xi32, #tpu.memory_space<vmem>> -> memref<128xi32, #tpu.memory_space<vmem>>
    %dma_start3A_2271 = arith.constant 0 : i32
    %dma_start3A_2272 = arith.constant 0 : i32
    %dma_start3A_2273 = tpu.memref_slice %arg3[%dma_start3A_2271, %dma_start3A_2272] : memref<2359296x16xf32, #tpu.memory_space<hbm>> -> memref<2359296x16xf32, #tpu.memory_space<hbm>>
    tpu.enqueue_indirect_dma source(%dma_start3A_2273 : memref<2359296x16xf32, #tpu.memory_space<hbm>>) target(%dma_start3A_2267 : memref<128x16xf32, #tpu.memory_space<vmem>>) offsets(%dma_start3A_2270 : memref<128xi32, #tpu.memory_space<vmem>>) semaphore(%arg10 : memref<!tpu.dma_semaphore, #tpu.memory_space<semaphore_mem>>)
    %dma_start3A_2274 = arith.constant 4 : i32
    %dma_start3A_2275 = arith.constant 512 : i32
    %dma_start3A_2276 = arith.constant 0 : i32
    %dma_start3A_2277 = tpu.memref_slice %arg7[%dma_start3A_2275, %dma_start3A_2276] : memref<1024x16xf32, #tpu.memory_space<vmem>> -> memref<128x16xf32, #tpu.memory_space<vmem>>
    %dma_start3A_2278 = arith.constant 0 : i32
    %dma_start3A_2279 = tpu.memref_slice %arg6[%dma_start3A_2274, %dma_start3A_2278] : memref<8x128xi32, #tpu.memory_space<vmem>> -> memref<1x128xi32, #tpu.memory_space<vmem>>
    %dma_start3A_2280 = tpu.memref_squeeze %dma_start3A_2279 : memref<1x128xi32, #tpu.memory_space<vmem>> -> memref<128xi32, #tpu.memory_space<vmem>>
    %dma_start3A_2281 = arith.constant 0 : i32
    %dma_start3A_2282 = arith.constant 0 : i32
    %dma_start3A_2283 = tpu.memref_slice %arg3[%dma_start3A_2281, %dma_start3A_2282] : memref<2359296x16xf32, #tpu.memory_space<hbm>> -> memref<2359296x16xf32, #tpu.memory_space<hbm>>
    tpu.enqueue_indirect_dma source(%dma_start3A_2283 : memref<2359296x16xf32, #tpu.memory_space<hbm>>) target(%dma_start3A_2277 : memref<128x16xf32, #tpu.memory_space<vmem>>) offsets(%dma_start3A_2280 : memref<128xi32, #tpu.memory_space<vmem>>) semaphore(%arg10 : memref<!tpu.dma_semaphore, #tpu.memory_space<semaphore_mem>>)
    %dma_start3A_2284 = arith.constant 5 : i32
    %dma_start3A_2285 = arith.constant 640 : i32
    %dma_start3A_2286 = arith.constant 0 : i32
    %dma_start3A_2287 = tpu.memref_slice %arg7[%dma_start3A_2285, %dma_start3A_2286] : memref<1024x16xf32, #tpu.memory_space<vmem>> -> memref<128x16xf32, #tpu.memory_space<vmem>>
    %dma_start3A_2288 = arith.constant 0 : i32
    %dma_start3A_2289 = tpu.memref_slice %arg6[%dma_start3A_2284, %dma_start3A_2288] : memref<8x128xi32, #tpu.memory_space<vmem>> -> memref<1x128xi32, #tpu.memory_space<vmem>>
    %dma_start3A_2290 = tpu.memref_squeeze %dma_start3A_2289 : memref<1x128xi32, #tpu.memory_space<vmem>> -> memref<128xi32, #tpu.memory_space<vmem>>
    %dma_start3A_2291 = arith.constant 0 : i32
    %dma_start3A_2292 = arith.constant 0 : i32
    %dma_start3A_2293 = tpu.memref_slice %arg3[%dma_start3A_2291, %dma_start3A_2292] : memref<2359296x16xf32, #tpu.memory_space<hbm>> -> memref<2359296x16xf32, #tpu.memory_space<hbm>>
    tpu.enqueue_indirect_dma source(%dma_start3A_2293 : memref<2359296x16xf32, #tpu.memory_space<hbm>>) target(%dma_start3A_2287 : memref<128x16xf32, #tpu.memory_space<vmem>>) offsets(%dma_start3A_2290 : memref<128xi32, #tpu.memory_space<vmem>>) semaphore(%arg10 : memref<!tpu.dma_semaphore, #tpu.memory_space<semaphore_mem>>)
    %dma_start3A_2294 = arith.constant 6 : i32
    %dma_start3A_2295 = arith.constant 768 : i32
    %dma_start3A_2296 = arith.constant 0 : i32
    %dma_start3A_2297 = tpu.memref_slice %arg7[%dma_start3A_2295, %dma_start3A_2296] : memref<1024x16xf32, #tpu.memory_space<vmem>> -> memref<128x16xf32, #tpu.memory_space<vmem>>
    %dma_start3A_2298 = arith.constant 0 : i32
    %dma_start3A_2299 = tpu.memref_slice %arg6[%dma_start3A_2294, %dma_start3A_2298] : memref<8x128xi32, #tpu.memory_space<vmem>> -> memref<1x128xi32, #tpu.memory_space<vmem>>
    %dma_start3A_2300 = tpu.memref_squeeze %dma_start3A_2299 : memref<1x128xi32, #tpu.memory_space<vmem>> -> memref<128xi32, #tpu.memory_space<vmem>>
    %dma_start3A_2301 = arith.constant 0 : i32
    %dma_start3A_2302 = arith.constant 0 : i32
    %dma_start3A_2303 = tpu.memref_slice %arg3[%dma_start3A_2301, %dma_start3A_2302] : memref<2359296x16xf32, #tpu.memory_space<hbm>> -> memref<2359296x16xf32, #tpu.memory_space<hbm>>
    tpu.enqueue_indirect_dma source(%dma_start3A_2303 : memref<2359296x16xf32, #tpu.memory_space<hbm>>) target(%dma_start3A_2297 : memref<128x16xf32, #tpu.memory_space<vmem>>) offsets(%dma_start3A_2300 : memref<128xi32, #tpu.memory_space<vmem>>) semaphore(%arg10 : memref<!tpu.dma_semaphore, #tpu.memory_space<semaphore_mem>>)
    %dma_start3A_2304 = arith.constant 7 : i32
    %dma_start3A_2305 = arith.constant 896 : i32
    %dma_start3A_2306 = arith.constant 0 : i32
    %dma_start3A_2307 = tpu.memref_slice %arg7[%dma_start3A_2305, %dma_start3A_2306] : memref<1024x16xf32, #tpu.memory_space<vmem>> -> memref<128x16xf32, #tpu.memory_space<vmem>>
    %dma_start3A_2308 = arith.constant 0 : i32
    %dma_start3A_2309 = tpu.memref_slice %arg6[%dma_start3A_2304, %dma_start3A_2308] : memref<8x128xi32, #tpu.memory_space<vmem>> -> memref<1x128xi32, #tpu.memory_space<vmem>>
    %dma_start3A_2310 = tpu.memref_squeeze %dma_start3A_2309 : memref<1x128xi32, #tpu.memory_space<vmem>> -> memref<128xi32, #tpu.memory_space<vmem>>
    %dma_start3A_2311 = arith.constant 0 : i32
    %dma_start3A_2312 = arith.constant 0 : i32
    %dma_start3A_2313 = tpu.memref_slice %arg3[%dma_start3A_2311, %dma_start3A_2312] : memref<2359296x16xf32, #tpu.memory_space<hbm>> -> memref<2359296x16xf32, #tpu.memory_space<hbm>>
    tpu.enqueue_indirect_dma source(%dma_start3A_2313 : memref<2359296x16xf32, #tpu.memory_space<hbm>>) target(%dma_start3A_2307 : memref<128x16xf32, #tpu.memory_space<vmem>>) offsets(%dma_start3A_2310 : memref<128xi32, #tpu.memory_space<vmem>>) semaphore(%arg10 : memref<!tpu.dma_semaphore, #tpu.memory_space<semaphore_mem>>)
    %dma_wait3A_2314 = arith.constant 0 : i32
    %dma_wait3A_2315 = arith.constant 0 : i32
    %dma_wait3A_2316 = arith.constant 0 : i32
    %dma_wait3A_2317 = tpu.memref_slice %arg7[%dma_wait3A_2315, %dma_wait3A_2316] : memref<1024x16xf32, #tpu.memory_space<vmem>> -> memref<128x16xf32, #tpu.memory_space<vmem>>
    %dma_wait3A_2318 = arith.constant 0 : i32
    %dma_wait3A_2319 = tpu.memref_slice %arg6[%dma_wait3A_2314, %dma_wait3A_2318] : memref<8x128xi32, #tpu.memory_space<vmem>> -> memref<1x128xi32, #tpu.memory_space<vmem>>
    %dma_wait3A_2320 = tpu.memref_squeeze %dma_wait3A_2319 : memref<1x128xi32, #tpu.memory_space<vmem>> -> memref<128xi32, #tpu.memory_space<vmem>>
    %dma_wait3A_2321 = arith.constant 0 : i32
    %dma_wait3A_2322 = arith.constant 0 : i32
    %dma_wait3A_2323 = tpu.memref_slice %arg3[%dma_wait3A_2321, %dma_wait3A_2322] : memref<2359296x16xf32, #tpu.memory_space<hbm>> -> memref<2359296x16xf32, #tpu.memory_space<hbm>>
    tpu.wait_indirect_dma semaphore(%arg10 : memref<!tpu.dma_semaphore, #tpu.memory_space<semaphore_mem>>) src(%dma_wait3A_2323 : memref<2359296x16xf32, #tpu.memory_space<hbm>>) dst(%dma_wait3A_2317 : memref<128x16xf32, #tpu.memory_space<vmem>>)
    %dma_wait3A_2324 = arith.constant 1 : i32
    %dma_wait3A_2325 = arith.constant 128 : i32
    %dma_wait3A_2326 = arith.constant 0 : i32
    %dma_wait3A_2327 = tpu.memref_slice %arg7[%dma_wait3A_2325, %dma_wait3A_2326] : memref<1024x16xf32, #tpu.memory_space<vmem>> -> memref<128x16xf32, #tpu.memory_space<vmem>>
    %dma_wait3A_2328 = arith.constant 0 : i32
    %dma_wait3A_2329 = tpu.memref_slice %arg6[%dma_wait3A_2324, %dma_wait3A_2328] : memref<8x128xi32, #tpu.memory_space<vmem>> -> memref<1x128xi32, #tpu.memory_space<vmem>>
    %dma_wait3A_2330 = tpu.memref_squeeze %dma_wait3A_2329 : memref<1x128xi32, #tpu.memory_space<vmem>> -> memref<128xi32, #tpu.memory_space<vmem>>
    %dma_wait3A_2331 = arith.constant 0 : i32
    %dma_wait3A_2332 = arith.constant 0 : i32
    %dma_wait3A_2333 = tpu.memref_slice %arg3[%dma_wait3A_2331, %dma_wait3A_2332] : memref<2359296x16xf32, #tpu.memory_space<hbm>> -> memref<2359296x16xf32, #tpu.memory_space<hbm>>
    tpu.wait_indirect_dma semaphore(%arg10 : memref<!tpu.dma_semaphore, #tpu.memory_space<semaphore_mem>>) src(%dma_wait3A_2333 : memref<2359296x16xf32, #tpu.memory_space<hbm>>) dst(%dma_wait3A_2327 : memref<128x16xf32, #tpu.memory_space<vmem>>)
    %dma_wait3A_2334 = arith.constant 2 : i32
    %dma_wait3A_2335 = arith.constant 256 : i32
    %dma_wait3A_2336 = arith.constant 0 : i32
    %dma_wait3A_2337 = tpu.memref_slice %arg7[%dma_wait3A_2335, %dma_wait3A_2336] : memref<1024x16xf32, #tpu.memory_space<vmem>> -> memref<128x16xf32, #tpu.memory_space<vmem>>
    %dma_wait3A_2338 = arith.constant 0 : i32
    %dma_wait3A_2339 = tpu.memref_slice %arg6[%dma_wait3A_2334, %dma_wait3A_2338] : memref<8x128xi32, #tpu.memory_space<vmem>> -> memref<1x128xi32, #tpu.memory_space<vmem>>
    %dma_wait3A_2340 = tpu.memref_squeeze %dma_wait3A_2339 : memref<1x128xi32, #tpu.memory_space<vmem>> -> memref<128xi32, #tpu.memory_space<vmem>>
    %dma_wait3A_2341 = arith.constant 0 : i32
    %dma_wait3A_2342 = arith.constant 0 : i32
    %dma_wait3A_2343 = tpu.memref_slice %arg3[%dma_wait3A_2341, %dma_wait3A_2342] : memref<2359296x16xf32, #tpu.memory_space<hbm>> -> memref<2359296x16xf32, #tpu.memory_space<hbm>>
    tpu.wait_indirect_dma semaphore(%arg10 : memref<!tpu.dma_semaphore, #tpu.memory_space<semaphore_mem>>) src(%dma_wait3A_2343 : memref<2359296x16xf32, #tpu.memory_space<hbm>>) dst(%dma_wait3A_2337 : memref<128x16xf32, #tpu.memory_space<vmem>>)
    %dma_wait3A_2344 = arith.constant 3 : i32
    %dma_wait3A_2345 = arith.constant 384 : i32
    %dma_wait3A_2346 = arith.constant 0 : i32
    %dma_wait3A_2347 = tpu.memref_slice %arg7[%dma_wait3A_2345, %dma_wait3A_2346] : memref<1024x16xf32, #tpu.memory_space<vmem>> -> memref<128x16xf32, #tpu.memory_space<vmem>>
    %dma_wait3A_2348 = arith.constant 0 : i32
    %dma_wait3A_2349 = tpu.memref_slice %arg6[%dma_wait3A_2344, %dma_wait3A_2348] : memref<8x128xi32, #tpu.memory_space<vmem>> -> memref<1x128xi32, #tpu.memory_space<vmem>>
    %dma_wait3A_2350 = tpu.memref_squeeze %dma_wait3A_2349 : memref<1x128xi32, #tpu.memory_space<vmem>> -> memref<128xi32, #tpu.memory_space<vmem>>
    %dma_wait3A_2351 = arith.constant 0 : i32
    %dma_wait3A_2352 = arith.constant 0 : i32
    %dma_wait3A_2353 = tpu.memref_slice %arg3[%dma_wait3A_2351, %dma_wait3A_2352] : memref<2359296x16xf32, #tpu.memory_space<hbm>> -> memref<2359296x16xf32, #tpu.memory_space<hbm>>
    tpu.wait_indirect_dma semaphore(%arg10 : memref<!tpu.dma_semaphore, #tpu.memory_space<semaphore_mem>>) src(%dma_wait3A_2353 : memref<2359296x16xf32, #tpu.memory_space<hbm>>) dst(%dma_wait3A_2347 : memref<128x16xf32, #tpu.memory_space<vmem>>)
    %dma_wait3A_2354 = arith.constant 4 : i32
    %dma_wait3A_2355 = arith.constant 512 : i32
    %dma_wait3A_2356 = arith.constant 0 : i32
    %dma_wait3A_2357 = tpu.memref_slice %arg7[%dma_wait3A_2355, %dma_wait3A_2356] : memref<1024x16xf32, #tpu.memory_space<vmem>> -> memref<128x16xf32, #tpu.memory_space<vmem>>
    %dma_wait3A_2358 = arith.constant 0 : i32
    %dma_wait3A_2359 = tpu.memref_slice %arg6[%dma_wait3A_2354, %dma_wait3A_2358] : memref<8x128xi32, #tpu.memory_space<vmem>> -> memref<1x128xi32, #tpu.memory_space<vmem>>
    %dma_wait3A_2360 = tpu.memref_squeeze %dma_wait3A_2359 : memref<1x128xi32, #tpu.memory_space<vmem>> -> memref<128xi32, #tpu.memory_space<vmem>>
    %dma_wait3A_2361 = arith.constant 0 : i32
    %dma_wait3A_2362 = arith.constant 0 : i32
    %dma_wait3A_2363 = tpu.memref_slice %arg3[%dma_wait3A_2361, %dma_wait3A_2362] : memref<2359296x16xf32, #tpu.memory_space<hbm>> -> memref<2359296x16xf32, #tpu.memory_space<hbm>>
    tpu.wait_indirect_dma semaphore(%arg10 : memref<!tpu.dma_semaphore, #tpu.memory_space<semaphore_mem>>) src(%dma_wait3A_2363 : memref<2359296x16xf32, #tpu.memory_space<hbm>>) dst(%dma_wait3A_2357 : memref<128x16xf32, #tpu.memory_space<vmem>>)
    %dma_wait3A_2364 = arith.constant 5 : i32
    %dma_wait3A_2365 = arith.constant 640 : i32
    %dma_wait3A_2366 = arith.constant 0 : i32
    %dma_wait3A_2367 = tpu.memref_slice %arg7[%dma_wait3A_2365, %dma_wait3A_2366] : memref<1024x16xf32, #tpu.memory_space<vmem>> -> memref<128x16xf32, #tpu.memory_space<vmem>>
    %dma_wait3A_2368 = arith.constant 0 : i32
    %dma_wait3A_2369 = tpu.memref_slice %arg6[%dma_wait3A_2364, %dma_wait3A_2368] : memref<8x128xi32, #tpu.memory_space<vmem>> -> memref<1x128xi32, #tpu.memory_space<vmem>>
    %dma_wait3A_2370 = tpu.memref_squeeze %dma_wait3A_2369 : memref<1x128xi32, #tpu.memory_space<vmem>> -> memref<128xi32, #tpu.memory_space<vmem>>
    %dma_wait3A_2371 = arith.constant 0 : i32
    %dma_wait3A_2372 = arith.constant 0 : i32
    %dma_wait3A_2373 = tpu.memref_slice %arg3[%dma_wait3A_2371, %dma_wait3A_2372] : memref<2359296x16xf32, #tpu.memory_space<hbm>> -> memref<2359296x16xf32, #tpu.memory_space<hbm>>
    tpu.wait_indirect_dma semaphore(%arg10 : memref<!tpu.dma_semaphore, #tpu.memory_space<semaphore_mem>>) src(%dma_wait3A_2373 : memref<2359296x16xf32, #tpu.memory_space<hbm>>) dst(%dma_wait3A_2367 : memref<128x16xf32, #tpu.memory_space<vmem>>)
    %dma_wait3A_2374 = arith.constant 6 : i32
    %dma_wait3A_2375 = arith.constant 768 : i32
    %dma_wait3A_2376 = arith.constant 0 : i32
    %dma_wait3A_2377 = tpu.memref_slice %arg7[%dma_wait3A_2375, %dma_wait3A_2376] : memref<1024x16xf32, #tpu.memory_space<vmem>> -> memref<128x16xf32, #tpu.memory_space<vmem>>
    %dma_wait3A_2378 = arith.constant 0 : i32
    %dma_wait3A_2379 = tpu.memref_slice %arg6[%dma_wait3A_2374, %dma_wait3A_2378] : memref<8x128xi32, #tpu.memory_space<vmem>> -> memref<1x128xi32, #tpu.memory_space<vmem>>
    %dma_wait3A_2380 = tpu.memref_squeeze %dma_wait3A_2379 : memref<1x128xi32, #tpu.memory_space<vmem>> -> memref<128xi32, #tpu.memory_space<vmem>>
    %dma_wait3A_2381 = arith.constant 0 : i32
    %dma_wait3A_2382 = arith.constant 0 : i32
    %dma_wait3A_2383 = tpu.memref_slice %arg3[%dma_wait3A_2381, %dma_wait3A_2382] : memref<2359296x16xf32, #tpu.memory_space<hbm>> -> memref<2359296x16xf32, #tpu.memory_space<hbm>>
    tpu.wait_indirect_dma semaphore(%arg10 : memref<!tpu.dma_semaphore, #tpu.memory_space<semaphore_mem>>) src(%dma_wait3A_2383 : memref<2359296x16xf32, #tpu.memory_space<hbm>>) dst(%dma_wait3A_2377 : memref<128x16xf32, #tpu.memory_space<vmem>>)
    %dma_wait3A_2384 = arith.constant 7 : i32
    %dma_wait3A_2385 = arith.constant 896 : i32
    %dma_wait3A_2386 = arith.constant 0 : i32
    %dma_wait3A_2387 = tpu.memref_slice %arg7[%dma_wait3A_2385, %dma_wait3A_2386] : memref<1024x16xf32, #tpu.memory_space<vmem>> -> memref<128x16xf32, #tpu.memory_space<vmem>>
    %dma_wait3A_2388 = arith.constant 0 : i32
    %dma_wait3A_2389 = tpu.memref_slice %arg6[%dma_wait3A_2384, %dma_wait3A_2388] : memref<8x128xi32, #tpu.memory_space<vmem>> -> memref<1x128xi32, #tpu.memory_space<vmem>>
    %dma_wait3A_2390 = tpu.memref_squeeze %dma_wait3A_2389 : memref<1x128xi32, #tpu.memory_space<vmem>> -> memref<128xi32, #tpu.memory_space<vmem>>
    %dma_wait3A_2391 = arith.constant 0 : i32
    %dma_wait3A_2392 = arith.constant 0 : i32
    %dma_wait3A_2393 = tpu.memref_slice %arg3[%dma_wait3A_2391, %dma_wait3A_2392] : memref<2359296x16xf32, #tpu.memory_space<hbm>> -> memref<2359296x16xf32, #tpu.memory_space<hbm>>
    tpu.wait_indirect_dma semaphore(%arg10 : memref<!tpu.dma_semaphore, #tpu.memory_space<semaphore_mem>>) src(%dma_wait3A_2393 : memref<2359296x16xf32, #tpu.memory_space<hbm>>) dst(%dma_wait3A_2387 : memref<128x16xf32, #tpu.memory_space<vmem>>)
    %scan3A_2394 = arith.constant 0 : i32
    %scan3A_2395 = arith.constant 0 : i32
    %scan3A_2396 = arith.constant 64 : i32
    %scan3A_2397 = arith.addi %scan3A_2395, %scan3A_2396 : i32
    %scan3A_2398 = arith.constant 1 : i32
    %scan3A_2399 = scf.for %scan3A_2410 = %scan3A_2395 to %scan3A_2397 step %scan3A_2398 iter_args(%scan3A_2411 = %scan3A_2394) -> (i32)  : i32 {
      %mul3A_2412 = arith.constant 16 : i32
      %mul3A_2413 = arith.muli %scan3A_2410, %mul3A_2412 : i32
      %add3A_2414 = vector.broadcast %mul3A_2413 : i32 to vector<16xi32>
      %add3A_2415 = arith.addi %add3A_2414, %iota3A : vector<16xi32>
      %gather3A_2416 = tpu.vector_load_idx %arg7[%add3A_2415, %and3A_2226] : memref<1024x16xf32, #tpu.memory_space<vmem>>[vector<16xi32>, vector<16xi32>], vector<16xf32>,
      %swap3A = arith.index_cast %scan3A_2410 : i32 to index
      %swap3A_2417 = arith.constant 0 : index
      %swap3A_2418 = tpu.vector_load %arg8[%swap3A, %swap3A_2417] {strides = array<i32>} : memref<64x16xf32, #tpu.memory_space<vmem>>, vector<16xf32>,
      tpu.vector_store %arg8[%swap3A, %swap3A_2417], %gather3A_2416 {strides = array<i32>} : memref<64x16xf32, #tpu.memory_space<vmem>>, vector<16xf32>,
      %scan3A_2419 = arith.constant 0 : i32
      scf.yield %scan3A_2419 : i32
    }
    %scan3A_2400 = arith.constant 64 : i32
    %scan3A_2401 = arith.constant 0 : i32
    %scan3A_2402 = arith.constant 0 : i32
    %scan3A_2403 = arith.constant 64 : i32
    %scan3A_2404 = arith.addi %scan3A_2402, %scan3A_2403 : i32
    %scan3A_2405 = arith.constant 1 : i32
    %scan3A_2406 = scf.for %scan3A_2410 = %scan3A_2402 to %scan3A_2404 step %scan3A_2405 iter_args(%scan3A_2411 = %scan3A_2401) -> (i32)  : i32 {
      %broadcast_in_dim3A = vector.broadcast %scan3A_2410 : i32 to vector<16xi32>
      %get3A = arith.index_cast %scan3A_2410 : i32 to index
      %get3A_2412 = arith.constant 0 : index
      %get3A_2413 = tpu.vector_load %arg8[%get3A, %get3A_2412] {strides = array<i32>} : memref<64x16xf32, #tpu.memory_space<vmem>>, vector<16xf32>,
      tpu.vector_store_idx %arg9[%iota3A, %broadcast_in_dim3A], %get3A_2413 : memref<16x128xf32, #tpu.memory_space<vmem>>[vector<16xi32>, vector<16xi32>], vector<16xf32>,
      %scan3A_2414 = arith.constant 0 : i32
      scf.yield %scan3A_2414 : i32
    }
    %scan3A_2407 = arith.constant 64 : i32
    %add3A_2408 = arith.constant 256 : i32
    %add3A_2409 = arith.addi %add3A_2408, %add3A : i32
    "tpu.region"() ({
      %run_scoped3A = tpu.sem_alloc : memref<!tpu.dma_semaphore, #tpu.memory_space<semaphore_mem>>
      %dma_start3A_2410 = arith.constant 0 : i32
      %dma_start3A_2411 = arith.constant 0 : i32
      %dma_start3A_2412 = tpu.memref_slice %arg4[%add3A_2409, %dma_start3A_2410, %dma_start3A_2411] : memref<288x16x128xf32, #tpu.memory_space<hbm>> -> memref<1x16x128xf32, #tpu.memory_space<hbm>>
      %dma_start3A_2413 = tpu.memref_squeeze %dma_start3A_2412 : memref<1x16x128xf32, #tpu.memory_space<hbm>> -> memref<16x128xf32, #tpu.memory_space<hbm>>
      %dma_start3A_2414 = arith.constant 0 : i32
      %dma_start3A_2415 = arith.constant 0 : i32
      %dma_start3A_2416 = tpu.memref_slice %arg4[%add3A_2409, %dma_start3A_2414, %dma_start3A_2415] : memref<288x16x128xf32, #tpu.memory_space<hbm>> -> memref<1x16x128xf32, #tpu.memory_space<hbm>>
      %dma_start3A_2417 = tpu.memref_squeeze %dma_start3A_2416 : memref<1x16x128xf32, #tpu.memory_space<hbm>> -> memref<16x128xf32, #tpu.memory_space<hbm>>
      tpu.enqueue_dma source(%arg9 : memref<16x128xf32, #tpu.memory_space<vmem>>) target(%dma_start3A_2417 : memref<16x128xf32, #tpu.memory_space<hbm>>) target_semaphore(%run_scoped3A : memref<!tpu.dma_semaphore, #tpu.memory_space<semaphore_mem>>)
      %dma_wait3A_2418 = arith.constant 0 : i32
      %dma_wait3A_2419 = arith.constant 0 : i32
      %dma_wait3A_2420 = tpu.memref_slice %arg4[%add3A_2409, %dma_wait3A_2418, %dma_wait3A_2419] : memref<288x16x128xf32, #tpu.memory_space<hbm>> -> memref<1x16x128xf32, #tpu.memory_space<hbm>>
      %dma_wait3A_2421 = tpu.memref_squeeze %dma_wait3A_2420 : memref<1x16x128xf32, #tpu.memory_space<hbm>> -> memref<16x128xf32, #tpu.memory_space<hbm>>
      %dma_wait3A_2422 = arith.constant 0 : i32
      %dma_wait3A_2423 = arith.constant 0 : i32
      %dma_wait3A_2424 = tpu.memref_slice %arg4[%add3A_2409, %dma_wait3A_2422, %dma_wait3A_2423] : memref<288x16x128xf32, #tpu.memory_space<hbm>> -> memref<1x16x128xf32, #tpu.memory_space<hbm>>
      %dma_wait3A_2425 = tpu.memref_squeeze %dma_wait3A_2424 : memref<1x16x128xf32, #tpu.memory_space<hbm>> -> memref<16x128xf32, #tpu.memory_space<hbm>>
      tpu.wait_dma2 semaphore(%run_scoped3A : memref<!tpu.dma_semaphore, #tpu.memory_space<semaphore_mem>>) src(%arg9 : memref<16x128xf32, #tpu.memory_space<vmem>>) dst(%dma_wait3A_2425 : memref<16x128xf32, #tpu.memory_space<hbm>>)
      tpu.yield
    }) : () -> ()
    return
  }
}

module attributes {stable_mosaic.version = 14 : i64} {
  func.func @body(%arg0: i32, %arg1: i32, %arg2: memref<1x64x128x384xf32, #tpu.memory_space<vmem>>, %arg3: memref<1x1x64xf32, #tpu.memory_space<vmem>>, %arg4: memref<1x1x64xf32, #tpu.memory_space<vmem>>) attributes {dimension_semantics = [#tpu.dimension_semantics<arbitrary>, #tpu.dimension_semantics<arbitrary>], iteration_bounds = array<i64: 4, 3>, scalar_prefetch = 0 : i64, scratch_operands = 0 : i64, tpu.core_type = #tpu.core_type<tc>, window_params = [{transform_indices = @transform_0, window_bounds = array<i64: 1, 64, 128, 384>}, {transform_indices = @transform_1, window_bounds = array<i64: 1, 1, 64>}, {transform_indices = @transform_2, window_bounds = array<i64: 1, 1, 64>}]} {
    %get3A = arith.constant 0 : index
    %get3A_0 = arith.constant 0 : index
    %get3A_1 = arith.constant 0 : index
    %get3A_2 = arith.constant 0 : index
    %get3A_3 = vector.load %arg2[%get3A, %get3A_0, %get3A_1, %get3A_2] : memref<1x64x128x384xf32, #tpu.memory_space<vmem>>, vector<1x64x128x384xf32>
    %get3A_4 = vector.shape_cast %get3A_3 : vector<1x64x128x384xf32> to vector<64x128x384xf32>
    %reduce_sum3A = arith.constant dense<0.000000e+00> : vector<64xf32>
    %reduce_sum3A_5 = vector.multi_reduction <add>, %get3A_4, %reduce_sum3A [1, 2] : vector<64x128x384xf32> to vector<64xf32>
    %broadcast_in_dim3A = vector.shape_cast %reduce_sum3A_5 : vector<64xf32> to vector<1x1x64xf32>
    %reduce_max3A = arith.constant dense<0xFF800000> : vector<64xf32>
    %reduce_max3A_6 = vector.multi_reduction <maximumf>, %get3A_4, %reduce_max3A [1, 2] : vector<64x128x384xf32> to vector<64xf32>
    %broadcast_in_dim3A_7 = vector.shape_cast %reduce_max3A_6 : vector<64xf32> to vector<1x1x64xf32>
    %eq3A = arith.constant 0 : i32
    %eq3A_8 = arith.cmpi eq, %arg1, %eq3A : i32
    %convert_element_type3A = arith.extui %eq3A_8 : i1 to i32
    %cond3A = arith.constant 0 : i32
    %cond3A_9 = arith.cmpi ne, %convert_element_type3A, %cond3A : i32
    scf.if %cond3A_9 {
      %swap3A = arith.constant 0 : index
      %swap3A_14 = arith.constant 0 : index
      %swap3A_15 = arith.constant 0 : index
      %swap3A_16 = vector.load %arg3[%swap3A, %swap3A_14, %swap3A_15] : memref<1x1x64xf32, #tpu.memory_space<vmem>>, vector<1x1x64xf32>
      tpu.vector_store %arg3[%swap3A, %swap3A_14, %swap3A_15], %broadcast_in_dim3A {strides = array<i32>} : memref<1x1x64xf32, #tpu.memory_space<vmem>>, vector<1x1x64xf32>,
      %swap3A_17 = arith.constant 0 : index
      %swap3A_18 = arith.constant 0 : index
      %swap3A_19 = arith.constant 0 : index
      %swap3A_20 = vector.load %arg4[%swap3A_17, %swap3A_18, %swap3A_19] : memref<1x1x64xf32, #tpu.memory_space<vmem>>, vector<1x1x64xf32>
      tpu.vector_store %arg4[%swap3A_17, %swap3A_18, %swap3A_19], %broadcast_in_dim3A_7 {strides = array<i32>} : memref<1x1x64xf32, #tpu.memory_space<vmem>>, vector<1x1x64xf32>,
    } else {
    }
    %ne3A = arith.constant 0 : i32
    %ne3A_10 = arith.cmpi ne, %arg1, %ne3A : i32
    %convert_element_type3A_11 = arith.extui %ne3A_10 : i1 to i32
    %cond3A_12 = arith.constant 0 : i32
    %cond3A_13 = arith.cmpi ne, %convert_element_type3A_11, %cond3A_12 : i32
    scf.if %cond3A_13 {
      %get3A_14 = arith.constant 0 : index
      %get3A_15 = arith.constant 0 : index
      %get3A_16 = arith.constant 0 : index
      %get3A_17 = vector.load %arg3[%get3A_14, %get3A_15, %get3A_16] : memref<1x1x64xf32, #tpu.memory_space<vmem>>, vector<1x1x64xf32>
      %add3A = arith.addf %get3A_17, %broadcast_in_dim3A : vector<1x1x64xf32>
      %swap3A = arith.constant 0 : index
      %swap3A_18 = arith.constant 0 : index
      %swap3A_19 = arith.constant 0 : index
      %swap3A_20 = vector.load %arg3[%swap3A, %swap3A_18, %swap3A_19] : memref<1x1x64xf32, #tpu.memory_space<vmem>>, vector<1x1x64xf32>
      tpu.vector_store %arg3[%swap3A, %swap3A_18, %swap3A_19], %add3A {strides = array<i32>} : memref<1x1x64xf32, #tpu.memory_space<vmem>>, vector<1x1x64xf32>,
      %get3A_21 = arith.constant 0 : index
      %get3A_22 = arith.constant 0 : index
      %get3A_23 = arith.constant 0 : index
      %get3A_24 = vector.load %arg4[%get3A_21, %get3A_22, %get3A_23] : memref<1x1x64xf32, #tpu.memory_space<vmem>>, vector<1x1x64xf32>
      %max3A = arith.maximumf %get3A_24, %broadcast_in_dim3A_7 : vector<1x1x64xf32>
      %swap3A_25 = arith.constant 0 : index
      %swap3A_26 = arith.constant 0 : index
      %swap3A_27 = arith.constant 0 : index
      %swap3A_28 = vector.load %arg4[%swap3A_25, %swap3A_26, %swap3A_27] : memref<1x1x64xf32, #tpu.memory_space<vmem>>, vector<1x1x64xf32>
      tpu.vector_store %arg4[%swap3A_25, %swap3A_26, %swap3A_27], %max3A {strides = array<i32>} : memref<1x1x64xf32, #tpu.memory_space<vmem>>, vector<1x1x64xf32>,
    } else {
    }
    return
  }
  func.func @transform_0(%arg0: i32, %arg1: i32) -> (i32, i32, i32, i32) {
    %c0_i32 = arith.constant 0 : i32
    %c0_i32_0 = arith.constant 0 : i32
    %c0_i32_1 = arith.constant 0 : i32
    return %arg0, %c0_i32, %arg1, %c0_i32_0 : i32, i32, i32, i32
  }
  func.func @transform_1(%arg0: i32, %arg1: i32) -> (i32, i32, i32) {
    %c0_i32 = arith.constant 0 : i32
    %c0_i32_0 = arith.constant 0 : i32
    %c0_i32_1 = arith.constant 0 : i32
    return %arg0, %c0_i32, %c0_i32_0 : i32, i32, i32
  }
  func.func @transform_2(%arg0: i32, %arg1: i32) -> (i32, i32, i32) {
    %c0_i32 = arith.constant 0 : i32
    %c0_i32_0 = arith.constant 0 : i32
    %c0_i32_1 = arith.constant 0 : i32
    return %arg0, %c0_i32, %c0_i32_0 : i32, i32, i32
  }
}

module attributes {stable_mosaic.version = 14 : i64} {
  func.func @body(%arg0: memref<4608x128xf32, #tpu.memory_space<vmem>>, %arg1: memref<4x1x64xf32, #tpu.memory_space<vmem>>, %arg2: memref<4x1x64xf32, #tpu.memory_space<vmem>>, %arg3: memref<1x64xf32, #tpu.memory_space<vmem>>, %arg4: memref<4x64xf32, #tpu.memory_space<vmem>>, %arg5: memref<64x4xf32, #tpu.memory_space<vmem>>, %arg6: memref<9xf32, #tpu.memory_space<smem>>, %arg7: memref<1xf32, #tpu.memory_space<smem>>, %arg8: memref<1xf32, #tpu.memory_space<smem>>, %arg9: memref<4x128x64xf32, #tpu.memory_space<vmem>>) attributes {dimension_semantics = [], scalar_prefetch = 0 : i64, scratch_operands = 0 : i64, tpu.core_type = #tpu.core_type<tc>} {
    %get3A = arith.constant 0 : index
    %get3A_0 = arith.constant 0 : index
    %get3A_1 = vector.load %arg0[%get3A, %get3A_0] : memref<4608x128xf32, #tpu.memory_space<vmem>>, vector<4608x128xf32>
    %reshape3A = vector.shape_cast %get3A_1 : vector<4608x128xf32> to vector<9x512x128xf32>
    %slice3A = vector.extract_strided_slice %reshape3A {offsets = [0, 0, 0], sizes = [9, 512, 64], strides = [1, 1, 1]} : vector<9x512x128xf32> to vector<9x512x64xf32>
    %reshape3A_2 = vector.shape_cast %slice3A : vector<9x512x64xf32> to vector<9x4x128x64xf32>
    %slice3A_3 = vector.extract_strided_slice %reshape3A_2 {offsets = [4, 0, 0, 0], sizes = [1, 4, 128, 64], strides = [1, 1, 1, 1]} : vector<9x4x128x64xf32> to vector<1x4x128x64xf32>
    %squeeze3A = vector.shape_cast %slice3A_3 : vector<1x4x128x64xf32> to vector<4x128x64xf32>
    %get3A_4 = arith.constant 0 : index
    %get3A_5 = memref.load %arg6[%get3A_4] : memref<9xf32, #tpu.memory_space<smem>>
    %slice3A_6 = vector.extract_strided_slice %reshape3A_2 {offsets = [0, 0, 0, 0], sizes = [1, 4, 128, 64], strides = [1, 1, 1, 1]} : vector<9x4x128x64xf32> to vector<1x4x128x64xf32>
    %squeeze3A_7 = vector.shape_cast %slice3A_6 : vector<1x4x128x64xf32> to vector<4x128x64xf32>
    %mul3A = vector.broadcast %get3A_5 : f32 to vector<4x128x64xf32>
    %mul3A_8 = arith.mulf %mul3A, %squeeze3A_7 : vector<4x128x64xf32>
    %get3A_9 = arith.constant 1 : index
    %get3A_10 = memref.load %arg6[%get3A_9] : memref<9xf32, #tpu.memory_space<smem>>
    %slice3A_11 = vector.extract_strided_slice %reshape3A_2 {offsets = [1, 0, 0, 0], sizes = [1, 4, 128, 64], strides = [1, 1, 1, 1]} : vector<9x4x128x64xf32> to vector<1x4x128x64xf32>
    %squeeze3A_12 = vector.shape_cast %slice3A_11 : vector<1x4x128x64xf32> to vector<4x128x64xf32>
    %mul3A_13 = vector.broadcast %get3A_10 : f32 to vector<4x128x64xf32>
    %mul3A_14 = arith.mulf %mul3A_13, %squeeze3A_12 : vector<4x128x64xf32>
    %add3A = arith.addf %mul3A_8, %mul3A_14 : vector<4x128x64xf32>
    %get3A_15 = arith.constant 2 : index
    %get3A_16 = memref.load %arg6[%get3A_15] : memref<9xf32, #tpu.memory_space<smem>>
    %slice3A_17 = vector.extract_strided_slice %reshape3A_2 {offsets = [2, 0, 0, 0], sizes = [1, 4, 128, 64], strides = [1, 1, 1, 1]} : vector<9x4x128x64xf32> to vector<1x4x128x64xf32>
    %squeeze3A_18 = vector.shape_cast %slice3A_17 : vector<1x4x128x64xf32> to vector<4x128x64xf32>
    %mul3A_19 = vector.broadcast %get3A_16 : f32 to vector<4x128x64xf32>
    %mul3A_20 = arith.mulf %mul3A_19, %squeeze3A_18 : vector<4x128x64xf32>
    %add3A_21 = arith.addf %add3A, %mul3A_20 : vector<4x128x64xf32>
    %get3A_22 = arith.constant 3 : index
    %get3A_23 = memref.load %arg6[%get3A_22] : memref<9xf32, #tpu.memory_space<smem>>
    %slice3A_24 = vector.extract_strided_slice %reshape3A_2 {offsets = [3, 0, 0, 0], sizes = [1, 4, 128, 64], strides = [1, 1, 1, 1]} : vector<9x4x128x64xf32> to vector<1x4x128x64xf32>
    %squeeze3A_25 = vector.shape_cast %slice3A_24 : vector<1x4x128x64xf32> to vector<4x128x64xf32>
    %mul3A_26 = vector.broadcast %get3A_23 : f32 to vector<4x128x64xf32>
    %mul3A_27 = arith.mulf %mul3A_26, %squeeze3A_25 : vector<4x128x64xf32>
    %add3A_28 = arith.addf %add3A_21, %mul3A_27 : vector<4x128x64xf32>
    %get3A_29 = arith.constant 4 : index
    %get3A_30 = memref.load %arg6[%get3A_29] : memref<9xf32, #tpu.memory_space<smem>>
    %slice3A_31 = vector.extract_strided_slice %reshape3A_2 {offsets = [4, 0, 0, 0], sizes = [1, 4, 128, 64], strides = [1, 1, 1, 1]} : vector<9x4x128x64xf32> to vector<1x4x128x64xf32>
    %squeeze3A_32 = vector.shape_cast %slice3A_31 : vector<1x4x128x64xf32> to vector<4x128x64xf32>
    %mul3A_33 = vector.broadcast %get3A_30 : f32 to vector<4x128x64xf32>
    %mul3A_34 = arith.mulf %mul3A_33, %squeeze3A_32 : vector<4x128x64xf32>
    %add3A_35 = arith.addf %add3A_28, %mul3A_34 : vector<4x128x64xf32>
    %get3A_36 = arith.constant 5 : index
    %get3A_37 = memref.load %arg6[%get3A_36] : memref<9xf32, #tpu.memory_space<smem>>
    %slice3A_38 = vector.extract_strided_slice %reshape3A_2 {offsets = [5, 0, 0, 0], sizes = [1, 4, 128, 64], strides = [1, 1, 1, 1]} : vector<9x4x128x64xf32> to vector<1x4x128x64xf32>
    %squeeze3A_39 = vector.shape_cast %slice3A_38 : vector<1x4x128x64xf32> to vector<4x128x64xf32>
    %mul3A_40 = vector.broadcast %get3A_37 : f32 to vector<4x128x64xf32>
    %mul3A_41 = arith.mulf %mul3A_40, %squeeze3A_39 : vector<4x128x64xf32>
    %add3A_42 = arith.addf %add3A_35, %mul3A_41 : vector<4x128x64xf32>
    %get3A_43 = arith.constant 6 : index
    %get3A_44 = memref.load %arg6[%get3A_43] : memref<9xf32, #tpu.memory_space<smem>>
    %slice3A_45 = vector.extract_strided_slice %reshape3A_2 {offsets = [6, 0, 0, 0], sizes = [1, 4, 128, 64], strides = [1, 1, 1, 1]} : vector<9x4x128x64xf32> to vector<1x4x128x64xf32>
    %squeeze3A_46 = vector.shape_cast %slice3A_45 : vector<1x4x128x64xf32> to vector<4x128x64xf32>
    %mul3A_47 = vector.broadcast %get3A_44 : f32 to vector<4x128x64xf32>
    %mul3A_48 = arith.mulf %mul3A_47, %squeeze3A_46 : vector<4x128x64xf32>
    %add3A_49 = arith.addf %add3A_42, %mul3A_48 : vector<4x128x64xf32>
    %get3A_50 = arith.constant 7 : index
    %get3A_51 = memref.load %arg6[%get3A_50] : memref<9xf32, #tpu.memory_space<smem>>
    %slice3A_52 = vector.extract_strided_slice %reshape3A_2 {offsets = [7, 0, 0, 0], sizes = [1, 4, 128, 64], strides = [1, 1, 1, 1]} : vector<9x4x128x64xf32> to vector<1x4x128x64xf32>
    %squeeze3A_53 = vector.shape_cast %slice3A_52 : vector<1x4x128x64xf32> to vector<4x128x64xf32>
    %mul3A_54 = vector.broadcast %get3A_51 : f32 to vector<4x128x64xf32>
    %mul3A_55 = arith.mulf %mul3A_54, %squeeze3A_53 : vector<4x128x64xf32>
    %add3A_56 = arith.addf %add3A_49, %mul3A_55 : vector<4x128x64xf32>
    %get3A_57 = arith.constant 8 : index
    %get3A_58 = memref.load %arg6[%get3A_57] : memref<9xf32, #tpu.memory_space<smem>>
    %slice3A_59 = vector.extract_strided_slice %reshape3A_2 {offsets = [8, 0, 0, 0], sizes = [1, 4, 128, 64], strides = [1, 1, 1, 1]} : vector<9x4x128x64xf32> to vector<1x4x128x64xf32>
    %squeeze3A_60 = vector.shape_cast %slice3A_59 : vector<1x4x128x64xf32> to vector<4x128x64xf32>
    %mul3A_61 = vector.broadcast %get3A_58 : f32 to vector<4x128x64xf32>
    %mul3A_62 = arith.mulf %mul3A_61, %squeeze3A_60 : vector<4x128x64xf32>
    %add3A_63 = arith.addf %add3A_56, %mul3A_62 : vector<4x128x64xf32>
    %get3A_64 = arith.constant 0 : index
    %get3A_65 = memref.load %arg7[%get3A_64] : memref<1xf32, #tpu.memory_space<smem>>
    %add3A_66 = vector.broadcast %get3A_65 : f32 to vector<4x128x64xf32>
    %add3A_67 = arith.addf %add3A_63, %add3A_66 : vector<4x128x64xf32>
    %get3A_68 = arith.constant 0 : index
    %get3A_69 = arith.constant 0 : index
    %get3A_70 = arith.constant 0 : index
    %get3A_71 = vector.load %arg1[%get3A_68, %get3A_69, %get3A_70] : memref<4x1x64xf32, #tpu.memory_space<vmem>>, vector<4x1x64xf32>
    %squeeze3A_72 = vector.shape_cast %get3A_71 : vector<4x1x64xf32> to vector<4x64xf32>
    %mul3A_73 = arith.constant 6.78168407E-6 : f32
    %mul3A_74 = vector.broadcast %mul3A_73 : f32 to vector<4x64xf32>
    %mul3A_75 = arith.mulf %squeeze3A_72, %mul3A_74 : vector<4x64xf32>
    %get3A_76 = arith.constant 0 : index
    %get3A_77 = arith.constant 0 : index
    %get3A_78 = arith.constant 0 : index
    %get3A_79 = vector.load %arg2[%get3A_76, %get3A_77, %get3A_78] : memref<4x1x64xf32, #tpu.memory_space<vmem>>, vector<4x1x64xf32>
    %squeeze3A_80 = vector.shape_cast %get3A_79 : vector<4x1x64xf32> to vector<4x64xf32>
    %get3A_81 = arith.constant 0 : index
    %get3A_82 = arith.constant 0 : index
    %get3A_83 = vector.load %arg4[%get3A_81, %get3A_82] : memref<4x64xf32, #tpu.memory_space<vmem>>, vector<4x64xf32>
    %get3A_84 = arith.constant 0 : index
    %get3A_85 = arith.constant 0 : index
    %get3A_86 = vector.load %arg5[%get3A_84, %get3A_85] : memref<64x4xf32, #tpu.memory_space<vmem>>, vector<64x4xf32>
    %broadcast_in_dim3A = vector.shape_cast %mul3A_75 : vector<4x64xf32> to vector<4x1x64xf32>
    %broadcast_in_dim3A_87 = vector.shape_cast %get3A_83 : vector<4x64xf32> to vector<1x4x64xf32>
    %mul3A_88 = vector.broadcast %broadcast_in_dim3A : vector<4x1x64xf32> to vector<4x4x64xf32>
    %mul3A_89 = vector.broadcast %broadcast_in_dim3A_87 : vector<1x4x64xf32> to vector<4x4x64xf32>
    %mul3A_90 = arith.mulf %mul3A_88, %mul3A_89 : vector<4x4x64xf32>
    %reduce_sum3A = arith.constant dense<0.000000e+00> : vector<4x4xf32>
    %reduce_sum3A_91 = vector.multi_reduction <add>, %mul3A_90, %reduce_sum3A [2] : vector<4x4x64xf32> to vector<4x4xf32>
    %max3A = arith.constant 0.000000e+00 : f32
    %max3A_92 = vector.broadcast %max3A : f32 to vector<4x4xf32>
    %max3A_93 = arith.maximumf %reduce_sum3A_91, %max3A_92 : vector<4x4xf32>
    %broadcast_in_dim3A_94 = vector.shape_cast %squeeze3A_80 : vector<4x64xf32> to vector<4x1x64xf32>
    %broadcast_in_dim3A_95 = vector.shape_cast %get3A_83 : vector<4x64xf32> to vector<1x4x64xf32>
    %mul3A_96 = vector.broadcast %broadcast_in_dim3A_94 : vector<4x1x64xf32> to vector<4x4x64xf32>
    %mul3A_97 = vector.broadcast %broadcast_in_dim3A_95 : vector<1x4x64xf32> to vector<4x4x64xf32>
    %mul3A_98 = arith.mulf %mul3A_96, %mul3A_97 : vector<4x4x64xf32>
    %reduce_sum3A_99 = arith.constant dense<0.000000e+00> : vector<4x4xf32>
    %reduce_sum3A_100 = vector.multi_reduction <add>, %mul3A_98, %reduce_sum3A_99 [2] : vector<4x4x64xf32> to vector<4x4xf32>
    %max3A_101 = arith.constant 0.000000e+00 : f32
    %max3A_102 = vector.broadcast %max3A_101 : f32 to vector<4x4xf32>
    %max3A_103 = arith.maximumf %reduce_sum3A_100, %max3A_102 : vector<4x4xf32>
    %broadcast_in_dim3A_104 = vector.shape_cast %max3A_93 : vector<4x4xf32> to vector<4x1x4xf32>
    %broadcast_in_dim3A_105 = vector.shape_cast %get3A_86 : vector<64x4xf32> to vector<1x64x4xf32>
    %mul3A_106 = vector.broadcast %broadcast_in_dim3A_104 : vector<4x1x4xf32> to vector<4x64x4xf32>
    %mul3A_107 = vector.broadcast %broadcast_in_dim3A_105 : vector<1x64x4xf32> to vector<4x64x4xf32>
    %mul3A_108 = arith.mulf %mul3A_106, %mul3A_107 : vector<4x64x4xf32>
    %reduce_sum3A_109 = arith.constant dense<0.000000e+00> : vector<4x64xf32>
    %reduce_sum3A_110 = vector.multi_reduction <add>, %mul3A_108, %reduce_sum3A_109 [2] : vector<4x64x4xf32> to vector<4x64xf32>
    %broadcast_in_dim3A_111 = vector.shape_cast %max3A_103 : vector<4x4xf32> to vector<4x1x4xf32>
    %broadcast_in_dim3A_112 = vector.shape_cast %get3A_86 : vector<64x4xf32> to vector<1x64x4xf32>
    %mul3A_113 = vector.broadcast %broadcast_in_dim3A_111 : vector<4x1x4xf32> to vector<4x64x4xf32>
    %mul3A_114 = vector.broadcast %broadcast_in_dim3A_112 : vector<1x64x4xf32> to vector<4x64x4xf32>
    %mul3A_115 = arith.mulf %mul3A_113, %mul3A_114 : vector<4x64x4xf32>
    %reduce_sum3A_116 = arith.constant dense<0.000000e+00> : vector<4x64xf32>
    %reduce_sum3A_117 = vector.multi_reduction <add>, %mul3A_115, %reduce_sum3A_116 [2] : vector<4x64x4xf32> to vector<4x64xf32>
    %add3A_118 = arith.addf %reduce_sum3A_110, %reduce_sum3A_117 : vector<4x64xf32>
    %logistic3A = arith.negf %add3A_118 : vector<4x64xf32>
    %logistic3A_119 = math.exp %logistic3A : vector<4x64xf32>
    %logistic3A_120 = arith.constant 1.000000e+00 : f32
    %logistic3A_121 = vector.broadcast %logistic3A_120 : f32 to vector<4x64xf32>
    %logistic3A_122 = arith.addf %logistic3A_121, %logistic3A_119 : vector<4x64xf32>
    %logistic3A_123 = arith.divf %logistic3A_121, %logistic3A_122 : vector<4x64xf32>
    %get3A_124 = arith.constant 0 : index
    %get3A_125 = arith.constant 0 : index
    %get3A_126 = vector.load %arg3[%get3A_124, %get3A_125] : memref<1x64xf32, #tpu.memory_space<vmem>>, vector<1x64xf32>
    %broadcast_in_dim3A_127 = vector.shape_cast %get3A_126 : vector<1x64xf32> to vector<1x1x64xf32>
    %mul3A_128 = vector.broadcast %broadcast_in_dim3A_127 : vector<1x1x64xf32> to vector<4x128x64xf32>
    %mul3A_129 = arith.mulf %squeeze3A, %mul3A_128 : vector<4x128x64xf32>
    %reduce_sum3A_130 = arith.constant dense<0.000000e+00> : vector<4x128xf32>
    %reduce_sum3A_131 = vector.multi_reduction <add>, %mul3A_129, %reduce_sum3A_130 [2] : vector<4x128x64xf32> to vector<4x128xf32>
    %get3A_132 = arith.constant 0 : index
    %get3A_133 = memref.load %arg8[%get3A_132] : memref<1xf32, #tpu.memory_space<smem>>
    %add3A_134 = vector.broadcast %get3A_133 : f32 to vector<4x128xf32>
    %add3A_135 = arith.addf %reduce_sum3A_131, %add3A_134 : vector<4x128xf32>
    %mul3A_136 = arith.mulf %add3A_135, %add3A_135 : vector<4x128xf32>
    %reduce_sum3A_137 = arith.constant dense<0.000000e+00> : vector<4xf32>
    %reduce_sum3A_138 = vector.multi_reduction <add>, %mul3A_136, %reduce_sum3A_137 [1] : vector<4x128xf32> to vector<4xf32>
    %broadcast_in_dim3A_139 = vector.shape_cast %reduce_sum3A_138 : vector<4xf32> to vector<4x1xf32>
    %sqrt3A = math.sqrt %broadcast_in_dim3A_139 : vector<4x1xf32>
    %max3A_140 = arith.constant 9.99999996E-13 : f32
    %max3A_141 = vector.broadcast %max3A_140 : f32 to vector<4x1xf32>
    %max3A_142 = arith.maximumf %sqrt3A, %max3A_141 : vector<4x1xf32>
    %div3A = vector.broadcast %max3A_142 : vector<4x1xf32> to vector<4x128xf32>
    %div3A_143 = arith.divf %add3A_135, %div3A : vector<4x128xf32>
    %sub3A = arith.constant 1.000000e+00 : f32
    %sub3A_144 = vector.broadcast %sub3A : f32 to vector<4x128xf32>
    %sub3A_145 = arith.subf %sub3A_144, %div3A_143 : vector<4x128xf32>
    %broadcast_in_dim3A_146 = vector.shape_cast %sub3A_145 : vector<4x128xf32> to vector<4x128x1xf32>
    %mul3A_147 = vector.broadcast %broadcast_in_dim3A_146 : vector<4x128x1xf32> to vector<4x128x64xf32>
    %mul3A_148 = arith.mulf %mul3A_147, %add3A_67 : vector<4x128x64xf32>
    %add3A_149 = arith.addf %mul3A_148, %squeeze3A : vector<4x128x64xf32>
    %broadcast_in_dim3A_150 = vector.shape_cast %logistic3A_123 : vector<4x64xf32> to vector<4x1x64xf32>
    %add3A_151 = vector.broadcast %broadcast_in_dim3A_150 : vector<4x1x64xf32> to vector<4x128x64xf32>
    %add3A_152 = arith.addf %add3A_149, %add3A_151 : vector<4x128x64xf32>
    %swap3A = arith.constant 0 : index
    %swap3A_153 = arith.constant 0 : index
    %swap3A_154 = arith.constant 0 : index
    %swap3A_155 = vector.load %arg9[%swap3A, %swap3A_153, %swap3A_154] : memref<4x128x64xf32, #tpu.memory_space<vmem>>, vector<4x128x64xf32>
    tpu.vector_store %arg9[%swap3A, %swap3A_153, %swap3A_154], %add3A_152 {strides = array<i32>} : memref<4x128x64xf32, #tpu.memory_space<vmem>>, vector<4x128x64xf32>,
    return
  }
}

</mosaic_0001>

<sc_bundles>
// kernel: sc_neighbor_gather.3.cloned.1.call-start
scs
__scs_entry_jumppad:
0x0: {  	(pc) =	sbr.rel $0x88, $3  }
0x1: {  	(tag) =	ssettag $0x0;
	lr =	simm.s32 $0x1  }
0x2: {  	[smem:$0x3F99] =	sst lr;
	_ =	strace $0xD0000000  }
0x3: {  	_ = 	snop  }
0x4: {  	_ = 	snop  }
0x5: {  	_ = 	snop  }
0x6: {  	_ = 	snop  }
0x7: {  	_ = 	snop  }
__scs_overlays_trampoline_lowered:
0x8: {  	[smem:$0x3FA8] =	sst s0  }
0x9: {  	[smem:$0x3FA9] =	sst s1  }
0xa: {  	[smem:$0x3FAA] =	sst s2  }
0xb: {  	[smem:$0x3FAB] =	sst s3  }
0xc: {  	[smem:$0x3FAC] =	sst s4  }
0xd: {  	[smem:$0x3FAD] =	sst s5  }
0xe: {  	[smem:$0x3FAE] =	sst s6  }
0xf: {  	[smem:$0x3FAF] =	sst s7  }
0x10: {  	[smem:$0x3FB0] =	sst s8  }
0x11: {  	[smem:$0x3FB1] =	sst s9;
	s0 =	simm.s32 @!p0 $0x0  }
0x12: {  	s1 =	sld [smem:$0x3F97];
	s0 =	simm.s32 @p0 $0x1  }
0x13: {  	[smem:$0x3FB2] =	sst s0;
	s0 =	simm.s32 @!p1 $0x0  }
0x14: {  	s2 =	sld [smem:$0x3F96];
	s0 =	simm.s32 @p1 $0x1  }
0x15: {  	[smem:$0x3FB3] =	sst s0;
	s0 =	simm.s32 @!p2 $0x0  }
0x16: {  	s3 =	sld [smem:$0x3FDB];
	s0 =	simm.s32 @p2 $0x1  }
0x17: {  	s4 =	simm.s32 $0x1BF5;
	[smem:$0x3FB5] =	sst s0  }
0x18: {  	s0 =	sld [smem:$0x3F98];
	_ =	swait.ge [sflag:s4], $0x0  }
0x19: {  	s7 =	sld [smem:$0x3F99]  }
0x1a: {  	s8 =	sadd.s32 $0xFFFFE003, lr  }
0x1b: {  	s9 =	sadd.s32 $0xFFFFFEF7, lr;
	s5 =	simm.s32 $0xFFFFFFFF;
	p2 =	slt.u32 s8, $0xFFFFF086  }
0x1c: {  	p1 =	slt.u32 s9, $0xF7A;
	s5 =	simm.s32 @!p2 $0x0  }
0x1d: {  	s5 =	simm.s32 @p1 $0x1;
	p0 =	seq.s32 s7, s2  }
0x1e: {  	s7 =	smul.u32 @!p0 $0xF7A, s2;
	p2 =	seq.s32 @!p0 s5, $0x0  }
0x1f: {  	s9 =	smul.u32 $0xF7A, s1;
	s8 =	simm.s32 @!p0 $0x1BF5;
	p2 =	por !p2, p0  }
0x20: {  	[sflag:s8] =	ssyncset.s32 @!p0 $0xFFFFF086;
	s6 =	sadd.s32 @!p0 s3, s7;
	s7 =	simm.s32 @!p0 $0x108  }
0x21: {  	s3 =	sadd.s32 s3, s9;
	s6 =	sadd.s32 @!p0 $0x88, s6;
	s7 =	simm.s32 @p2 $0x1082  }
0x22: {  	[simem:s7], [sflag:s8] =	dma.local @!p0 [hbm:s6], $0xF7A  }
0x23: {  	s9 =	sor.u32 $0xD0000000, s2;
	s6 =	simm.s32 $0x108;
	_ =	swait.ge @!p0 [sflag:s8], $0x0  }
0x24: {  	s3 =	sadd.s32 $0x88, s3;
	s6 =	simm.s32 @!p1 $0x1082;
	[sflag:s4] =	ssyncset.s32 $0xFFFFF086  }
0x25: {  	[simem:s6], [sflag:s4] =	dma.local [hbm:s3], $0xF7A  }
0x26: {  	[smem:$0x3F99] =	sst s1;
	(tag) =	ssettag s2;
	_ =	strace s9  }
0x27: {  	s1 =	sld [smem:$0x3FA9]  }
0x28: {  	s2 =	sld [smem:$0x3FAA]  }
0x29: {  	s4 =	sld [smem:$0x3FAC]  }
0x2a: {  	p0 =	seq.s32 s5, $0x0;
	s5 =	sld [smem:$0x3FAD]  }
0x2b: {  	s6 =	sld [smem:$0x3FAE]  }
0x2c: {  	s7 =	sld [smem:$0x3FAF]  }
0x2d: {  	s3 =	simm.s32 $0x108;
	s8 =	sld [smem:$0x3FB0]  }
0x2e: {  	s3 =	simm.s32 @!p0 $0x1082;
	s9 =	sld [smem:$0x3FB1]  }
0x2f: {  	lr =	sadd.s32 s0, s3;
	s0 =	sld [smem:$0x3FA8]  }
0x30: {  	s3 =	sld [smem:$0x3FAB]  }
0x31: {  	[smem:$0x3FB4] =	sst s10  }
0x32: {  	s10 =	sld [smem:$0x3FB2];
	_ =	sdelay $0x3  }
0x33: {  	p0 =	seq.s32 s10, $0x1;
	s10 =	sld [smem:$0x3FB4];
	_ =	sdelay $0x3  }
0x34: {  	[smem:$0x3FB4] =	sst s10  }
0x35: {  	s10 =	sld [smem:$0x3FB3];
	_ =	sdelay $0x3  }
0x36: {  	p1 =	seq.s32 s10, $0x1;
	s10 =	sld [smem:$0x3FB4];
	_ =	sdelay $0x3  }
0x37: {  	[smem:$0x3FB4] =	sst s10  }
0x38: {  	s10 =	sld [smem:$0x3FB5]  }
0x39: {  	_ = 	snop;
	(pc) =	sbr.ind lr, $3  }
0x3a: {  	_ = 	snop  }
0x3b: {  	_ = 	snop  }
0x3c: {  	p2 =	seq.s32 s10, $0x1;
	s10 =	sld [smem:$0x3FB4]  }
0x3d: {  	_ =	shalt  }
0x3e: {  	_ =	shalt  }
0x3f: {  	_ =	shalt  }
0x40: {  	_ =	shalt  }
0x41: {  	_ =	shalt  }
0x42: {  	_ =	shalt  }
0x43: {  	_ =	shalt  }
0x44: {  	_ =	shalt  }
0x45: {  	_ =	shalt  }
0x46: {  	_ =	shalt  }
0x47: {  	_ =	shalt  }
0x48: {  	_ =	shalt  }
0x49: {  	_ =	shalt  }
0x4a: {  	_ =	shalt  }
0x4b: {  	_ =	shalt  }
0x4c: {  	_ =	shalt  }
0x4d: {  	_ =	shalt  }
0x4e: {  	_ =	shalt  }
0x4f: {  	_ =	shalt  }
0x50: {  	_ =	shalt  }
0x51: {  	_ =	shalt  }
0x52: {  	_ =	shalt  }
0x53: {  	_ =	shalt  }
0x54: {  	_ =	shalt  }
0x55: {  	_ =	shalt  }
0x56: {  	_ =	shalt  }
0x57: {  	_ =	shalt  }
0x58: {  	_ =	shalt  }
0x59: {  	_ =	shalt  }
0x5a: {  	_ =	shalt  }
0x5b: {  	_ =	shalt  }
0x5c: {  	_ =	shalt  }
0x5d: {  	_ =	shalt  }
0x5e: {  	_ =	shalt  }
0x5f: {  	_ =	shalt  }
0x60: {  	_ =	shalt  }
0x61: {  	_ =	shalt  }
0x62: {  	_ =	shalt  }
0x63: {  	_ =	shalt  }
0x64: {  	_ =	shalt  }
0x65: {  	_ =	shalt  }
0x66: {  	_ =	shalt  }
0x67: {  	_ =	shalt  }
0x68: {  	_ =	shalt  }
0x69: {  	_ =	shalt  }
0x6a: {  	_ =	shalt  }
0x6b: {  	_ =	shalt  }
0x6c: {  	_ =	shalt  }
0x6d: {  	_ =	shalt  }
0x6e: {  	_ =	shalt  }
0x6f: {  	_ =	shalt  }
0x70: {  	_ =	shalt  }
0x71: {  	_ =	shalt  }
0x72: {  	_ =	shalt  }
0x73: {  	_ =	shalt  }
0x74: {  	_ =	shalt  }
0x75: {  	_ =	shalt  }
0x76: {  	_ =	shalt  }
0x77: {  	_ =	shalt  }
0x78: {  	_ =	shalt  }
0x79: {  	_ =	shalt  }
0x7a: {  	_ =	shalt  }
0x7b: {  	_ =	shalt  }
0x7c: {  	_ =	shalt  }
0x7d: {  	_ =	shalt  }
0x7e: {  	_ =	shalt  }
0x7f: {  	_ =	shalt  }
0x80: {  	_ =	shalt  }
0x81: {  	_ =	shalt  }
0x82: {  	_ =	shalt  }
0x83: {  	_ =	shalt  }
0x84: {  	_ =	shalt  }
0x85: {  	_ =	shalt  }
0x86: {  	_ =	shalt  }
0x87: {  	_ =	shalt  }
.Lfunc_end0:
.L_simem_size_0:
called_computation_lowered:
.L_overlay_start_0:
0x88: {  	s2 =	sld [smem:$0x3FD9]  }
0x89: {  	s3 =	sld [smem:$0x3FFE];
	_ =	sdelay $0x1  }
0x8a: {  	s1 =	srdreg.scid  }
0x8b: {  	s0 =	sand.u32 $0x1, s1  }
0x8c: {  	s17 =	sshll.u32 s0, $0xA;
	s2 =	sadd.s32 s3, s2  }
0x8d: {  	s2 =	sadd.s32 s2, s17  }
0x8e: {  	[smem:$0x3FC0] =	sst s2  }
0x8f: {  	_ = 	snop  }
0x90: {  	s2 =	sld [smem:$0x3FC8]  }
0x91: {  	s18 =	sld [smem:$0x3FD0];
	(tm) =	ssettm $0x1  }
0x92: {  	s4 =	sld [smem:$0x3FFB];
	_ =	sdelay $0x3  }
0x93: {  	_ =	strace s4  }
0x94: {  	s4 =	sld [smem:$0x3FFC];
	_ =	sdelay $0x3  }
0x95: {  	_ =	strace s4  }
0x96: {  	s4 =	sld [smem:$0x3FFD];
	_ =	sdelay $0x3  }
0x97: {  	_ =	strace s4  }
0x98: {  	_ =	strace $0x8FFFFFFF  }
0x99: {  	s19 =	sld [smem:$0x3FDB];
	_ =	sdelay $0x1  }
0x9a: {  	s5 =	simm.s32 $_scs_section_size  }
0x9b: {  	s6 =	simm.s32 $_size__tile_overlayer_lowered;
	s7 =	simm.s32 $_tile_overlayer_lowered  }
0x9c: {  	s22 =	simm.s32 $0x1BFF;
	s21 =	sshll.u32 s7, $0x1;
	s4 =	sadd.s32 s5, s19  }
0x9d: {  	s8 =	simm.s32 $0x0;
	s20 =	sshll.u32 s6, $0x1;
	s6 =	sadd.s32 s21, s4  }
0x9e: {  	[timem:s8], [sflag:s22] =	dma.local [hbm:s6], s20  }
0x9f: {  	_ =	swait.ge [sflag:s22], s20  }
0xa0: {  	s5 =	ssub.s32 $0x0, s20;
	[sflag:s22] =	ssyncset.done $0x0  }
0xa1: {  	[sflag:s22] =	ssyncadd.s32 s5;
	_ =	sdelay $0x1  }
0xa2: {  	s23 =	simm.s32 $0x1B8B  }
0xa3: {  	_ =	swait.ge [sflag:s23], $0x1  }
0xa4: {  	[sflag:s23] =	ssyncset.done $0x0  }
0xa5: {  	s25 =	simm.s32 $0x1B8E;
	s24 =	sld [smem:$0x3FFE];
	[sflag:s23] =	ssyncadd.s32 $0xFFFFFFFF  }
0xa6: {  	s26 =	simm.s32 $execute0_lowered;
	[smem:$0x3FD2] =	sst s25  }
0xa7: {  	s6 =	sshll.u32 s26, $0x1;
	_ =	strace $0x80000046;
	[dreg:$0x1] =	wrdreg $0xFFFFFFFF  }
0xa8: {  	s28 =	simm.s32 $_size_execute0_lowered;
	s4 =	sadd.s32 s4, s6;
	[dreg:$0x0] =	wrdreg $0x0  }
0xa9: {  	s6 =	sshll.u32 s28, $0x1;
	[dreg:$0x2] =	wrdreg s4  }
0xaa: {  	[dreg:$0x3] =	wrdreg s6  }
0xab: {  	[dreg:$0x4] =	wrdreg $0xC0  }
0xac: {  	_ =	task [dreg:s8], $0x5FFFF  }
0xad: {  	[dreg:$0x1] =	wrdreg $0xFFFFFFFF  }
0xae: {  	[dreg:$0x0] =	wrdreg $0x60  }
0xaf: {  	[dreg:$0x2] =	wrdreg s18  }
0xb0: {  	[dreg:$0x3] =	wrdreg s2  }
0xb1: {  	[dreg:$0x4] =	wrdreg s24  }
0xb2: {  	[dreg:$0x5] =	wrdreg $0x9  }
0xb3: {  	_ =	task.clear_ibuf [dreg:s8], $0x6FFFF;
	_ =	strace $0x90000046  }
0xb4: {  	s29 =	simm.s32 $0x9;
	_ =	strace $0x80000048  }
0xb5: {  	_ =	swait.ge [sflag:s29], $0x1  }
0xb6: {  	[sflag:s29] =	ssyncadd.s32 $0xFFFFFFFF  }
0xb7: {  	_ =	strace $0x90000048  }
0xb8: {  	_ =	sfence  }
0xb9: {  	s30 =	sld [smem:$0x0];
	_ =	sdelay $0x2  }
0xba: {  	s31 =	sshll.u32 s1, $0xD;
	s1 =	sshrl.u32 s1, $0x2  }
0xbb: {  	s3 =	sand.u32 $0x4000, s31;
	s1 =	sadd.s32 s1, s30  }
0xbc: {  	s0 =	sor.u32 s3, s0;
	s1 =	sshll.u32 s1, $0x11  }
0xbd: {  	s0 =	sor.u32 s1, s0  }
0xbe: {  	s0 =	sadd.s32 $0x8F2B, s0  }
0xbf: {  	[sflag:s0] =	ssyncadd.remote.s32 $0x1  }
0xc0: {  	_ =	sfence.sel $0xFFFF  }
0xc1: {  	[dreg:$0x0] =	wrdreg $0xFFFFFFFF;
	(pc) =	sbr.abs _section_cstart, $3  }
0xc2: {  	[dreg:$0x1] =	wrdreg $0xFFFFFFFF  }
0xc3: {  	_ =	task.clear_ibuf [dreg:s8], $0x2FFFF;
	_ =	strace $0x9FFFFFFF  }
0xc4: {  	(tm) =	ssettm $0x7FFFFFFF  }
0xc5: {  	_ =	shalt  }
tec
execute0_lowered:
.L_overlay_start_1:
0x0: {  	(tag) =	ssettag $0x1  }
0x1: {  	s0 =	rddreg [dreg:$0x0]  }
0x2: {  	s2 =	rddreg [dreg:$0x1]  }
0x3: {  	s1 =	srdreg.scid;
	s7 =	stileid.u32  }
0x4: {  	s4 =	rddreg [dreg:$0x2];
	s3 =	simm.s32 $0x0;
	s16 =	simm.s32 $0x2  }
0x5: {  	s17 =	simm.s32 $0x80;
	s18 =	simm.s32 $0x20;
	s28 =	simm.s32 $0x2420  }
0x6: {  	s29 =	simm.s32 $0x2A0;
	s30 =	simm.s32 $0x2C20;
	s31 =	simm.s32 $0x320  }
0x7: {  	s8 =	simm.s32 $0x0;
	s1 =	sand.u32 $0x1, s1;
	s5 =	sshll.u32 s7, $0x1  }
0x8: {  	[smem:$0x7FF] =	sst s3;
	s20 =	sshrl.u32 s7, $0x2;
	s7 =	simm.s32 $0x4820  }
0x9: {  	s5 =	sor.u32 s1, s5;
	s1 =	ssub.s32 $0x2, s1;
	_ =	strace $0x80000047  }
0xa: {  	s6 =	sshll.u32 s5, $0x8;
	s19 =	sshrl.u32 s1, $0x1;
	s5 =	sshll.u32 s5, $0x2  }
0xb: {  	s4 =	sadd.s32 s6, s4;
	s1 =	ssub.s32 s1, s19;
	s0 =	sadd.s32 s0, s5  }
0xc: {  	s5 =	smul.u32 $0x90000, s20;
	s19 =	simm.s32 $0x420;
	s20 =	simm.s32 $0xA0  }
0xd: {  	s6 =	simm.s32 $0x1;
	[dreg:$0x4] =	wrdreg s0;
	s21 =	sadd.s32 $0x1000, s4  }
0xe: {  	s22 =	sadd.s32 $0x3000, s4;
	s23 =	sadd.s32 $0x5000, s4;
	[dreg:$0x5] =	wrdreg s21  }
0xf: {  	s24 =	sadd.s32 $0x7000, s4;
	s25 =	sadd.s32 $0x9000, s4;
	[dreg:$0x6] =	wrdreg s22  }
0x10: {  	s26 =	sadd.s32 $0xB000, s4;
	s12 =	sadd.s32 $0xD000, s4;
	[dreg:$0x7] =	wrdreg s23  }
0x11: {  	s13 =	sadd.s32 $0xF000, s4;
	s14 =	sadd.s32 $0x11000, s4;
	[dreg:$0x8] =	wrdreg s24  }
0x12: {  	v4 =	vlaneseq.u32;
	s15 =	smax.u32 s1, $0x1;
	s1 =	simm.s32 $0x3420;
	[dreg:$0x9] =	wrdreg s25  }
0x13: {  	v0 =	vmul.u32 $0x2, v4;
	s0 =	simm.s32 $0x3A0;
	s4 =	simm.s32 $0x3C20;
	[dreg:$0xa] =	wrdreg s26  }
0x14: {  	v2 =	vimm.s32 $0x0;
	s21 =	simm.s32 $0xC20;
	s22 =	simm.s32 $0x120;
	s23 =	simm.s32 $0x1420  }
0x15: {  	v3 =	vmul.u32 $0x10, v4;
	v4 =	vmul.u32 $0x80, v4;
	v1 =	vor.u32 $0x1, v0;
	s24 =	simm.s32 $0x1A0;
	s25 =	simm.s32 $0x1C20;
	s26 =	simm.s32 $0x220  }
.LBB2_1:
0x16: {  	s9 =	rddreg [dreg:$0x4]  }
0x17: {  	[tilespmem:s3], [sflag:$0x2] =	stream.linear.gather [hbm4b:s9+s3], $0x20, $0x38;
	[tilespmem:$0x5020] =	vst v63  }
0x18: {  	_ =	swait.ge [sflag:s16], $0x20  }
0x19: {  	[sflag:s16] =	ssyncset.done $0x0  }
0x1a: {  	[sflag:s16] =	ssyncadd.s32 $0xFFFFFFE0  }
0x1b: {  	v5 =	vld.idx.msk [tilespmem:v0+s3+$0x0], $0xffff;
	_ =	sdelay $0x1  }
0x1c: {  	v6 =	vld.idx.msk [tilespmem:v1+s3+$0x0], $0xffff;
	_ =	sdelay $0x2  }
0x1d: {  	v5 =	vmul.f32 $3.840000000e+02, v5;
	_ =	sdelay $0x1  }
0x1e: {  	v6 =	vmul.f32 $3.840000000e+02, v6;
	v5 =	vtrunc.f32 v5  }
0x1f: {  	v7 =	vcvt.f32.s32 v5  }
0x20: {  	v5 =	vtrunc.f32 v6  }
0x21: {  	v5 =	vcvt.f32.s32 v5;
	v7 =	vmul.u32 $0x180, v7;
	_ =	sdelay $0x1  }
0x22: {  	v8 =	vadd.s32 $0xFFFFFFF7, v5;
	v9 =	vadd.s32 $0xFFFFF280, v7  }
0x23: {  	v10 =	vadd.s32 v8, v9  }
0x24: {  	vm0 =	vgt.s32 v10, $0x0  }
0x25: {  	v6 =	vnsel vm0, $0x0, v10  }
0x26: {  	v6 =	vmin.u32 v6, $0x23FFF  }
0x27: {  	v11 =	vmulhi.u32 $0xAAAAAB, v6;
	_ =	sdelay $0x1  }
0x28: {  	v12 =	vmul.u32 $0xFFFFFE80, v11  }
0x29: {  	v13 =	vsub.s32 $0x0, v6  }
0x2a: {  	vm15 =	vlt.s32 v10, $0x1;
	vm1 =	vne.s32 v12, v13  }
0x2b: {  	vm0 =	vmand vm15, vm1  }
0x2c: {  	v10 =	vsel vm0, $0xFFFFFFFF, v2  }
0x2d: {  	v10 =	vadd.s32 v10, v11  }
0x2e: {  	v11 =	vmul.u32 $0xFFFFFE80, v10  }
0x2f: {  	v61 =	vshrl.u32 v10, $0x3  }
0x30: {  	v12 =	vmul.u32 $0x3, v61;
	v11 =	vadd.s32 v6, v11  }
0x31: {  	v62 =	vshrl.u32 v6, $0x4;
	v10 =	vshll.u32 v10, $0x3;
	v11 =	vshrl.u32 v11, $0x7  }
0x32: {  	v63 =	vand.u32 $0x7, v62;
	v10 =	vand.u32 $0x38, v10;
	v11 =	vadd.s32 v12, v11  }
0x33: {  	v10 =	vor.u32 v63, v10;
	v11 =	vshll.u32 v11, $0x6  }
0x34: {  	v10 =	vor.u32 v11, v10  }
0x35: {  	s11 =	sand.u32 $0x3F0, s3;
	s10 =	smov.u32 s5;
	s9 =	simm.s32 $0x10;
	v11 =	vadd.s32 s5, v10  }
.LBB2_2:
0x36: {  	p0 =	sne.s32 s9, $0x3F0  }
0x37: {  	[tilespmem:s11+$0x20] =	vst v11;
	s10 =	sadd.s32 $0x2400, s10;
	s11 =	smov.u32 s9;
	s9 =	sadd.s32 $0x10, s9  }
.Ltmp0:
0x38: {  	(pc) =	sbr.rel @p0 .LBB2_2-.Ltmp0, $2  }
0x39: {  	_ =	sdelay $0x2  }
0x3a: {  	v11 =	vadd.s32 s10, v10;
	s11 =	sand.u32 $0x3F0, s11  }
0x3b: {  	[tilespmem:s11+$0x20] =	vst v11  }
0x3c: {  	[tilespmem:s19], [sflag:$0x1] =	stream.indirect.gather [hbm4b:s2+s17], $0x10, s18, s17, $0xb8;
	[tilespmem:$0x5020] =	vst v63  }
0x3d: {  	_ = 	snop  }
0x3e: {  	[tilespmem:s21], [sflag:$0x1] =	stream.indirect.gather [hbm4b:s2+s17], $0x10, s20, s17, $0xb8;
	[tilespmem:$0x5020] =	vst v63  }
0x3f: {  	_ = 	snop  }
0x40: {  	[tilespmem:s23], [sflag:$0x1] =	stream.indirect.gather [hbm4b:s2+s17], $0x10, s22, s17, $0xb8;
	[tilespmem:$0x5020] =	vst v63  }
0x41: {  	_ = 	snop  }
0x42: {  	[tilespmem:s25], [sflag:$0x1] =	stream.indirect.gather [hbm4b:s2+s17], $0x10, s24, s17, $0xb8;
	[tilespmem:$0x5020] =	vst v63  }
0x43: {  	_ = 	snop  }
0x44: {  	[tilespmem:s28], [sflag:$0x1] =	stream.indirect.gather [hbm4b:s2+s17], $0x10, s26, s17, $0xb8;
	[tilespmem:$0x5020] =	vst v63  }
0x45: {  	_ = 	snop  }
0x46: {  	[tilespmem:s30], [sflag:$0x1] =	stream.indirect.gather [hbm4b:s2+s17], $0x10, s29, s17, $0xb8;
	[tilespmem:$0x5020] =	vst v63  }
0x47: {  	_ = 	snop  }
0x48: {  	[tilespmem:s1], [sflag:$0x1] =	stream.indirect.gather [hbm4b:s2+s17], $0x10, s31, s17, $0xb8;
	[tilespmem:$0x5020] =	vst v63  }
0x49: {  	_ = 	snop  }
0x4a: {  	[tilespmem:s4], [sflag:$0x1] =	stream.indirect.gather [hbm4b:s2+s17], $0x10, s0, s17, $0xb8;
	[tilespmem:$0x5020] =	vst v63  }
0x4b: {  	_ =	swait.ge [sflag:s6], $0x800  }
0x4c: {  	[sflag:s6] =	ssyncset.done $0x0  }
0x4d: {  	[sflag:s6] =	ssyncadd.s32 $0xFFFFF800  }
0x4e: {  	_ =	swait.ge [sflag:s6], $0x800  }
0x4f: {  	[sflag:s6] =	ssyncset.done $0x0  }
0x50: {  	[sflag:s6] =	ssyncadd.s32 $0xFFFFF800  }
0x51: {  	_ =	swait.ge [sflag:s6], $0x800  }
0x52: {  	[sflag:s6] =	ssyncset.done $0x0  }
0x53: {  	[sflag:s6] =	ssyncadd.s32 $0xFFFFF800  }
0x54: {  	_ =	swait.ge [sflag:s6], $0x800  }
0x55: {  	[sflag:s6] =	ssyncset.done $0x0  }
0x56: {  	[sflag:s6] =	ssyncadd.s32 $0xFFFFF800  }
0x57: {  	_ =	swait.ge [sflag:s6], $0x800  }
0x58: {  	[sflag:s6] =	ssyncset.done $0x0  }
0x59: {  	[sflag:s6] =	ssyncadd.s32 $0xFFFFF800  }
0x5a: {  	s9 =	simm.s32 $0x0;
	_ =	swait.ge [sflag:s6], $0x800  }
0x5b: {  	v10 =	vmov s9;
	[sflag:s6] =	ssyncset.done $0x0  }
0x5c: {  	v11 =	vshll.u32 v10, $0x4;
	[sflag:s6] =	ssyncadd.s32 $0xFFFFF800  }
0x5d: {  	v6 =	vand.u32 $0xF, v6;
	v11 =	vor.u32 v3, v11;
	_ =	swait.ge [sflag:s6], $0x800  }
0x5e: {  	v11 =	vor.u32 v6, v11;
	[sflag:s6] =	ssyncset.done $0x0  }
0x5f: {  	[sflag:s6] =	ssyncadd.s32 $0xFFFFF800  }
0x60: {  	_ =	swait.ge [sflag:s6], $0x800  }
0x61: {  	[sflag:s6] =	ssyncset.done $0x0  }
0x62: {  	s11 =	simm.s32 $0x10;
	[sflag:s6] =	ssyncadd.s32 $0xFFFFF800  }
0x63: {  	v13 =	vld.idx.msk [tilespmem:v11+s19+$0x0], $0xffff;
	v11 =	vmov s11  }
0x64: {  	v11 =	vshll.u32 v11, $0x4  }
0x65: {  	v11 =	vor.u32 v3, v11  }
0x66: {  	v11 =	vor.u32 v6, v11;
	_ =	sdelay $0x2  }
0x67: {  	s10 =	simm.s32 $0x20;
	s9 =	simm.s32 $0x4420  }
0x68: {  	v12 =	vmov s10;
	s10 =	simm.s32 $0x4420;
	s11 =	simm.s32 $0x30;
	[tilespmem:s9+$0x0] =	vst v13  }
.LBB2_4:
0x69: {  	p0 =	sne.s32 s11, $0x3F0;
	v12 =	vshll.u32 v12, $0x4;
	v13 =	vld.idx.msk [tilespmem:v11+s19+$0x0], $0xffff  }
0x6a: {  	v11 =	vor.u32 v3, v12  }
.Ltmp1:
0x6b: {  	v11 =	vor.u32 v6, v11;
	(pc) =	sbr.rel @p0 .LBB2_4-.Ltmp1, $3  }
0x6c: {  	_ =	sdelay $0x1  }
0x6d: {  	s10 =	sadd.s32 $0x10, s10  }
0x6e: {  	v12 =	vmov s11;
	s11 =	sadd.s32 $0x10, s11;
	[tilespmem:s10+$0x0] =	vst v13  }
0x6f: {  	_ =	sdelay $0x2  }
0x70: {  	v12 =	vshll.u32 v12, $0x4  }
0x71: {  	v11 =	vld.idx.msk [tilespmem:v11+s19+$0x0], $0xffff;
	v12 =	vor.u32 v3, v12  }
0x72: {  	v6 =	vor.u32 v6, v12;
	_ =	sdelay $0x2  }
0x73: {  	s10 =	sadd.s32 $0x10, s10  }
0x74: {  	[tilespmem:s10+$0x0] =	vst v11  }
0x75: {  	v6 =	vld.idx.msk [tilespmem:v6+s19+$0x0], $0xffff;
	_ =	sdelay $0x2  }
0x76: {  	v10 =	vand.u32 $0x3F, v10  }
0x77: {  	s10 =	sadd.s32 $0x10, s10;
	v11 =	vbroadcast v10, $0x0  }
0x78: {  	[tilespmem:s10+$0x0] =	vst v6  }
0x79: {  	v11 =	vor.u32 v4, v11;
	s10 =	simm.s32 $0x1;
	v10 =	vld [tilespmem:s9+$0x0]  }
.LBB2_6:
0x7a: {  	p0 =	sne.s32 s10, $0x3F  }
.Ltmp2:
0x7b: {  	v6 =	vmov s10;
	s10 =	sadd.s32 $0x1, s10;
	(pc) =	sbr.rel @p0 .LBB2_6-.Ltmp2, $4  }
0x7c: {  	v6 =	vand.u32 $0x3F, v6  }
0x7d: {  	v6 =	vbroadcast v6, $0x0  }
0x7e: {  	s9 =	sadd.s32 $0x10, s9;
	[tilespmem:v11+s7+$0x0] =	vst.idx.msk $0xffff, v10  }
0x7f: {  	v11 =	vor.u32 v4, v6;
	v10 =	vld [tilespmem:s9+$0x0]  }
0x80: {  	v12 =	vadd.s32 v5, v9  }
0x81: {  	vm0 =	vgt.s32 v12, $0x0  }
0x82: {  	v6 =	vnsel vm0, $0x0, v12  }
0x83: {  	v6 =	vmin.u32 v6, $0x23FFF  }
0x84: {  	v13 =	vmulhi.u32 $0xAAAAAB, v6;
	_ =	sdelay $0x1  }
0x85: {  	v14 =	vmul.u32 $0xFFFFFE80, v13  }
0x86: {  	v15 =	vsub.s32 $0x0, v6  }
0x87: {  	vm1 =	vlt.s32 v12, $0x1;
	vm15 =	vne.s32 v14, v15  }
0x88: {  	vm0 =	vmand vm1, vm15  }
0x89: {  	v61 =	vsel vm0, $0xFFFFFFFF, v2  }
0x8a: {  	v12 =	vadd.s32 v61, v13  }
0x8b: {  	v13 =	vmul.u32 $0xFFFFFE80, v12  }
0x8c: {  	v62 =	vshrl.u32 v12, $0x3  }
0x8d: {  	v14 =	vmul.u32 $0x3, v62;
	v13 =	vadd.s32 v6, v13  }
0x8e: {  	s10 =	simm.s32 $0x0;
	s9 =	rddreg [dreg:$0x5];
	[tilespmem:v11+s7+$0x0] =	vst.idx.msk $0xffff, v10;
	v63 =	vshrl.u32 v6, $0x4;
	v11 =	vshll.u32 v12, $0x3;
	v10 =	vshrl.u32 v13, $0x7  }
0x8f: {  	[hbm4b:s9+s10] =	stream.linear.scatter [tilespmem:s7], [sflag:$0x2], $0x800, $0x38;
	v12 =	vand.u32 $0x7, v63;
	v11 =	vand.u32 $0x38, v11;
	v10 =	vadd.s32 v14, v10;
	[tilespmem:$0x5020] =	vst v63  }
0x90: {  	_ =	swait.ge [sflag:s16], $0x800;
	v11 =	vor.u32 v12, v11;
	v10 =	vshll.u32 v10, $0x6  }
0x91: {  	s11 =	sand.u32 $0x3F0, s10;
	[sflag:s16] =	ssyncset.done $0x0;
	v10 =	vor.u32 v10, v11  }
0x92: {  	s9 =	simm.s32 $0x10;
	s10 =	smov.u32 s5;
	[sflag:s16] =	ssyncadd.s32 $0xFFFFF800;
	v11 =	vadd.s32 s5, v10  }
.LBB2_8:
0x93: {  	p0 =	sne.s32 s9, $0x3F0  }
0x94: {  	[tilespmem:s11+$0x20] =	vst v11;
	s10 =	sadd.s32 $0x2400, s10;
	s11 =	smov.u32 s9;
	s9 =	sadd.s32 $0x10, s9  }
.Ltmp3:
0x95: {  	(pc) =	sbr.rel @p0 .LBB2_8-.Ltmp3, $2  }
0x96: {  	_ =	sdelay $0x2  }
0x97: {  	v11 =	vadd.s32 s10, v10;
	s11 =	sand.u32 $0x3F0, s11  }
0x98: {  	[tilespmem:s11+$0x20] =	vst v11  }
0x99: {  	[tilespmem:s19], [sflag:$0x1] =	stream.indirect.gather [hbm4b:s2+s17], $0x10, s18, s17, $0xb8;
	[tilespmem:$0x5020] =	vst v63  }
0x9a: {  	_ = 	snop  }
0x9b: {  	[tilespmem:s21], [sflag:$0x1] =	stream.indirect.gather [hbm4b:s2+s17], $0x10, s20, s17, $0xb8;
	[tilespmem:$0x5020] =	vst v63  }
0x9c: {  	_ = 	snop  }
0x9d: {  	[tilespmem:s23], [sflag:$0x1] =	stream.indirect.gather [hbm4b:s2+s17], $0x10, s22, s17, $0xb8;
	[tilespmem:$0x5020] =	vst v63  }
0x9e: {  	_ = 	snop  }
0x9f: {  	[tilespmem:s25], [sflag:$0x1] =	stream.indirect.gather [hbm4b:s2+s17], $0x10, s24, s17, $0xb8;
	[tilespmem:$0x5020] =	vst v63  }
0xa0: {  	_ = 	snop  }
0xa1: {  	[tilespmem:s28], [sflag:$0x1] =	stream.indirect.gather [hbm4b:s2+s17], $0x10, s26, s17, $0xb8;
	[tilespmem:$0x5020] =	vst v63  }
0xa2: {  	_ = 	snop  }
0xa3: {  	[tilespmem:s30], [sflag:$0x1] =	stream.indirect.gather [hbm4b:s2+s17], $0x10, s29, s17, $0xb8;
	[tilespmem:$0x5020] =	vst v63  }
0xa4: {  	_ = 	snop  }
0xa5: {  	[tilespmem:s1], [sflag:$0x1] =	stream.indirect.gather [hbm4b:s2+s17], $0x10, s31, s17, $0xb8;
	[tilespmem:$0x5020] =	vst v63  }
0xa6: {  	_ = 	snop  }
0xa7: {  	[tilespmem:s4], [sflag:$0x1] =	stream.indirect.gather [hbm4b:s2+s17], $0x10, s0, s17, $0xb8;
	[tilespmem:$0x5020] =	vst v63  }
0xa8: {  	_ =	swait.ge [sflag:s6], $0x800  }
0xa9: {  	[sflag:s6] =	ssyncset.done $0x0  }
0xaa: {  	[sflag:s6] =	ssyncadd.s32 $0xFFFFF800  }
0xab: {  	_ =	swait.ge [sflag:s6], $0x800  }
0xac: {  	[sflag:s6] =	ssyncset.done $0x0  }
0xad: {  	[sflag:s6] =	ssyncadd.s32 $0xFFFFF800  }
0xae: {  	_ =	swait.ge [sflag:s6], $0x800  }
0xaf: {  	[sflag:s6] =	ssyncset.done $0x0  }
0xb0: {  	[sflag:s6] =	ssyncadd.s32 $0xFFFFF800  }
0xb1: {  	_ =	swait.ge [sflag:s6], $0x800  }
0xb2: {  	[sflag:s6] =	ssyncset.done $0x0  }
0xb3: {  	[sflag:s6] =	ssyncadd.s32 $0xFFFFF800  }
0xb4: {  	_ =	swait.ge [sflag:s6], $0x800  }
0xb5: {  	[sflag:s6] =	ssyncset.done $0x0  }
0xb6: {  	[sflag:s6] =	ssyncadd.s32 $0xFFFFF800  }
0xb7: {  	s9 =	simm.s32 $0x0;
	_ =	swait.ge [sflag:s6], $0x800  }
0xb8: {  	v10 =	vmov s9;
	[sflag:s6] =	ssyncset.done $0x0  }
0xb9: {  	v11 =	vshll.u32 v10, $0x4;
	[sflag:s6] =	ssyncadd.s32 $0xFFFFF800  }
0xba: {  	v6 =	vand.u32 $0xF, v6;
	v11 =	vor.u32 v3, v11;
	_ =	swait.ge [sflag:s6], $0x800  }
0xbb: {  	v11 =	vor.u32 v6, v11;
	[sflag:s6] =	ssyncset.done $0x0  }
0xbc: {  	[sflag:s6] =	ssyncadd.s32 $0xFFFFF800  }
0xbd: {  	_ =	swait.ge [sflag:s6], $0x800  }
0xbe: {  	[sflag:s6] =	ssyncset.done $0x0  }
0xbf: {  	s11 =	simm.s32 $0x10;
	[sflag:s6] =	ssyncadd.s32 $0xFFFFF800  }
0xc0: {  	v13 =	vld.idx.msk [tilespmem:v11+s19+$0x0], $0xffff;
	v11 =	vmov s11  }
0xc1: {  	v11 =	vshll.u32 v11, $0x4  }
0xc2: {  	v11 =	vor.u32 v3, v11  }
0xc3: {  	v11 =	vor.u32 v6, v11;
	_ =	sdelay $0x2  }
0xc4: {  	s10 =	simm.s32 $0x20;
	s9 =	simm.s32 $0x4420  }
0xc5: {  	v12 =	vmov s10;
	s10 =	simm.s32 $0x4420;
	s11 =	simm.s32 $0x30;
	[tilespmem:s9+$0x0] =	vst v13  }
.LBB2_10:
0xc6: {  	p0 =	sne.s32 s11, $0x3F0;
	v12 =	vshll.u32 v12, $0x4;
	v13 =	vld.idx.msk [tilespmem:v11+s19+$0x0], $0xffff  }
0xc7: {  	v11 =	vor.u32 v3, v12  }
.Ltmp4:
0xc8: {  	v11 =	vor.u32 v6, v11;
	(pc) =	sbr.rel @p0 .LBB2_10-.Ltmp4, $3  }
0xc9: {  	_ =	sdelay $0x1  }
0xca: {  	s10 =	sadd.s32 $0x10, s10  }
0xcb: {  	v12 =	vmov s11;
	s11 =	sadd.s32 $0x10, s11;
	[tilespmem:s10+$0x0] =	vst v13  }
0xcc: {  	_ =	sdelay $0x2  }
0xcd: {  	v12 =	vshll.u32 v12, $0x4  }
0xce: {  	v11 =	vld.idx.msk [tilespmem:v11+s19+$0x0], $0xffff;
	v12 =	vor.u32 v3, v12  }
0xcf: {  	v6 =	vor.u32 v6, v12;
	_ =	sdelay $0x2  }
0xd0: {  	s10 =	sadd.s32 $0x10, s10  }
0xd1: {  	[tilespmem:s10+$0x0] =	vst v11  }
0xd2: {  	v6 =	vld.idx.msk [tilespmem:v6+s19+$0x0], $0xffff;
	_ =	sdelay $0x2  }
0xd3: {  	v10 =	vand.u32 $0x3F, v10  }
0xd4: {  	s10 =	sadd.s32 $0x10, s10;
	v11 =	vbroadcast v10, $0x0  }
0xd5: {  	[tilespmem:s10+$0x0] =	vst v6  }
0xd6: {  	v11 =	vor.u32 v4, v11;
	s10 =	simm.s32 $0x1;
	v10 =	vld [tilespmem:s9+$0x0]  }
.LBB2_12:
0xd7: {  	p0 =	sne.s32 s10, $0x3F  }
.Ltmp5:
0xd8: {  	v6 =	vmov s10;
	s10 =	sadd.s32 $0x1, s10;
	(pc) =	sbr.rel @p0 .LBB2_12-.Ltmp5, $4  }
0xd9: {  	v6 =	vand.u32 $0x3F, v6  }
0xda: {  	v6 =	vbroadcast v6, $0x0  }
0xdb: {  	s9 =	sadd.s32 $0x10, s9;
	[tilespmem:v11+s7+$0x0] =	vst.idx.msk $0xffff, v10  }
0xdc: {  	v11 =	vor.u32 v4, v6;
	v10 =	vld [tilespmem:s9+$0x0]  }
0xdd: {  	v6 =	vadd.s32 $0x9, v5  }
0xde: {  	v12 =	vadd.s32 v6, v9  }
0xdf: {  	vm0 =	vgt.s32 v12, $0x0  }
0xe0: {  	v9 =	vnsel vm0, $0x0, v12  }
0xe1: {  	v9 =	vmin.u32 v9, $0x23FFF  }
0xe2: {  	v13 =	vmulhi.u32 $0xAAAAAB, v9;
	_ =	sdelay $0x1  }
0xe3: {  	v14 =	vmul.u32 $0xFFFFFE80, v13  }
0xe4: {  	v15 =	vsub.s32 $0x0, v9  }
0xe5: {  	vm1 =	vlt.s32 v12, $0x1;
	vm15 =	vne.s32 v14, v15  }
0xe6: {  	vm0 =	vmand vm1, vm15  }
0xe7: {  	v61 =	vsel vm0, $0xFFFFFFFF, v2  }
0xe8: {  	v12 =	vadd.s32 v61, v13  }
0xe9: {  	v13 =	vmul.u32 $0xFFFFFE80, v12  }
0xea: {  	v62 =	vshrl.u32 v12, $0x3  }
0xeb: {  	v14 =	vmul.u32 $0x3, v62;
	v13 =	vadd.s32 v9, v13  }
0xec: {  	s10 =	simm.s32 $0x0;
	s9 =	rddreg [dreg:$0x6];
	[tilespmem:v11+s7+$0x0] =	vst.idx.msk $0xffff, v10;
	v63 =	vshrl.u32 v9, $0x4;
	v11 =	vshll.u32 v12, $0x3;
	v10 =	vshrl.u32 v13, $0x7  }
0xed: {  	[hbm4b:s9+s10] =	stream.linear.scatter [tilespmem:s7], [sflag:$0x2], $0x800, $0x38;
	v12 =	vand.u32 $0x7, v63;
	v11 =	vand.u32 $0x38, v11;
	v10 =	vadd.s32 v14, v10;
	[tilespmem:$0x5020] =	vst v63  }
0xee: {  	_ =	swait.ge [sflag:s16], $0x800;
	v11 =	vor.u32 v12, v11;
	v10 =	vshll.u32 v10, $0x6  }
0xef: {  	s11 =	sand.u32 $0x3F0, s10;
	[sflag:s16] =	ssyncset.done $0x0;
	v10 =	vor.u32 v10, v11  }
0xf0: {  	s9 =	simm.s32 $0x10;
	s10 =	smov.u32 s5;
	[sflag:s16] =	ssyncadd.s32 $0xFFFFF800;
	v11 =	vadd.s32 s5, v10  }
.LBB2_14:
0xf1: {  	p0 =	sne.s32 s9, $0x3F0  }
0xf2: {  	[tilespmem:s11+$0x20] =	vst v11;
	s10 =	sadd.s32 $0x2400, s10;
	s11 =	smov.u32 s9;
	s9 =	sadd.s32 $0x10, s9  }
.Ltmp6:
0xf3: {  	(pc) =	sbr.rel @p0 .LBB2_14-.Ltmp6, $2  }
0xf4: {  	_ =	sdelay $0x2  }
0xf5: {  	v11 =	vadd.s32 s10, v10;
	s11 =	sand.u32 $0x3F0, s11  }
0xf6: {  	[tilespmem:s11+$0x20] =	vst v11  }
0xf7: {  	[tilespmem:s19], [sflag:$0x1] =	stream.indirect.gather [hbm4b:s2+s17], $0x10, s18, s17, $0xb8;
	[tilespmem:$0x5020] =	vst v63  }
0xf8: {  	_ = 	snop  }
0xf9: {  	[tilespmem:s21], [sflag:$0x1] =	stream.indirect.gather [hbm4b:s2+s17], $0x10, s20, s17, $0xb8;
	[tilespmem:$0x5020] =	vst v63  }
0xfa: {  	_ = 	snop  }
0xfb: {  	[tilespmem:s23], [sflag:$0x1] =	stream.indirect.gather [hbm4b:s2+s17], $0x10, s22, s17, $0xb8;
	[tilespmem:$0x5020] =	vst v63  }
0xfc: {  	_ = 	snop  }
0xfd: {  	[tilespmem:s25], [sflag:$0x1] =	stream.indirect.gather [hbm4b:s2+s17], $0x10, s24, s17, $0xb8;
	[tilespmem:$0x5020] =	vst v63  }
0xfe: {  	_ = 	snop  }
0xff: {  	[tilespmem:s28], [sflag:$0x1] =	stream.indirect.gather [hbm4b:s2+s17], $0x10, s26, s17, $0xb8;
	[tilespmem:$0x5020] =	vst v63  }
0x100: {  	_ = 	snop  }
0x101: {  	[tilespmem:s30], [sflag:$0x1] =	stream.indirect.gather [hbm4b:s2+s17], $0x10, s29, s17, $0xb8;
	[tilespmem:$0x5020] =	vst v63  }
0x102: {  	_ = 	snop  }
0x103: {  	[tilespmem:s1], [sflag:$0x1] =	stream.indirect.gather [hbm4b:s2+s17], $0x10, s31, s17, $0xb8;
	[tilespmem:$0x5020] =	vst v63  }
0x104: {  	_ = 	snop  }
0x105: {  	[tilespmem:s4], [sflag:$0x1] =	stream.indirect.gather [hbm4b:s2+s17], $0x10, s0, s17, $0xb8;
	[tilespmem:$0x5020] =	vst v63  }
0x106: {  	_ =	swait.ge [sflag:s6], $0x800  }
0x107: {  	[sflag:s6] =	ssyncset.done $0x0  }
0x108: {  	[sflag:s6] =	ssyncadd.s32 $0xFFFFF800  }
0x109: {  	_ =	swait.ge [sflag:s6], $0x800  }
0x10a: {  	[sflag:s6] =	ssyncset.done $0x0  }
0x10b: {  	[sflag:s6] =	ssyncadd.s32 $0xFFFFF800  }
0x10c: {  	_ =	swait.ge [sflag:s6], $0x800  }
0x10d: {  	[sflag:s6] =	ssyncset.done $0x0  }
0x10e: {  	[sflag:s6] =	ssyncadd.s32 $0xFFFFF800  }
0x10f: {  	_ =	swait.ge [sflag:s6], $0x800  }
0x110: {  	[sflag:s6] =	ssyncset.done $0x0  }
0x111: {  	[sflag:s6] =	ssyncadd.s32 $0xFFFFF800  }
0x112: {  	_ =	swait.ge [sflag:s6], $0x800  }
0x113: {  	[sflag:s6] =	ssyncset.done $0x0  }
0x114: {  	[sflag:s6] =	ssyncadd.s32 $0xFFFFF800  }
0x115: {  	s9 =	simm.s32 $0x0;
	_ =	swait.ge [sflag:s6], $0x800  }
0x116: {  	v10 =	vmov s9;
	[sflag:s6] =	ssyncset.done $0x0  }
0x117: {  	v11 =	vshll.u32 v10, $0x4;
	[sflag:s6] =	ssyncadd.s32 $0xFFFFF800  }
0x118: {  	v9 =	vand.u32 $0xF, v9;
	v11 =	vor.u32 v3, v11;
	_ =	swait.ge [sflag:s6], $0x800  }
0x119: {  	v11 =	vor.u32 v9, v11;
	[sflag:s6] =	ssyncset.done $0x0  }
0x11a: {  	[sflag:s6] =	ssyncadd.s32 $0xFFFFF800  }
0x11b: {  	_ =	swait.ge [sflag:s6], $0x800  }
0x11c: {  	[sflag:s6] =	ssyncset.done $0x0  }
0x11d: {  	s11 =	simm.s32 $0x10;
	[sflag:s6] =	ssyncadd.s32 $0xFFFFF800  }
0x11e: {  	v13 =	vld.idx.msk [tilespmem:v11+s19+$0x0], $0xffff;
	v11 =	vmov s11  }
0x11f: {  	v11 =	vshll.u32 v11, $0x4  }
0x120: {  	v11 =	vor.u32 v3, v11  }
0x121: {  	v11 =	vor.u32 v9, v11;
	_ =	sdelay $0x2  }
0x122: {  	s10 =	simm.s32 $0x20;
	s9 =	simm.s32 $0x4420  }
0x123: {  	v12 =	vmov s10;
	s10 =	simm.s32 $0x4420;
	s11 =	simm.s32 $0x30;
	[tilespmem:s9+$0x0] =	vst v13  }
.LBB2_16:
0x124: {  	p0 =	sne.s32 s11, $0x3F0;
	v12 =	vshll.u32 v12, $0x4;
	v13 =	vld.idx.msk [tilespmem:v11+s19+$0x0], $0xffff  }
0x125: {  	v11 =	vor.u32 v3, v12  }
.Ltmp7:
0x126: {  	v11 =	vor.u32 v9, v11;
	(pc) =	sbr.rel @p0 .LBB2_16-.Ltmp7, $3  }
0x127: {  	_ =	sdelay $0x1  }
0x128: {  	s10 =	sadd.s32 $0x10, s10  }
0x129: {  	v12 =	vmov s11;
	s11 =	sadd.s32 $0x10, s11;
	[tilespmem:s10+$0x0] =	vst v13  }
0x12a: {  	_ =	sdelay $0x2  }
0x12b: {  	v12 =	vshll.u32 v12, $0x4  }
0x12c: {  	v11 =	vld.idx.msk [tilespmem:v11+s19+$0x0], $0xffff;
	v12 =	vor.u32 v3, v12  }
0x12d: {  	v9 =	vor.u32 v9, v12;
	_ =	sdelay $0x2  }
0x12e: {  	s10 =	sadd.s32 $0x10, s10  }
0x12f: {  	[tilespmem:s10+$0x0] =	vst v11  }
0x130: {  	v9 =	vld.idx.msk [tilespmem:v9+s19+$0x0], $0xffff;
	_ =	sdelay $0x2  }
0x131: {  	v10 =	vand.u32 $0x3F, v10  }
0x132: {  	s10 =	sadd.s32 $0x10, s10;
	v11 =	vbroadcast v10, $0x0  }
0x133: {  	[tilespmem:s10+$0x0] =	vst v9  }
0x134: {  	v11 =	vor.u32 v4, v11;
	s10 =	simm.s32 $0x1;
	v10 =	vld [tilespmem:s9+$0x0]  }
.LBB2_18:
0x135: {  	p0 =	sne.s32 s10, $0x3F  }
.Ltmp8:
0x136: {  	v9 =	vmov s10;
	s10 =	sadd.s32 $0x1, s10;
	(pc) =	sbr.rel @p0 .LBB2_18-.Ltmp8, $4  }
0x137: {  	v9 =	vand.u32 $0x3F, v9  }
0x138: {  	v9 =	vbroadcast v9, $0x0  }
0x139: {  	s9 =	sadd.s32 $0x10, s9;
	[tilespmem:v11+s7+$0x0] =	vst.idx.msk $0xffff, v10  }
0x13a: {  	v11 =	vor.u32 v4, v9;
	v10 =	vld [tilespmem:s9+$0x0]  }
0x13b: {  	v12 =	vadd.s32 v7, v8  }
0x13c: {  	vm0 =	vgt.s32 v12, $0x0  }
0x13d: {  	v9 =	vnsel vm0, $0x0, v12  }
0x13e: {  	v9 =	vmin.u32 v9, $0x23FFF  }
0x13f: {  	v13 =	vmulhi.u32 $0xAAAAAB, v9;
	_ =	sdelay $0x1  }
0x140: {  	v14 =	vmul.u32 $0xFFFFFE80, v13  }
0x141: {  	v15 =	vsub.s32 $0x0, v9  }
0x142: {  	vm1 =	vlt.s32 v12, $0x1;
	vm15 =	vne.s32 v14, v15  }
0x143: {  	vm0 =	vmand vm1, vm15  }
0x144: {  	v61 =	vsel vm0, $0xFFFFFFFF, v2  }
0x145: {  	v12 =	vadd.s32 v61, v13  }
0x146: {  	v13 =	vmul.u32 $0xFFFFFE80, v12  }
0x147: {  	v62 =	vshrl.u32 v12, $0x3  }
0x148: {  	v14 =	vmul.u32 $0x3, v62;
	v13 =	vadd.s32 v9, v13  }
0x149: {  	s10 =	simm.s32 $0x0;
	s9 =	rddreg [dreg:$0x7];
	[tilespmem:v11+s7+$0x0] =	vst.idx.msk $0xffff, v10;
	v63 =	vshrl.u32 v9, $0x4;
	v11 =	vshll.u32 v12, $0x3;
	v10 =	vshrl.u32 v13, $0x7  }
0x14a: {  	[hbm4b:s9+s10] =	stream.linear.scatter [tilespmem:s7], [sflag:$0x2], $0x800, $0x38;
	v12 =	vand.u32 $0x7, v63;
	v11 =	vand.u32 $0x38, v11;
	v10 =	vadd.s32 v14, v10;
	[tilespmem:$0x5020] =	vst v63  }
0x14b: {  	_ =	swait.ge [sflag:s16], $0x800;
	v11 =	vor.u32 v12, v11;
	v10 =	vshll.u32 v10, $0x6  }
0x14c: {  	s11 =	sand.u32 $0x3F0, s10;
	[sflag:s16] =	ssyncset.done $0x0;
	v10 =	vor.u32 v10, v11  }
0x14d: {  	s9 =	simm.s32 $0x10;
	s10 =	smov.u32 s5;
	[sflag:s16] =	ssyncadd.s32 $0xFFFFF800;
	v11 =	vadd.s32 s5, v10  }
.LBB2_20:
0x14e: {  	p0 =	sne.s32 s9, $0x3F0  }
0x14f: {  	[tilespmem:s11+$0x20] =	vst v11;
	s10 =	sadd.s32 $0x2400, s10;
	s11 =	smov.u32 s9;
	s9 =	sadd.s32 $0x10, s9  }
.Ltmp9:
0x150: {  	(pc) =	sbr.rel @p0 .LBB2_20-.Ltmp9, $2  }
0x151: {  	_ =	sdelay $0x2  }
0x152: {  	v11 =	vadd.s32 s10, v10;
	s11 =	sand.u32 $0x3F0, s11  }
0x153: {  	[tilespmem:s11+$0x20] =	vst v11  }
0x154: {  	[tilespmem:s19], [sflag:$0x1] =	stream.indirect.gather [hbm4b:s2+s17], $0x10, s18, s17, $0xb8;
	[tilespmem:$0x5020] =	vst v63  }
0x155: {  	_ = 	snop  }
0x156: {  	[tilespmem:s21], [sflag:$0x1] =	stream.indirect.gather [hbm4b:s2+s17], $0x10, s20, s17, $0xb8;
	[tilespmem:$0x5020] =	vst v63  }
0x157: {  	_ = 	snop  }
0x158: {  	[tilespmem:s23], [sflag:$0x1] =	stream.indirect.gather [hbm4b:s2+s17], $0x10, s22, s17, $0xb8;
	[tilespmem:$0x5020] =	vst v63  }
0x159: {  	_ = 	snop  }
0x15a: {  	[tilespmem:s25], [sflag:$0x1] =	stream.indirect.gather [hbm4b:s2+s17], $0x10, s24, s17, $0xb8;
	[tilespmem:$0x5020] =	vst v63  }
0x15b: {  	_ = 	snop  }
0x15c: {  	[tilespmem:s28], [sflag:$0x1] =	stream.indirect.gather [hbm4b:s2+s17], $0x10, s26, s17, $0xb8;
	[tilespmem:$0x5020] =	vst v63  }
0x15d: {  	_ = 	snop  }
0x15e: {  	[tilespmem:s30], [sflag:$0x1] =	stream.indirect.gather [hbm4b:s2+s17], $0x10, s29, s17, $0xb8;
	[tilespmem:$0x5020] =	vst v63  }
0x15f: {  	_ = 	snop  }
0x160: {  	[tilespmem:s1], [sflag:$0x1] =	stream.indirect.gather [hbm4b:s2+s17], $0x10, s31, s17, $0xb8;
	[tilespmem:$0x5020] =	vst v63  }
0x161: {  	_ = 	snop  }
0x162: {  	[tilespmem:s4], [sflag:$0x1] =	stream.indirect.gather [hbm4b:s2+s17], $0x10, s0, s17, $0xb8;
	[tilespmem:$0x5020] =	vst v63  }
0x163: {  	_ =	swait.ge [sflag:s6], $0x800  }
0x164: {  	[sflag:s6] =	ssyncset.done $0x0  }
0x165: {  	[sflag:s6] =	ssyncadd.s32 $0xFFFFF800  }
0x166: {  	_ =	swait.ge [sflag:s6], $0x800  }
0x167: {  	[sflag:s6] =	ssyncset.done $0x0  }
0x168: {  	[sflag:s6] =	ssyncadd.s32 $0xFFFFF800  }
0x169: {  	_ =	swait.ge [sflag:s6], $0x800  }
0x16a: {  	[sflag:s6] =	ssyncset.done $0x0  }
0x16b: {  	[sflag:s6] =	ssyncadd.s32 $0xFFFFF800  }
0x16c: {  	_ =	swait.ge [sflag:s6], $0x800  }
0x16d: {  	[sflag:s6] =	ssyncset.done $0x0  }
0x16e: {  	[sflag:s6] =	ssyncadd.s32 $0xFFFFF800  }
0x16f: {  	_ =	swait.ge [sflag:s6], $0x800  }
0x170: {  	[sflag:s6] =	ssyncset.done $0x0  }
0x171: {  	[sflag:s6] =	ssyncadd.s32 $0xFFFFF800  }
0x172: {  	s9 =	simm.s32 $0x0;
	_ =	swait.ge [sflag:s6], $0x800  }
0x173: {  	v10 =	vmov s9;
	[sflag:s6] =	ssyncset.done $0x0  }
0x174: {  	v11 =	vshll.u32 v10, $0x4;
	[sflag:s6] =	ssyncadd.s32 $0xFFFFF800  }
0x175: {  	v9 =	vand.u32 $0xF, v9;
	v11 =	vor.u32 v3, v11;
	_ =	swait.ge [sflag:s6], $0x800  }
0x176: {  	v11 =	vor.u32 v9, v11;
	[sflag:s6] =	ssyncset.done $0x0  }
0x177: {  	[sflag:s6] =	ssyncadd.s32 $0xFFFFF800  }
0x178: {  	_ =	swait.ge [sflag:s6], $0x800  }
0x179: {  	[sflag:s6] =	ssyncset.done $0x0  }
0x17a: {  	s11 =	simm.s32 $0x10;
	[sflag:s6] =	ssyncadd.s32 $0xFFFFF800  }
0x17b: {  	v13 =	vld.idx.msk [tilespmem:v11+s19+$0x0], $0xffff;
	v11 =	vmov s11  }
0x17c: {  	v11 =	vshll.u32 v11, $0x4  }
0x17d: {  	v11 =	vor.u32 v3, v11  }
0x17e: {  	v11 =	vor.u32 v9, v11;
	_ =	sdelay $0x2  }
0x17f: {  	s10 =	simm.s32 $0x20;
	s9 =	simm.s32 $0x4420  }
0x180: {  	v12 =	vmov s10;
	s10 =	simm.s32 $0x4420;
	s11 =	simm.s32 $0x30;
	[tilespmem:s9+$0x0] =	vst v13  }
.LBB2_22:
0x181: {  	p0 =	sne.s32 s11, $0x3F0;
	v12 =	vshll.u32 v12, $0x4;
	v13 =	vld.idx.msk [tilespmem:v11+s19+$0x0], $0xffff  }
0x182: {  	v11 =	vor.u32 v3, v12  }
.Ltmp10:
0x183: {  	v11 =	vor.u32 v9, v11;
	(pc) =	sbr.rel @p0 .LBB2_22-.Ltmp10, $3  }
0x184: {  	_ =	sdelay $0x1  }
0x185: {  	s10 =	sadd.s32 $0x10, s10  }
0x186: {  	v12 =	vmov s11;
	s11 =	sadd.s32 $0x10, s11;
	[tilespmem:s10+$0x0] =	vst v13  }
0x187: {  	_ =	sdelay $0x2  }
0x188: {  	v12 =	vshll.u32 v12, $0x4  }
0x189: {  	v11 =	vld.idx.msk [tilespmem:v11+s19+$0x0], $0xffff;
	v12 =	vor.u32 v3, v12  }
0x18a: {  	v9 =	vor.u32 v9, v12;
	_ =	sdelay $0x2  }
0x18b: {  	s10 =	sadd.s32 $0x10, s10  }
0x18c: {  	[tilespmem:s10+$0x0] =	vst v11  }
0x18d: {  	v9 =	vld.idx.msk [tilespmem:v9+s19+$0x0], $0xffff;
	_ =	sdelay $0x2  }
0x18e: {  	v10 =	vand.u32 $0x3F, v10  }
0x18f: {  	s10 =	sadd.s32 $0x10, s10;
	v11 =	vbroadcast v10, $0x0  }
0x190: {  	[tilespmem:s10+$0x0] =	vst v9  }
0x191: {  	v11 =	vor.u32 v4, v11;
	s10 =	simm.s32 $0x1;
	v10 =	vld [tilespmem:s9+$0x0]  }
.LBB2_24:
0x192: {  	p0 =	sne.s32 s10, $0x3F  }
.Ltmp11:
0x193: {  	v9 =	vmov s10;
	s10 =	sadd.s32 $0x1, s10;
	(pc) =	sbr.rel @p0 .LBB2_24-.Ltmp11, $4  }
0x194: {  	v9 =	vand.u32 $0x3F, v9  }
0x195: {  	v9 =	vbroadcast v9, $0x0  }
0x196: {  	s9 =	sadd.s32 $0x10, s9;
	[tilespmem:v11+s7+$0x0] =	vst.idx.msk $0xffff, v10  }
0x197: {  	v11 =	vor.u32 v4, v9;
	v10 =	vld [tilespmem:s9+$0x0]  }
0x198: {  	v12 =	vadd.s32 v5, v7  }
0x199: {  	vm0 =	vgt.s32 v12, $0x0  }
0x19a: {  	v9 =	vnsel vm0, $0x0, v12  }
0x19b: {  	v9 =	vmin.u32 v9, $0x23FFF  }
0x19c: {  	v13 =	vmulhi.u32 $0xAAAAAB, v9;
	_ =	sdelay $0x1  }
0x19d: {  	v14 =	vmul.u32 $0xFFFFFE80, v13  }
0x19e: {  	v15 =	vsub.s32 $0x0, v9  }
0x19f: {  	vm1 =	vlt.s32 v12, $0x1;
	vm15 =	vne.s32 v14, v15  }
0x1a0: {  	vm0 =	vmand vm1, vm15  }
0x1a1: {  	v61 =	vsel vm0, $0xFFFFFFFF, v2  }
0x1a2: {  	v12 =	vadd.s32 v61, v13  }
0x1a3: {  	v13 =	vmul.u32 $0xFFFFFE80, v12  }
0x1a4: {  	v62 =	vshrl.u32 v12, $0x3  }
0x1a5: {  	v14 =	vmul.u32 $0x3, v62;
	v13 =	vadd.s32 v9, v13  }
0x1a6: {  	s10 =	simm.s32 $0x0;
	s9 =	rddreg [dreg:$0x8];
	[tilespmem:v11+s7+$0x0] =	vst.idx.msk $0xffff, v10;
	v63 =	vshrl.u32 v9, $0x4;
	v11 =	vshll.u32 v12, $0x3;
	v10 =	vshrl.u32 v13, $0x7  }
0x1a7: {  	[hbm4b:s9+s10] =	stream.linear.scatter [tilespmem:s7], [sflag:$0x2], $0x800, $0x38;
	v12 =	vand.u32 $0x7, v63;
	v11 =	vand.u32 $0x38, v11;
	v10 =	vadd.s32 v14, v10;
	[tilespmem:$0x5020] =	vst v63  }
0x1a8: {  	_ =	swait.ge [sflag:s16], $0x800;
	v11 =	vor.u32 v12, v11;
	v10 =	vshll.u32 v10, $0x6  }
0x1a9: {  	s11 =	sand.u32 $0x3F0, s10;
	[sflag:s16] =	ssyncset.done $0x0;
	v10 =	vor.u32 v10, v11  }
0x1aa: {  	s9 =	simm.s32 $0x10;
	s10 =	smov.u32 s5;
	[sflag:s16] =	ssyncadd.s32 $0xFFFFF800;
	v11 =	vadd.s32 s5, v10  }
.LBB2_26:
0x1ab: {  	p0 =	sne.s32 s9, $0x3F0  }
0x1ac: {  	[tilespmem:s11+$0x20] =	vst v11;
	s10 =	sadd.s32 $0x2400, s10;
	s11 =	smov.u32 s9;
	s9 =	sadd.s32 $0x10, s9  }
.Ltmp12:
0x1ad: {  	(pc) =	sbr.rel @p0 .LBB2_26-.Ltmp12, $2  }
0x1ae: {  	_ =	sdelay $0x2  }
0x1af: {  	v11 =	vadd.s32 s10, v10;
	s11 =	sand.u32 $0x3F0, s11  }
0x1b0: {  	[tilespmem:s11+$0x20] =	vst v11  }
0x1b1: {  	[tilespmem:s19], [sflag:$0x1] =	stream.indirect.gather [hbm4b:s2+s17], $0x10, s18, s17, $0xb8;
	[tilespmem:$0x5020] =	vst v63  }
0x1b2: {  	_ = 	snop  }
0x1b3: {  	[tilespmem:s21], [sflag:$0x1] =	stream.indirect.gather [hbm4b:s2+s17], $0x10, s20, s17, $0xb8;
	[tilespmem:$0x5020] =	vst v63  }
0x1b4: {  	_ = 	snop  }
0x1b5: {  	[tilespmem:s23], [sflag:$0x1] =	stream.indirect.gather [hbm4b:s2+s17], $0x10, s22, s17, $0xb8;
	[tilespmem:$0x5020] =	vst v63  }
0x1b6: {  	_ = 	snop  }
0x1b7: {  	[tilespmem:s25], [sflag:$0x1] =	stream.indirect.gather [hbm4b:s2+s17], $0x10, s24, s17, $0xb8;
	[tilespmem:$0x5020] =	vst v63  }
0x1b8: {  	_ = 	snop  }
0x1b9: {  	[tilespmem:s28], [sflag:$0x1] =	stream.indirect.gather [hbm4b:s2+s17], $0x10, s26, s17, $0xb8;
	[tilespmem:$0x5020] =	vst v63  }
0x1ba: {  	_ = 	snop  }
0x1bb: {  	[tilespmem:s30], [sflag:$0x1] =	stream.indirect.gather [hbm4b:s2+s17], $0x10, s29, s17, $0xb8;
	[tilespmem:$0x5020] =	vst v63  }
0x1bc: {  	_ = 	snop  }
0x1bd: {  	[tilespmem:s1], [sflag:$0x1] =	stream.indirect.gather [hbm4b:s2+s17], $0x10, s31, s17, $0xb8;
	[tilespmem:$0x5020] =	vst v63  }
0x1be: {  	_ = 	snop  }
0x1bf: {  	[tilespmem:s4], [sflag:$0x1] =	stream.indirect.gather [hbm4b:s2+s17], $0x10, s0, s17, $0xb8;
	[tilespmem:$0x5020] =	vst v63  }
0x1c0: {  	_ =	swait.ge [sflag:s6], $0x800  }
0x1c1: {  	[sflag:s6] =	ssyncset.done $0x0  }
0x1c2: {  	[sflag:s6] =	ssyncadd.s32 $0xFFFFF800  }
0x1c3: {  	_ =	swait.ge [sflag:s6], $0x800  }
0x1c4: {  	[sflag:s6] =	ssyncset.done $0x0  }
0x1c5: {  	[sflag:s6] =	ssyncadd.s32 $0xFFFFF800  }
0x1c6: {  	_ =	swait.ge [sflag:s6], $0x800  }
0x1c7: {  	[sflag:s6] =	ssyncset.done $0x0  }
0x1c8: {  	[sflag:s6] =	ssyncadd.s32 $0xFFFFF800  }
0x1c9: {  	_ =	swait.ge [sflag:s6], $0x800  }
0x1ca: {  	[sflag:s6] =	ssyncset.done $0x0  }
0x1cb: {  	[sflag:s6] =	ssyncadd.s32 $0xFFFFF800  }
0x1cc: {  	_ =	swait.ge [sflag:s6], $0x800  }
0x1cd: {  	[sflag:s6] =	ssyncset.done $0x0  }
0x1ce: {  	[sflag:s6] =	ssyncadd.s32 $0xFFFFF800  }
0x1cf: {  	s9 =	simm.s32 $0x0;
	_ =	swait.ge [sflag:s6], $0x800  }
0x1d0: {  	v10 =	vmov s9;
	[sflag:s6] =	ssyncset.done $0x0  }
0x1d1: {  	v11 =	vshll.u32 v10, $0x4;
	[sflag:s6] =	ssyncadd.s32 $0xFFFFF800  }
0x1d2: {  	v9 =	vand.u32 $0xF, v9;
	v11 =	vor.u32 v3, v11;
	_ =	swait.ge [sflag:s6], $0x800  }
0x1d3: {  	v11 =	vor.u32 v9, v11;
	[sflag:s6] =	ssyncset.done $0x0  }
0x1d4: {  	[sflag:s6] =	ssyncadd.s32 $0xFFFFF800  }
0x1d5: {  	_ =	swait.ge [sflag:s6], $0x800  }
0x1d6: {  	[sflag:s6] =	ssyncset.done $0x0  }
0x1d7: {  	s11 =	simm.s32 $0x10;
	[sflag:s6] =	ssyncadd.s32 $0xFFFFF800  }
0x1d8: {  	v13 =	vld.idx.msk [tilespmem:v11+s19+$0x0], $0xffff;
	v11 =	vmov s11  }
0x1d9: {  	v11 =	vshll.u32 v11, $0x4  }
0x1da: {  	v11 =	vor.u32 v3, v11  }
0x1db: {  	v11 =	vor.u32 v9, v11;
	_ =	sdelay $0x2  }
0x1dc: {  	s10 =	simm.s32 $0x20;
	s9 =	simm.s32 $0x4420  }
0x1dd: {  	v12 =	vmov s10;
	s10 =	simm.s32 $0x4420;
	s11 =	simm.s32 $0x30;
	[tilespmem:s9+$0x0] =	vst v13  }
.LBB2_28:
0x1de: {  	p0 =	sne.s32 s11, $0x3F0;
	v12 =	vshll.u32 v12, $0x4;
	v13 =	vld.idx.msk [tilespmem:v11+s19+$0x0], $0xffff  }
0x1df: {  	v11 =	vor.u32 v3, v12  }
.Ltmp13:
0x1e0: {  	v11 =	vor.u32 v9, v11;
	(pc) =	sbr.rel @p0 .LBB2_28-.Ltmp13, $3  }
0x1e1: {  	_ =	sdelay $0x1  }
0x1e2: {  	s10 =	sadd.s32 $0x10, s10  }
0x1e3: {  	v12 =	vmov s11;
	s11 =	sadd.s32 $0x10, s11;
	[tilespmem:s10+$0x0] =	vst v13  }
0x1e4: {  	_ =	sdelay $0x2  }
0x1e5: {  	v12 =	vshll.u32 v12, $0x4  }
0x1e6: {  	v11 =	vld.idx.msk [tilespmem:v11+s19+$0x0], $0xffff;
	v12 =	vor.u32 v3, v12  }
0x1e7: {  	v9 =	vor.u32 v9, v12;
	_ =	sdelay $0x2  }
0x1e8: {  	s10 =	sadd.s32 $0x10, s10  }
0x1e9: {  	[tilespmem:s10+$0x0] =	vst v11  }
0x1ea: {  	v9 =	vld.idx.msk [tilespmem:v9+s19+$0x0], $0xffff;
	_ =	sdelay $0x2  }
0x1eb: {  	v10 =	vand.u32 $0x3F, v10  }
0x1ec: {  	s10 =	sadd.s32 $0x10, s10;
	v11 =	vbroadcast v10, $0x0  }
0x1ed: {  	[tilespmem:s10+$0x0] =	vst v9  }
0x1ee: {  	v11 =	vor.u32 v4, v11;
	s10 =	simm.s32 $0x1;
	v10 =	vld [tilespmem:s9+$0x0]  }
.LBB2_30:
0x1ef: {  	p0 =	sne.s32 s10, $0x3F  }
.Ltmp14:
0x1f0: {  	v9 =	vmov s10;
	s10 =	sadd.s32 $0x1, s10;
	(pc) =	sbr.rel @p0 .LBB2_30-.Ltmp14, $4  }
0x1f1: {  	v9 =	vand.u32 $0x3F, v9  }
0x1f2: {  	v9 =	vbroadcast v9, $0x0  }
0x1f3: {  	s9 =	sadd.s32 $0x10, s9;
	[tilespmem:v11+s7+$0x0] =	vst.idx.msk $0xffff, v10  }
0x1f4: {  	v11 =	vor.u32 v4, v9;
	v10 =	vld [tilespmem:s9+$0x0]  }
0x1f5: {  	v12 =	vadd.s32 v7, v6  }
0x1f6: {  	vm0 =	vgt.s32 v12, $0x0  }
0x1f7: {  	v9 =	vnsel vm0, $0x0, v12  }
0x1f8: {  	v9 =	vmin.u32 v9, $0x23FFF  }
0x1f9: {  	v13 =	vmulhi.u32 $0xAAAAAB, v9;
	_ =	sdelay $0x1  }
0x1fa: {  	v14 =	vmul.u32 $0xFFFFFE80, v13  }
0x1fb: {  	v15 =	vsub.s32 $0x0, v9  }
0x1fc: {  	vm1 =	vlt.s32 v12, $0x1;
	vm15 =	vne.s32 v14, v15  }
0x1fd: {  	vm0 =	vmand vm1, vm15  }
0x1fe: {  	v61 =	vsel vm0, $0xFFFFFFFF, v2  }
0x1ff: {  	v12 =	vadd.s32 v61, v13  }
0x200: {  	v13 =	vmul.u32 $0xFFFFFE80, v12  }
0x201: {  	v62 =	vshrl.u32 v12, $0x3  }
0x202: {  	v14 =	vmul.u32 $0x3, v62;
	v13 =	vadd.s32 v9, v13  }
0x203: {  	s10 =	simm.s32 $0x0;
	s9 =	rddreg [dreg:$0x9];
	[tilespmem:v11+s7+$0x0] =	vst.idx.msk $0xffff, v10;
	v63 =	vshrl.u32 v9, $0x4;
	v11 =	vshll.u32 v12, $0x3;
	v10 =	vshrl.u32 v13, $0x7  }
0x204: {  	[hbm4b:s9+s10] =	stream.linear.scatter [tilespmem:s7], [sflag:$0x2], $0x800, $0x38;
	v12 =	vand.u32 $0x7, v63;
	v11 =	vand.u32 $0x38, v11;
	v10 =	vadd.s32 v14, v10;
	[tilespmem:$0x5020] =	vst v63  }
0x205: {  	_ =	swait.ge [sflag:s16], $0x800;
	v11 =	vor.u32 v12, v11;
	v10 =	vshll.u32 v10, $0x6  }
0x206: {  	s11 =	sand.u32 $0x3F0, s10;
	[sflag:s16] =	ssyncset.done $0x0;
	v10 =	vor.u32 v10, v11  }
0x207: {  	s9 =	simm.s32 $0x10;
	s10 =	smov.u32 s5;
	[sflag:s16] =	ssyncadd.s32 $0xFFFFF800;
	v11 =	vadd.s32 s5, v10  }
.LBB2_32:
0x208: {  	p0 =	sne.s32 s9, $0x3F0  }
0x209: {  	[tilespmem:s11+$0x20] =	vst v11;
	s10 =	sadd.s32 $0x2400, s10;
	s11 =	smov.u32 s9;
	s9 =	sadd.s32 $0x10, s9  }
.Ltmp15:
0x20a: {  	(pc) =	sbr.rel @p0 .LBB2_32-.Ltmp15, $2  }
0x20b: {  	_ =	sdelay $0x2  }
0x20c: {  	v11 =	vadd.s32 s10, v10;
	s11 =	sand.u32 $0x3F0, s11  }
0x20d: {  	[tilespmem:s11+$0x20] =	vst v11  }
0x20e: {  	[tilespmem:s19], [sflag:$0x1] =	stream.indirect.gather [hbm4b:s2+s17], $0x10, s18, s17, $0xb8;
	[tilespmem:$0x5020] =	vst v63  }
0x20f: {  	_ = 	snop  }
0x210: {  	[tilespmem:s21], [sflag:$0x1] =	stream.indirect.gather [hbm4b:s2+s17], $0x10, s20, s17, $0xb8;
	[tilespmem:$0x5020] =	vst v63  }
0x211: {  	_ = 	snop  }
0x212: {  	[tilespmem:s23], [sflag:$0x1] =	stream.indirect.gather [hbm4b:s2+s17], $0x10, s22, s17, $0xb8;
	[tilespmem:$0x5020] =	vst v63  }
0x213: {  	_ = 	snop  }
0x214: {  	[tilespmem:s25], [sflag:$0x1] =	stream.indirect.gather [hbm4b:s2+s17], $0x10, s24, s17, $0xb8;
	[tilespmem:$0x5020] =	vst v63  }
0x215: {  	_ = 	snop  }
0x216: {  	[tilespmem:s28], [sflag:$0x1] =	stream.indirect.gather [hbm4b:s2+s17], $0x10, s26, s17, $0xb8;
	[tilespmem:$0x5020] =	vst v63  }
0x217: {  	_ = 	snop  }
0x218: {  	[tilespmem:s30], [sflag:$0x1] =	stream.indirect.gather [hbm4b:s2+s17], $0x10, s29, s17, $0xb8;
	[tilespmem:$0x5020] =	vst v63  }
0x219: {  	_ = 	snop  }
0x21a: {  	[tilespmem:s1], [sflag:$0x1] =	stream.indirect.gather [hbm4b:s2+s17], $0x10, s31, s17, $0xb8;
	[tilespmem:$0x5020] =	vst v63  }
0x21b: {  	_ = 	snop  }
0x21c: {  	[tilespmem:s4], [sflag:$0x1] =	stream.indirect.gather [hbm4b:s2+s17], $0x10, s0, s17, $0xb8;
	[tilespmem:$0x5020] =	vst v63  }
0x21d: {  	_ =	swait.ge [sflag:s6], $0x800  }
0x21e: {  	[sflag:s6] =	ssyncset.done $0x0  }
0x21f: {  	[sflag:s6] =	ssyncadd.s32 $0xFFFFF800  }
0x220: {  	_ =	swait.ge [sflag:s6], $0x800  }
0x221: {  	[sflag:s6] =	ssyncset.done $0x0  }
0x222: {  	[sflag:s6] =	ssyncadd.s32 $0xFFFFF800  }
0x223: {  	_ =	swait.ge [sflag:s6], $0x800  }
0x224: {  	[sflag:s6] =	ssyncset.done $0x0  }
0x225: {  	[sflag:s6] =	ssyncadd.s32 $0xFFFFF800  }
0x226: {  	_ =	swait.ge [sflag:s6], $0x800  }
0x227: {  	[sflag:s6] =	ssyncset.done $0x0  }
0x228: {  	[sflag:s6] =	ssyncadd.s32 $0xFFFFF800  }
0x229: {  	_ =	swait.ge [sflag:s6], $0x800  }
0x22a: {  	[sflag:s6] =	ssyncset.done $0x0  }
0x22b: {  	[sflag:s6] =	ssyncadd.s32 $0xFFFFF800  }
0x22c: {  	s9 =	simm.s32 $0x0;
	_ =	swait.ge [sflag:s6], $0x800  }
0x22d: {  	v10 =	vmov s9;
	[sflag:s6] =	ssyncset.done $0x0  }
0x22e: {  	v11 =	vshll.u32 v10, $0x4;
	[sflag:s6] =	ssyncadd.s32 $0xFFFFF800  }
0x22f: {  	v9 =	vand.u32 $0xF, v9;
	v11 =	vor.u32 v3, v11;
	_ =	swait.ge [sflag:s6], $0x800  }
0x230: {  	v11 =	vor.u32 v9, v11;
	[sflag:s6] =	ssyncset.done $0x0  }
0x231: {  	[sflag:s6] =	ssyncadd.s32 $0xFFFFF800  }
0x232: {  	_ =	swait.ge [sflag:s6], $0x800  }
0x233: {  	[sflag:s6] =	ssyncset.done $0x0  }
0x234: {  	s11 =	simm.s32 $0x10;
	[sflag:s6] =	ssyncadd.s32 $0xFFFFF800  }
0x235: {  	v13 =	vld.idx.msk [tilespmem:v11+s19+$0x0], $0xffff;
	v11 =	vmov s11  }
0x236: {  	v11 =	vshll.u32 v11, $0x4  }
0x237: {  	v11 =	vor.u32 v3, v11  }
0x238: {  	v11 =	vor.u32 v9, v11;
	_ =	sdelay $0x2  }
0x239: {  	s10 =	simm.s32 $0x20;
	s9 =	simm.s32 $0x4420  }
0x23a: {  	v12 =	vmov s10;
	s10 =	simm.s32 $0x4420;
	s11 =	simm.s32 $0x30;
	[tilespmem:s9+$0x0] =	vst v13  }
.LBB2_34:
0x23b: {  	p0 =	sne.s32 s11, $0x3F0;
	v12 =	vshll.u32 v12, $0x4;
	v13 =	vld.idx.msk [tilespmem:v11+s19+$0x0], $0xffff  }
0x23c: {  	v11 =	vor.u32 v3, v12  }
.Ltmp16:
0x23d: {  	v11 =	vor.u32 v9, v11;
	(pc) =	sbr.rel @p0 .LBB2_34-.Ltmp16, $3  }
0x23e: {  	_ =	sdelay $0x1  }
0x23f: {  	s10 =	sadd.s32 $0x10, s10  }
0x240: {  	v12 =	vmov s11;
	s11 =	sadd.s32 $0x10, s11;
	[tilespmem:s10+$0x0] =	vst v13  }
0x241: {  	_ =	sdelay $0x2  }
0x242: {  	v12 =	vshll.u32 v12, $0x4  }
0x243: {  	v11 =	vld.idx.msk [tilespmem:v11+s19+$0x0], $0xffff;
	v12 =	vor.u32 v3, v12  }
0x244: {  	v9 =	vor.u32 v9, v12;
	_ =	sdelay $0x2  }
0x245: {  	s10 =	sadd.s32 $0x10, s10  }
0x246: {  	[tilespmem:s10+$0x0] =	vst v11  }
0x247: {  	v9 =	vld.idx.msk [tilespmem:v9+s19+$0x0], $0xffff;
	_ =	sdelay $0x2  }
0x248: {  	v10 =	vand.u32 $0x3F, v10  }
0x249: {  	v10 =	vbroadcast v10, $0x0;
	s10 =	sadd.s32 $0x10, s10  }
0x24a: {  	[tilespmem:s10+$0x0] =	vst v9  }
0x24b: {  	v10 =	vor.u32 v4, v10;
	s10 =	simm.s32 $0x1;
	v9 =	vld [tilespmem:s9+$0x0]  }
.LBB2_36:
0x24c: {  	p0 =	sne.s32 s10, $0x3F  }
.Ltmp17:
0x24d: {  	v11 =	vmov s10;
	s10 =	sadd.s32 $0x1, s10;
	(pc) =	sbr.rel @p0 .LBB2_36-.Ltmp17, $4  }
0x24e: {  	v11 =	vand.u32 $0x3F, v11  }
0x24f: {  	v11 =	vbroadcast v11, $0x0  }
0x250: {  	s9 =	sadd.s32 $0x10, s9;
	[tilespmem:v10+s7+$0x0] =	vst.idx.msk $0xffff, v9  }
0x251: {  	v10 =	vor.u32 v4, v11;
	v9 =	vld [tilespmem:s9+$0x0]  }
0x252: {  	v7 =	vadd.s32 $0xD80, v7  }
0x253: {  	v11 =	vadd.s32 v8, v7  }
0x254: {  	vm0 =	vgt.s32 v11, $0x0  }
0x255: {  	v8 =	vnsel vm0, $0x0, v11  }
0x256: {  	v8 =	vmin.u32 v8, $0x23FFF  }
0x257: {  	v12 =	vmulhi.u32 $0xAAAAAB, v8;
	_ =	sdelay $0x1  }
0x258: {  	v13 =	vmul.u32 $0xFFFFFE80, v12  }
0x259: {  	v14 =	vsub.s32 $0x0, v8  }
0x25a: {  	vm1 =	vlt.s32 v11, $0x1;
	vm15 =	vne.s32 v13, v14  }
0x25b: {  	vm0 =	vmand vm1, vm15  }
0x25c: {  	v11 =	vsel vm0, $0xFFFFFFFF, v2  }
0x25d: {  	v11 =	vadd.s32 v11, v12  }
0x25e: {  	v12 =	vmul.u32 $0xFFFFFE80, v11  }
0x25f: {  	v63 =	vshrl.u32 v11, $0x3  }
0x260: {  	v13 =	vmul.u32 $0x3, v63;
	v12 =	vadd.s32 v8, v12  }
0x261: {  	s10 =	simm.s32 $0x0;
	s9 =	rddreg [dreg:$0xa];
	[tilespmem:v10+s7+$0x0] =	vst.idx.msk $0xffff, v9;
	v10 =	vshll.u32 v11, $0x3;
	v11 =	vshrl.u32 v8, $0x4;
	v9 =	vshrl.u32 v12, $0x7  }
0x262: {  	[hbm4b:s9+s10] =	stream.linear.scatter [tilespmem:s7], [sflag:$0x2], $0x800, $0x38;
	v10 =	vand.u32 $0x38, v10;
	v11 =	vand.u32 $0x7, v11;
	v9 =	vadd.s32 v13, v9;
	[tilespmem:$0x5020] =	vst v63  }
0x263: {  	_ =	swait.ge [sflag:s16], $0x800;
	v10 =	vor.u32 v11, v10;
	v9 =	vshll.u32 v9, $0x6  }
0x264: {  	s11 =	sand.u32 $0x3F0, s10;
	[sflag:s16] =	ssyncset.done $0x0;
	v9 =	vor.u32 v9, v10  }
0x265: {  	s9 =	simm.s32 $0x10;
	s10 =	smov.u32 s5;
	[sflag:s16] =	ssyncadd.s32 $0xFFFFF800;
	v10 =	vadd.s32 s5, v9  }
.LBB2_38:
0x266: {  	p0 =	sne.s32 s9, $0x3F0  }
0x267: {  	[tilespmem:s11+$0x20] =	vst v10;
	s10 =	sadd.s32 $0x2400, s10;
	s11 =	smov.u32 s9;
	s9 =	sadd.s32 $0x10, s9  }
.Ltmp18:
0x268: {  	(pc) =	sbr.rel @p0 .LBB2_38-.Ltmp18, $2  }
0x269: {  	_ =	sdelay $0x2  }
0x26a: {  	v10 =	vadd.s32 s10, v9;
	s11 =	sand.u32 $0x3F0, s11  }
0x26b: {  	[tilespmem:s11+$0x20] =	vst v10  }
0x26c: {  	[tilespmem:s19], [sflag:$0x1] =	stream.indirect.gather [hbm4b:s2+s17], $0x10, s18, s17, $0xb8;
	[tilespmem:$0x5020] =	vst v63  }
0x26d: {  	_ = 	snop  }
0x26e: {  	[tilespmem:s21], [sflag:$0x1] =	stream.indirect.gather [hbm4b:s2+s17], $0x10, s20, s17, $0xb8;
	[tilespmem:$0x5020] =	vst v63  }
0x26f: {  	_ = 	snop  }
0x270: {  	[tilespmem:s23], [sflag:$0x1] =	stream.indirect.gather [hbm4b:s2+s17], $0x10, s22, s17, $0xb8;
	[tilespmem:$0x5020] =	vst v63  }
0x271: {  	_ = 	snop  }
0x272: {  	[tilespmem:s25], [sflag:$0x1] =	stream.indirect.gather [hbm4b:s2+s17], $0x10, s24, s17, $0xb8;
	[tilespmem:$0x5020] =	vst v63  }
0x273: {  	_ = 	snop  }
0x274: {  	[tilespmem:s28], [sflag:$0x1] =	stream.indirect.gather [hbm4b:s2+s17], $0x10, s26, s17, $0xb8;
	[tilespmem:$0x5020] =	vst v63  }
0x275: {  	_ = 	snop  }
0x276: {  	[tilespmem:s30], [sflag:$0x1] =	stream.indirect.gather [hbm4b:s2+s17], $0x10, s29, s17, $0xb8;
	[tilespmem:$0x5020] =	vst v63  }
0x277: {  	_ = 	snop  }
0x278: {  	[tilespmem:s1], [sflag:$0x1] =	stream.indirect.gather [hbm4b:s2+s17], $0x10, s31, s17, $0xb8;
	[tilespmem:$0x5020] =	vst v63  }
0x279: {  	_ = 	snop  }
0x27a: {  	[tilespmem:s4], [sflag:$0x1] =	stream.indirect.gather [hbm4b:s2+s17], $0x10, s0, s17, $0xb8;
	[tilespmem:$0x5020] =	vst v63  }
0x27b: {  	_ =	swait.ge [sflag:s6], $0x800  }
0x27c: {  	[sflag:s6] =	ssyncset.done $0x0  }
0x27d: {  	[sflag:s6] =	ssyncadd.s32 $0xFFFFF800  }
0x27e: {  	_ =	swait.ge [sflag:s6], $0x800  }
0x27f: {  	[sflag:s6] =	ssyncset.done $0x0  }
0x280: {  	[sflag:s6] =	ssyncadd.s32 $0xFFFFF800  }
0x281: {  	_ =	swait.ge [sflag:s6], $0x800  }
0x282: {  	[sflag:s6] =	ssyncset.done $0x0  }
0x283: {  	[sflag:s6] =	ssyncadd.s32 $0xFFFFF800  }
0x284: {  	_ =	swait.ge [sflag:s6], $0x800  }
0x285: {  	[sflag:s6] =	ssyncset.done $0x0  }
0x286: {  	[sflag:s6] =	ssyncadd.s32 $0xFFFFF800  }
0x287: {  	_ =	swait.ge [sflag:s6], $0x800  }
0x288: {  	[sflag:s6] =	ssyncset.done $0x0  }
0x289: {  	[sflag:s6] =	ssyncadd.s32 $0xFFFFF800  }
0x28a: {  	s9 =	simm.s32 $0x0;
	_ =	swait.ge [sflag:s6], $0x800  }
0x28b: {  	v9 =	vmov s9;
	[sflag:s6] =	ssyncset.done $0x0  }
0x28c: {  	v10 =	vshll.u32 v9, $0x4;
	[sflag:s6] =	ssyncadd.s32 $0xFFFFF800  }
0x28d: {  	v8 =	vand.u32 $0xF, v8;
	v10 =	vor.u32 v3, v10;
	_ =	swait.ge [sflag:s6], $0x800  }
0x28e: {  	v10 =	vor.u32 v8, v10;
	[sflag:s6] =	ssyncset.done $0x0  }
0x28f: {  	[sflag:s6] =	ssyncadd.s32 $0xFFFFF800  }
0x290: {  	_ =	swait.ge [sflag:s6], $0x800  }
0x291: {  	[sflag:s6] =	ssyncset.done $0x0  }
0x292: {  	s11 =	simm.s32 $0x10;
	[sflag:s6] =	ssyncadd.s32 $0xFFFFF800  }
0x293: {  	v12 =	vld.idx.msk [tilespmem:v10+s19+$0x0], $0xffff;
	v10 =	vmov s11  }
0x294: {  	v10 =	vshll.u32 v10, $0x4  }
0x295: {  	v10 =	vor.u32 v3, v10  }
0x296: {  	v10 =	vor.u32 v8, v10;
	_ =	sdelay $0x2  }
0x297: {  	s10 =	simm.s32 $0x20;
	s9 =	simm.s32 $0x4420  }
0x298: {  	v11 =	vmov s10;
	s10 =	simm.s32 $0x4420;
	s11 =	simm.s32 $0x30;
	[tilespmem:s9+$0x0] =	vst v12  }
.LBB2_40:
0x299: {  	p0 =	sne.s32 s11, $0x3F0;
	v11 =	vshll.u32 v11, $0x4;
	v12 =	vld.idx.msk [tilespmem:v10+s19+$0x0], $0xffff  }
0x29a: {  	v10 =	vor.u32 v3, v11  }
.Ltmp19:
0x29b: {  	v10 =	vor.u32 v8, v10;
	(pc) =	sbr.rel @p0 .LBB2_40-.Ltmp19, $3  }
0x29c: {  	_ =	sdelay $0x1  }
0x29d: {  	s10 =	sadd.s32 $0x10, s10  }
0x29e: {  	v11 =	vmov s11;
	s11 =	sadd.s32 $0x10, s11;
	[tilespmem:s10+$0x0] =	vst v12  }
0x29f: {  	_ =	sdelay $0x2  }
0x2a0: {  	v11 =	vshll.u32 v11, $0x4  }
0x2a1: {  	v10 =	vld.idx.msk [tilespmem:v10+s19+$0x0], $0xffff;
	v11 =	vor.u32 v3, v11  }
0x2a2: {  	v8 =	vor.u32 v8, v11;
	_ =	sdelay $0x2  }
0x2a3: {  	s10 =	sadd.s32 $0x10, s10  }
0x2a4: {  	[tilespmem:s10+$0x0] =	vst v10  }
0x2a5: {  	v8 =	vld.idx.msk [tilespmem:v8+s19+$0x0], $0xffff;
	_ =	sdelay $0x2  }
0x2a6: {  	v9 =	vand.u32 $0x3F, v9  }
0x2a7: {  	v9 =	vbroadcast v9, $0x0;
	s10 =	sadd.s32 $0x10, s10  }
0x2a8: {  	[tilespmem:s10+$0x0] =	vst v8  }
0x2a9: {  	v9 =	vor.u32 v4, v9;
	s10 =	simm.s32 $0x1;
	v8 =	vld [tilespmem:s9+$0x0]  }
.LBB2_42:
0x2aa: {  	p0 =	sne.s32 s10, $0x3F  }
.Ltmp20:
0x2ab: {  	v10 =	vmov s10;
	s10 =	sadd.s32 $0x1, s10;
	(pc) =	sbr.rel @p0 .LBB2_42-.Ltmp20, $4  }
0x2ac: {  	v10 =	vand.u32 $0x3F, v10  }
0x2ad: {  	v10 =	vbroadcast v10, $0x0  }
0x2ae: {  	s9 =	sadd.s32 $0x10, s9;
	[tilespmem:v9+s7+$0x0] =	vst.idx.msk $0xffff, v8  }
0x2af: {  	v9 =	vor.u32 v4, v10;
	v8 =	vld [tilespmem:s9+$0x0]  }
0x2b0: {  	v10 =	vadd.s32 v5, v7  }
0x2b1: {  	vm0 =	vgt.s32 v10, $0x0  }
0x2b2: {  	v5 =	vnsel vm0, $0x0, v10  }
0x2b3: {  	v5 =	vmin.u32 v5, $0x23FFF  }
0x2b4: {  	v11 =	vmulhi.u32 $0xAAAAAB, v5;
	_ =	sdelay $0x1  }
0x2b5: {  	v12 =	vmul.u32 $0xFFFFFE80, v11  }
0x2b6: {  	v13 =	vsub.s32 $0x0, v5  }
0x2b7: {  	vm1 =	vlt.s32 v10, $0x1;
	vm15 =	vne.s32 v12, v13  }
0x2b8: {  	vm0 =	vmand vm1, vm15  }
0x2b9: {  	v10 =	vsel vm0, $0xFFFFFFFF, v2  }
0x2ba: {  	v10 =	vadd.s32 v10, v11  }
0x2bb: {  	v11 =	vmul.u32 $0xFFFFFE80, v10  }
0x2bc: {  	v63 =	vshrl.u32 v10, $0x3  }
0x2bd: {  	v12 =	vmul.u32 $0x3, v63;
	v11 =	vadd.s32 v5, v11  }
0x2be: {  	s10 =	simm.s32 $0x0;
	[tilespmem:v9+s7+$0x0] =	vst.idx.msk $0xffff, v8;
	v9 =	vshll.u32 v10, $0x3;
	v10 =	vshrl.u32 v5, $0x4;
	v8 =	vshrl.u32 v11, $0x7  }
0x2bf: {  	[hbm4b:s12+s10] =	stream.linear.scatter [tilespmem:s7], [sflag:$0x2], $0x800, $0x38;
	v9 =	vand.u32 $0x38, v9;
	v10 =	vand.u32 $0x7, v10;
	v8 =	vadd.s32 v12, v8;
	[tilespmem:$0x5020] =	vst v63  }
0x2c0: {  	_ =	swait.ge [sflag:s16], $0x800;
	v9 =	vor.u32 v10, v9;
	v8 =	vshll.u32 v8, $0x6  }
0x2c1: {  	s9 =	simm.s32 $0x10;
	[sflag:s16] =	ssyncset.done $0x0;
	v8 =	vor.u32 v8, v9  }
0x2c2: {  	s11 =	sand.u32 $0x3F0, s10;
	s10 =	smov.u32 s5;
	[sflag:s16] =	ssyncadd.s32 $0xFFFFF800;
	v9 =	vadd.s32 s5, v8  }
.LBB2_44:
0x2c3: {  	p0 =	sne.s32 s9, $0x3F0  }
0x2c4: {  	[tilespmem:s11+$0x20] =	vst v9;
	s10 =	sadd.s32 $0x2400, s10;
	s11 =	smov.u32 s9;
	s9 =	sadd.s32 $0x10, s9  }
.Ltmp21:
0x2c5: {  	(pc) =	sbr.rel @p0 .LBB2_44-.Ltmp21, $2  }
0x2c6: {  	_ =	sdelay $0x2  }
0x2c7: {  	v9 =	vadd.s32 s10, v8;
	s11 =	sand.u32 $0x3F0, s11  }
0x2c8: {  	[tilespmem:s11+$0x20] =	vst v9  }
0x2c9: {  	[tilespmem:s19], [sflag:$0x1] =	stream.indirect.gather [hbm4b:s2+s17], $0x10, s18, s17, $0xb8;
	[tilespmem:$0x5020] =	vst v63  }
0x2ca: {  	_ = 	snop  }
0x2cb: {  	[tilespmem:s21], [sflag:$0x1] =	stream.indirect.gather [hbm4b:s2+s17], $0x10, s20, s17, $0xb8;
	[tilespmem:$0x5020] =	vst v63  }
0x2cc: {  	_ = 	snop  }
0x2cd: {  	[tilespmem:s23], [sflag:$0x1] =	stream.indirect.gather [hbm4b:s2+s17], $0x10, s22, s17, $0xb8;
	[tilespmem:$0x5020] =	vst v63  }
0x2ce: {  	_ = 	snop  }
0x2cf: {  	[tilespmem:s25], [sflag:$0x1] =	stream.indirect.gather [hbm4b:s2+s17], $0x10, s24, s17, $0xb8;
	[tilespmem:$0x5020] =	vst v63  }
0x2d0: {  	_ = 	snop  }
0x2d1: {  	[tilespmem:s28], [sflag:$0x1] =	stream.indirect.gather [hbm4b:s2+s17], $0x10, s26, s17, $0xb8;
	[tilespmem:$0x5020] =	vst v63  }
0x2d2: {  	_ = 	snop  }
0x2d3: {  	[tilespmem:s30], [sflag:$0x1] =	stream.indirect.gather [hbm4b:s2+s17], $0x10, s29, s17, $0xb8;
	[tilespmem:$0x5020] =	vst v63  }
0x2d4: {  	_ = 	snop  }
0x2d5: {  	[tilespmem:s1], [sflag:$0x1] =	stream.indirect.gather [hbm4b:s2+s17], $0x10, s31, s17, $0xb8;
	[tilespmem:$0x5020] =	vst v63  }
0x2d6: {  	_ = 	snop  }
0x2d7: {  	[tilespmem:s4], [sflag:$0x1] =	stream.indirect.gather [hbm4b:s2+s17], $0x10, s0, s17, $0xb8;
	[tilespmem:$0x5020] =	vst v63  }
0x2d8: {  	_ =	swait.ge [sflag:s6], $0x800  }
0x2d9: {  	[sflag:s6] =	ssyncset.done $0x0  }
0x2da: {  	[sflag:s6] =	ssyncadd.s32 $0xFFFFF800  }
0x2db: {  	_ =	swait.ge [sflag:s6], $0x800  }
0x2dc: {  	[sflag:s6] =	ssyncset.done $0x0  }
0x2dd: {  	[sflag:s6] =	ssyncadd.s32 $0xFFFFF800  }
0x2de: {  	_ =	swait.ge [sflag:s6], $0x800  }
0x2df: {  	[sflag:s6] =	ssyncset.done $0x0  }
0x2e0: {  	[sflag:s6] =	ssyncadd.s32 $0xFFFFF800  }
0x2e1: {  	_ =	swait.ge [sflag:s6], $0x800  }
0x2e2: {  	[sflag:s6] =	ssyncset.done $0x0  }
0x2e3: {  	[sflag:s6] =	ssyncadd.s32 $0xFFFFF800  }
0x2e4: {  	_ =	swait.ge [sflag:s6], $0x800  }
0x2e5: {  	[sflag:s6] =	ssyncset.done $0x0  }
0x2e6: {  	[sflag:s6] =	ssyncadd.s32 $0xFFFFF800  }
0x2e7: {  	s9 =	simm.s32 $0x0;
	_ =	swait.ge [sflag:s6], $0x800  }
0x2e8: {  	v8 =	vmov s9;
	[sflag:s6] =	ssyncset.done $0x0  }
0x2e9: {  	v9 =	vshll.u32 v8, $0x4;
	[sflag:s6] =	ssyncadd.s32 $0xFFFFF800  }
0x2ea: {  	v5 =	vand.u32 $0xF, v5;
	v9 =	vor.u32 v3, v9;
	_ =	swait.ge [sflag:s6], $0x800  }
0x2eb: {  	v9 =	vor.u32 v5, v9;
	[sflag:s6] =	ssyncset.done $0x0  }
0x2ec: {  	[sflag:s6] =	ssyncadd.s32 $0xFFFFF800  }
0x2ed: {  	_ =	swait.ge [sflag:s6], $0x800  }
0x2ee: {  	[sflag:s6] =	ssyncset.done $0x0  }
0x2ef: {  	s11 =	simm.s32 $0x10;
	[sflag:s6] =	ssyncadd.s32 $0xFFFFF800  }
0x2f0: {  	v11 =	vld.idx.msk [tilespmem:v9+s19+$0x0], $0xffff;
	v9 =	vmov s11  }
0x2f1: {  	v9 =	vshll.u32 v9, $0x4  }
0x2f2: {  	v9 =	vor.u32 v3, v9  }
0x2f3: {  	v9 =	vor.u32 v5, v9;
	_ =	sdelay $0x2  }
0x2f4: {  	s10 =	simm.s32 $0x20;
	s9 =	simm.s32 $0x4420  }
0x2f5: {  	v10 =	vmov s10;
	s10 =	simm.s32 $0x4420;
	s11 =	simm.s32 $0x30;
	[tilespmem:s9+$0x0] =	vst v11  }
.LBB2_46:
0x2f6: {  	p0 =	sne.s32 s11, $0x3F0;
	v10 =	vshll.u32 v10, $0x4;
	v11 =	vld.idx.msk [tilespmem:v9+s19+$0x0], $0xffff  }
0x2f7: {  	v9 =	vor.u32 v3, v10  }
.Ltmp22:
0x2f8: {  	v9 =	vor.u32 v5, v9;
	(pc) =	sbr.rel @p0 .LBB2_46-.Ltmp22, $3  }
0x2f9: {  	_ =	sdelay $0x1  }
0x2fa: {  	s10 =	sadd.s32 $0x10, s10  }
0x2fb: {  	v10 =	vmov s11;
	s11 =	sadd.s32 $0x10, s11;
	[tilespmem:s10+$0x0] =	vst v11  }
0x2fc: {  	_ =	sdelay $0x2  }
0x2fd: {  	v10 =	vshll.u32 v10, $0x4  }
0x2fe: {  	v9 =	vld.idx.msk [tilespmem:v9+s19+$0x0], $0xffff;
	v10 =	vor.u32 v3, v10  }
0x2ff: {  	v5 =	vor.u32 v5, v10;
	_ =	sdelay $0x2  }
0x300: {  	s10 =	sadd.s32 $0x10, s10  }
0x301: {  	[tilespmem:s10+$0x0] =	vst v9  }
0x302: {  	v5 =	vld.idx.msk [tilespmem:v5+s19+$0x0], $0xffff;
	_ =	sdelay $0x2  }
0x303: {  	v8 =	vand.u32 $0x3F, v8  }
0x304: {  	s10 =	sadd.s32 $0x10, s10;
	v9 =	vbroadcast v8, $0x0  }
0x305: {  	[tilespmem:s10+$0x0] =	vst v5  }
0x306: {  	v9 =	vor.u32 v4, v9;
	s10 =	simm.s32 $0x1;
	v8 =	vld [tilespmem:s9+$0x0]  }
.LBB2_48:
0x307: {  	p0 =	sne.s32 s10, $0x3F  }
.Ltmp23:
0x308: {  	v5 =	vmov s10;
	s10 =	sadd.s32 $0x1, s10;
	(pc) =	sbr.rel @p0 .LBB2_48-.Ltmp23, $4  }
0x309: {  	v5 =	vand.u32 $0x3F, v5  }
0x30a: {  	v5 =	vbroadcast v5, $0x0  }
0x30b: {  	s9 =	sadd.s32 $0x10, s9;
	[tilespmem:v9+s7+$0x0] =	vst.idx.msk $0xffff, v8  }
0x30c: {  	v9 =	vor.u32 v4, v5;
	v8 =	vld [tilespmem:s9+$0x0]  }
0x30d: {  	v6 =	vadd.s32 v6, v7  }
0x30e: {  	vm0 =	vgt.s32 v6, $0x0  }
0x30f: {  	v5 =	vnsel vm0, $0x0, v6  }
0x310: {  	v5 =	vmin.u32 v5, $0x23FFF  }
0x311: {  	v7 =	vmulhi.u32 $0xAAAAAB, v5;
	_ =	sdelay $0x1  }
0x312: {  	v10 =	vmul.u32 $0xFFFFFE80, v7  }
0x313: {  	v11 =	vsub.s32 $0x0, v5  }
0x314: {  	vm1 =	vlt.s32 v6, $0x1;
	vm15 =	vne.s32 v10, v11  }
0x315: {  	vm0 =	vmand vm1, vm15  }
0x316: {  	v6 =	vsel vm0, $0xFFFFFFFF, v2  }
0x317: {  	v6 =	vadd.s32 v6, v7  }
0x318: {  	v7 =	vmul.u32 $0xFFFFFE80, v6  }
0x319: {  	v63 =	vshrl.u32 v6, $0x3  }
0x31a: {  	v10 =	vmul.u32 $0x3, v63;
	v7 =	vadd.s32 v5, v7  }
0x31b: {  	s10 =	simm.s32 $0x0;
	[tilespmem:v9+s7+$0x0] =	vst.idx.msk $0xffff, v8;
	v8 =	vshrl.u32 v5, $0x4;
	v6 =	vshll.u32 v6, $0x3;
	v7 =	vshrl.u32 v7, $0x7  }
0x31c: {  	[hbm4b:s13+s10] =	stream.linear.scatter [tilespmem:s7], [sflag:$0x2], $0x800, $0x38;
	v8 =	vand.u32 $0x7, v8;
	v6 =	vand.u32 $0x38, v6;
	v7 =	vadd.s32 v10, v7;
	[tilespmem:$0x5020] =	vst v63  }
0x31d: {  	_ =	swait.ge [sflag:s16], $0x800;
	v6 =	vor.u32 v8, v6;
	v7 =	vshll.u32 v7, $0x6  }
0x31e: {  	s9 =	simm.s32 $0x10;
	[sflag:s16] =	ssyncset.done $0x0;
	v6 =	vor.u32 v7, v6  }
0x31f: {  	s11 =	sand.u32 $0x3F0, s10;
	s10 =	smov.u32 s5;
	[sflag:s16] =	ssyncadd.s32 $0xFFFFF800;
	v7 =	vadd.s32 s5, v6  }
.LBB2_50:
0x320: {  	p0 =	sne.s32 s9, $0x3F0  }
0x321: {  	[tilespmem:s11+$0x20] =	vst v7;
	s10 =	sadd.s32 $0x2400, s10;
	s11 =	smov.u32 s9;
	s9 =	sadd.s32 $0x10, s9  }
.Ltmp24:
0x322: {  	(pc) =	sbr.rel @p0 .LBB2_50-.Ltmp24, $2  }
0x323: {  	_ =	sdelay $0x2  }
0x324: {  	v7 =	vadd.s32 s10, v6;
	s11 =	sand.u32 $0x3F0, s11  }
0x325: {  	[tilespmem:s11+$0x20] =	vst v7  }
0x326: {  	[tilespmem:s19], [sflag:$0x1] =	stream.indirect.gather [hbm4b:s2+s17], $0x10, s18, s17, $0xb8;
	[tilespmem:$0x5020] =	vst v63  }
0x327: {  	_ = 	snop  }
0x328: {  	[tilespmem:s21], [sflag:$0x1] =	stream.indirect.gather [hbm4b:s2+s17], $0x10, s20, s17, $0xb8;
	[tilespmem:$0x5020] =	vst v63  }
0x329: {  	_ = 	snop  }
0x32a: {  	[tilespmem:s23], [sflag:$0x1] =	stream.indirect.gather [hbm4b:s2+s17], $0x10, s22, s17, $0xb8;
	[tilespmem:$0x5020] =	vst v63  }
0x32b: {  	_ = 	snop  }
0x32c: {  	[tilespmem:s25], [sflag:$0x1] =	stream.indirect.gather [hbm4b:s2+s17], $0x10, s24, s17, $0xb8;
	[tilespmem:$0x5020] =	vst v63  }
0x32d: {  	_ = 	snop  }
0x32e: {  	[tilespmem:s28], [sflag:$0x1] =	stream.indirect.gather [hbm4b:s2+s17], $0x10, s26, s17, $0xb8;
	[tilespmem:$0x5020] =	vst v63  }
0x32f: {  	_ = 	snop  }
0x330: {  	[tilespmem:s30], [sflag:$0x1] =	stream.indirect.gather [hbm4b:s2+s17], $0x10, s29, s17, $0xb8;
	[tilespmem:$0x5020] =	vst v63  }
0x331: {  	_ = 	snop  }
0x332: {  	[tilespmem:s1], [sflag:$0x1] =	stream.indirect.gather [hbm4b:s2+s17], $0x10, s31, s17, $0xb8;
	[tilespmem:$0x5020] =	vst v63  }
0x333: {  	_ = 	snop  }
0x334: {  	[tilespmem:s4], [sflag:$0x1] =	stream.indirect.gather [hbm4b:s2+s17], $0x10, s0, s17, $0xb8;
	[tilespmem:$0x5020] =	vst v63  }
0x335: {  	_ =	swait.ge [sflag:s6], $0x800  }
0x336: {  	[sflag:s6] =	ssyncset.done $0x0  }
0x337: {  	[sflag:s6] =	ssyncadd.s32 $0xFFFFF800  }
0x338: {  	_ =	swait.ge [sflag:s6], $0x800  }
0x339: {  	[sflag:s6] =	ssyncset.done $0x0  }
0x33a: {  	[sflag:s6] =	ssyncadd.s32 $0xFFFFF800  }
0x33b: {  	_ =	swait.ge [sflag:s6], $0x800  }
0x33c: {  	[sflag:s6] =	ssyncset.done $0x0  }
0x33d: {  	[sflag:s6] =	ssyncadd.s32 $0xFFFFF800  }
0x33e: {  	_ =	swait.ge [sflag:s6], $0x800  }
0x33f: {  	[sflag:s6] =	ssyncset.done $0x0  }
0x340: {  	[sflag:s6] =	ssyncadd.s32 $0xFFFFF800  }
0x341: {  	_ =	swait.ge [sflag:s6], $0x800  }
0x342: {  	[sflag:s6] =	ssyncset.done $0x0  }
0x343: {  	[sflag:s6] =	ssyncadd.s32 $0xFFFFF800  }
0x344: {  	s9 =	simm.s32 $0x0;
	_ =	swait.ge [sflag:s6], $0x800  }
0x345: {  	v6 =	vmov s9;
	[sflag:s6] =	ssyncset.done $0x0  }
0x346: {  	v7 =	vshll.u32 v6, $0x4;
	[sflag:s6] =	ssyncadd.s32 $0xFFFFF800  }
0x347: {  	v5 =	vand.u32 $0xF, v5;
	v7 =	vor.u32 v3, v7;
	_ =	swait.ge [sflag:s6], $0x800  }
0x348: {  	v7 =	vor.u32 v5, v7;
	[sflag:s6] =	ssyncset.done $0x0  }
0x349: {  	[sflag:s6] =	ssyncadd.s32 $0xFFFFF800  }
0x34a: {  	_ =	swait.ge [sflag:s6], $0x800  }
0x34b: {  	[sflag:s6] =	ssyncset.done $0x0  }
0x34c: {  	s11 =	simm.s32 $0x10;
	[sflag:s6] =	ssyncadd.s32 $0xFFFFF800  }
0x34d: {  	v9 =	vld.idx.msk [tilespmem:v7+s19+$0x0], $0xffff;
	v7 =	vmov s11  }
0x34e: {  	v7 =	vshll.u32 v7, $0x4  }
0x34f: {  	v7 =	vor.u32 v3, v7  }
0x350: {  	v7 =	vor.u32 v5, v7;
	_ =	sdelay $0x2  }
0x351: {  	s10 =	simm.s32 $0x20;
	s9 =	simm.s32 $0x4420  }
0x352: {  	v8 =	vmov s10;
	s10 =	simm.s32 $0x4420;
	s11 =	simm.s32 $0x30;
	[tilespmem:s9+$0x0] =	vst v9  }
.LBB2_52:
0x353: {  	p0 =	sne.s32 s11, $0x3F0;
	v8 =	vshll.u32 v8, $0x4;
	v9 =	vld.idx.msk [tilespmem:v7+s19+$0x0], $0xffff  }
0x354: {  	v7 =	vor.u32 v3, v8  }
.Ltmp25:
0x355: {  	v7 =	vor.u32 v5, v7;
	(pc) =	sbr.rel @p0 .LBB2_52-.Ltmp25, $3  }
0x356: {  	_ =	sdelay $0x1  }
0x357: {  	s10 =	sadd.s32 $0x10, s10  }
0x358: {  	v8 =	vmov s11;
	s11 =	sadd.s32 $0x10, s11;
	[tilespmem:s10+$0x0] =	vst v9  }
0x359: {  	_ =	sdelay $0x2  }
0x35a: {  	v8 =	vshll.u32 v8, $0x4  }
0x35b: {  	v7 =	vld.idx.msk [tilespmem:v7+s19+$0x0], $0xffff;
	v8 =	vor.u32 v3, v8  }
0x35c: {  	v5 =	vor.u32 v5, v8;
	_ =	sdelay $0x2  }
0x35d: {  	s10 =	sadd.s32 $0x10, s10  }
0x35e: {  	[tilespmem:s10+$0x0] =	vst v7  }
0x35f: {  	v5 =	vld.idx.msk [tilespmem:v5+s19+$0x0], $0xffff;
	_ =	sdelay $0x2  }
0x360: {  	v6 =	vand.u32 $0x3F, v6  }
0x361: {  	v6 =	vbroadcast v6, $0x0;
	s10 =	sadd.s32 $0x10, s10  }
0x362: {  	[tilespmem:s10+$0x0] =	vst v5  }
0x363: {  	v6 =	vor.u32 v4, v6;
	s10 =	simm.s32 $0x1;
	v5 =	vld [tilespmem:s9+$0x0]  }
.LBB2_54:
0x364: {  	p0 =	sne.s32 s10, $0x3F  }
.Ltmp26:
0x365: {  	v7 =	vmov s10;
	s10 =	sadd.s32 $0x1, s10;
	(pc) =	sbr.rel @p0 .LBB2_54-.Ltmp26, $4  }
0x366: {  	v7 =	vand.u32 $0x3F, v7  }
0x367: {  	v7 =	vbroadcast v7, $0x0  }
0x368: {  	s9 =	sadd.s32 $0x10, s9;
	[tilespmem:v6+s7+$0x0] =	vst.idx.msk $0xffff, v5  }
0x369: {  	v6 =	vor.u32 v4, v7;
	v5 =	vld [tilespmem:s9+$0x0]  }
0x36a: {  	_ =	sdelay $0x1  }
0x36b: {  	s8 =	sadd.s32 $0x1, s8  }
0x36c: {  	p0 =	sne.s32 s8, s15  }
.Ltmp27:
0x36d: {  	[tilespmem:v6+s7+$0x0] =	vst.idx.msk $0xffff, v5;
	(pc) =	sbr.rel @p0 .LBB2_1-.Ltmp27, $4  }
0x36e: {  	[hbm4b:s14+s3] =	stream.linear.scatter [tilespmem:s7], [sflag:$0x2], $0x800, $0x38;
	[tilespmem:$0x5020] =	vst v63  }
0x36f: {  	_ =	swait.ge [sflag:s16], $0x800  }
0x370: {  	[sflag:s16] =	ssyncset.done $0x0  }
0x371: {  	[sflag:s16] =	ssyncadd.s32 $0xFFFFF800  }
0x372: {  	_ =	sfence.sel $0x180000  }
0x373: {  	[bflag:$0x0] =	sbarrier.arrive $0xFFFF  }
0x374: {  	_ =	strace $0x90000047  }
0x375: {  	s0 =	stileid.u32;
	[bflag:$0x2] =	sbarrier.arrive $0xFFFF  }
0x376: {  	p0 =	sne.s32 s0, $0x0;
	s0 =	rddreg [dreg:$0x3]  }
0x377: {  	s0 =	sadd.s32 @!p0 $0x100000, s0  }
0x378: {  	[sflag:s0] =	ssyncadd.tile.s32 @!p0 $0x1;
	_ =	shalt  }
.Lfunc_end2:
_tile_overlayer_lowered:
.L_overlay_start_2:
0x379: {  	(tag) =	ssettag $0x2  }
0x37a: {  	s0 =	rddreg [dreg:$0x0];
	s2 =	stileid.u32  }
0x37b: {  	s1 =	rddreg [dreg:$0x1];
	p0 =	sne.s32 s2, $0x0  }
0x37c: {  	s3 =	rddreg [dreg:$0x2];
	[bflag:$0x3] =	sbarrier.arrive $0xFFFF;
	s2 =	simm.s32 @!p0 $0x1C02  }
0x37d: {  	[timem:s3], [sflag:s2] =	dma.local @!p0 [hbm:s0], s1  }
0x37e: {  	s0 =	simm.s32 @!p0 $0x2  }
0x37f: {  	_ =	swait.ge @!p0 [sflag:s0], s1  }
0x380: {  	s1 =	ssub.s32 @!p0 $0x0, s1;
	[sflag:s0] =	ssyncset.done @!p0 $0x0  }
0x381: {  	[sflag:s0] =	ssyncadd.s32 @!p0 s1  }
0x382: {  	[bflag:$0x3] =	sbarrier.arrive $0xFFFF  }
0x383: {  	_ =	shalt  }

</sc_bundles>
